<compile_context>
chip_gen: v7x
topology: tpu7x:2x2x1
jax: 0.10.2.dev20260603
libtpu: 0.0.44.dev20260713+nightly
codegen_flags: <defaults>
</compile_context>

<pallas_src>
import jax
import jax.numpy as jnp
from jax import lax
from jax.experimental import pallas as pl
from jax.experimental.pallas import tpu as pltpu
from jax.experimental.pallas import tpu_sc as plsc

N = 10000
E = 160000
D = 256
HALF = 128
NPAD = 10240
NC, NS = 2, 16
E_PAD = 163840
EPT = E_PAD // NS
BLK = 128
NBLK = EPT // BLK
CHUNK = 16
ROWS_OUT = N // NS
ZROWS = NPAD // NS
HB = 128

def _sc_scatter_body(g_hbm, ridx_hbm, cidx_hbm, zero_hbm, out_hbm,
                     ridx_v, cidx_v, rows0_v, rows1_v, acc_sh, sem0, sem1):
    c = lax.axis_index("c")
    s = lax.axis_index("s")
    pltpu.sync_copy(zero_hbm, acc_sh.at[pl.ds(s * ZROWS, ZROWS), :])
    plsc.subcore_barrier()

    base = (c * E_PAD + s * EPT) // BLK
    bufs = (rows0_v, rows1_v)
    sems = (sem0, sem1)

    def _block(t, carry):
        rb = pl.multiple_of(base + t * CHUNK, CHUNK)
        pltpu.sync_copy(ridx_hbm.at[pl.ds(rb, CHUNK), :], ridx_v)
        pltpu.sync_copy(cidx_hbm.at[pl.ds(rb, CHUNK), :], cidx_v)
        pltpu.async_copy(g_hbm.at[ridx_v.at[0]], bufs[0], sems[0])
        for j in range(CHUNK):
            b = j & 1
            if j + 1 < CHUNK:
                pltpu.async_copy(g_hbm.at[ridx_v.at[j + 1]], bufs[1 - b],
                                 sems[1 - b])
            pltpu.make_async_copy(g_hbm.at[ridx_v.at[j]], bufs[b],
                                  sems[b]).wait()
            pltpu.sync_copy(bufs[b], acc_sh.at[cidx_v.at[j]], add=True)
        return carry

    lax.fori_loop(0, NBLK // CHUNK, _block, 0)
    plsc.subcore_barrier()
    pltpu.sync_copy(acc_sh.at[pl.ds(s * ZROWS, ZROWS), :],
                    out_hbm.at[c, pl.ds(s * ZROWS, ZROWS), :])


def _sc_hist_body(ones_hbm, cidx_hbm, zero_hbm, out_hbm,
                  cidx_v, ones_v, acc_sh):
    c = lax.axis_index("c")
    s = lax.axis_index("s")
    pltpu.sync_copy(zero_hbm, acc_sh.at[pl.ds(s * ZROWS, ZROWS), :])
    pltpu.sync_copy(ones_hbm, ones_v)
    plsc.subcore_barrier()

    base = (c * E_PAD + s * EPT) // BLK

    def _block(t, carry):
        rb = pl.multiple_of(base + t * CHUNK, CHUNK)
        pltpu.sync_copy(cidx_hbm.at[pl.ds(rb, CHUNK), :], cidx_v)
        for j in range(CHUNK):
            pltpu.sync_copy(ones_v, acc_sh.at[cidx_v.at[j]], add=True)
        return carry

    lax.fori_loop(0, NBLK // CHUNK, _block, 0)
    plsc.subcore_barrier()
    pltpu.sync_copy(acc_sh.at[pl.ds(s * ZROWS, ZROWS), :],
                    out_hbm.at[c, pl.ds(s * ZROWS, ZROWS), :])


import functools


@functools.lru_cache(maxsize=None)
def _sc_kernels():
    mesh = plsc.VectorSubcoreMesh(core_axis_name="c", subcore_axis_name="s",
                                  num_cores=NC, num_subcores=NS)
    scatter = pl.kernel(
        _sc_scatter_body,
        out_type=jax.ShapeDtypeStruct((NC, NPAD, HALF), jnp.float32),
        mesh=mesh,
        scratch_types=[
            pltpu.VMEM((CHUNK, BLK), jnp.int32),
            pltpu.VMEM((CHUNK, BLK), jnp.int32),
            pltpu.VMEM((BLK, HALF), jnp.float32),
            pltpu.VMEM((BLK, HALF), jnp.float32),
            pltpu.VMEM_SHARED((NPAD, HALF), jnp.float32),
            pltpu.SemaphoreType.DMA,
            pltpu.SemaphoreType.DMA,
        ],
    )
    hist = pl.kernel(
        _sc_hist_body,
        out_type=jax.ShapeDtypeStruct((NC, NPAD, HB), jnp.float32),
        mesh=mesh,
        scratch_types=[
            pltpu.VMEM((CHUNK, BLK), jnp.int32),
            pltpu.VMEM((BLK, HB), jnp.float32),
            pltpu.VMEM_SHARED((NPAD, HB), jnp.float32),
        ],
    )
    return scatter, hist


RB = 1000
GRID = N // RB
_DOTDIMS = (((1,), (1,)), ((), ()))


def _matmul(xin, w_ref, b_ref):
    out = lax.dot_general(xin, w_ref[...], _DOTDIMS,
                          preferred_element_type=jnp.float32,
                          precision=lax.Precision.HIGHEST)
    return jnp.maximum(out + b_ref[...], 0.0)


def _tc_first_body(deg_ref, x_ref, w_ref, b_ref, h_ref, g_ref, dis_ref):
    dis = lax.rsqrt(deg_ref[...] + 1.0)
    dis_ref[...] = dis
    h = _matmul(x_ref[...], w_ref, b_ref)
    h_ref[...] = h
    g = dis * h
    g_ref[0, :, :] = g[:, :HALF]
    g_ref[1, :, :] = g[:, HALF:]


def _tc_mid_body(acc_ref, hp_ref, dis_ref, w_ref, b_ref, h_ref, g_ref):
    dis = dis_ref[...]
    xin = (jnp.concatenate([dis * acc_ref[0], dis * acc_ref[1]], axis=1)
           + (dis * dis) * hp_ref[...])
    h = _matmul(xin, w_ref, b_ref)
    h_ref[...] = h
    g = dis * h
    g_ref[0, :, :] = g[:, :HALF]
    g_ref[1, :, :] = g[:, HALF:]


def _tc_final_body(acc_ref, hp_ref, dis_ref, out_ref):
    dis = dis_ref[...]
    out_ref[...] = (jnp.concatenate([dis * acc_ref[0], dis * acc_ref[1]], axis=1)
                    + (dis * dis) * hp_ref[...])


_spec_rows = pl.BlockSpec((RB, D), lambda i: (i, 0))
_spec_acc = pl.BlockSpec((2, RB, HALF), lambda i: (0, i, 0))
_spec_w = pl.BlockSpec((D, D), lambda i: (0, 0))
_spec_b = pl.BlockSpec((1, D), lambda i: (0, 0))
_spec_col = pl.BlockSpec((RB, 1), lambda i: (i, 0))

_tc_first = pl.pallas_call(
    _tc_first_body,
    grid=(GRID,),
    in_specs=[_spec_col, _spec_rows, _spec_w, _spec_b],
    out_specs=[_spec_rows, _spec_acc, _spec_col],
    out_shape=[
        jax.ShapeDtypeStruct((N, D), jnp.float32),
        jax.ShapeDtypeStruct((2, N, HALF), jnp.float32),
        jax.ShapeDtypeStruct((N, 1), jnp.float32),
    ],
)

_tc_mid = pl.pallas_call(
    _tc_mid_body,
    grid=(GRID,),
    in_specs=[_spec_acc, _spec_rows, _spec_col, _spec_w, _spec_b],
    out_specs=[_spec_rows, _spec_acc],
    out_shape=[
        jax.ShapeDtypeStruct((N, D), jnp.float32),
        jax.ShapeDtypeStruct((2, N, HALF), jnp.float32),
    ],
)

_tc_final = pl.pallas_call(
    _tc_final_body,
    grid=(GRID,),
    in_specs=[_spec_acc, _spec_rows, _spec_col],
    out_specs=_spec_rows,
    out_shape=jax.ShapeDtypeStruct((N, D), jnp.float32),
)


def kernel(x, edge_index, W0, b0, W1, b1, W2, b2):
    ei = edge_index.astype(jnp.int32)
    row, col = ei[0], ei[1]
    pad = E_PAD - E
    row_p = jnp.concatenate([row, jnp.zeros((pad,), jnp.int32)])
    col_p = jnp.concatenate([col, jnp.full((pad,), N, jnp.int32)])
    ridx = jnp.concatenate([row_p, row_p + N]).reshape(-1, BLK)
    cidx = jnp.concatenate([col_p, col_p]).reshape(-1, BLK)

    _sc_scatter, _sc_hist = _sc_kernels()
    zrows = jnp.zeros((ZROWS, HALF), jnp.float32)
    ones_h = jnp.ones((BLK, HB), jnp.float32)
    hist = _sc_hist(ones_h, cidx, zrows)
    deg = hist[0, :N, 0][:, None]

    b0r, b1r, b2r = b0[None, :], b1[None, :], b2[None, :]
    h1, g1, dis = _tc_first(deg, x, W0, b0r)
    acc = _sc_scatter(g1.reshape(2 * N, HALF), ridx, cidx, zrows)
    h2, g2 = _tc_mid(acc, h1, dis, W1, b1r)
    acc = _sc_scatter(g2.reshape(2 * N, HALF), ridx, cidx, zrows)
    h3, g3 = _tc_mid(acc, h2, dis, W2, b2r)
    acc = _sc_scatter(g3.reshape(2 * N, HALF), ridx, cidx, zrows)
    return _tc_final(acc, h3, dis)

# --- scband reference (transcript-rebuilt; emitter-appended) ---
"""Pipeline reference for scband-mpnn-74741020885666 (READ-ONLY COPY).

The authoritative reference and input builder live on the scoring server;
editing this copy changes nothing except your own understanding.
"""

import jax, jax.numpy as jnp
import numpy as np

N_NODES = 10000
N_EDGES = 160000
D = 256


def setup_inputs(seed: int = 0) -> dict:
    key = jax.random.key(seed)
    ks = jax.random.split(key, 8)
    x = jax.random.normal(ks[0], (N_NODES, D), dtype=jnp.float32)
    edge_index = jax.random.randint(ks[1], (2, N_EDGES), 0, N_NODES, dtype=jnp.int64)
    # 3 layers, each Linear(in=256, out=256): W shape (out, in), bias (out,)
    W0 = jax.random.normal(ks[2], (D, D), dtype=jnp.float32) * 0.05
    b0 = jnp.zeros((D,), dtype=jnp.float32)
    W1 = jax.random.normal(ks[3], (D, D), dtype=jnp.float32) * 0.05
    b1 = jnp.zeros((D,), dtype=jnp.float32)
    W2 = jax.random.normal(ks[4], (D, D), dtype=jnp.float32) * 0.05
    b2 = jnp.zeros((D,), dtype=jnp.float32)
    return {"x": x, "edge_index": edge_index, "W0": W0, "b0": b0, "W1": W1, "b1": b1, "W2": W2, "b2": b2}


def _mpnn_layer(x, edge_index, W, b):
    N = x.shape[0]
    # add_self_loops
    loops = jnp.arange(N, dtype=edge_index.dtype)
    ei = jnp.concatenate([edge_index, jnp.stack([loops, loops], axis=0)], axis=1)
    # mapping: Linear + ReLU
    x = jax.nn.relu(x @ W.T + b)
    row, col = ei[0], ei[1]
    # degree of col
    deg = jnp.zeros((N,), dtype=x.dtype).at[col].add(1.0)
    deg_inv_sqrt = jnp.where(deg > 0, deg ** -0.5, 0.0)
    norm = deg_inv_sqrt[row] * deg_inv_sqrt[col]
    # message: norm * x_j (x_j = x[row]); aggregate 'add' at col
    msgs = norm[:, None] * x[row]
    out = jnp.zeros((N, x.shape[1]), dtype=x.dtype).at[col].add(msgs)
    return out


def reference(x, edge_index, W0, b0, W1, b1, W2, b2):
    h = _mpnn_layer(x, edge_index, W0, b0)
    h = _mpnn_layer(h, edge_index, W1, b1)
    h = _mpnn_layer(h, edge_index, W2, b2)
    return h

if __name__ == "__main__":
    import jax
    _d = setup_inputs()
    print(jax.jit(kernel)(*tuple(_d.values())))

</pallas_src>

<mosaic_0001>
#map = affine_map<(d0, d1) -> (0, 0)>
#map1 = affine_map<(d0, d1) -> (0, 0, 0)>
module attributes {stable_mosaic.version = 14 : i64} {
  func.func @_sc_hist_body(%arg0: i32, %arg1: i32, %arg2: memref<128x128xf32, #tpu.memory_space<hbm>>, %arg3: memref<2560x128xi32, #tpu.memory_space<hbm>>, %arg4: memref<640x128xf32, #tpu.memory_space<hbm>>, %arg5: memref<2x10240x128xf32, #tpu.memory_space<hbm>>, %arg6: memref<16x128xi32, #tpu.memory_space<vmem>>, %arg7: memref<128x128xf32, #tpu.memory_space<vmem>>, %arg8: memref<10240x128xf32, #tpu.memory_space<vmem_shared>>) attributes {dimension_semantics = [#tpu.dimension_semantics<core_parallel>, #tpu.dimension_semantics<subcore_parallel>], iteration_bounds = array<i64: 2, 16>, scalar_prefetch = 0 : i64, scratch_operands = 3 : i64, tpu.core_type = #tpu.core_type<sc_vector_subcore>, window_params = [{transform_indices = #map}, {transform_indices = #map}, {transform_indices = #map}, {transform_indices = #map1}]} {
    %mul3A = arith.constant 640 : i32
    %mul3A_0 = arith.muli %arg1, %mul3A : i32
    "tpu.region"() ({
      %run_scoped3A = tpu.sem_alloc : memref<!tpu.dma_semaphore, #tpu.memory_space<semaphore_mem>>
      %dma_start3A = arith.constant 0 : i32
      %dma_start3A_31 = tpu.memref_slice %arg8[%mul3A_0, %dma_start3A] : memref<10240x128xf32, #tpu.memory_space<vmem_shared>> -> memref<640x128xf32, #tpu.memory_space<vmem_shared>>
      tpu.enqueue_dma source(%arg4 : memref<640x128xf32, #tpu.memory_space<hbm>>) target(%dma_start3A_31 : memref<640x128xf32, #tpu.memory_space<vmem_shared>>) target_semaphore(%run_scoped3A : memref<!tpu.dma_semaphore, #tpu.memory_space<semaphore_mem>>)
      %dma_wait3A = arith.constant 0 : i32
      %dma_wait3A_32 = tpu.memref_slice %arg8[%mul3A_0, %dma_wait3A] : memref<10240x128xf32, #tpu.memory_space<vmem_shared>> -> memref<640x128xf32, #tpu.memory_space<vmem_shared>>
      tpu.wait_dma2 semaphore(%run_scoped3A : memref<!tpu.dma_semaphore, #tpu.memory_space<semaphore_mem>>) src(%arg4 : memref<640x128xf32, #tpu.memory_space<hbm>>) dst(%dma_wait3A_32 : memref<640x128xf32, #tpu.memory_space<vmem_shared>>)
      tpu.yield
    }) : () -> ()
    "tpu.region"() ({
      %run_scoped3A = tpu.sem_alloc : memref<!tpu.dma_semaphore, #tpu.memory_space<semaphore_mem>>
      tpu.enqueue_dma source(%arg2 : memref<128x128xf32, #tpu.memory_space<hbm>>) target(%arg7 : memref<128x128xf32, #tpu.memory_space<vmem>>) target_semaphore(%run_scoped3A : memref<!tpu.dma_semaphore, #tpu.memory_space<semaphore_mem>>)
      tpu.wait_dma2 semaphore(%run_scoped3A : memref<!tpu.dma_semaphore, #tpu.memory_space<semaphore_mem>>) src(%arg2 : memref<128x128xf32, #tpu.memory_space<hbm>>) dst(%arg7 : memref<128x128xf32, #tpu.memory_space<vmem>>)
      tpu.yield
    }) : () -> ()
    %barrier3A = arith.constant 0 : index
    tpu.barrier barrier_id(%barrier3A)
    %mul3A_1 = arith.constant 163840 : i32
    %mul3A_2 = arith.muli %arg0, %mul3A_1 : i32
    %mul3A_3 = arith.constant 10240 : i32
    %mul3A_4 = arith.muli %arg1, %mul3A_3 : i32
    %add3A = arith.addi %mul3A_2, %mul3A_4 : i32
    %jit3A = arith.constant 128 : i32
    %div3A = arith.divsi %add3A, %jit3A : i32
    %sign3A = arith.constant 0 : i32
    %sign3A_5 = arith.cmpi sgt, %add3A, %sign3A : i32
    %sign3A_6 = arith.extui %sign3A_5 : i1 to i32
    %sign3A_7 = arith.constant 0 : i32
    %sign3A_8 = arith.cmpi slt, %add3A, %sign3A_7 : i32
    %sign3A_9 = arith.extui %sign3A_8 : i1 to i32
    %sign3A_10 = arith.subi %sign3A_6, %sign3A_9 : i32
    %sign3A_11 = arith.constant 0 : i32
    %sign3A_12 = arith.cmpi sgt, %jit3A, %sign3A_11 : i32
    %sign3A_13 = arith.extui %sign3A_12 : i1 to i32
    %sign3A_14 = arith.constant 0 : i32
    %sign3A_15 = arith.cmpi slt, %jit3A, %sign3A_14 : i32
    %sign3A_16 = arith.extui %sign3A_15 : i1 to i32
    %sign3A_17 = arith.subi %sign3A_13, %sign3A_16 : i32
    %ne3A = arith.cmpi ne, %sign3A_10, %sign3A_17 : i32
    %rem3A = arith.remsi %add3A, %jit3A : i32
    %ne3A_18 = arith.constant 0 : i32
    %ne3A_19 = arith.cmpi ne, %rem3A, %ne3A_18 : i32
    %and3A = arith.andi %ne3A, %ne3A_19 : i1
    %sub3A = arith.constant 1 : i32
    %sub3A_20 = arith.subi %div3A, %sub3A : i32
    %select_n3A = arith.select %and3A, %sub3A_20, %div3A : i32
    %scan3A = arith.constant 0 : i32
    %scan3A_21 = arith.constant 0 : i32
    %scan3A_22 = arith.constant 5 : i32
    %scan3A_23 = arith.addi %scan3A_21, %scan3A_22 : i32
    %scan3A_24 = arith.constant 1 : i32
    scf.for %scan3A_31 = %scan3A_21 to %scan3A_23 step %scan3A_24  : i32 {
      %mul3A_32 = arith.constant 16 : i32
      %mul3A_33 = arith.muli %scan3A_31, %mul3A_32 : i32
      %add3A_34 = arith.addi %select_n3A, %mul3A_33 : i32
      %multiple_of3A = tpu.assume_multiple %add3A_34, 16 : i32
      "tpu.region"() ({
        %run_scoped3A_50 = tpu.sem_alloc : memref<!tpu.dma_semaphore, #tpu.memory_space<semaphore_mem>>
        %dma_start3A = arith.constant 0 : i32
        %dma_start3A_51 = tpu.memref_slice %arg3[%multiple_of3A, %dma_start3A] : memref<2560x128xi32, #tpu.memory_space<hbm>> -> memref<16x128xi32, #tpu.memory_space<hbm>>
        %dma_start3A_52 = arith.constant 0 : i32
        %dma_start3A_53 = tpu.memref_slice %arg3[%multiple_of3A, %dma_start3A_52] : memref<2560x128xi32, #tpu.memory_space<hbm>> -> memref<16x128xi32, #tpu.memory_space<hbm>>
        tpu.enqueue_dma source(%dma_start3A_53 : memref<16x128xi32, #tpu.memory_space<hbm>>) target(%arg6 : memref<16x128xi32, #tpu.memory_space<vmem>>) target_semaphore(%run_scoped3A_50 : memref<!tpu.dma_semaphore, #tpu.memory_space<semaphore_mem>>)
        %dma_wait3A = arith.constant 0 : i32
        %dma_wait3A_54 = tpu.memref_slice %arg3[%multiple_of3A, %dma_wait3A] : memref<2560x128xi32, #tpu.memory_space<hbm>> -> memref<16x128xi32, #tpu.memory_space<hbm>>
        %dma_wait3A_55 = arith.constant 0 : i32
        %dma_wait3A_56 = tpu.memref_slice %arg3[%multiple_of3A, %dma_wait3A_55] : memref<2560x128xi32, #tpu.memory_space<hbm>> -> memref<16x128xi32, #tpu.memory_space<hbm>>
        tpu.wait_dma2 semaphore(%run_scoped3A_50 : memref<!tpu.dma_semaphore, #tpu.memory_space<semaphore_mem>>) src(%dma_wait3A_56 : memref<16x128xi32, #tpu.memory_space<hbm>>) dst(%arg6 : memref<16x128xi32, #tpu.memory_space<vmem>>)
        tpu.yield
      }) : () -> ()
      %run_scoped3A = arith.constant 0 : i32
      "tpu.region"() ({
        %run_scoped3A_50 = tpu.sem_alloc : memref<!tpu.dma_semaphore, #tpu.memory_space<semaphore_mem>>
        %dma_start3A = arith.constant 0 : i32
        %dma_start3A_51 = tpu.memref_slice %arg6[%run_scoped3A, %dma_start3A] : memref<16x128xi32, #tpu.memory_space<vmem>> -> memref<1x128xi32, #tpu.memory_space<vmem>>
        %dma_start3A_52 = tpu.memref_squeeze %dma_start3A_51 : memref<1x128xi32, #tpu.memory_space<vmem>> -> memref<128xi32, #tpu.memory_space<vmem>>
        %dma_start3A_53 = arith.constant 0 : i32
        %dma_start3A_54 = arith.constant 0 : i32
        %dma_start3A_55 = tpu.memref_slice %arg8[%dma_start3A_53, %dma_start3A_54] : memref<10240x128xf32, #tpu.memory_space<vmem_shared>> -> memref<10240x128xf32, #tpu.memory_space<vmem_shared>>
        tpu.enqueue_indirect_dma source(%arg7 : memref<128x128xf32, #tpu.memory_space<vmem>>) target(%dma_start3A_55 : memref<10240x128xf32, #tpu.memory_space<vmem_shared>>) offsets(%dma_start3A_52 : memref<128xi32, #tpu.memory_space<vmem>>) semaphore(%run_scoped3A_50 : memref<!tpu.dma_semaphore, #tpu.memory_space<semaphore_mem>>) {add = true}
        %dma_wait3A = arith.constant 0 : i32
        %dma_wait3A_56 = tpu.memref_slice %arg6[%run_scoped3A, %dma_wait3A] : memref<16x128xi32, #tpu.memory_space<vmem>> -> memref<1x128xi32, #tpu.memory_space<vmem>>
        %dma_wait3A_57 = tpu.memref_squeeze %dma_wait3A_56 : memref<1x128xi32, #tpu.memory_space<vmem>> -> memref<128xi32, #tpu.memory_space<vmem>>
        %dma_wait3A_58 = arith.constant 0 : i32
        %dma_wait3A_59 = arith.constant 0 : i32
        %dma_wait3A_60 = tpu.memref_slice %arg8[%dma_wait3A_58, %dma_wait3A_59] : memref<10240x128xf32, #tpu.memory_space<vmem_shared>> -> memref<10240x128xf32, #tpu.memory_space<vmem_shared>>
        tpu.wait_indirect_dma semaphore(%run_scoped3A_50 : memref<!tpu.dma_semaphore, #tpu.memory_space<semaphore_mem>>) src(%arg7 : memref<128x128xf32, #tpu.memory_space<vmem>>) dst(%dma_wait3A_60 : memref<10240x128xf32, #tpu.memory_space<vmem_shared>>)
        tpu.yield
      }) : () -> ()
      %run_scoped3A_35 = arith.constant 1 : i32
      "tpu.region"() ({
        %run_scoped3A_50 = tpu.sem_alloc : memref<!tpu.dma_semaphore, #tpu.memory_space<semaphore_mem>>
        %dma_start3A = arith.constant 0 : i32
        %dma_start3A_51 = tpu.memref_slice %arg6[%run_scoped3A_35, %dma_start3A] : memref<16x128xi32, #tpu.memory_space<vmem>> -> memref<1x128xi32, #tpu.memory_space<vmem>>
        %dma_start3A_52 = tpu.memref_squeeze %dma_start3A_51 : memref<1x128xi32, #tpu.memory_space<vmem>> -> memref<128xi32, #tpu.memory_space<vmem>>
        %dma_start3A_53 = arith.constant 0 : i32
        %dma_start3A_54 = arith.constant 0 : i32
        %dma_start3A_55 = tpu.memref_slice %arg8[%dma_start3A_53, %dma_start3A_54] : memref<10240x128xf32, #tpu.memory_space<vmem_shared>> -> memref<10240x128xf32, #tpu.memory_space<vmem_shared>>
        tpu.enqueue_indirect_dma source(%arg7 : memref<128x128xf32, #tpu.memory_space<vmem>>) target(%dma_start3A_55 : memref<10240x128xf32, #tpu.memory_space<vmem_shared>>) offsets(%dma_start3A_52 : memref<128xi32, #tpu.memory_space<vmem>>) semaphore(%run_scoped3A_50 : memref<!tpu.dma_semaphore, #tpu.memory_space<semaphore_mem>>) {add = true}
        %dma_wait3A = arith.constant 0 : i32
        %dma_wait3A_56 = tpu.memref_slice %arg6[%run_scoped3A_35, %dma_wait3A] : memref<16x128xi32, #tpu.memory_space<vmem>> -> memref<1x128xi32, #tpu.memory_space<vmem>>
        %dma_wait3A_57 = tpu.memref_squeeze %dma_wait3A_56 : memref<1x128xi32, #tpu.memory_space<vmem>> -> memref<128xi32, #tpu.memory_space<vmem>>
        %dma_wait3A_58 = arith.constant 0 : i32
        %dma_wait3A_59 = arith.constant 0 : i32
        %dma_wait3A_60 = tpu.memref_slice %arg8[%dma_wait3A_58, %dma_wait3A_59] : memref<10240x128xf32, #tpu.memory_space<vmem_shared>> -> memref<10240x128xf32, #tpu.memory_space<vmem_shared>>
        tpu.wait_indirect_dma semaphore(%run_scoped3A_50 : memref<!tpu.dma_semaphore, #tpu.memory_space<semaphore_mem>>) src(%arg7 : memref<128x128xf32, #tpu.memory_space<vmem>>) dst(%dma_wait3A_60 : memref<10240x128xf32, #tpu.memory_space<vmem_shared>>)
        tpu.yield
      }) : () -> ()
      %run_scoped3A_36 = arith.constant 2 : i32
      "tpu.region"() ({
        %run_scoped3A_50 = tpu.sem_alloc : memref<!tpu.dma_semaphore, #tpu.memory_space<semaphore_mem>>
        %dma_start3A = arith.constant 0 : i32
        %dma_start3A_51 = tpu.memref_slice %arg6[%run_scoped3A_36, %dma_start3A] : memref<16x128xi32, #tpu.memory_space<vmem>> -> memref<1x128xi32, #tpu.memory_space<vmem>>
        %dma_start3A_52 = tpu.memref_squeeze %dma_start3A_51 : memref<1x128xi32, #tpu.memory_space<vmem>> -> memref<128xi32, #tpu.memory_space<vmem>>
        %dma_start3A_53 = arith.constant 0 : i32
        %dma_start3A_54 = arith.constant 0 : i32
        %dma_start3A_55 = tpu.memref_slice %arg8[%dma_start3A_53, %dma_start3A_54] : memref<10240x128xf32, #tpu.memory_space<vmem_shared>> -> memref<10240x128xf32, #tpu.memory_space<vmem_shared>>
        tpu.enqueue_indirect_dma source(%arg7 : memref<128x128xf32, #tpu.memory_space<vmem>>) target(%dma_start3A_55 : memref<10240x128xf32, #tpu.memory_space<vmem_shared>>) offsets(%dma_start3A_52 : memref<128xi32, #tpu.memory_space<vmem>>) semaphore(%run_scoped3A_50 : memref<!tpu.dma_semaphore, #tpu.memory_space<semaphore_mem>>) {add = true}
        %dma_wait3A = arith.constant 0 : i32
        %dma_wait3A_56 = tpu.memref_slice %arg6[%run_scoped3A_36, %dma_wait3A] : memref<16x128xi32, #tpu.memory_space<vmem>> -> memref<1x128xi32, #tpu.memory_space<vmem>>
        %dma_wait3A_57 = tpu.memref_squeeze %dma_wait3A_56 : memref<1x128xi32, #tpu.memory_space<vmem>> -> memref<128xi32, #tpu.memory_space<vmem>>
        %dma_wait3A_58 = arith.constant 0 : i32
        %dma_wait3A_59 = arith.constant 0 : i32
        %dma_wait3A_60 = tpu.memref_slice %arg8[%dma_wait3A_58, %dma_wait3A_59] : memref<10240x128xf32, #tpu.memory_space<vmem_shared>> -> memref<10240x128xf32, #tpu.memory_space<vmem_shared>>
        tpu.wait_indirect_dma semaphore(%run_scoped3A_50 : memref<!tpu.dma_semaphore, #tpu.memory_space<semaphore_mem>>) src(%arg7 : memref<128x128xf32, #tpu.memory_space<vmem>>) dst(%dma_wait3A_60 : memref<10240x128xf32, #tpu.memory_space<vmem_shared>>)
        tpu.yield
      }) : () -> ()
      %run_scoped3A_37 = arith.constant 3 : i32
      "tpu.region"() ({
        %run_scoped3A_50 = tpu.sem_alloc : memref<!tpu.dma_semaphore, #tpu.memory_space<semaphore_mem>>
        %dma_start3A = arith.constant 0 : i32
        %dma_start3A_51 = tpu.memref_slice %arg6[%run_scoped3A_37, %dma_start3A] : memref<16x128xi32, #tpu.memory_space<vmem>> -> memref<1x128xi32, #tpu.memory_space<vmem>>
        %dma_start3A_52 = tpu.memref_squeeze %dma_start3A_51 : memref<1x128xi32, #tpu.memory_space<vmem>> -> memref<128xi32, #tpu.memory_space<vmem>>
        %dma_start3A_53 = arith.constant 0 : i32
        %dma_start3A_54 = arith.constant 0 : i32
        %dma_start3A_55 = tpu.memref_slice %arg8[%dma_start3A_53, %dma_start3A_54] : memref<10240x128xf32, #tpu.memory_space<vmem_shared>> -> memref<10240x128xf32, #tpu.memory_space<vmem_shared>>
        tpu.enqueue_indirect_dma source(%arg7 : memref<128x128xf32, #tpu.memory_space<vmem>>) target(%dma_start3A_55 : memref<10240x128xf32, #tpu.memory_space<vmem_shared>>) offsets(%dma_start3A_52 : memref<128xi32, #tpu.memory_space<vmem>>) semaphore(%run_scoped3A_50 : memref<!tpu.dma_semaphore, #tpu.memory_space<semaphore_mem>>) {add = true}
        %dma_wait3A = arith.constant 0 : i32
        %dma_wait3A_56 = tpu.memref_slice %arg6[%run_scoped3A_37, %dma_wait3A] : memref<16x128xi32, #tpu.memory_space<vmem>> -> memref<1x128xi32, #tpu.memory_space<vmem>>
        %dma_wait3A_57 = tpu.memref_squeeze %dma_wait3A_56 : memref<1x128xi32, #tpu.memory_space<vmem>> -> memref<128xi32, #tpu.memory_space<vmem>>
        %dma_wait3A_58 = arith.constant 0 : i32
        %dma_wait3A_59 = arith.constant 0 : i32
        %dma_wait3A_60 = tpu.memref_slice %arg8[%dma_wait3A_58, %dma_wait3A_59] : memref<10240x128xf32, #tpu.memory_space<vmem_shared>> -> memref<10240x128xf32, #tpu.memory_space<vmem_shared>>
        tpu.wait_indirect_dma semaphore(%run_scoped3A_50 : memref<!tpu.dma_semaphore, #tpu.memory_space<semaphore_mem>>) src(%arg7 : memref<128x128xf32, #tpu.memory_space<vmem>>) dst(%dma_wait3A_60 : memref<10240x128xf32, #tpu.memory_space<vmem_shared>>)
        tpu.yield
      }) : () -> ()
      %run_scoped3A_38 = arith.constant 4 : i32
      "tpu.region"() ({
        %run_scoped3A_50 = tpu.sem_alloc : memref<!tpu.dma_semaphore, #tpu.memory_space<semaphore_mem>>
        %dma_start3A = arith.constant 0 : i32
        %dma_start3A_51 = tpu.memref_slice %arg6[%run_scoped3A_38, %dma_start3A] : memref<16x128xi32, #tpu.memory_space<vmem>> -> memref<1x128xi32, #tpu.memory_space<vmem>>
        %dma_start3A_52 = tpu.memref_squeeze %dma_start3A_51 : memref<1x128xi32, #tpu.memory_space<vmem>> -> memref<128xi32, #tpu.memory_space<vmem>>
        %dma_start3A_53 = arith.constant 0 : i32
        %dma_start3A_54 = arith.constant 0 : i32
        %dma_start3A_55 = tpu.memref_slice %arg8[%dma_start3A_53, %dma_start3A_54] : memref<10240x128xf32, #tpu.memory_space<vmem_shared>> -> memref<10240x128xf32, #tpu.memory_space<vmem_shared>>
        tpu.enqueue_indirect_dma source(%arg7 : memref<128x128xf32, #tpu.memory_space<vmem>>) target(%dma_start3A_55 : memref<10240x128xf32, #tpu.memory_space<vmem_shared>>) offsets(%dma_start3A_52 : memref<128xi32, #tpu.memory_space<vmem>>) semaphore(%run_scoped3A_50 : memref<!tpu.dma_semaphore, #tpu.memory_space<semaphore_mem>>) {add = true}
        %dma_wait3A = arith.constant 0 : i32
        %dma_wait3A_56 = tpu.memref_slice %arg6[%run_scoped3A_38, %dma_wait3A] : memref<16x128xi32, #tpu.memory_space<vmem>> -> memref<1x128xi32, #tpu.memory_space<vmem>>
        %dma_wait3A_57 = tpu.memref_squeeze %dma_wait3A_56 : memref<1x128xi32, #tpu.memory_space<vmem>> -> memref<128xi32, #tpu.memory_space<vmem>>
        %dma_wait3A_58 = arith.constant 0 : i32
        %dma_wait3A_59 = arith.constant 0 : i32
        %dma_wait3A_60 = tpu.memref_slice %arg8[%dma_wait3A_58, %dma_wait3A_59] : memref<10240x128xf32, #tpu.memory_space<vmem_shared>> -> memref<10240x128xf32, #tpu.memory_space<vmem_shared>>
        tpu.wait_indirect_dma semaphore(%run_scoped3A_50 : memref<!tpu.dma_semaphore, #tpu.memory_space<semaphore_mem>>) src(%arg7 : memref<128x128xf32, #tpu.memory_space<vmem>>) dst(%dma_wait3A_60 : memref<10240x128xf32, #tpu.memory_space<vmem_shared>>)
        tpu.yield
      }) : () -> ()
      %run_scoped3A_39 = arith.constant 5 : i32
      "tpu.region"() ({
        %run_scoped3A_50 = tpu.sem_alloc : memref<!tpu.dma_semaphore, #tpu.memory_space<semaphore_mem>>
        %dma_start3A = arith.constant 0 : i32
        %dma_start3A_51 = tpu.memref_slice %arg6[%run_scoped3A_39, %dma_start3A] : memref<16x128xi32, #tpu.memory_space<vmem>> -> memref<1x128xi32, #tpu.memory_space<vmem>>
        %dma_start3A_52 = tpu.memref_squeeze %dma_start3A_51 : memref<1x128xi32, #tpu.memory_space<vmem>> -> memref<128xi32, #tpu.memory_space<vmem>>
        %dma_start3A_53 = arith.constant 0 : i32
        %dma_start3A_54 = arith.constant 0 : i32
        %dma_start3A_55 = tpu.memref_slice %arg8[%dma_start3A_53, %dma_start3A_54] : memref<10240x128xf32, #tpu.memory_space<vmem_shared>> -> memref<10240x128xf32, #tpu.memory_space<vmem_shared>>
        tpu.enqueue_indirect_dma source(%arg7 : memref<128x128xf32, #tpu.memory_space<vmem>>) target(%dma_start3A_55 : memref<10240x128xf32, #tpu.memory_space<vmem_shared>>) offsets(%dma_start3A_52 : memref<128xi32, #tpu.memory_space<vmem>>) semaphore(%run_scoped3A_50 : memref<!tpu.dma_semaphore, #tpu.memory_space<semaphore_mem>>) {add = true}
        %dma_wait3A = arith.constant 0 : i32
        %dma_wait3A_56 = tpu.memref_slice %arg6[%run_scoped3A_39, %dma_wait3A] : memref<16x128xi32, #tpu.memory_space<vmem>> -> memref<1x128xi32, #tpu.memory_space<vmem>>
        %dma_wait3A_57 = tpu.memref_squeeze %dma_wait3A_56 : memref<1x128xi32, #tpu.memory_space<vmem>> -> memref<128xi32, #tpu.memory_space<vmem>>
        %dma_wait3A_58 = arith.constant 0 : i32
        %dma_wait3A_59 = arith.constant 0 : i32
        %dma_wait3A_60 = tpu.memref_slice %arg8[%dma_wait3A_58, %dma_wait3A_59] : memref<10240x128xf32, #tpu.memory_space<vmem_shared>> -> memref<10240x128xf32, #tpu.memory_space<vmem_shared>>
        tpu.wait_indirect_dma semaphore(%run_scoped3A_50 : memref<!tpu.dma_semaphore, #tpu.memory_space<semaphore_mem>>) src(%arg7 : memref<128x128xf32, #tpu.memory_space<vmem>>) dst(%dma_wait3A_60 : memref<10240x128xf32, #tpu.memory_space<vmem_shared>>)
        tpu.yield
      }) : () -> ()
      %run_scoped3A_40 = arith.constant 6 : i32
      "tpu.region"() ({
        %run_scoped3A_50 = tpu.sem_alloc : memref<!tpu.dma_semaphore, #tpu.memory_space<semaphore_mem>>
        %dma_start3A = arith.constant 0 : i32
        %dma_start3A_51 = tpu.memref_slice %arg6[%run_scoped3A_40, %dma_start3A] : memref<16x128xi32, #tpu.memory_space<vmem>> -> memref<1x128xi32, #tpu.memory_space<vmem>>
        %dma_start3A_52 = tpu.memref_squeeze %dma_start3A_51 : memref<1x128xi32, #tpu.memory_space<vmem>> -> memref<128xi32, #tpu.memory_space<vmem>>
        %dma_start3A_53 = arith.constant 0 : i32
        %dma_start3A_54 = arith.constant 0 : i32
        %dma_start3A_55 = tpu.memref_slice %arg8[%dma_start3A_53, %dma_start3A_54] : memref<10240x128xf32, #tpu.memory_space<vmem_shared>> -> memref<10240x128xf32, #tpu.memory_space<vmem_shared>>
        tpu.enqueue_indirect_dma source(%arg7 : memref<128x128xf32, #tpu.memory_space<vmem>>) target(%dma_start3A_55 : memref<10240x128xf32, #tpu.memory_space<vmem_shared>>) offsets(%dma_start3A_52 : memref<128xi32, #tpu.memory_space<vmem>>) semaphore(%run_scoped3A_50 : memref<!tpu.dma_semaphore, #tpu.memory_space<semaphore_mem>>) {add = true}
        %dma_wait3A = arith.constant 0 : i32
        %dma_wait3A_56 = tpu.memref_slice %arg6[%run_scoped3A_40, %dma_wait3A] : memref<16x128xi32, #tpu.memory_space<vmem>> -> memref<1x128xi32, #tpu.memory_space<vmem>>
        %dma_wait3A_57 = tpu.memref_squeeze %dma_wait3A_56 : memref<1x128xi32, #tpu.memory_space<vmem>> -> memref<128xi32, #tpu.memory_space<vmem>>
        %dma_wait3A_58 = arith.constant 0 : i32
        %dma_wait3A_59 = arith.constant 0 : i32
        %dma_wait3A_60 = tpu.memref_slice %arg8[%dma_wait3A_58, %dma_wait3A_59] : memref<10240x128xf32, #tpu.memory_space<vmem_shared>> -> memref<10240x128xf32, #tpu.memory_space<vmem_shared>>
        tpu.wait_indirect_dma semaphore(%run_scoped3A_50 : memref<!tpu.dma_semaphore, #tpu.memory_space<semaphore_mem>>) src(%arg7 : memref<128x128xf32, #tpu.memory_space<vmem>>) dst(%dma_wait3A_60 : memref<10240x128xf32, #tpu.memory_space<vmem_shared>>)
        tpu.yield
      }) : () -> ()
      %run_scoped3A_41 = arith.constant 7 : i32
      "tpu.region"() ({
        %run_scoped3A_50 = tpu.sem_alloc : memref<!tpu.dma_semaphore, #tpu.memory_space<semaphore_mem>>
        %dma_start3A = arith.constant 0 : i32
        %dma_start3A_51 = tpu.memref_slice %arg6[%run_scoped3A_41, %dma_start3A] : memref<16x128xi32, #tpu.memory_space<vmem>> -> memref<1x128xi32, #tpu.memory_space<vmem>>
        %dma_start3A_52 = tpu.memref_squeeze %dma_start3A_51 : memref<1x128xi32, #tpu.memory_space<vmem>> -> memref<128xi32, #tpu.memory_space<vmem>>
        %dma_start3A_53 = arith.constant 0 : i32
        %dma_start3A_54 = arith.constant 0 : i32
        %dma_start3A_55 = tpu.memref_slice %arg8[%dma_start3A_53, %dma_start3A_54] : memref<10240x128xf32, #tpu.memory_space<vmem_shared>> -> memref<10240x128xf32, #tpu.memory_space<vmem_shared>>
        tpu.enqueue_indirect_dma source(%arg7 : memref<128x128xf32, #tpu.memory_space<vmem>>) target(%dma_start3A_55 : memref<10240x128xf32, #tpu.memory_space<vmem_shared>>) offsets(%dma_start3A_52 : memref<128xi32, #tpu.memory_space<vmem>>) semaphore(%run_scoped3A_50 : memref<!tpu.dma_semaphore, #tpu.memory_space<semaphore_mem>>) {add = true}
        %dma_wait3A = arith.constant 0 : i32
        %dma_wait3A_56 = tpu.memref_slice %arg6[%run_scoped3A_41, %dma_wait3A] : memref<16x128xi32, #tpu.memory_space<vmem>> -> memref<1x128xi32, #tpu.memory_space<vmem>>
        %dma_wait3A_57 = tpu.memref_squeeze %dma_wait3A_56 : memref<1x128xi32, #tpu.memory_space<vmem>> -> memref<128xi32, #tpu.memory_space<vmem>>
        %dma_wait3A_58 = arith.constant 0 : i32
        %dma_wait3A_59 = arith.constant 0 : i32
        %dma_wait3A_60 = tpu.memref_slice %arg8[%dma_wait3A_58, %dma_wait3A_59] : memref<10240x128xf32, #tpu.memory_space<vmem_shared>> -> memref<10240x128xf32, #tpu.memory_space<vmem_shared>>
        tpu.wait_indirect_dma semaphore(%run_scoped3A_50 : memref<!tpu.dma_semaphore, #tpu.memory_space<semaphore_mem>>) src(%arg7 : memref<128x128xf32, #tpu.memory_space<vmem>>) dst(%dma_wait3A_60 : memref<10240x128xf32, #tpu.memory_space<vmem_shared>>)
        tpu.yield
      }) : () -> ()
      %run_scoped3A_42 = arith.constant 8 : i32
      "tpu.region"() ({
        %run_scoped3A_50 = tpu.sem_alloc : memref<!tpu.dma_semaphore, #tpu.memory_space<semaphore_mem>>
        %dma_start3A = arith.constant 0 : i32
        %dma_start3A_51 = tpu.memref_slice %arg6[%run_scoped3A_42, %dma_start3A] : memref<16x128xi32, #tpu.memory_space<vmem>> -> memref<1x128xi32, #tpu.memory_space<vmem>>
        %dma_start3A_52 = tpu.memref_squeeze %dma_start3A_51 : memref<1x128xi32, #tpu.memory_space<vmem>> -> memref<128xi32, #tpu.memory_space<vmem>>
        %dma_start3A_53 = arith.constant 0 : i32
        %dma_start3A_54 = arith.constant 0 : i32
        %dma_start3A_55 = tpu.memref_slice %arg8[%dma_start3A_53, %dma_start3A_54] : memref<10240x128xf32, #tpu.memory_space<vmem_shared>> -> memref<10240x128xf32, #tpu.memory_space<vmem_shared>>
        tpu.enqueue_indirect_dma source(%arg7 : memref<128x128xf32, #tpu.memory_space<vmem>>) target(%dma_start3A_55 : memref<10240x128xf32, #tpu.memory_space<vmem_shared>>) offsets(%dma_start3A_52 : memref<128xi32, #tpu.memory_space<vmem>>) semaphore(%run_scoped3A_50 : memref<!tpu.dma_semaphore, #tpu.memory_space<semaphore_mem>>) {add = true}
        %dma_wait3A = arith.constant 0 : i32
        %dma_wait3A_56 = tpu.memref_slice %arg6[%run_scoped3A_42, %dma_wait3A] : memref<16x128xi32, #tpu.memory_space<vmem>> -> memref<1x128xi32, #tpu.memory_space<vmem>>
        %dma_wait3A_57 = tpu.memref_squeeze %dma_wait3A_56 : memref<1x128xi32, #tpu.memory_space<vmem>> -> memref<128xi32, #tpu.memory_space<vmem>>
        %dma_wait3A_58 = arith.constant 0 : i32
        %dma_wait3A_59 = arith.constant 0 : i32
        %dma_wait3A_60 = tpu.memref_slice %arg8[%dma_wait3A_58, %dma_wait3A_59] : memref<10240x128xf32, #tpu.memory_space<vmem_shared>> -> memref<10240x128xf32, #tpu.memory_space<vmem_shared>>
        tpu.wait_indirect_dma semaphore(%run_scoped3A_50 : memref<!tpu.dma_semaphore, #tpu.memory_space<semaphore_mem>>) src(%arg7 : memref<128x128xf32, #tpu.memory_space<vmem>>) dst(%dma_wait3A_60 : memref<10240x128xf32, #tpu.memory_space<vmem_shared>>)
        tpu.yield
      }) : () -> ()
      %run_scoped3A_43 = arith.constant 9 : i32
      "tpu.region"() ({
        %run_scoped3A_50 = tpu.sem_alloc : memref<!tpu.dma_semaphore, #tpu.memory_space<semaphore_mem>>
        %dma_start3A = arith.constant 0 : i32
        %dma_start3A_51 = tpu.memref_slice %arg6[%run_scoped3A_43, %dma_start3A] : memref<16x128xi32, #tpu.memory_space<vmem>> -> memref<1x128xi32, #tpu.memory_space<vmem>>
        %dma_start3A_52 = tpu.memref_squeeze %dma_start3A_51 : memref<1x128xi32, #tpu.memory_space<vmem>> -> memref<128xi32, #tpu.memory_space<vmem>>
        %dma_start3A_53 = arith.constant 0 : i32
        %dma_start3A_54 = arith.constant 0 : i32
        %dma_start3A_55 = tpu.memref_slice %arg8[%dma_start3A_53, %dma_start3A_54] : memref<10240x128xf32, #tpu.memory_space<vmem_shared>> -> memref<10240x128xf32, #tpu.memory_space<vmem_shared>>
        tpu.enqueue_indirect_dma source(%arg7 : memref<128x128xf32, #tpu.memory_space<vmem>>) target(%dma_start3A_55 : memref<10240x128xf32, #tpu.memory_space<vmem_shared>>) offsets(%dma_start3A_52 : memref<128xi32, #tpu.memory_space<vmem>>) semaphore(%run_scoped3A_50 : memref<!tpu.dma_semaphore, #tpu.memory_space<semaphore_mem>>) {add = true}
        %dma_wait3A = arith.constant 0 : i32
        %dma_wait3A_56 = tpu.memref_slice %arg6[%run_scoped3A_43, %dma_wait3A] : memref<16x128xi32, #tpu.memory_space<vmem>> -> memref<1x128xi32, #tpu.memory_space<vmem>>
        %dma_wait3A_57 = tpu.memref_squeeze %dma_wait3A_56 : memref<1x128xi32, #tpu.memory_space<vmem>> -> memref<128xi32, #tpu.memory_space<vmem>>
        %dma_wait3A_58 = arith.constant 0 : i32
        %dma_wait3A_59 = arith.constant 0 : i32
        %dma_wait3A_60 = tpu.memref_slice %arg8[%dma_wait3A_58, %dma_wait3A_59] : memref<10240x128xf32, #tpu.memory_space<vmem_shared>> -> memref<10240x128xf32, #tpu.memory_space<vmem_shared>>
        tpu.wait_indirect_dma semaphore(%run_scoped3A_50 : memref<!tpu.dma_semaphore, #tpu.memory_space<semaphore_mem>>) src(%arg7 : memref<128x128xf32, #tpu.memory_space<vmem>>) dst(%dma_wait3A_60 : memref<10240x128xf32, #tpu.memory_space<vmem_shared>>)
        tpu.yield
      }) : () -> ()
      %run_scoped3A_44 = arith.constant 10 : i32
      "tpu.region"() ({
        %run_scoped3A_50 = tpu.sem_alloc : memref<!tpu.dma_semaphore, #tpu.memory_space<semaphore_mem>>
        %dma_start3A = arith.constant 0 : i32
        %dma_start3A_51 = tpu.memref_slice %arg6[%run_scoped3A_44, %dma_start3A] : memref<16x128xi32, #tpu.memory_space<vmem>> -> memref<1x128xi32, #tpu.memory_space<vmem>>
        %dma_start3A_52 = tpu.memref_squeeze %dma_start3A_51 : memref<1x128xi32, #tpu.memory_space<vmem>> -> memref<128xi32, #tpu.memory_space<vmem>>
        %dma_start3A_53 = arith.constant 0 : i32
        %dma_start3A_54 = arith.constant 0 : i32
        %dma_start3A_55 = tpu.memref_slice %arg8[%dma_start3A_53, %dma_start3A_54] : memref<10240x128xf32, #tpu.memory_space<vmem_shared>> -> memref<10240x128xf32, #tpu.memory_space<vmem_shared>>
        tpu.enqueue_indirect_dma source(%arg7 : memref<128x128xf32, #tpu.memory_space<vmem>>) target(%dma_start3A_55 : memref<10240x128xf32, #tpu.memory_space<vmem_shared>>) offsets(%dma_start3A_52 : memref<128xi32, #tpu.memory_space<vmem>>) semaphore(%run_scoped3A_50 : memref<!tpu.dma_semaphore, #tpu.memory_space<semaphore_mem>>) {add = true}
        %dma_wait3A = arith.constant 0 : i32
        %dma_wait3A_56 = tpu.memref_slice %arg6[%run_scoped3A_44, %dma_wait3A] : memref<16x128xi32, #tpu.memory_space<vmem>> -> memref<1x128xi32, #tpu.memory_space<vmem>>
        %dma_wait3A_57 = tpu.memref_squeeze %dma_wait3A_56 : memref<1x128xi32, #tpu.memory_space<vmem>> -> memref<128xi32, #tpu.memory_space<vmem>>
        %dma_wait3A_58 = arith.constant 0 : i32
        %dma_wait3A_59 = arith.constant 0 : i32
        %dma_wait3A_60 = tpu.memref_slice %arg8[%dma_wait3A_58, %dma_wait3A_59] : memref<10240x128xf32, #tpu.memory_space<vmem_shared>> -> memref<10240x128xf32, #tpu.memory_space<vmem_shared>>
        tpu.wait_indirect_dma semaphore(%run_scoped3A_50 : memref<!tpu.dma_semaphore, #tpu.memory_space<semaphore_mem>>) src(%arg7 : memref<128x128xf32, #tpu.memory_space<vmem>>) dst(%dma_wait3A_60 : memref<10240x128xf32, #tpu.memory_space<vmem_shared>>)
        tpu.yield
      }) : () -> ()
      %run_scoped3A_45 = arith.constant 11 : i32
      "tpu.region"() ({
        %run_scoped3A_50 = tpu.sem_alloc : memref<!tpu.dma_semaphore, #tpu.memory_space<semaphore_mem>>
        %dma_start3A = arith.constant 0 : i32
        %dma_start3A_51 = tpu.memref_slice %arg6[%run_scoped3A_45, %dma_start3A] : memref<16x128xi32, #tpu.memory_space<vmem>> -> memref<1x128xi32, #tpu.memory_space<vmem>>
        %dma_start3A_52 = tpu.memref_squeeze %dma_start3A_51 : memref<1x128xi32, #tpu.memory_space<vmem>> -> memref<128xi32, #tpu.memory_space<vmem>>
        %dma_start3A_53 = arith.constant 0 : i32
        %dma_start3A_54 = arith.constant 0 : i32
        %dma_start3A_55 = tpu.memref_slice %arg8[%dma_start3A_53, %dma_start3A_54] : memref<10240x128xf32, #tpu.memory_space<vmem_shared>> -> memref<10240x128xf32, #tpu.memory_space<vmem_shared>>
        tpu.enqueue_indirect_dma source(%arg7 : memref<128x128xf32, #tpu.memory_space<vmem>>) target(%dma_start3A_55 : memref<10240x128xf32, #tpu.memory_space<vmem_shared>>) offsets(%dma_start3A_52 : memref<128xi32, #tpu.memory_space<vmem>>) semaphore(%run_scoped3A_50 : memref<!tpu.dma_semaphore, #tpu.memory_space<semaphore_mem>>) {add = true}
        %dma_wait3A = arith.constant 0 : i32
        %dma_wait3A_56 = tpu.memref_slice %arg6[%run_scoped3A_45, %dma_wait3A] : memref<16x128xi32, #tpu.memory_space<vmem>> -> memref<1x128xi32, #tpu.memory_space<vmem>>
        %dma_wait3A_57 = tpu.memref_squeeze %dma_wait3A_56 : memref<1x128xi32, #tpu.memory_space<vmem>> -> memref<128xi32, #tpu.memory_space<vmem>>
        %dma_wait3A_58 = arith.constant 0 : i32
        %dma_wait3A_59 = arith.constant 0 : i32
        %dma_wait3A_60 = tpu.memref_slice %arg8[%dma_wait3A_58, %dma_wait3A_59] : memref<10240x128xf32, #tpu.memory_space<vmem_shared>> -> memref<10240x128xf32, #tpu.memory_space<vmem_shared>>
        tpu.wait_indirect_dma semaphore(%run_scoped3A_50 : memref<!tpu.dma_semaphore, #tpu.memory_space<semaphore_mem>>) src(%arg7 : memref<128x128xf32, #tpu.memory_space<vmem>>) dst(%dma_wait3A_60 : memref<10240x128xf32, #tpu.memory_space<vmem_shared>>)
        tpu.yield
      }) : () -> ()
      %run_scoped3A_46 = arith.constant 12 : i32
      "tpu.region"() ({
        %run_scoped3A_50 = tpu.sem_alloc : memref<!tpu.dma_semaphore, #tpu.memory_space<semaphore_mem>>
        %dma_start3A = arith.constant 0 : i32
        %dma_start3A_51 = tpu.memref_slice %arg6[%run_scoped3A_46, %dma_start3A] : memref<16x128xi32, #tpu.memory_space<vmem>> -> memref<1x128xi32, #tpu.memory_space<vmem>>
        %dma_start3A_52 = tpu.memref_squeeze %dma_start3A_51 : memref<1x128xi32, #tpu.memory_space<vmem>> -> memref<128xi32, #tpu.memory_space<vmem>>
        %dma_start3A_53 = arith.constant 0 : i32
        %dma_start3A_54 = arith.constant 0 : i32
        %dma_start3A_55 = tpu.memref_slice %arg8[%dma_start3A_53, %dma_start3A_54] : memref<10240x128xf32, #tpu.memory_space<vmem_shared>> -> memref<10240x128xf32, #tpu.memory_space<vmem_shared>>
        tpu.enqueue_indirect_dma source(%arg7 : memref<128x128xf32, #tpu.memory_space<vmem>>) target(%dma_start3A_55 : memref<10240x128xf32, #tpu.memory_space<vmem_shared>>) offsets(%dma_start3A_52 : memref<128xi32, #tpu.memory_space<vmem>>) semaphore(%run_scoped3A_50 : memref<!tpu.dma_semaphore, #tpu.memory_space<semaphore_mem>>) {add = true}
        %dma_wait3A = arith.constant 0 : i32
        %dma_wait3A_56 = tpu.memref_slice %arg6[%run_scoped3A_46, %dma_wait3A] : memref<16x128xi32, #tpu.memory_space<vmem>> -> memref<1x128xi32, #tpu.memory_space<vmem>>
        %dma_wait3A_57 = tpu.memref_squeeze %dma_wait3A_56 : memref<1x128xi32, #tpu.memory_space<vmem>> -> memref<128xi32, #tpu.memory_space<vmem>>
        %dma_wait3A_58 = arith.constant 0 : i32
        %dma_wait3A_59 = arith.constant 0 : i32
        %dma_wait3A_60 = tpu.memref_slice %arg8[%dma_wait3A_58, %dma_wait3A_59] : memref<10240x128xf32, #tpu.memory_space<vmem_shared>> -> memref<10240x128xf32, #tpu.memory_space<vmem_shared>>
        tpu.wait_indirect_dma semaphore(%run_scoped3A_50 : memref<!tpu.dma_semaphore, #tpu.memory_space<semaphore_mem>>) src(%arg7 : memref<128x128xf32, #tpu.memory_space<vmem>>) dst(%dma_wait3A_60 : memref<10240x128xf32, #tpu.memory_space<vmem_shared>>)
        tpu.yield
      }) : () -> ()
      %run_scoped3A_47 = arith.constant 13 : i32
      "tpu.region"() ({
        %run_scoped3A_50 = tpu.sem_alloc : memref<!tpu.dma_semaphore, #tpu.memory_space<semaphore_mem>>
        %dma_start3A = arith.constant 0 : i32
        %dma_start3A_51 = tpu.memref_slice %arg6[%run_scoped3A_47, %dma_start3A] : memref<16x128xi32, #tpu.memory_space<vmem>> -> memref<1x128xi32, #tpu.memory_space<vmem>>
        %dma_start3A_52 = tpu.memref_squeeze %dma_start3A_51 : memref<1x128xi32, #tpu.memory_space<vmem>> -> memref<128xi32, #tpu.memory_space<vmem>>
        %dma_start3A_53 = arith.constant 0 : i32
        %dma_start3A_54 = arith.constant 0 : i32
        %dma_start3A_55 = tpu.memref_slice %arg8[%dma_start3A_53, %dma_start3A_54] : memref<10240x128xf32, #tpu.memory_space<vmem_shared>> -> memref<10240x128xf32, #tpu.memory_space<vmem_shared>>
        tpu.enqueue_indirect_dma source(%arg7 : memref<128x128xf32, #tpu.memory_space<vmem>>) target(%dma_start3A_55 : memref<10240x128xf32, #tpu.memory_space<vmem_shared>>) offsets(%dma_start3A_52 : memref<128xi32, #tpu.memory_space<vmem>>) semaphore(%run_scoped3A_50 : memref<!tpu.dma_semaphore, #tpu.memory_space<semaphore_mem>>) {add = true}
        %dma_wait3A = arith.constant 0 : i32
        %dma_wait3A_56 = tpu.memref_slice %arg6[%run_scoped3A_47, %dma_wait3A] : memref<16x128xi32, #tpu.memory_space<vmem>> -> memref<1x128xi32, #tpu.memory_space<vmem>>
        %dma_wait3A_57 = tpu.memref_squeeze %dma_wait3A_56 : memref<1x128xi32, #tpu.memory_space<vmem>> -> memref<128xi32, #tpu.memory_space<vmem>>
        %dma_wait3A_58 = arith.constant 0 : i32
        %dma_wait3A_59 = arith.constant 0 : i32
        %dma_wait3A_60 = tpu.memref_slice %arg8[%dma_wait3A_58, %dma_wait3A_59] : memref<10240x128xf32, #tpu.memory_space<vmem_shared>> -> memref<10240x128xf32, #tpu.memory_space<vmem_shared>>
        tpu.wait_indirect_dma semaphore(%run_scoped3A_50 : memref<!tpu.dma_semaphore, #tpu.memory_space<semaphore_mem>>) src(%arg7 : memref<128x128xf32, #tpu.memory_space<vmem>>) dst(%dma_wait3A_60 : memref<10240x128xf32, #tpu.memory_space<vmem_shared>>)
        tpu.yield
      }) : () -> ()
      %run_scoped3A_48 = arith.constant 14 : i32
      "tpu.region"() ({
        %run_scoped3A_50 = tpu.sem_alloc : memref<!tpu.dma_semaphore, #tpu.memory_space<semaphore_mem>>
        %dma_start3A = arith.constant 0 : i32
        %dma_start3A_51 = tpu.memref_slice %arg6[%run_scoped3A_48, %dma_start3A] : memref<16x128xi32, #tpu.memory_space<vmem>> -> memref<1x128xi32, #tpu.memory_space<vmem>>
        %dma_start3A_52 = tpu.memref_squeeze %dma_start3A_51 : memref<1x128xi32, #tpu.memory_space<vmem>> -> memref<128xi32, #tpu.memory_space<vmem>>
        %dma_start3A_53 = arith.constant 0 : i32
        %dma_start3A_54 = arith.constant 0 : i32
        %dma_start3A_55 = tpu.memref_slice %arg8[%dma_start3A_53, %dma_start3A_54] : memref<10240x128xf32, #tpu.memory_space<vmem_shared>> -> memref<10240x128xf32, #tpu.memory_space<vmem_shared>>
        tpu.enqueue_indirect_dma source(%arg7 : memref<128x128xf32, #tpu.memory_space<vmem>>) target(%dma_start3A_55 : memref<10240x128xf32, #tpu.memory_space<vmem_shared>>) offsets(%dma_start3A_52 : memref<128xi32, #tpu.memory_space<vmem>>) semaphore(%run_scoped3A_50 : memref<!tpu.dma_semaphore, #tpu.memory_space<semaphore_mem>>) {add = true}
        %dma_wait3A = arith.constant 0 : i32
        %dma_wait3A_56 = tpu.memref_slice %arg6[%run_scoped3A_48, %dma_wait3A] : memref<16x128xi32, #tpu.memory_space<vmem>> -> memref<1x128xi32, #tpu.memory_space<vmem>>
        %dma_wait3A_57 = tpu.memref_squeeze %dma_wait3A_56 : memref<1x128xi32, #tpu.memory_space<vmem>> -> memref<128xi32, #tpu.memory_space<vmem>>
        %dma_wait3A_58 = arith.constant 0 : i32
        %dma_wait3A_59 = arith.constant 0 : i32
        %dma_wait3A_60 = tpu.memref_slice %arg8[%dma_wait3A_58, %dma_wait3A_59] : memref<10240x128xf32, #tpu.memory_space<vmem_shared>> -> memref<10240x128xf32, #tpu.memory_space<vmem_shared>>
        tpu.wait_indirect_dma semaphore(%run_scoped3A_50 : memref<!tpu.dma_semaphore, #tpu.memory_space<semaphore_mem>>) src(%arg7 : memref<128x128xf32, #tpu.memory_space<vmem>>) dst(%dma_wait3A_60 : memref<10240x128xf32, #tpu.memory_space<vmem_shared>>)
        tpu.yield
      }) : () -> ()
      %run_scoped3A_49 = arith.constant 15 : i32
      "tpu.region"() ({
        %run_scoped3A_50 = tpu.sem_alloc : memref<!tpu.dma_semaphore, #tpu.memory_space<semaphore_mem>>
        %dma_start3A = arith.constant 0 : i32
        %dma_start3A_51 = tpu.memref_slice %arg6[%run_scoped3A_49, %dma_start3A] : memref<16x128xi32, #tpu.memory_space<vmem>> -> memref<1x128xi32, #tpu.memory_space<vmem>>
        %dma_start3A_52 = tpu.memref_squeeze %dma_start3A_51 : memref<1x128xi32, #tpu.memory_space<vmem>> -> memref<128xi32, #tpu.memory_space<vmem>>
        %dma_start3A_53 = arith.constant 0 : i32
        %dma_start3A_54 = arith.constant 0 : i32
        %dma_start3A_55 = tpu.memref_slice %arg8[%dma_start3A_53, %dma_start3A_54] : memref<10240x128xf32, #tpu.memory_space<vmem_shared>> -> memref<10240x128xf32, #tpu.memory_space<vmem_shared>>
        tpu.enqueue_indirect_dma source(%arg7 : memref<128x128xf32, #tpu.memory_space<vmem>>) target(%dma_start3A_55 : memref<10240x128xf32, #tpu.memory_space<vmem_shared>>) offsets(%dma_start3A_52 : memref<128xi32, #tpu.memory_space<vmem>>) semaphore(%run_scoped3A_50 : memref<!tpu.dma_semaphore, #tpu.memory_space<semaphore_mem>>) {add = true}
        %dma_wait3A = arith.constant 0 : i32
        %dma_wait3A_56 = tpu.memref_slice %arg6[%run_scoped3A_49, %dma_wait3A] : memref<16x128xi32, #tpu.memory_space<vmem>> -> memref<1x128xi32, #tpu.memory_space<vmem>>
        %dma_wait3A_57 = tpu.memref_squeeze %dma_wait3A_56 : memref<1x128xi32, #tpu.memory_space<vmem>> -> memref<128xi32, #tpu.memory_space<vmem>>
        %dma_wait3A_58 = arith.constant 0 : i32
        %dma_wait3A_59 = arith.constant 0 : i32
        %dma_wait3A_60 = tpu.memref_slice %arg8[%dma_wait3A_58, %dma_wait3A_59] : memref<10240x128xf32, #tpu.memory_space<vmem_shared>> -> memref<10240x128xf32, #tpu.memory_space<vmem_shared>>
        tpu.wait_indirect_dma semaphore(%run_scoped3A_50 : memref<!tpu.dma_semaphore, #tpu.memory_space<semaphore_mem>>) src(%arg7 : memref<128x128xf32, #tpu.memory_space<vmem>>) dst(%dma_wait3A_60 : memref<10240x128xf32, #tpu.memory_space<vmem_shared>>)
        tpu.yield
      }) : () -> ()
    }
    %scan3A_25 = arith.constant 5 : i32
    %barrier3A_26 = arith.constant 0 : index
    tpu.barrier barrier_id(%barrier3A_26)
    %mul3A_27 = arith.constant 640 : i32
    %mul3A_28 = arith.muli %arg1, %mul3A_27 : i32
    %mul3A_29 = arith.constant 640 : i32
    %mul3A_30 = arith.muli %arg1, %mul3A_29 : i32
    "tpu.region"() ({
      %run_scoped3A = tpu.sem_alloc : memref<!tpu.dma_semaphore, #tpu.memory_space<semaphore_mem>>
      %dma_start3A = arith.constant 0 : i32
      %dma_start3A_31 = tpu.memref_slice %arg5[%arg0, %mul3A_30, %dma_start3A] : memref<2x10240x128xf32, #tpu.memory_space<hbm>> -> memref<1x640x128xf32, #tpu.memory_space<hbm>>
      %dma_start3A_32 = tpu.memref_squeeze %dma_start3A_31 : memref<1x640x128xf32, #tpu.memory_space<hbm>> -> memref<640x128xf32, #tpu.memory_space<hbm>>
      %dma_start3A_33 = arith.constant 0 : i32
      %dma_start3A_34 = tpu.memref_slice %arg8[%mul3A_28, %dma_start3A_33] : memref<10240x128xf32, #tpu.memory_space<vmem_shared>> -> memref<640x128xf32, #tpu.memory_space<vmem_shared>>
      tpu.enqueue_dma source(%dma_start3A_34 : memref<640x128xf32, #tpu.memory_space<vmem_shared>>) target(%dma_start3A_32 : memref<640x128xf32, #tpu.memory_space<hbm>>) target_semaphore(%run_scoped3A : memref<!tpu.dma_semaphore, #tpu.memory_space<semaphore_mem>>)
      %dma_wait3A = arith.constant 0 : i32
      %dma_wait3A_35 = tpu.memref_slice %arg5[%arg0, %mul3A_30, %dma_wait3A] : memref<2x10240x128xf32, #tpu.memory_space<hbm>> -> memref<1x640x128xf32, #tpu.memory_space<hbm>>
      %dma_wait3A_36 = tpu.memref_squeeze %dma_wait3A_35 : memref<1x640x128xf32, #tpu.memory_space<hbm>> -> memref<640x128xf32, #tpu.memory_space<hbm>>
      %dma_wait3A_37 = arith.constant 0 : i32
      %dma_wait3A_38 = tpu.memref_slice %arg8[%mul3A_28, %dma_wait3A_37] : memref<10240x128xf32, #tpu.memory_space<vmem_shared>> -> memref<640x128xf32, #tpu.memory_space<vmem_shared>>
      tpu.wait_dma2 semaphore(%run_scoped3A : memref<!tpu.dma_semaphore, #tpu.memory_space<semaphore_mem>>) src(%dma_wait3A_38 : memref<640x128xf32, #tpu.memory_space<vmem_shared>>) dst(%dma_wait3A_36 : memref<640x128xf32, #tpu.memory_space<hbm>>)
      tpu.yield
    }) : () -> ()
    return
  }
}

#map = affine_map<(d0, d1) -> (0, 0)>
#map1 = affine_map<(d0, d1) -> (0, 0, 0)>
module attributes {stable_mosaic.version = 14 : i64} {
  func.func @_sc_scatter_body(%arg0: i32, %arg1: i32, %arg2: memref<20000x128xf32, #tpu.memory_space<hbm>>, %arg3: memref<2560x128xi32, #tpu.memory_space<hbm>>, %arg4: memref<2560x128xi32, #tpu.memory_space<hbm>>, %arg5: memref<640x128xf32, #tpu.memory_space<hbm>>, %arg6: memref<2x10240x128xf32, #tpu.memory_space<hbm>>, %arg7: memref<16x128xi32, #tpu.memory_space<vmem>>, %arg8: memref<16x128xi32, #tpu.memory_space<vmem>>, %arg9: memref<128x128xf32, #tpu.memory_space<vmem>>, %arg10: memref<128x128xf32, #tpu.memory_space<vmem>>, %arg11: memref<10240x128xf32, #tpu.memory_space<vmem_shared>>, %arg12: memref<!tpu.dma_semaphore, #tpu.memory_space<semaphore_mem>>, %arg13: memref<!tpu.dma_semaphore, #tpu.memory_space<semaphore_mem>>) attributes {dimension_semantics = [#tpu.dimension_semantics<core_parallel>, #tpu.dimension_semantics<subcore_parallel>], iteration_bounds = array<i64: 2, 16>, scalar_prefetch = 0 : i64, scratch_operands = 7 : i64, tpu.core_type = #tpu.core_type<sc_vector_subcore>, window_params = [{transform_indices = #map}, {transform_indices = #map}, {transform_indices = #map}, {transform_indices = #map}, {transform_indices = #map1}]} {
    %mul3A = arith.constant 640 : i32
    %mul3A_0 = arith.muli %arg1, %mul3A : i32
    "tpu.region"() ({
      %run_scoped3A = tpu.sem_alloc : memref<!tpu.dma_semaphore, #tpu.memory_space<semaphore_mem>>
      %dma_start3A = arith.constant 0 : i32
      %dma_start3A_31 = tpu.memref_slice %arg11[%mul3A_0, %dma_start3A] : memref<10240x128xf32, #tpu.memory_space<vmem_shared>> -> memref<640x128xf32, #tpu.memory_space<vmem_shared>>
      tpu.enqueue_dma source(%arg5 : memref<640x128xf32, #tpu.memory_space<hbm>>) target(%dma_start3A_31 : memref<640x128xf32, #tpu.memory_space<vmem_shared>>) target_semaphore(%run_scoped3A : memref<!tpu.dma_semaphore, #tpu.memory_space<semaphore_mem>>)
      %dma_wait3A = arith.constant 0 : i32
      %dma_wait3A_32 = tpu.memref_slice %arg11[%mul3A_0, %dma_wait3A] : memref<10240x128xf32, #tpu.memory_space<vmem_shared>> -> memref<640x128xf32, #tpu.memory_space<vmem_shared>>
      tpu.wait_dma2 semaphore(%run_scoped3A : memref<!tpu.dma_semaphore, #tpu.memory_space<semaphore_mem>>) src(%arg5 : memref<640x128xf32, #tpu.memory_space<hbm>>) dst(%dma_wait3A_32 : memref<640x128xf32, #tpu.memory_space<vmem_shared>>)
      tpu.yield
    }) : () -> ()
    %barrier3A = arith.constant 0 : index
    tpu.barrier barrier_id(%barrier3A)
    %mul3A_1 = arith.constant 163840 : i32
    %mul3A_2 = arith.muli %arg0, %mul3A_1 : i32
    %mul3A_3 = arith.constant 10240 : i32
    %mul3A_4 = arith.muli %arg1, %mul3A_3 : i32
    %add3A = arith.addi %mul3A_2, %mul3A_4 : i32
    %jit3A = arith.constant 128 : i32
    %div3A = arith.divsi %add3A, %jit3A : i32
    %sign3A = arith.constant 0 : i32
    %sign3A_5 = arith.cmpi sgt, %add3A, %sign3A : i32
    %sign3A_6 = arith.extui %sign3A_5 : i1 to i32
    %sign3A_7 = arith.constant 0 : i32
    %sign3A_8 = arith.cmpi slt, %add3A, %sign3A_7 : i32
    %sign3A_9 = arith.extui %sign3A_8 : i1 to i32
    %sign3A_10 = arith.subi %sign3A_6, %sign3A_9 : i32
    %sign3A_11 = arith.constant 0 : i32
    %sign3A_12 = arith.cmpi sgt, %jit3A, %sign3A_11 : i32
    %sign3A_13 = arith.extui %sign3A_12 : i1 to i32
    %sign3A_14 = arith.constant 0 : i32
    %sign3A_15 = arith.cmpi slt, %jit3A, %sign3A_14 : i32
    %sign3A_16 = arith.extui %sign3A_15 : i1 to i32
    %sign3A_17 = arith.subi %sign3A_13, %sign3A_16 : i32
    %ne3A = arith.cmpi ne, %sign3A_10, %sign3A_17 : i32
    %rem3A = arith.remsi %add3A, %jit3A : i32
    %ne3A_18 = arith.constant 0 : i32
    %ne3A_19 = arith.cmpi ne, %rem3A, %ne3A_18 : i32
    %and3A = arith.andi %ne3A, %ne3A_19 : i1
    %sub3A = arith.constant 1 : i32
    %sub3A_20 = arith.subi %div3A, %sub3A : i32
    %select_n3A = arith.select %and3A, %sub3A_20, %div3A : i32
    %scan3A = arith.constant 0 : i32
    %scan3A_21 = arith.constant 0 : i32
    %scan3A_22 = arith.constant 5 : i32
    %scan3A_23 = arith.addi %scan3A_21, %scan3A_22 : i32
    %scan3A_24 = arith.constant 1 : i32
    scf.for %scan3A_31 = %scan3A_21 to %scan3A_23 step %scan3A_24  : i32 {
      %mul3A_32 = arith.constant 16 : i32
      %mul3A_33 = arith.muli %scan3A_31, %mul3A_32 : i32
      %add3A_34 = arith.addi %select_n3A, %mul3A_33 : i32
      %multiple_of3A = tpu.assume_multiple %add3A_34, 16 : i32
      "tpu.region"() ({
        %run_scoped3A_272 = tpu.sem_alloc : memref<!tpu.dma_semaphore, #tpu.memory_space<semaphore_mem>>
        %dma_start3A_273 = arith.constant 0 : i32
        %dma_start3A_274 = tpu.memref_slice %arg3[%multiple_of3A, %dma_start3A_273] : memref<2560x128xi32, #tpu.memory_space<hbm>> -> memref<16x128xi32, #tpu.memory_space<hbm>>
        %dma_start3A_275 = arith.constant 0 : i32
        %dma_start3A_276 = tpu.memref_slice %arg3[%multiple_of3A, %dma_start3A_275] : memref<2560x128xi32, #tpu.memory_space<hbm>> -> memref<16x128xi32, #tpu.memory_space<hbm>>
        tpu.enqueue_dma source(%dma_start3A_276 : memref<16x128xi32, #tpu.memory_space<hbm>>) target(%arg7 : memref<16x128xi32, #tpu.memory_space<vmem>>) target_semaphore(%run_scoped3A_272 : memref<!tpu.dma_semaphore, #tpu.memory_space<semaphore_mem>>)
        %dma_wait3A_277 = arith.constant 0 : i32
        %dma_wait3A_278 = tpu.memref_slice %arg3[%multiple_of3A, %dma_wait3A_277] : memref<2560x128xi32, #tpu.memory_space<hbm>> -> memref<16x128xi32, #tpu.memory_space<hbm>>
        %dma_wait3A_279 = arith.constant 0 : i32
        %dma_wait3A_280 = tpu.memref_slice %arg3[%multiple_of3A, %dma_wait3A_279] : memref<2560x128xi32, #tpu.memory_space<hbm>> -> memref<16x128xi32, #tpu.memory_space<hbm>>
        tpu.wait_dma2 semaphore(%run_scoped3A_272 : memref<!tpu.dma_semaphore, #tpu.memory_space<semaphore_mem>>) src(%dma_wait3A_280 : memref<16x128xi32, #tpu.memory_space<hbm>>) dst(%arg7 : memref<16x128xi32, #tpu.memory_space<vmem>>)
        tpu.yield
      }) : () -> ()
      "tpu.region"() ({
        %run_scoped3A_272 = tpu.sem_alloc : memref<!tpu.dma_semaphore, #tpu.memory_space<semaphore_mem>>
        %dma_start3A_273 = arith.constant 0 : i32
        %dma_start3A_274 = tpu.memref_slice %arg4[%multiple_of3A, %dma_start3A_273] : memref<2560x128xi32, #tpu.memory_space<hbm>> -> memref<16x128xi32, #tpu.memory_space<hbm>>
        %dma_start3A_275 = arith.constant 0 : i32
        %dma_start3A_276 = tpu.memref_slice %arg4[%multiple_of3A, %dma_start3A_275] : memref<2560x128xi32, #tpu.memory_space<hbm>> -> memref<16x128xi32, #tpu.memory_space<hbm>>
        tpu.enqueue_dma source(%dma_start3A_276 : memref<16x128xi32, #tpu.memory_space<hbm>>) target(%arg8 : memref<16x128xi32, #tpu.memory_space<vmem>>) target_semaphore(%run_scoped3A_272 : memref<!tpu.dma_semaphore, #tpu.memory_space<semaphore_mem>>)
        %dma_wait3A_277 = arith.constant 0 : i32
        %dma_wait3A_278 = tpu.memref_slice %arg4[%multiple_of3A, %dma_wait3A_277] : memref<2560x128xi32, #tpu.memory_space<hbm>> -> memref<16x128xi32, #tpu.memory_space<hbm>>
        %dma_wait3A_279 = arith.constant 0 : i32
        %dma_wait3A_280 = tpu.memref_slice %arg4[%multiple_of3A, %dma_wait3A_279] : memref<2560x128xi32, #tpu.memory_space<hbm>> -> memref<16x128xi32, #tpu.memory_space<hbm>>
        tpu.wait_dma2 semaphore(%run_scoped3A_272 : memref<!tpu.dma_semaphore, #tpu.memory_space<semaphore_mem>>) src(%dma_wait3A_280 : memref<16x128xi32, #tpu.memory_space<hbm>>) dst(%arg8 : memref<16x128xi32, #tpu.memory_space<vmem>>)
        tpu.yield
      }) : () -> ()
      %dma_start3A = arith.constant 0 : i32
      %dma_start3A_35 = arith.constant 0 : i32
      %dma_start3A_36 = tpu.memref_slice %arg7[%dma_start3A, %dma_start3A_35] : memref<16x128xi32, #tpu.memory_space<vmem>> -> memref<1x128xi32, #tpu.memory_space<vmem>>
      %dma_start3A_37 = tpu.memref_squeeze %dma_start3A_36 : memref<1x128xi32, #tpu.memory_space<vmem>> -> memref<128xi32, #tpu.memory_space<vmem>>
      %dma_start3A_38 = arith.constant 0 : i32
      %dma_start3A_39 = arith.constant 0 : i32
      %dma_start3A_40 = tpu.memref_slice %arg2[%dma_start3A_38, %dma_start3A_39] : memref<20000x128xf32, #tpu.memory_space<hbm>> -> memref<20000x128xf32, #tpu.memory_space<hbm>>
      tpu.enqueue_indirect_dma source(%dma_start3A_40 : memref<20000x128xf32, #tpu.memory_space<hbm>>) target(%arg9 : memref<128x128xf32, #tpu.memory_space<vmem>>) offsets(%dma_start3A_37 : memref<128xi32, #tpu.memory_space<vmem>>) semaphore(%arg12 : memref<!tpu.dma_semaphore, #tpu.memory_space<semaphore_mem>>)
      %dma_start3A_41 = arith.constant 1 : i32
      %dma_start3A_42 = arith.constant 0 : i32
      %dma_start3A_43 = tpu.memref_slice %arg7[%dma_start3A_41, %dma_start3A_42] : memref<16x128xi32, #tpu.memory_space<vmem>> -> memref<1x128xi32, #tpu.memory_space<vmem>>
      %dma_start3A_44 = tpu.memref_squeeze %dma_start3A_43 : memref<1x128xi32, #tpu.memory_space<vmem>> -> memref<128xi32, #tpu.memory_space<vmem>>
      %dma_start3A_45 = arith.constant 0 : i32
      %dma_start3A_46 = arith.constant 0 : i32
      %dma_start3A_47 = tpu.memref_slice %arg2[%dma_start3A_45, %dma_start3A_46] : memref<20000x128xf32, #tpu.memory_space<hbm>> -> memref<20000x128xf32, #tpu.memory_space<hbm>>
      tpu.enqueue_indirect_dma source(%dma_start3A_47 : memref<20000x128xf32, #tpu.memory_space<hbm>>) target(%arg10 : memref<128x128xf32, #tpu.memory_space<vmem>>) offsets(%dma_start3A_44 : memref<128xi32, #tpu.memory_space<vmem>>) semaphore(%arg13 : memref<!tpu.dma_semaphore, #tpu.memory_space<semaphore_mem>>)
      %dma_wait3A = arith.constant 0 : i32
      %dma_wait3A_48 = arith.constant 0 : i32
      %dma_wait3A_49 = tpu.memref_slice %arg7[%dma_wait3A, %dma_wait3A_48] : memref<16x128xi32, #tpu.memory_space<vmem>> -> memref<1x128xi32, #tpu.memory_space<vmem>>
      %dma_wait3A_50 = tpu.memref_squeeze %dma_wait3A_49 : memref<1x128xi32, #tpu.memory_space<vmem>> -> memref<128xi32, #tpu.memory_space<vmem>>
      %dma_wait3A_51 = arith.constant 0 : i32
      %dma_wait3A_52 = arith.constant 0 : i32
      %dma_wait3A_53 = tpu.memref_slice %arg2[%dma_wait3A_51, %dma_wait3A_52] : memref<20000x128xf32, #tpu.memory_space<hbm>> -> memref<20000x128xf32, #tpu.memory_space<hbm>>
      tpu.wait_indirect_dma semaphore(%arg12 : memref<!tpu.dma_semaphore, #tpu.memory_space<semaphore_mem>>) src(%dma_wait3A_53 : memref<20000x128xf32, #tpu.memory_space<hbm>>) dst(%arg9 : memref<128x128xf32, #tpu.memory_space<vmem>>)
      %run_scoped3A = arith.constant 0 : i32
      "tpu.region"() ({
        %run_scoped3A_272 = tpu.sem_alloc : memref<!tpu.dma_semaphore, #tpu.memory_space<semaphore_mem>>
        %dma_start3A_273 = arith.constant 0 : i32
        %dma_start3A_274 = tpu.memref_slice %arg8[%run_scoped3A, %dma_start3A_273] : memref<16x128xi32, #tpu.memory_space<vmem>> -> memref<1x128xi32, #tpu.memory_space<vmem>>
        %dma_start3A_275 = tpu.memref_squeeze %dma_start3A_274 : memref<1x128xi32, #tpu.memory_space<vmem>> -> memref<128xi32, #tpu.memory_space<vmem>>
        %dma_start3A_276 = arith.constant 0 : i32
        %dma_start3A_277 = arith.constant 0 : i32
        %dma_start3A_278 = tpu.memref_slice %arg11[%dma_start3A_276, %dma_start3A_277] : memref<10240x128xf32, #tpu.memory_space<vmem_shared>> -> memref<10240x128xf32, #tpu.memory_space<vmem_shared>>
        tpu.enqueue_indirect_dma source(%arg9 : memref<128x128xf32, #tpu.memory_space<vmem>>) target(%dma_start3A_278 : memref<10240x128xf32, #tpu.memory_space<vmem_shared>>) offsets(%dma_start3A_275 : memref<128xi32, #tpu.memory_space<vmem>>) semaphore(%run_scoped3A_272 : memref<!tpu.dma_semaphore, #tpu.memory_space<semaphore_mem>>) {add = true}
        %dma_wait3A_279 = arith.constant 0 : i32
        %dma_wait3A_280 = tpu.memref_slice %arg8[%run_scoped3A, %dma_wait3A_279] : memref<16x128xi32, #tpu.memory_space<vmem>> -> memref<1x128xi32, #tpu.memory_space<vmem>>
        %dma_wait3A_281 = tpu.memref_squeeze %dma_wait3A_280 : memref<1x128xi32, #tpu.memory_space<vmem>> -> memref<128xi32, #tpu.memory_space<vmem>>
        %dma_wait3A_282 = arith.constant 0 : i32
        %dma_wait3A_283 = arith.constant 0 : i32
        %dma_wait3A_284 = tpu.memref_slice %arg11[%dma_wait3A_282, %dma_wait3A_283] : memref<10240x128xf32, #tpu.memory_space<vmem_shared>> -> memref<10240x128xf32, #tpu.memory_space<vmem_shared>>
        tpu.wait_indirect_dma semaphore(%run_scoped3A_272 : memref<!tpu.dma_semaphore, #tpu.memory_space<semaphore_mem>>) src(%arg9 : memref<128x128xf32, #tpu.memory_space<vmem>>) dst(%dma_wait3A_284 : memref<10240x128xf32, #tpu.memory_space<vmem_shared>>)
        tpu.yield
      }) : () -> ()
      %dma_start3A_54 = arith.constant 2 : i32
      %dma_start3A_55 = arith.constant 0 : i32
      %dma_start3A_56 = tpu.memref_slice %arg7[%dma_start3A_54, %dma_start3A_55] : memref<16x128xi32, #tpu.memory_space<vmem>> -> memref<1x128xi32, #tpu.memory_space<vmem>>
      %dma_start3A_57 = tpu.memref_squeeze %dma_start3A_56 : memref<1x128xi32, #tpu.memory_space<vmem>> -> memref<128xi32, #tpu.memory_space<vmem>>
      %dma_start3A_58 = arith.constant 0 : i32
      %dma_start3A_59 = arith.constant 0 : i32
      %dma_start3A_60 = tpu.memref_slice %arg2[%dma_start3A_58, %dma_start3A_59] : memref<20000x128xf32, #tpu.memory_space<hbm>> -> memref<20000x128xf32, #tpu.memory_space<hbm>>
      tpu.enqueue_indirect_dma source(%dma_start3A_60 : memref<20000x128xf32, #tpu.memory_space<hbm>>) target(%arg9 : memref<128x128xf32, #tpu.memory_space<vmem>>) offsets(%dma_start3A_57 : memref<128xi32, #tpu.memory_space<vmem>>) semaphore(%arg12 : memref<!tpu.dma_semaphore, #tpu.memory_space<semaphore_mem>>)
      %dma_wait3A_61 = arith.constant 1 : i32
      %dma_wait3A_62 = arith.constant 0 : i32
      %dma_wait3A_63 = tpu.memref_slice %arg7[%dma_wait3A_61, %dma_wait3A_62] : memref<16x128xi32, #tpu.memory_space<vmem>> -> memref<1x128xi32, #tpu.memory_space<vmem>>
      %dma_wait3A_64 = tpu.memref_squeeze %dma_wait3A_63 : memref<1x128xi32, #tpu.memory_space<vmem>> -> memref<128xi32, #tpu.memory_space<vmem>>
      %dma_wait3A_65 = arith.constant 0 : i32
      %dma_wait3A_66 = arith.constant 0 : i32
      %dma_wait3A_67 = tpu.memref_slice %arg2[%dma_wait3A_65, %dma_wait3A_66] : memref<20000x128xf32, #tpu.memory_space<hbm>> -> memref<20000x128xf32, #tpu.memory_space<hbm>>
      tpu.wait_indirect_dma semaphore(%arg13 : memref<!tpu.dma_semaphore, #tpu.memory_space<semaphore_mem>>) src(%dma_wait3A_67 : memref<20000x128xf32, #tpu.memory_space<hbm>>) dst(%arg10 : memref<128x128xf32, #tpu.memory_space<vmem>>)
      %run_scoped3A_68 = arith.constant 1 : i32
      "tpu.region"() ({
        %run_scoped3A_272 = tpu.sem_alloc : memref<!tpu.dma_semaphore, #tpu.memory_space<semaphore_mem>>
        %dma_start3A_273 = arith.constant 0 : i32
        %dma_start3A_274 = tpu.memref_slice %arg8[%run_scoped3A_68, %dma_start3A_273] : memref<16x128xi32, #tpu.memory_space<vmem>> -> memref<1x128xi32, #tpu.memory_space<vmem>>
        %dma_start3A_275 = tpu.memref_squeeze %dma_start3A_274 : memref<1x128xi32, #tpu.memory_space<vmem>> -> memref<128xi32, #tpu.memory_space<vmem>>
        %dma_start3A_276 = arith.constant 0 : i32
        %dma_start3A_277 = arith.constant 0 : i32
        %dma_start3A_278 = tpu.memref_slice %arg11[%dma_start3A_276, %dma_start3A_277] : memref<10240x128xf32, #tpu.memory_space<vmem_shared>> -> memref<10240x128xf32, #tpu.memory_space<vmem_shared>>
        tpu.enqueue_indirect_dma source(%arg10 : memref<128x128xf32, #tpu.memory_space<vmem>>) target(%dma_start3A_278 : memref<10240x128xf32, #tpu.memory_space<vmem_shared>>) offsets(%dma_start3A_275 : memref<128xi32, #tpu.memory_space<vmem>>) semaphore(%run_scoped3A_272 : memref<!tpu.dma_semaphore, #tpu.memory_space<semaphore_mem>>) {add = true}
        %dma_wait3A_279 = arith.constant 0 : i32
        %dma_wait3A_280 = tpu.memref_slice %arg8[%run_scoped3A_68, %dma_wait3A_279] : memref<16x128xi32, #tpu.memory_space<vmem>> -> memref<1x128xi32, #tpu.memory_space<vmem>>
        %dma_wait3A_281 = tpu.memref_squeeze %dma_wait3A_280 : memref<1x128xi32, #tpu.memory_space<vmem>> -> memref<128xi32, #tpu.memory_space<vmem>>
        %dma_wait3A_282 = arith.constant 0 : i32
        %dma_wait3A_283 = arith.constant 0 : i32
        %dma_wait3A_284 = tpu.memref_slice %arg11[%dma_wait3A_282, %dma_wait3A_283] : memref<10240x128xf32, #tpu.memory_space<vmem_shared>> -> memref<10240x128xf32, #tpu.memory_space<vmem_shared>>
        tpu.wait_indirect_dma semaphore(%run_scoped3A_272 : memref<!tpu.dma_semaphore, #tpu.memory_space<semaphore_mem>>) src(%arg10 : memref<128x128xf32, #tpu.memory_space<vmem>>) dst(%dma_wait3A_284 : memref<10240x128xf32, #tpu.memory_space<vmem_shared>>)
        tpu.yield
      }) : () -> ()
      %dma_start3A_69 = arith.constant 3 : i32
      %dma_start3A_70 = arith.constant 0 : i32
      %dma_start3A_71 = tpu.memref_slice %arg7[%dma_start3A_69, %dma_start3A_70] : memref<16x128xi32, #tpu.memory_space<vmem>> -> memref<1x128xi32, #tpu.memory_space<vmem>>
      %dma_start3A_72 = tpu.memref_squeeze %dma_start3A_71 : memref<1x128xi32, #tpu.memory_space<vmem>> -> memref<128xi32, #tpu.memory_space<vmem>>
      %dma_start3A_73 = arith.constant 0 : i32
      %dma_start3A_74 = arith.constant 0 : i32
      %dma_start3A_75 = tpu.memref_slice %arg2[%dma_start3A_73, %dma_start3A_74] : memref<20000x128xf32, #tpu.memory_space<hbm>> -> memref<20000x128xf32, #tpu.memory_space<hbm>>
      tpu.enqueue_indirect_dma source(%dma_start3A_75 : memref<20000x128xf32, #tpu.memory_space<hbm>>) target(%arg10 : memref<128x128xf32, #tpu.memory_space<vmem>>) offsets(%dma_start3A_72 : memref<128xi32, #tpu.memory_space<vmem>>) semaphore(%arg13 : memref<!tpu.dma_semaphore, #tpu.memory_space<semaphore_mem>>)
      %dma_wait3A_76 = arith.constant 2 : i32
      %dma_wait3A_77 = arith.constant 0 : i32
      %dma_wait3A_78 = tpu.memref_slice %arg7[%dma_wait3A_76, %dma_wait3A_77] : memref<16x128xi32, #tpu.memory_space<vmem>> -> memref<1x128xi32, #tpu.memory_space<vmem>>
      %dma_wait3A_79 = tpu.memref_squeeze %dma_wait3A_78 : memref<1x128xi32, #tpu.memory_space<vmem>> -> memref<128xi32, #tpu.memory_space<vmem>>
      %dma_wait3A_80 = arith.constant 0 : i32
      %dma_wait3A_81 = arith.constant 0 : i32
      %dma_wait3A_82 = tpu.memref_slice %arg2[%dma_wait3A_80, %dma_wait3A_81] : memref<20000x128xf32, #tpu.memory_space<hbm>> -> memref<20000x128xf32, #tpu.memory_space<hbm>>
      tpu.wait_indirect_dma semaphore(%arg12 : memref<!tpu.dma_semaphore, #tpu.memory_space<semaphore_mem>>) src(%dma_wait3A_82 : memref<20000x128xf32, #tpu.memory_space<hbm>>) dst(%arg9 : memref<128x128xf32, #tpu.memory_space<vmem>>)
      %run_scoped3A_83 = arith.constant 2 : i32
      "tpu.region"() ({
        %run_scoped3A_272 = tpu.sem_alloc : memref<!tpu.dma_semaphore, #tpu.memory_space<semaphore_mem>>
        %dma_start3A_273 = arith.constant 0 : i32
        %dma_start3A_274 = tpu.memref_slice %arg8[%run_scoped3A_83, %dma_start3A_273] : memref<16x128xi32, #tpu.memory_space<vmem>> -> memref<1x128xi32, #tpu.memory_space<vmem>>
        %dma_start3A_275 = tpu.memref_squeeze %dma_start3A_274 : memref<1x128xi32, #tpu.memory_space<vmem>> -> memref<128xi32, #tpu.memory_space<vmem>>
        %dma_start3A_276 = arith.constant 0 : i32
        %dma_start3A_277 = arith.constant 0 : i32
        %dma_start3A_278 = tpu.memref_slice %arg11[%dma_start3A_276, %dma_start3A_277] : memref<10240x128xf32, #tpu.memory_space<vmem_shared>> -> memref<10240x128xf32, #tpu.memory_space<vmem_shared>>
        tpu.enqueue_indirect_dma source(%arg9 : memref<128x128xf32, #tpu.memory_space<vmem>>) target(%dma_start3A_278 : memref<10240x128xf32, #tpu.memory_space<vmem_shared>>) offsets(%dma_start3A_275 : memref<128xi32, #tpu.memory_space<vmem>>) semaphore(%run_scoped3A_272 : memref<!tpu.dma_semaphore, #tpu.memory_space<semaphore_mem>>) {add = true}
        %dma_wait3A_279 = arith.constant 0 : i32
        %dma_wait3A_280 = tpu.memref_slice %arg8[%run_scoped3A_83, %dma_wait3A_279] : memref<16x128xi32, #tpu.memory_space<vmem>> -> memref<1x128xi32, #tpu.memory_space<vmem>>
        %dma_wait3A_281 = tpu.memref_squeeze %dma_wait3A_280 : memref<1x128xi32, #tpu.memory_space<vmem>> -> memref<128xi32, #tpu.memory_space<vmem>>
        %dma_wait3A_282 = arith.constant 0 : i32
        %dma_wait3A_283 = arith.constant 0 : i32
        %dma_wait3A_284 = tpu.memref_slice %arg11[%dma_wait3A_282, %dma_wait3A_283] : memref<10240x128xf32, #tpu.memory_space<vmem_shared>> -> memref<10240x128xf32, #tpu.memory_space<vmem_shared>>
        tpu.wait_indirect_dma semaphore(%run_scoped3A_272 : memref<!tpu.dma_semaphore, #tpu.memory_space<semaphore_mem>>) src(%arg9 : memref<128x128xf32, #tpu.memory_space<vmem>>) dst(%dma_wait3A_284 : memref<10240x128xf32, #tpu.memory_space<vmem_shared>>)
        tpu.yield
      }) : () -> ()
      %dma_start3A_84 = arith.constant 4 : i32
      %dma_start3A_85 = arith.constant 0 : i32
      %dma_start3A_86 = tpu.memref_slice %arg7[%dma_start3A_84, %dma_start3A_85] : memref<16x128xi32, #tpu.memory_space<vmem>> -> memref<1x128xi32, #tpu.memory_space<vmem>>
      %dma_start3A_87 = tpu.memref_squeeze %dma_start3A_86 : memref<1x128xi32, #tpu.memory_space<vmem>> -> memref<128xi32, #tpu.memory_space<vmem>>
      %dma_start3A_88 = arith.constant 0 : i32
      %dma_start3A_89 = arith.constant 0 : i32
      %dma_start3A_90 = tpu.memref_slice %arg2[%dma_start3A_88, %dma_start3A_89] : memref<20000x128xf32, #tpu.memory_space<hbm>> -> memref<20000x128xf32, #tpu.memory_space<hbm>>
      tpu.enqueue_indirect_dma source(%dma_start3A_90 : memref<20000x128xf32, #tpu.memory_space<hbm>>) target(%arg9 : memref<128x128xf32, #tpu.memory_space<vmem>>) offsets(%dma_start3A_87 : memref<128xi32, #tpu.memory_space<vmem>>) semaphore(%arg12 : memref<!tpu.dma_semaphore, #tpu.memory_space<semaphore_mem>>)
      %dma_wait3A_91 = arith.constant 3 : i32
      %dma_wait3A_92 = arith.constant 0 : i32
      %dma_wait3A_93 = tpu.memref_slice %arg7[%dma_wait3A_91, %dma_wait3A_92] : memref<16x128xi32, #tpu.memory_space<vmem>> -> memref<1x128xi32, #tpu.memory_space<vmem>>
      %dma_wait3A_94 = tpu.memref_squeeze %dma_wait3A_93 : memref<1x128xi32, #tpu.memory_space<vmem>> -> memref<128xi32, #tpu.memory_space<vmem>>
      %dma_wait3A_95 = arith.constant 0 : i32
      %dma_wait3A_96 = arith.constant 0 : i32
      %dma_wait3A_97 = tpu.memref_slice %arg2[%dma_wait3A_95, %dma_wait3A_96] : memref<20000x128xf32, #tpu.memory_space<hbm>> -> memref<20000x128xf32, #tpu.memory_space<hbm>>
      tpu.wait_indirect_dma semaphore(%arg13 : memref<!tpu.dma_semaphore, #tpu.memory_space<semaphore_mem>>) src(%dma_wait3A_97 : memref<20000x128xf32, #tpu.memory_space<hbm>>) dst(%arg10 : memref<128x128xf32, #tpu.memory_space<vmem>>)
      %run_scoped3A_98 = arith.constant 3 : i32
      "tpu.region"() ({
        %run_scoped3A_272 = tpu.sem_alloc : memref<!tpu.dma_semaphore, #tpu.memory_space<semaphore_mem>>
        %dma_start3A_273 = arith.constant 0 : i32
        %dma_start3A_274 = tpu.memref_slice %arg8[%run_scoped3A_98, %dma_start3A_273] : memref<16x128xi32, #tpu.memory_space<vmem>> -> memref<1x128xi32, #tpu.memory_space<vmem>>
        %dma_start3A_275 = tpu.memref_squeeze %dma_start3A_274 : memref<1x128xi32, #tpu.memory_space<vmem>> -> memref<128xi32, #tpu.memory_space<vmem>>
        %dma_start3A_276 = arith.constant 0 : i32
        %dma_start3A_277 = arith.constant 0 : i32
        %dma_start3A_278 = tpu.memref_slice %arg11[%dma_start3A_276, %dma_start3A_277] : memref<10240x128xf32, #tpu.memory_space<vmem_shared>> -> memref<10240x128xf32, #tpu.memory_space<vmem_shared>>
        tpu.enqueue_indirect_dma source(%arg10 : memref<128x128xf32, #tpu.memory_space<vmem>>) target(%dma_start3A_278 : memref<10240x128xf32, #tpu.memory_space<vmem_shared>>) offsets(%dma_start3A_275 : memref<128xi32, #tpu.memory_space<vmem>>) semaphore(%run_scoped3A_272 : memref<!tpu.dma_semaphore, #tpu.memory_space<semaphore_mem>>) {add = true}
        %dma_wait3A_279 = arith.constant 0 : i32
        %dma_wait3A_280 = tpu.memref_slice %arg8[%run_scoped3A_98, %dma_wait3A_279] : memref<16x128xi32, #tpu.memory_space<vmem>> -> memref<1x128xi32, #tpu.memory_space<vmem>>
        %dma_wait3A_281 = tpu.memref_squeeze %dma_wait3A_280 : memref<1x128xi32, #tpu.memory_space<vmem>> -> memref<128xi32, #tpu.memory_space<vmem>>
        %dma_wait3A_282 = arith.constant 0 : i32
        %dma_wait3A_283 = arith.constant 0 : i32
        %dma_wait3A_284 = tpu.memref_slice %arg11[%dma_wait3A_282, %dma_wait3A_283] : memref<10240x128xf32, #tpu.memory_space<vmem_shared>> -> memref<10240x128xf32, #tpu.memory_space<vmem_shared>>
        tpu.wait_indirect_dma semaphore(%run_scoped3A_272 : memref<!tpu.dma_semaphore, #tpu.memory_space<semaphore_mem>>) src(%arg10 : memref<128x128xf32, #tpu.memory_space<vmem>>) dst(%dma_wait3A_284 : memref<10240x128xf32, #tpu.memory_space<vmem_shared>>)
        tpu.yield
      }) : () -> ()
      %dma_start3A_99 = arith.constant 5 : i32
      %dma_start3A_100 = arith.constant 0 : i32
      %dma_start3A_101 = tpu.memref_slice %arg7[%dma_start3A_99, %dma_start3A_100] : memref<16x128xi32, #tpu.memory_space<vmem>> -> memref<1x128xi32, #tpu.memory_space<vmem>>
      %dma_start3A_102 = tpu.memref_squeeze %dma_start3A_101 : memref<1x128xi32, #tpu.memory_space<vmem>> -> memref<128xi32, #tpu.memory_space<vmem>>
      %dma_start3A_103 = arith.constant 0 : i32
      %dma_start3A_104 = arith.constant 0 : i32
      %dma_start3A_105 = tpu.memref_slice %arg2[%dma_start3A_103, %dma_start3A_104] : memref<20000x128xf32, #tpu.memory_space<hbm>> -> memref<20000x128xf32, #tpu.memory_space<hbm>>
      tpu.enqueue_indirect_dma source(%dma_start3A_105 : memref<20000x128xf32, #tpu.memory_space<hbm>>) target(%arg10 : memref<128x128xf32, #tpu.memory_space<vmem>>) offsets(%dma_start3A_102 : memref<128xi32, #tpu.memory_space<vmem>>) semaphore(%arg13 : memref<!tpu.dma_semaphore, #tpu.memory_space<semaphore_mem>>)
      %dma_wait3A_106 = arith.constant 4 : i32
      %dma_wait3A_107 = arith.constant 0 : i32
      %dma_wait3A_108 = tpu.memref_slice %arg7[%dma_wait3A_106, %dma_wait3A_107] : memref<16x128xi32, #tpu.memory_space<vmem>> -> memref<1x128xi32, #tpu.memory_space<vmem>>
      %dma_wait3A_109 = tpu.memref_squeeze %dma_wait3A_108 : memref<1x128xi32, #tpu.memory_space<vmem>> -> memref<128xi32, #tpu.memory_space<vmem>>
      %dma_wait3A_110 = arith.constant 0 : i32
      %dma_wait3A_111 = arith.constant 0 : i32
      %dma_wait3A_112 = tpu.memref_slice %arg2[%dma_wait3A_110, %dma_wait3A_111] : memref<20000x128xf32, #tpu.memory_space<hbm>> -> memref<20000x128xf32, #tpu.memory_space<hbm>>
      tpu.wait_indirect_dma semaphore(%arg12 : memref<!tpu.dma_semaphore, #tpu.memory_space<semaphore_mem>>) src(%dma_wait3A_112 : memref<20000x128xf32, #tpu.memory_space<hbm>>) dst(%arg9 : memref<128x128xf32, #tpu.memory_space<vmem>>)
      %run_scoped3A_113 = arith.constant 4 : i32
      "tpu.region"() ({
        %run_scoped3A_272 = tpu.sem_alloc : memref<!tpu.dma_semaphore, #tpu.memory_space<semaphore_mem>>
        %dma_start3A_273 = arith.constant 0 : i32
        %dma_start3A_274 = tpu.memref_slice %arg8[%run_scoped3A_113, %dma_start3A_273] : memref<16x128xi32, #tpu.memory_space<vmem>> -> memref<1x128xi32, #tpu.memory_space<vmem>>
        %dma_start3A_275 = tpu.memref_squeeze %dma_start3A_274 : memref<1x128xi32, #tpu.memory_space<vmem>> -> memref<128xi32, #tpu.memory_space<vmem>>
        %dma_start3A_276 = arith.constant 0 : i32
        %dma_start3A_277 = arith.constant 0 : i32
        %dma_start3A_278 = tpu.memref_slice %arg11[%dma_start3A_276, %dma_start3A_277] : memref<10240x128xf32, #tpu.memory_space<vmem_shared>> -> memref<10240x128xf32, #tpu.memory_space<vmem_shared>>
        tpu.enqueue_indirect_dma source(%arg9 : memref<128x128xf32, #tpu.memory_space<vmem>>) target(%dma_start3A_278 : memref<10240x128xf32, #tpu.memory_space<vmem_shared>>) offsets(%dma_start3A_275 : memref<128xi32, #tpu.memory_space<vmem>>) semaphore(%run_scoped3A_272 : memref<!tpu.dma_semaphore, #tpu.memory_space<semaphore_mem>>) {add = true}
        %dma_wait3A_279 = arith.constant 0 : i32
        %dma_wait3A_280 = tpu.memref_slice %arg8[%run_scoped3A_113, %dma_wait3A_279] : memref<16x128xi32, #tpu.memory_space<vmem>> -> memref<1x128xi32, #tpu.memory_space<vmem>>
        %dma_wait3A_281 = tpu.memref_squeeze %dma_wait3A_280 : memref<1x128xi32, #tpu.memory_space<vmem>> -> memref<128xi32, #tpu.memory_space<vmem>>
        %dma_wait3A_282 = arith.constant 0 : i32
        %dma_wait3A_283 = arith.constant 0 : i32
        %dma_wait3A_284 = tpu.memref_slice %arg11[%dma_wait3A_282, %dma_wait3A_283] : memref<10240x128xf32, #tpu.memory_space<vmem_shared>> -> memref<10240x128xf32, #tpu.memory_space<vmem_shared>>
        tpu.wait_indirect_dma semaphore(%run_scoped3A_272 : memref<!tpu.dma_semaphore, #tpu.memory_space<semaphore_mem>>) src(%arg9 : memref<128x128xf32, #tpu.memory_space<vmem>>) dst(%dma_wait3A_284 : memref<10240x128xf32, #tpu.memory_space<vmem_shared>>)
        tpu.yield
      }) : () -> ()
      %dma_start3A_114 = arith.constant 6 : i32
      %dma_start3A_115 = arith.constant 0 : i32
      %dma_start3A_116 = tpu.memref_slice %arg7[%dma_start3A_114, %dma_start3A_115] : memref<16x128xi32, #tpu.memory_space<vmem>> -> memref<1x128xi32, #tpu.memory_space<vmem>>
      %dma_start3A_117 = tpu.memref_squeeze %dma_start3A_116 : memref<1x128xi32, #tpu.memory_space<vmem>> -> memref<128xi32, #tpu.memory_space<vmem>>
      %dma_start3A_118 = arith.constant 0 : i32
      %dma_start3A_119 = arith.constant 0 : i32
      %dma_start3A_120 = tpu.memref_slice %arg2[%dma_start3A_118, %dma_start3A_119] : memref<20000x128xf32, #tpu.memory_space<hbm>> -> memref<20000x128xf32, #tpu.memory_space<hbm>>
      tpu.enqueue_indirect_dma source(%dma_start3A_120 : memref<20000x128xf32, #tpu.memory_space<hbm>>) target(%arg9 : memref<128x128xf32, #tpu.memory_space<vmem>>) offsets(%dma_start3A_117 : memref<128xi32, #tpu.memory_space<vmem>>) semaphore(%arg12 : memref<!tpu.dma_semaphore, #tpu.memory_space<semaphore_mem>>)
      %dma_wait3A_121 = arith.constant 5 : i32
      %dma_wait3A_122 = arith.constant 0 : i32
      %dma_wait3A_123 = tpu.memref_slice %arg7[%dma_wait3A_121, %dma_wait3A_122] : memref<16x128xi32, #tpu.memory_space<vmem>> -> memref<1x128xi32, #tpu.memory_space<vmem>>
      %dma_wait3A_124 = tpu.memref_squeeze %dma_wait3A_123 : memref<1x128xi32, #tpu.memory_space<vmem>> -> memref<128xi32, #tpu.memory_space<vmem>>
      %dma_wait3A_125 = arith.constant 0 : i32
      %dma_wait3A_126 = arith.constant 0 : i32
      %dma_wait3A_127 = tpu.memref_slice %arg2[%dma_wait3A_125, %dma_wait3A_126] : memref<20000x128xf32, #tpu.memory_space<hbm>> -> memref<20000x128xf32, #tpu.memory_space<hbm>>
      tpu.wait_indirect_dma semaphore(%arg13 : memref<!tpu.dma_semaphore, #tpu.memory_space<semaphore_mem>>) src(%dma_wait3A_127 : memref<20000x128xf32, #tpu.memory_space<hbm>>) dst(%arg10 : memref<128x128xf32, #tpu.memory_space<vmem>>)
      %run_scoped3A_128 = arith.constant 5 : i32
      "tpu.region"() ({
        %run_scoped3A_272 = tpu.sem_alloc : memref<!tpu.dma_semaphore, #tpu.memory_space<semaphore_mem>>
        %dma_start3A_273 = arith.constant 0 : i32
        %dma_start3A_274 = tpu.memref_slice %arg8[%run_scoped3A_128, %dma_start3A_273] : memref<16x128xi32, #tpu.memory_space<vmem>> -> memref<1x128xi32, #tpu.memory_space<vmem>>
        %dma_start3A_275 = tpu.memref_squeeze %dma_start3A_274 : memref<1x128xi32, #tpu.memory_space<vmem>> -> memref<128xi32, #tpu.memory_space<vmem>>
        %dma_start3A_276 = arith.constant 0 : i32
        %dma_start3A_277 = arith.constant 0 : i32
        %dma_start3A_278 = tpu.memref_slice %arg11[%dma_start3A_276, %dma_start3A_277] : memref<10240x128xf32, #tpu.memory_space<vmem_shared>> -> memref<10240x128xf32, #tpu.memory_space<vmem_shared>>
        tpu.enqueue_indirect_dma source(%arg10 : memref<128x128xf32, #tpu.memory_space<vmem>>) target(%dma_start3A_278 : memref<10240x128xf32, #tpu.memory_space<vmem_shared>>) offsets(%dma_start3A_275 : memref<128xi32, #tpu.memory_space<vmem>>) semaphore(%run_scoped3A_272 : memref<!tpu.dma_semaphore, #tpu.memory_space<semaphore_mem>>) {add = true}
        %dma_wait3A_279 = arith.constant 0 : i32
        %dma_wait3A_280 = tpu.memref_slice %arg8[%run_scoped3A_128, %dma_wait3A_279] : memref<16x128xi32, #tpu.memory_space<vmem>> -> memref<1x128xi32, #tpu.memory_space<vmem>>
        %dma_wait3A_281 = tpu.memref_squeeze %dma_wait3A_280 : memref<1x128xi32, #tpu.memory_space<vmem>> -> memref<128xi32, #tpu.memory_space<vmem>>
        %dma_wait3A_282 = arith.constant 0 : i32
        %dma_wait3A_283 = arith.constant 0 : i32
        %dma_wait3A_284 = tpu.memref_slice %arg11[%dma_wait3A_282, %dma_wait3A_283] : memref<10240x128xf32, #tpu.memory_space<vmem_shared>> -> memref<10240x128xf32, #tpu.memory_space<vmem_shared>>
        tpu.wait_indirect_dma semaphore(%run_scoped3A_272 : memref<!tpu.dma_semaphore, #tpu.memory_space<semaphore_mem>>) src(%arg10 : memref<128x128xf32, #tpu.memory_space<vmem>>) dst(%dma_wait3A_284 : memref<10240x128xf32, #tpu.memory_space<vmem_shared>>)
        tpu.yield
      }) : () -> ()
      %dma_start3A_129 = arith.constant 7 : i32
      %dma_start3A_130 = arith.constant 0 : i32
      %dma_start3A_131 = tpu.memref_slice %arg7[%dma_start3A_129, %dma_start3A_130] : memref<16x128xi32, #tpu.memory_space<vmem>> -> memref<1x128xi32, #tpu.memory_space<vmem>>
      %dma_start3A_132 = tpu.memref_squeeze %dma_start3A_131 : memref<1x128xi32, #tpu.memory_space<vmem>> -> memref<128xi32, #tpu.memory_space<vmem>>
      %dma_start3A_133 = arith.constant 0 : i32
      %dma_start3A_134 = arith.constant 0 : i32
      %dma_start3A_135 = tpu.memref_slice %arg2[%dma_start3A_133, %dma_start3A_134] : memref<20000x128xf32, #tpu.memory_space<hbm>> -> memref<20000x128xf32, #tpu.memory_space<hbm>>
      tpu.enqueue_indirect_dma source(%dma_start3A_135 : memref<20000x128xf32, #tpu.memory_space<hbm>>) target(%arg10 : memref<128x128xf32, #tpu.memory_space<vmem>>) offsets(%dma_start3A_132 : memref<128xi32, #tpu.memory_space<vmem>>) semaphore(%arg13 : memref<!tpu.dma_semaphore, #tpu.memory_space<semaphore_mem>>)
      %dma_wait3A_136 = arith.constant 6 : i32
      %dma_wait3A_137 = arith.constant 0 : i32
      %dma_wait3A_138 = tpu.memref_slice %arg7[%dma_wait3A_136, %dma_wait3A_137] : memref<16x128xi32, #tpu.memory_space<vmem>> -> memref<1x128xi32, #tpu.memory_space<vmem>>
      %dma_wait3A_139 = tpu.memref_squeeze %dma_wait3A_138 : memref<1x128xi32, #tpu.memory_space<vmem>> -> memref<128xi32, #tpu.memory_space<vmem>>
      %dma_wait3A_140 = arith.constant 0 : i32
      %dma_wait3A_141 = arith.constant 0 : i32
      %dma_wait3A_142 = tpu.memref_slice %arg2[%dma_wait3A_140, %dma_wait3A_141] : memref<20000x128xf32, #tpu.memory_space<hbm>> -> memref<20000x128xf32, #tpu.memory_space<hbm>>
      tpu.wait_indirect_dma semaphore(%arg12 : memref<!tpu.dma_semaphore, #tpu.memory_space<semaphore_mem>>) src(%dma_wait3A_142 : memref<20000x128xf32, #tpu.memory_space<hbm>>) dst(%arg9 : memref<128x128xf32, #tpu.memory_space<vmem>>)
      %run_scoped3A_143 = arith.constant 6 : i32
      "tpu.region"() ({
        %run_scoped3A_272 = tpu.sem_alloc : memref<!tpu.dma_semaphore, #tpu.memory_space<semaphore_mem>>
        %dma_start3A_273 = arith.constant 0 : i32
        %dma_start3A_274 = tpu.memref_slice %arg8[%run_scoped3A_143, %dma_start3A_273] : memref<16x128xi32, #tpu.memory_space<vmem>> -> memref<1x128xi32, #tpu.memory_space<vmem>>
        %dma_start3A_275 = tpu.memref_squeeze %dma_start3A_274 : memref<1x128xi32, #tpu.memory_space<vmem>> -> memref<128xi32, #tpu.memory_space<vmem>>
        %dma_start3A_276 = arith.constant 0 : i32
        %dma_start3A_277 = arith.constant 0 : i32
        %dma_start3A_278 = tpu.memref_slice %arg11[%dma_start3A_276, %dma_start3A_277] : memref<10240x128xf32, #tpu.memory_space<vmem_shared>> -> memref<10240x128xf32, #tpu.memory_space<vmem_shared>>
        tpu.enqueue_indirect_dma source(%arg9 : memref<128x128xf32, #tpu.memory_space<vmem>>) target(%dma_start3A_278 : memref<10240x128xf32, #tpu.memory_space<vmem_shared>>) offsets(%dma_start3A_275 : memref<128xi32, #tpu.memory_space<vmem>>) semaphore(%run_scoped3A_272 : memref<!tpu.dma_semaphore, #tpu.memory_space<semaphore_mem>>) {add = true}
        %dma_wait3A_279 = arith.constant 0 : i32
        %dma_wait3A_280 = tpu.memref_slice %arg8[%run_scoped3A_143, %dma_wait3A_279] : memref<16x128xi32, #tpu.memory_space<vmem>> -> memref<1x128xi32, #tpu.memory_space<vmem>>
        %dma_wait3A_281 = tpu.memref_squeeze %dma_wait3A_280 : memref<1x128xi32, #tpu.memory_space<vmem>> -> memref<128xi32, #tpu.memory_space<vmem>>
        %dma_wait3A_282 = arith.constant 0 : i32
        %dma_wait3A_283 = arith.constant 0 : i32
        %dma_wait3A_284 = tpu.memref_slice %arg11[%dma_wait3A_282, %dma_wait3A_283] : memref<10240x128xf32, #tpu.memory_space<vmem_shared>> -> memref<10240x128xf32, #tpu.memory_space<vmem_shared>>
        tpu.wait_indirect_dma semaphore(%run_scoped3A_272 : memref<!tpu.dma_semaphore, #tpu.memory_space<semaphore_mem>>) src(%arg9 : memref<128x128xf32, #tpu.memory_space<vmem>>) dst(%dma_wait3A_284 : memref<10240x128xf32, #tpu.memory_space<vmem_shared>>)
        tpu.yield
      }) : () -> ()
      %dma_start3A_144 = arith.constant 8 : i32
      %dma_start3A_145 = arith.constant 0 : i32
      %dma_start3A_146 = tpu.memref_slice %arg7[%dma_start3A_144, %dma_start3A_145] : memref<16x128xi32, #tpu.memory_space<vmem>> -> memref<1x128xi32, #tpu.memory_space<vmem>>
      %dma_start3A_147 = tpu.memref_squeeze %dma_start3A_146 : memref<1x128xi32, #tpu.memory_space<vmem>> -> memref<128xi32, #tpu.memory_space<vmem>>
      %dma_start3A_148 = arith.constant 0 : i32
      %dma_start3A_149 = arith.constant 0 : i32
      %dma_start3A_150 = tpu.memref_slice %arg2[%dma_start3A_148, %dma_start3A_149] : memref<20000x128xf32, #tpu.memory_space<hbm>> -> memref<20000x128xf32, #tpu.memory_space<hbm>>
      tpu.enqueue_indirect_dma source(%dma_start3A_150 : memref<20000x128xf32, #tpu.memory_space<hbm>>) target(%arg9 : memref<128x128xf32, #tpu.memory_space<vmem>>) offsets(%dma_start3A_147 : memref<128xi32, #tpu.memory_space<vmem>>) semaphore(%arg12 : memref<!tpu.dma_semaphore, #tpu.memory_space<semaphore_mem>>)
      %dma_wait3A_151 = arith.constant 7 : i32
      %dma_wait3A_152 = arith.constant 0 : i32
      %dma_wait3A_153 = tpu.memref_slice %arg7[%dma_wait3A_151, %dma_wait3A_152] : memref<16x128xi32, #tpu.memory_space<vmem>> -> memref<1x128xi32, #tpu.memory_space<vmem>>
      %dma_wait3A_154 = tpu.memref_squeeze %dma_wait3A_153 : memref<1x128xi32, #tpu.memory_space<vmem>> -> memref<128xi32, #tpu.memory_space<vmem>>
      %dma_wait3A_155 = arith.constant 0 : i32
      %dma_wait3A_156 = arith.constant 0 : i32
      %dma_wait3A_157 = tpu.memref_slice %arg2[%dma_wait3A_155, %dma_wait3A_156] : memref<20000x128xf32, #tpu.memory_space<hbm>> -> memref<20000x128xf32, #tpu.memory_space<hbm>>
      tpu.wait_indirect_dma semaphore(%arg13 : memref<!tpu.dma_semaphore, #tpu.memory_space<semaphore_mem>>) src(%dma_wait3A_157 : memref<20000x128xf32, #tpu.memory_space<hbm>>) dst(%arg10 : memref<128x128xf32, #tpu.memory_space<vmem>>)
      %run_scoped3A_158 = arith.constant 7 : i32
      "tpu.region"() ({
        %run_scoped3A_272 = tpu.sem_alloc : memref<!tpu.dma_semaphore, #tpu.memory_space<semaphore_mem>>
        %dma_start3A_273 = arith.constant 0 : i32
        %dma_start3A_274 = tpu.memref_slice %arg8[%run_scoped3A_158, %dma_start3A_273] : memref<16x128xi32, #tpu.memory_space<vmem>> -> memref<1x128xi32, #tpu.memory_space<vmem>>
        %dma_start3A_275 = tpu.memref_squeeze %dma_start3A_274 : memref<1x128xi32, #tpu.memory_space<vmem>> -> memref<128xi32, #tpu.memory_space<vmem>>
        %dma_start3A_276 = arith.constant 0 : i32
        %dma_start3A_277 = arith.constant 0 : i32
        %dma_start3A_278 = tpu.memref_slice %arg11[%dma_start3A_276, %dma_start3A_277] : memref<10240x128xf32, #tpu.memory_space<vmem_shared>> -> memref<10240x128xf32, #tpu.memory_space<vmem_shared>>
        tpu.enqueue_indirect_dma source(%arg10 : memref<128x128xf32, #tpu.memory_space<vmem>>) target(%dma_start3A_278 : memref<10240x128xf32, #tpu.memory_space<vmem_shared>>) offsets(%dma_start3A_275 : memref<128xi32, #tpu.memory_space<vmem>>) semaphore(%run_scoped3A_272 : memref<!tpu.dma_semaphore, #tpu.memory_space<semaphore_mem>>) {add = true}
        %dma_wait3A_279 = arith.constant 0 : i32
        %dma_wait3A_280 = tpu.memref_slice %arg8[%run_scoped3A_158, %dma_wait3A_279] : memref<16x128xi32, #tpu.memory_space<vmem>> -> memref<1x128xi32, #tpu.memory_space<vmem>>
        %dma_wait3A_281 = tpu.memref_squeeze %dma_wait3A_280 : memref<1x128xi32, #tpu.memory_space<vmem>> -> memref<128xi32, #tpu.memory_space<vmem>>
        %dma_wait3A_282 = arith.constant 0 : i32
        %dma_wait3A_283 = arith.constant 0 : i32
        %dma_wait3A_284 = tpu.memref_slice %arg11[%dma_wait3A_282, %dma_wait3A_283] : memref<10240x128xf32, #tpu.memory_space<vmem_shared>> -> memref<10240x128xf32, #tpu.memory_space<vmem_shared>>
        tpu.wait_indirect_dma semaphore(%run_scoped3A_272 : memref<!tpu.dma_semaphore, #tpu.memory_space<semaphore_mem>>) src(%arg10 : memref<128x128xf32, #tpu.memory_space<vmem>>) dst(%dma_wait3A_284 : memref<10240x128xf32, #tpu.memory_space<vmem_shared>>)
        tpu.yield
      }) : () -> ()
      %dma_start3A_159 = arith.constant 9 : i32
      %dma_start3A_160 = arith.constant 0 : i32
      %dma_start3A_161 = tpu.memref_slice %arg7[%dma_start3A_159, %dma_start3A_160] : memref<16x128xi32, #tpu.memory_space<vmem>> -> memref<1x128xi32, #tpu.memory_space<vmem>>
      %dma_start3A_162 = tpu.memref_squeeze %dma_start3A_161 : memref<1x128xi32, #tpu.memory_space<vmem>> -> memref<128xi32, #tpu.memory_space<vmem>>
      %dma_start3A_163 = arith.constant 0 : i32
      %dma_start3A_164 = arith.constant 0 : i32
      %dma_start3A_165 = tpu.memref_slice %arg2[%dma_start3A_163, %dma_start3A_164] : memref<20000x128xf32, #tpu.memory_space<hbm>> -> memref<20000x128xf32, #tpu.memory_space<hbm>>
      tpu.enqueue_indirect_dma source(%dma_start3A_165 : memref<20000x128xf32, #tpu.memory_space<hbm>>) target(%arg10 : memref<128x128xf32, #tpu.memory_space<vmem>>) offsets(%dma_start3A_162 : memref<128xi32, #tpu.memory_space<vmem>>) semaphore(%arg13 : memref<!tpu.dma_semaphore, #tpu.memory_space<semaphore_mem>>)
      %dma_wait3A_166 = arith.constant 8 : i32
      %dma_wait3A_167 = arith.constant 0 : i32
      %dma_wait3A_168 = tpu.memref_slice %arg7[%dma_wait3A_166, %dma_wait3A_167] : memref<16x128xi32, #tpu.memory_space<vmem>> -> memref<1x128xi32, #tpu.memory_space<vmem>>
      %dma_wait3A_169 = tpu.memref_squeeze %dma_wait3A_168 : memref<1x128xi32, #tpu.memory_space<vmem>> -> memref<128xi32, #tpu.memory_space<vmem>>
      %dma_wait3A_170 = arith.constant 0 : i32
      %dma_wait3A_171 = arith.constant 0 : i32
      %dma_wait3A_172 = tpu.memref_slice %arg2[%dma_wait3A_170, %dma_wait3A_171] : memref<20000x128xf32, #tpu.memory_space<hbm>> -> memref<20000x128xf32, #tpu.memory_space<hbm>>
      tpu.wait_indirect_dma semaphore(%arg12 : memref<!tpu.dma_semaphore, #tpu.memory_space<semaphore_mem>>) src(%dma_wait3A_172 : memref<20000x128xf32, #tpu.memory_space<hbm>>) dst(%arg9 : memref<128x128xf32, #tpu.memory_space<vmem>>)
      %run_scoped3A_173 = arith.constant 8 : i32
      "tpu.region"() ({
        %run_scoped3A_272 = tpu.sem_alloc : memref<!tpu.dma_semaphore, #tpu.memory_space<semaphore_mem>>
        %dma_start3A_273 = arith.constant 0 : i32
        %dma_start3A_274 = tpu.memref_slice %arg8[%run_scoped3A_173, %dma_start3A_273] : memref<16x128xi32, #tpu.memory_space<vmem>> -> memref<1x128xi32, #tpu.memory_space<vmem>>
        %dma_start3A_275 = tpu.memref_squeeze %dma_start3A_274 : memref<1x128xi32, #tpu.memory_space<vmem>> -> memref<128xi32, #tpu.memory_space<vmem>>
        %dma_start3A_276 = arith.constant 0 : i32
        %dma_start3A_277 = arith.constant 0 : i32
        %dma_start3A_278 = tpu.memref_slice %arg11[%dma_start3A_276, %dma_start3A_277] : memref<10240x128xf32, #tpu.memory_space<vmem_shared>> -> memref<10240x128xf32, #tpu.memory_space<vmem_shared>>
        tpu.enqueue_indirect_dma source(%arg9 : memref<128x128xf32, #tpu.memory_space<vmem>>) target(%dma_start3A_278 : memref<10240x128xf32, #tpu.memory_space<vmem_shared>>) offsets(%dma_start3A_275 : memref<128xi32, #tpu.memory_space<vmem>>) semaphore(%run_scoped3A_272 : memref<!tpu.dma_semaphore, #tpu.memory_space<semaphore_mem>>) {add = true}
        %dma_wait3A_279 = arith.constant 0 : i32
        %dma_wait3A_280 = tpu.memref_slice %arg8[%run_scoped3A_173, %dma_wait3A_279] : memref<16x128xi32, #tpu.memory_space<vmem>> -> memref<1x128xi32, #tpu.memory_space<vmem>>
        %dma_wait3A_281 = tpu.memref_squeeze %dma_wait3A_280 : memref<1x128xi32, #tpu.memory_space<vmem>> -> memref<128xi32, #tpu.memory_space<vmem>>
        %dma_wait3A_282 = arith.constant 0 : i32
        %dma_wait3A_283 = arith.constant 0 : i32
        %dma_wait3A_284 = tpu.memref_slice %arg11[%dma_wait3A_282, %dma_wait3A_283] : memref<10240x128xf32, #tpu.memory_space<vmem_shared>> -> memref<10240x128xf32, #tpu.memory_space<vmem_shared>>
        tpu.wait_indirect_dma semaphore(%run_scoped3A_272 : memref<!tpu.dma_semaphore, #tpu.memory_space<semaphore_mem>>) src(%arg9 : memref<128x128xf32, #tpu.memory_space<vmem>>) dst(%dma_wait3A_284 : memref<10240x128xf32, #tpu.memory_space<vmem_shared>>)
        tpu.yield
      }) : () -> ()
      %dma_start3A_174 = arith.constant 10 : i32
      %dma_start3A_175 = arith.constant 0 : i32
      %dma_start3A_176 = tpu.memref_slice %arg7[%dma_start3A_174, %dma_start3A_175] : memref<16x128xi32, #tpu.memory_space<vmem>> -> memref<1x128xi32, #tpu.memory_space<vmem>>
      %dma_start3A_177 = tpu.memref_squeeze %dma_start3A_176 : memref<1x128xi32, #tpu.memory_space<vmem>> -> memref<128xi32, #tpu.memory_space<vmem>>
      %dma_start3A_178 = arith.constant 0 : i32
      %dma_start3A_179 = arith.constant 0 : i32
      %dma_start3A_180 = tpu.memref_slice %arg2[%dma_start3A_178, %dma_start3A_179] : memref<20000x128xf32, #tpu.memory_space<hbm>> -> memref<20000x128xf32, #tpu.memory_space<hbm>>
      tpu.enqueue_indirect_dma source(%dma_start3A_180 : memref<20000x128xf32, #tpu.memory_space<hbm>>) target(%arg9 : memref<128x128xf32, #tpu.memory_space<vmem>>) offsets(%dma_start3A_177 : memref<128xi32, #tpu.memory_space<vmem>>) semaphore(%arg12 : memref<!tpu.dma_semaphore, #tpu.memory_space<semaphore_mem>>)
      %dma_wait3A_181 = arith.constant 9 : i32
      %dma_wait3A_182 = arith.constant 0 : i32
      %dma_wait3A_183 = tpu.memref_slice %arg7[%dma_wait3A_181, %dma_wait3A_182] : memref<16x128xi32, #tpu.memory_space<vmem>> -> memref<1x128xi32, #tpu.memory_space<vmem>>
      %dma_wait3A_184 = tpu.memref_squeeze %dma_wait3A_183 : memref<1x128xi32, #tpu.memory_space<vmem>> -> memref<128xi32, #tpu.memory_space<vmem>>
      %dma_wait3A_185 = arith.constant 0 : i32
      %dma_wait3A_186 = arith.constant 0 : i32
      %dma_wait3A_187 = tpu.memref_slice %arg2[%dma_wait3A_185, %dma_wait3A_186] : memref<20000x128xf32, #tpu.memory_space<hbm>> -> memref<20000x128xf32, #tpu.memory_space<hbm>>
      tpu.wait_indirect_dma semaphore(%arg13 : memref<!tpu.dma_semaphore, #tpu.memory_space<semaphore_mem>>) src(%dma_wait3A_187 : memref<20000x128xf32, #tpu.memory_space<hbm>>) dst(%arg10 : memref<128x128xf32, #tpu.memory_space<vmem>>)
      %run_scoped3A_188 = arith.constant 9 : i32
      "tpu.region"() ({
        %run_scoped3A_272 = tpu.sem_alloc : memref<!tpu.dma_semaphore, #tpu.memory_space<semaphore_mem>>
        %dma_start3A_273 = arith.constant 0 : i32
        %dma_start3A_274 = tpu.memref_slice %arg8[%run_scoped3A_188, %dma_start3A_273] : memref<16x128xi32, #tpu.memory_space<vmem>> -> memref<1x128xi32, #tpu.memory_space<vmem>>
        %dma_start3A_275 = tpu.memref_squeeze %dma_start3A_274 : memref<1x128xi32, #tpu.memory_space<vmem>> -> memref<128xi32, #tpu.memory_space<vmem>>
        %dma_start3A_276 = arith.constant 0 : i32
        %dma_start3A_277 = arith.constant 0 : i32
        %dma_start3A_278 = tpu.memref_slice %arg11[%dma_start3A_276, %dma_start3A_277] : memref<10240x128xf32, #tpu.memory_space<vmem_shared>> -> memref<10240x128xf32, #tpu.memory_space<vmem_shared>>
        tpu.enqueue_indirect_dma source(%arg10 : memref<128x128xf32, #tpu.memory_space<vmem>>) target(%dma_start3A_278 : memref<10240x128xf32, #tpu.memory_space<vmem_shared>>) offsets(%dma_start3A_275 : memref<128xi32, #tpu.memory_space<vmem>>) semaphore(%run_scoped3A_272 : memref<!tpu.dma_semaphore, #tpu.memory_space<semaphore_mem>>) {add = true}
        %dma_wait3A_279 = arith.constant 0 : i32
        %dma_wait3A_280 = tpu.memref_slice %arg8[%run_scoped3A_188, %dma_wait3A_279] : memref<16x128xi32, #tpu.memory_space<vmem>> -> memref<1x128xi32, #tpu.memory_space<vmem>>
        %dma_wait3A_281 = tpu.memref_squeeze %dma_wait3A_280 : memref<1x128xi32, #tpu.memory_space<vmem>> -> memref<128xi32, #tpu.memory_space<vmem>>
        %dma_wait3A_282 = arith.constant 0 : i32
        %dma_wait3A_283 = arith.constant 0 : i32
        %dma_wait3A_284 = tpu.memref_slice %arg11[%dma_wait3A_282, %dma_wait3A_283] : memref<10240x128xf32, #tpu.memory_space<vmem_shared>> -> memref<10240x128xf32, #tpu.memory_space<vmem_shared>>
        tpu.wait_indirect_dma semaphore(%run_scoped3A_272 : memref<!tpu.dma_semaphore, #tpu.memory_space<semaphore_mem>>) src(%arg10 : memref<128x128xf32, #tpu.memory_space<vmem>>) dst(%dma_wait3A_284 : memref<10240x128xf32, #tpu.memory_space<vmem_shared>>)
        tpu.yield
      }) : () -> ()
      %dma_start3A_189 = arith.constant 11 : i32
      %dma_start3A_190 = arith.constant 0 : i32
      %dma_start3A_191 = tpu.memref_slice %arg7[%dma_start3A_189, %dma_start3A_190] : memref<16x128xi32, #tpu.memory_space<vmem>> -> memref<1x128xi32, #tpu.memory_space<vmem>>
      %dma_start3A_192 = tpu.memref_squeeze %dma_start3A_191 : memref<1x128xi32, #tpu.memory_space<vmem>> -> memref<128xi32, #tpu.memory_space<vmem>>
      %dma_start3A_193 = arith.constant 0 : i32
      %dma_start3A_194 = arith.constant 0 : i32
      %dma_start3A_195 = tpu.memref_slice %arg2[%dma_start3A_193, %dma_start3A_194] : memref<20000x128xf32, #tpu.memory_space<hbm>> -> memref<20000x128xf32, #tpu.memory_space<hbm>>
      tpu.enqueue_indirect_dma source(%dma_start3A_195 : memref<20000x128xf32, #tpu.memory_space<hbm>>) target(%arg10 : memref<128x128xf32, #tpu.memory_space<vmem>>) offsets(%dma_start3A_192 : memref<128xi32, #tpu.memory_space<vmem>>) semaphore(%arg13 : memref<!tpu.dma_semaphore, #tpu.memory_space<semaphore_mem>>)
      %dma_wait3A_196 = arith.constant 10 : i32
      %dma_wait3A_197 = arith.constant 0 : i32
      %dma_wait3A_198 = tpu.memref_slice %arg7[%dma_wait3A_196, %dma_wait3A_197] : memref<16x128xi32, #tpu.memory_space<vmem>> -> memref<1x128xi32, #tpu.memory_space<vmem>>
      %dma_wait3A_199 = tpu.memref_squeeze %dma_wait3A_198 : memref<1x128xi32, #tpu.memory_space<vmem>> -> memref<128xi32, #tpu.memory_space<vmem>>
      %dma_wait3A_200 = arith.constant 0 : i32
      %dma_wait3A_201 = arith.constant 0 : i32
      %dma_wait3A_202 = tpu.memref_slice %arg2[%dma_wait3A_200, %dma_wait3A_201] : memref<20000x128xf32, #tpu.memory_space<hbm>> -> memref<20000x128xf32, #tpu.memory_space<hbm>>
      tpu.wait_indirect_dma semaphore(%arg12 : memref<!tpu.dma_semaphore, #tpu.memory_space<semaphore_mem>>) src(%dma_wait3A_202 : memref<20000x128xf32, #tpu.memory_space<hbm>>) dst(%arg9 : memref<128x128xf32, #tpu.memory_space<vmem>>)
      %run_scoped3A_203 = arith.constant 10 : i32
      "tpu.region"() ({
        %run_scoped3A_272 = tpu.sem_alloc : memref<!tpu.dma_semaphore, #tpu.memory_space<semaphore_mem>>
        %dma_start3A_273 = arith.constant 0 : i32
        %dma_start3A_274 = tpu.memref_slice %arg8[%run_scoped3A_203, %dma_start3A_273] : memref<16x128xi32, #tpu.memory_space<vmem>> -> memref<1x128xi32, #tpu.memory_space<vmem>>
        %dma_start3A_275 = tpu.memref_squeeze %dma_start3A_274 : memref<1x128xi32, #tpu.memory_space<vmem>> -> memref<128xi32, #tpu.memory_space<vmem>>
        %dma_start3A_276 = arith.constant 0 : i32
        %dma_start3A_277 = arith.constant 0 : i32
        %dma_start3A_278 = tpu.memref_slice %arg11[%dma_start3A_276, %dma_start3A_277] : memref<10240x128xf32, #tpu.memory_space<vmem_shared>> -> memref<10240x128xf32, #tpu.memory_space<vmem_shared>>
        tpu.enqueue_indirect_dma source(%arg9 : memref<128x128xf32, #tpu.memory_space<vmem>>) target(%dma_start3A_278 : memref<10240x128xf32, #tpu.memory_space<vmem_shared>>) offsets(%dma_start3A_275 : memref<128xi32, #tpu.memory_space<vmem>>) semaphore(%run_scoped3A_272 : memref<!tpu.dma_semaphore, #tpu.memory_space<semaphore_mem>>) {add = true}
        %dma_wait3A_279 = arith.constant 0 : i32
        %dma_wait3A_280 = tpu.memref_slice %arg8[%run_scoped3A_203, %dma_wait3A_279] : memref<16x128xi32, #tpu.memory_space<vmem>> -> memref<1x128xi32, #tpu.memory_space<vmem>>
        %dma_wait3A_281 = tpu.memref_squeeze %dma_wait3A_280 : memref<1x128xi32, #tpu.memory_space<vmem>> -> memref<128xi32, #tpu.memory_space<vmem>>
        %dma_wait3A_282 = arith.constant 0 : i32
        %dma_wait3A_283 = arith.constant 0 : i32
        %dma_wait3A_284 = tpu.memref_slice %arg11[%dma_wait3A_282, %dma_wait3A_283] : memref<10240x128xf32, #tpu.memory_space<vmem_shared>> -> memref<10240x128xf32, #tpu.memory_space<vmem_shared>>
        tpu.wait_indirect_dma semaphore(%run_scoped3A_272 : memref<!tpu.dma_semaphore, #tpu.memory_space<semaphore_mem>>) src(%arg9 : memref<128x128xf32, #tpu.memory_space<vmem>>) dst(%dma_wait3A_284 : memref<10240x128xf32, #tpu.memory_space<vmem_shared>>)
        tpu.yield
      }) : () -> ()
      %dma_start3A_204 = arith.constant 12 : i32
      %dma_start3A_205 = arith.constant 0 : i32
      %dma_start3A_206 = tpu.memref_slice %arg7[%dma_start3A_204, %dma_start3A_205] : memref<16x128xi32, #tpu.memory_space<vmem>> -> memref<1x128xi32, #tpu.memory_space<vmem>>
      %dma_start3A_207 = tpu.memref_squeeze %dma_start3A_206 : memref<1x128xi32, #tpu.memory_space<vmem>> -> memref<128xi32, #tpu.memory_space<vmem>>
      %dma_start3A_208 = arith.constant 0 : i32
      %dma_start3A_209 = arith.constant 0 : i32
      %dma_start3A_210 = tpu.memref_slice %arg2[%dma_start3A_208, %dma_start3A_209] : memref<20000x128xf32, #tpu.memory_space<hbm>> -> memref<20000x128xf32, #tpu.memory_space<hbm>>
      tpu.enqueue_indirect_dma source(%dma_start3A_210 : memref<20000x128xf32, #tpu.memory_space<hbm>>) target(%arg9 : memref<128x128xf32, #tpu.memory_space<vmem>>) offsets(%dma_start3A_207 : memref<128xi32, #tpu.memory_space<vmem>>) semaphore(%arg12 : memref<!tpu.dma_semaphore, #tpu.memory_space<semaphore_mem>>)
      %dma_wait3A_211 = arith.constant 11 : i32
      %dma_wait3A_212 = arith.constant 0 : i32
      %dma_wait3A_213 = tpu.memref_slice %arg7[%dma_wait3A_211, %dma_wait3A_212] : memref<16x128xi32, #tpu.memory_space<vmem>> -> memref<1x128xi32, #tpu.memory_space<vmem>>
      %dma_wait3A_214 = tpu.memref_squeeze %dma_wait3A_213 : memref<1x128xi32, #tpu.memory_space<vmem>> -> memref<128xi32, #tpu.memory_space<vmem>>
      %dma_wait3A_215 = arith.constant 0 : i32
      %dma_wait3A_216 = arith.constant 0 : i32
      %dma_wait3A_217 = tpu.memref_slice %arg2[%dma_wait3A_215, %dma_wait3A_216] : memref<20000x128xf32, #tpu.memory_space<hbm>> -> memref<20000x128xf32, #tpu.memory_space<hbm>>
      tpu.wait_indirect_dma semaphore(%arg13 : memref<!tpu.dma_semaphore, #tpu.memory_space<semaphore_mem>>) src(%dma_wait3A_217 : memref<20000x128xf32, #tpu.memory_space<hbm>>) dst(%arg10 : memref<128x128xf32, #tpu.memory_space<vmem>>)
      %run_scoped3A_218 = arith.constant 11 : i32
      "tpu.region"() ({
        %run_scoped3A_272 = tpu.sem_alloc : memref<!tpu.dma_semaphore, #tpu.memory_space<semaphore_mem>>
        %dma_start3A_273 = arith.constant 0 : i32
        %dma_start3A_274 = tpu.memref_slice %arg8[%run_scoped3A_218, %dma_start3A_273] : memref<16x128xi32, #tpu.memory_space<vmem>> -> memref<1x128xi32, #tpu.memory_space<vmem>>
        %dma_start3A_275 = tpu.memref_squeeze %dma_start3A_274 : memref<1x128xi32, #tpu.memory_space<vmem>> -> memref<128xi32, #tpu.memory_space<vmem>>
        %dma_start3A_276 = arith.constant 0 : i32
        %dma_start3A_277 = arith.constant 0 : i32
        %dma_start3A_278 = tpu.memref_slice %arg11[%dma_start3A_276, %dma_start3A_277] : memref<10240x128xf32, #tpu.memory_space<vmem_shared>> -> memref<10240x128xf32, #tpu.memory_space<vmem_shared>>
        tpu.enqueue_indirect_dma source(%arg10 : memref<128x128xf32, #tpu.memory_space<vmem>>) target(%dma_start3A_278 : memref<10240x128xf32, #tpu.memory_space<vmem_shared>>) offsets(%dma_start3A_275 : memref<128xi32, #tpu.memory_space<vmem>>) semaphore(%run_scoped3A_272 : memref<!tpu.dma_semaphore, #tpu.memory_space<semaphore_mem>>) {add = true}
        %dma_wait3A_279 = arith.constant 0 : i32
        %dma_wait3A_280 = tpu.memref_slice %arg8[%run_scoped3A_218, %dma_wait3A_279] : memref<16x128xi32, #tpu.memory_space<vmem>> -> memref<1x128xi32, #tpu.memory_space<vmem>>
        %dma_wait3A_281 = tpu.memref_squeeze %dma_wait3A_280 : memref<1x128xi32, #tpu.memory_space<vmem>> -> memref<128xi32, #tpu.memory_space<vmem>>
        %dma_wait3A_282 = arith.constant 0 : i32
        %dma_wait3A_283 = arith.constant 0 : i32
        %dma_wait3A_284 = tpu.memref_slice %arg11[%dma_wait3A_282, %dma_wait3A_283] : memref<10240x128xf32, #tpu.memory_space<vmem_shared>> -> memref<10240x128xf32, #tpu.memory_space<vmem_shared>>
        tpu.wait_indirect_dma semaphore(%run_scoped3A_272 : memref<!tpu.dma_semaphore, #tpu.memory_space<semaphore_mem>>) src(%arg10 : memref<128x128xf32, #tpu.memory_space<vmem>>) dst(%dma_wait3A_284 : memref<10240x128xf32, #tpu.memory_space<vmem_shared>>)
        tpu.yield
      }) : () -> ()
      %dma_start3A_219 = arith.constant 13 : i32
      %dma_start3A_220 = arith.constant 0 : i32
      %dma_start3A_221 = tpu.memref_slice %arg7[%dma_start3A_219, %dma_start3A_220] : memref<16x128xi32, #tpu.memory_space<vmem>> -> memref<1x128xi32, #tpu.memory_space<vmem>>
      %dma_start3A_222 = tpu.memref_squeeze %dma_start3A_221 : memref<1x128xi32, #tpu.memory_space<vmem>> -> memref<128xi32, #tpu.memory_space<vmem>>
      %dma_start3A_223 = arith.constant 0 : i32
      %dma_start3A_224 = arith.constant 0 : i32
      %dma_start3A_225 = tpu.memref_slice %arg2[%dma_start3A_223, %dma_start3A_224] : memref<20000x128xf32, #tpu.memory_space<hbm>> -> memref<20000x128xf32, #tpu.memory_space<hbm>>
      tpu.enqueue_indirect_dma source(%dma_start3A_225 : memref<20000x128xf32, #tpu.memory_space<hbm>>) target(%arg10 : memref<128x128xf32, #tpu.memory_space<vmem>>) offsets(%dma_start3A_222 : memref<128xi32, #tpu.memory_space<vmem>>) semaphore(%arg13 : memref<!tpu.dma_semaphore, #tpu.memory_space<semaphore_mem>>)
      %dma_wait3A_226 = arith.constant 12 : i32
      %dma_wait3A_227 = arith.constant 0 : i32
      %dma_wait3A_228 = tpu.memref_slice %arg7[%dma_wait3A_226, %dma_wait3A_227] : memref<16x128xi32, #tpu.memory_space<vmem>> -> memref<1x128xi32, #tpu.memory_space<vmem>>
      %dma_wait3A_229 = tpu.memref_squeeze %dma_wait3A_228 : memref<1x128xi32, #tpu.memory_space<vmem>> -> memref<128xi32, #tpu.memory_space<vmem>>
      %dma_wait3A_230 = arith.constant 0 : i32
      %dma_wait3A_231 = arith.constant 0 : i32
      %dma_wait3A_232 = tpu.memref_slice %arg2[%dma_wait3A_230, %dma_wait3A_231] : memref<20000x128xf32, #tpu.memory_space<hbm>> -> memref<20000x128xf32, #tpu.memory_space<hbm>>
      tpu.wait_indirect_dma semaphore(%arg12 : memref<!tpu.dma_semaphore, #tpu.memory_space<semaphore_mem>>) src(%dma_wait3A_232 : memref<20000x128xf32, #tpu.memory_space<hbm>>) dst(%arg9 : memref<128x128xf32, #tpu.memory_space<vmem>>)
      %run_scoped3A_233 = arith.constant 12 : i32
      "tpu.region"() ({
        %run_scoped3A_272 = tpu.sem_alloc : memref<!tpu.dma_semaphore, #tpu.memory_space<semaphore_mem>>
        %dma_start3A_273 = arith.constant 0 : i32
        %dma_start3A_274 = tpu.memref_slice %arg8[%run_scoped3A_233, %dma_start3A_273] : memref<16x128xi32, #tpu.memory_space<vmem>> -> memref<1x128xi32, #tpu.memory_space<vmem>>
        %dma_start3A_275 = tpu.memref_squeeze %dma_start3A_274 : memref<1x128xi32, #tpu.memory_space<vmem>> -> memref<128xi32, #tpu.memory_space<vmem>>
        %dma_start3A_276 = arith.constant 0 : i32
        %dma_start3A_277 = arith.constant 0 : i32
        %dma_start3A_278 = tpu.memref_slice %arg11[%dma_start3A_276, %dma_start3A_277] : memref<10240x128xf32, #tpu.memory_space<vmem_shared>> -> memref<10240x128xf32, #tpu.memory_space<vmem_shared>>
        tpu.enqueue_indirect_dma source(%arg9 : memref<128x128xf32, #tpu.memory_space<vmem>>) target(%dma_start3A_278 : memref<10240x128xf32, #tpu.memory_space<vmem_shared>>) offsets(%dma_start3A_275 : memref<128xi32, #tpu.memory_space<vmem>>) semaphore(%run_scoped3A_272 : memref<!tpu.dma_semaphore, #tpu.memory_space<semaphore_mem>>) {add = true}
        %dma_wait3A_279 = arith.constant 0 : i32
        %dma_wait3A_280 = tpu.memref_slice %arg8[%run_scoped3A_233, %dma_wait3A_279] : memref<16x128xi32, #tpu.memory_space<vmem>> -> memref<1x128xi32, #tpu.memory_space<vmem>>
        %dma_wait3A_281 = tpu.memref_squeeze %dma_wait3A_280 : memref<1x128xi32, #tpu.memory_space<vmem>> -> memref<128xi32, #tpu.memory_space<vmem>>
        %dma_wait3A_282 = arith.constant 0 : i32
        %dma_wait3A_283 = arith.constant 0 : i32
        %dma_wait3A_284 = tpu.memref_slice %arg11[%dma_wait3A_282, %dma_wait3A_283] : memref<10240x128xf32, #tpu.memory_space<vmem_shared>> -> memref<10240x128xf32, #tpu.memory_space<vmem_shared>>
        tpu.wait_indirect_dma semaphore(%run_scoped3A_272 : memref<!tpu.dma_semaphore, #tpu.memory_space<semaphore_mem>>) src(%arg9 : memref<128x128xf32, #tpu.memory_space<vmem>>) dst(%dma_wait3A_284 : memref<10240x128xf32, #tpu.memory_space<vmem_shared>>)
        tpu.yield
      }) : () -> ()
      %dma_start3A_234 = arith.constant 14 : i32
      %dma_start3A_235 = arith.constant 0 : i32
      %dma_start3A_236 = tpu.memref_slice %arg7[%dma_start3A_234, %dma_start3A_235] : memref<16x128xi32, #tpu.memory_space<vmem>> -> memref<1x128xi32, #tpu.memory_space<vmem>>
      %dma_start3A_237 = tpu.memref_squeeze %dma_start3A_236 : memref<1x128xi32, #tpu.memory_space<vmem>> -> memref<128xi32, #tpu.memory_space<vmem>>
      %dma_start3A_238 = arith.constant 0 : i32
      %dma_start3A_239 = arith.constant 0 : i32
      %dma_start3A_240 = tpu.memref_slice %arg2[%dma_start3A_238, %dma_start3A_239] : memref<20000x128xf32, #tpu.memory_space<hbm>> -> memref<20000x128xf32, #tpu.memory_space<hbm>>
      tpu.enqueue_indirect_dma source(%dma_start3A_240 : memref<20000x128xf32, #tpu.memory_space<hbm>>) target(%arg9 : memref<128x128xf32, #tpu.memory_space<vmem>>) offsets(%dma_start3A_237 : memref<128xi32, #tpu.memory_space<vmem>>) semaphore(%arg12 : memref<!tpu.dma_semaphore, #tpu.memory_space<semaphore_mem>>)
      %dma_wait3A_241 = arith.constant 13 : i32
      %dma_wait3A_242 = arith.constant 0 : i32
      %dma_wait3A_243 = tpu.memref_slice %arg7[%dma_wait3A_241, %dma_wait3A_242] : memref<16x128xi32, #tpu.memory_space<vmem>> -> memref<1x128xi32, #tpu.memory_space<vmem>>
      %dma_wait3A_244 = tpu.memref_squeeze %dma_wait3A_243 : memref<1x128xi32, #tpu.memory_space<vmem>> -> memref<128xi32, #tpu.memory_space<vmem>>
      %dma_wait3A_245 = arith.constant 0 : i32
      %dma_wait3A_246 = arith.constant 0 : i32
      %dma_wait3A_247 = tpu.memref_slice %arg2[%dma_wait3A_245, %dma_wait3A_246] : memref<20000x128xf32, #tpu.memory_space<hbm>> -> memref<20000x128xf32, #tpu.memory_space<hbm>>
      tpu.wait_indirect_dma semaphore(%arg13 : memref<!tpu.dma_semaphore, #tpu.memory_space<semaphore_mem>>) src(%dma_wait3A_247 : memref<20000x128xf32, #tpu.memory_space<hbm>>) dst(%arg10 : memref<128x128xf32, #tpu.memory_space<vmem>>)
      %run_scoped3A_248 = arith.constant 13 : i32
      "tpu.region"() ({
        %run_scoped3A_272 = tpu.sem_alloc : memref<!tpu.dma_semaphore, #tpu.memory_space<semaphore_mem>>
        %dma_start3A_273 = arith.constant 0 : i32
        %dma_start3A_274 = tpu.memref_slice %arg8[%run_scoped3A_248, %dma_start3A_273] : memref<16x128xi32, #tpu.memory_space<vmem>> -> memref<1x128xi32, #tpu.memory_space<vmem>>
        %dma_start3A_275 = tpu.memref_squeeze %dma_start3A_274 : memref<1x128xi32, #tpu.memory_space<vmem>> -> memref<128xi32, #tpu.memory_space<vmem>>
        %dma_start3A_276 = arith.constant 0 : i32
        %dma_start3A_277 = arith.constant 0 : i32
        %dma_start3A_278 = tpu.memref_slice %arg11[%dma_start3A_276, %dma_start3A_277] : memref<10240x128xf32, #tpu.memory_space<vmem_shared>> -> memref<10240x128xf32, #tpu.memory_space<vmem_shared>>
        tpu.enqueue_indirect_dma source(%arg10 : memref<128x128xf32, #tpu.memory_space<vmem>>) target(%dma_start3A_278 : memref<10240x128xf32, #tpu.memory_space<vmem_shared>>) offsets(%dma_start3A_275 : memref<128xi32, #tpu.memory_space<vmem>>) semaphore(%run_scoped3A_272 : memref<!tpu.dma_semaphore, #tpu.memory_space<semaphore_mem>>) {add = true}
        %dma_wait3A_279 = arith.constant 0 : i32
        %dma_wait3A_280 = tpu.memref_slice %arg8[%run_scoped3A_248, %dma_wait3A_279] : memref<16x128xi32, #tpu.memory_space<vmem>> -> memref<1x128xi32, #tpu.memory_space<vmem>>
        %dma_wait3A_281 = tpu.memref_squeeze %dma_wait3A_280 : memref<1x128xi32, #tpu.memory_space<vmem>> -> memref<128xi32, #tpu.memory_space<vmem>>
        %dma_wait3A_282 = arith.constant 0 : i32
        %dma_wait3A_283 = arith.constant 0 : i32
        %dma_wait3A_284 = tpu.memref_slice %arg11[%dma_wait3A_282, %dma_wait3A_283] : memref<10240x128xf32, #tpu.memory_space<vmem_shared>> -> memref<10240x128xf32, #tpu.memory_space<vmem_shared>>
        tpu.wait_indirect_dma semaphore(%run_scoped3A_272 : memref<!tpu.dma_semaphore, #tpu.memory_space<semaphore_mem>>) src(%arg10 : memref<128x128xf32, #tpu.memory_space<vmem>>) dst(%dma_wait3A_284 : memref<10240x128xf32, #tpu.memory_space<vmem_shared>>)
        tpu.yield
      }) : () -> ()
      %dma_start3A_249 = arith.constant 15 : i32
      %dma_start3A_250 = arith.constant 0 : i32
      %dma_start3A_251 = tpu.memref_slice %arg7[%dma_start3A_249, %dma_start3A_250] : memref<16x128xi32, #tpu.memory_space<vmem>> -> memref<1x128xi32, #tpu.memory_space<vmem>>
      %dma_start3A_252 = tpu.memref_squeeze %dma_start3A_251 : memref<1x128xi32, #tpu.memory_space<vmem>> -> memref<128xi32, #tpu.memory_space<vmem>>
      %dma_start3A_253 = arith.constant 0 : i32
      %dma_start3A_254 = arith.constant 0 : i32
      %dma_start3A_255 = tpu.memref_slice %arg2[%dma_start3A_253, %dma_start3A_254] : memref<20000x128xf32, #tpu.memory_space<hbm>> -> memref<20000x128xf32, #tpu.memory_space<hbm>>
      tpu.enqueue_indirect_dma source(%dma_start3A_255 : memref<20000x128xf32, #tpu.memory_space<hbm>>) target(%arg10 : memref<128x128xf32, #tpu.memory_space<vmem>>) offsets(%dma_start3A_252 : memref<128xi32, #tpu.memory_space<vmem>>) semaphore(%arg13 : memref<!tpu.dma_semaphore, #tpu.memory_space<semaphore_mem>>)
      %dma_wait3A_256 = arith.constant 14 : i32
      %dma_wait3A_257 = arith.constant 0 : i32
      %dma_wait3A_258 = tpu.memref_slice %arg7[%dma_wait3A_256, %dma_wait3A_257] : memref<16x128xi32, #tpu.memory_space<vmem>> -> memref<1x128xi32, #tpu.memory_space<vmem>>
      %dma_wait3A_259 = tpu.memref_squeeze %dma_wait3A_258 : memref<1x128xi32, #tpu.memory_space<vmem>> -> memref<128xi32, #tpu.memory_space<vmem>>
      %dma_wait3A_260 = arith.constant 0 : i32
      %dma_wait3A_261 = arith.constant 0 : i32
      %dma_wait3A_262 = tpu.memref_slice %arg2[%dma_wait3A_260, %dma_wait3A_261] : memref<20000x128xf32, #tpu.memory_space<hbm>> -> memref<20000x128xf32, #tpu.memory_space<hbm>>
      tpu.wait_indirect_dma semaphore(%arg12 : memref<!tpu.dma_semaphore, #tpu.memory_space<semaphore_mem>>) src(%dma_wait3A_262 : memref<20000x128xf32, #tpu.memory_space<hbm>>) dst(%arg9 : memref<128x128xf32, #tpu.memory_space<vmem>>)
      %run_scoped3A_263 = arith.constant 14 : i32
      "tpu.region"() ({
        %run_scoped3A_272 = tpu.sem_alloc : memref<!tpu.dma_semaphore, #tpu.memory_space<semaphore_mem>>
        %dma_start3A_273 = arith.constant 0 : i32
        %dma_start3A_274 = tpu.memref_slice %arg8[%run_scoped3A_263, %dma_start3A_273] : memref<16x128xi32, #tpu.memory_space<vmem>> -> memref<1x128xi32, #tpu.memory_space<vmem>>
        %dma_start3A_275 = tpu.memref_squeeze %dma_start3A_274 : memref<1x128xi32, #tpu.memory_space<vmem>> -> memref<128xi32, #tpu.memory_space<vmem>>
        %dma_start3A_276 = arith.constant 0 : i32
        %dma_start3A_277 = arith.constant 0 : i32
        %dma_start3A_278 = tpu.memref_slice %arg11[%dma_start3A_276, %dma_start3A_277] : memref<10240x128xf32, #tpu.memory_space<vmem_shared>> -> memref<10240x128xf32, #tpu.memory_space<vmem_shared>>
        tpu.enqueue_indirect_dma source(%arg9 : memref<128x128xf32, #tpu.memory_space<vmem>>) target(%dma_start3A_278 : memref<10240x128xf32, #tpu.memory_space<vmem_shared>>) offsets(%dma_start3A_275 : memref<128xi32, #tpu.memory_space<vmem>>) semaphore(%run_scoped3A_272 : memref<!tpu.dma_semaphore, #tpu.memory_space<semaphore_mem>>) {add = true}
        %dma_wait3A_279 = arith.constant 0 : i32
        %dma_wait3A_280 = tpu.memref_slice %arg8[%run_scoped3A_263, %dma_wait3A_279] : memref<16x128xi32, #tpu.memory_space<vmem>> -> memref<1x128xi32, #tpu.memory_space<vmem>>
        %dma_wait3A_281 = tpu.memref_squeeze %dma_wait3A_280 : memref<1x128xi32, #tpu.memory_space<vmem>> -> memref<128xi32, #tpu.memory_space<vmem>>
        %dma_wait3A_282 = arith.constant 0 : i32
        %dma_wait3A_283 = arith.constant 0 : i32
        %dma_wait3A_284 = tpu.memref_slice %arg11[%dma_wait3A_282, %dma_wait3A_283] : memref<10240x128xf32, #tpu.memory_space<vmem_shared>> -> memref<10240x128xf32, #tpu.memory_space<vmem_shared>>
        tpu.wait_indirect_dma semaphore(%run_scoped3A_272 : memref<!tpu.dma_semaphore, #tpu.memory_space<semaphore_mem>>) src(%arg9 : memref<128x128xf32, #tpu.memory_space<vmem>>) dst(%dma_wait3A_284 : memref<10240x128xf32, #tpu.memory_space<vmem_shared>>)
        tpu.yield
      }) : () -> ()
      %dma_wait3A_264 = arith.constant 15 : i32
      %dma_wait3A_265 = arith.constant 0 : i32
      %dma_wait3A_266 = tpu.memref_slice %arg7[%dma_wait3A_264, %dma_wait3A_265] : memref<16x128xi32, #tpu.memory_space<vmem>> -> memref<1x128xi32, #tpu.memory_space<vmem>>
      %dma_wait3A_267 = tpu.memref_squeeze %dma_wait3A_266 : memref<1x128xi32, #tpu.memory_space<vmem>> -> memref<128xi32, #tpu.memory_space<vmem>>
      %dma_wait3A_268 = arith.constant 0 : i32
      %dma_wait3A_269 = arith.constant 0 : i32
      %dma_wait3A_270 = tpu.memref_slice %arg2[%dma_wait3A_268, %dma_wait3A_269] : memref<20000x128xf32, #tpu.memory_space<hbm>> -> memref<20000x128xf32, #tpu.memory_space<hbm>>
      tpu.wait_indirect_dma semaphore(%arg13 : memref<!tpu.dma_semaphore, #tpu.memory_space<semaphore_mem>>) src(%dma_wait3A_270 : memref<20000x128xf32, #tpu.memory_space<hbm>>) dst(%arg10 : memref<128x128xf32, #tpu.memory_space<vmem>>)
      %run_scoped3A_271 = arith.constant 15 : i32
      "tpu.region"() ({
        %run_scoped3A_272 = tpu.sem_alloc : memref<!tpu.dma_semaphore, #tpu.memory_space<semaphore_mem>>
        %dma_start3A_273 = arith.constant 0 : i32
        %dma_start3A_274 = tpu.memref_slice %arg8[%run_scoped3A_271, %dma_start3A_273] : memref<16x128xi32, #tpu.memory_space<vmem>> -> memref<1x128xi32, #tpu.memory_space<vmem>>
        %dma_start3A_275 = tpu.memref_squeeze %dma_start3A_274 : memref<1x128xi32, #tpu.memory_space<vmem>> -> memref<128xi32, #tpu.memory_space<vmem>>
        %dma_start3A_276 = arith.constant 0 : i32
        %dma_start3A_277 = arith.constant 0 : i32
        %dma_start3A_278 = tpu.memref_slice %arg11[%dma_start3A_276, %dma_start3A_277] : memref<10240x128xf32, #tpu.memory_space<vmem_shared>> -> memref<10240x128xf32, #tpu.memory_space<vmem_shared>>
        tpu.enqueue_indirect_dma source(%arg10 : memref<128x128xf32, #tpu.memory_space<vmem>>) target(%dma_start3A_278 : memref<10240x128xf32, #tpu.memory_space<vmem_shared>>) offsets(%dma_start3A_275 : memref<128xi32, #tpu.memory_space<vmem>>) semaphore(%run_scoped3A_272 : memref<!tpu.dma_semaphore, #tpu.memory_space<semaphore_mem>>) {add = true}
        %dma_wait3A_279 = arith.constant 0 : i32
        %dma_wait3A_280 = tpu.memref_slice %arg8[%run_scoped3A_271, %dma_wait3A_279] : memref<16x128xi32, #tpu.memory_space<vmem>> -> memref<1x128xi32, #tpu.memory_space<vmem>>
        %dma_wait3A_281 = tpu.memref_squeeze %dma_wait3A_280 : memref<1x128xi32, #tpu.memory_space<vmem>> -> memref<128xi32, #tpu.memory_space<vmem>>
        %dma_wait3A_282 = arith.constant 0 : i32
        %dma_wait3A_283 = arith.constant 0 : i32
        %dma_wait3A_284 = tpu.memref_slice %arg11[%dma_wait3A_282, %dma_wait3A_283] : memref<10240x128xf32, #tpu.memory_space<vmem_shared>> -> memref<10240x128xf32, #tpu.memory_space<vmem_shared>>
        tpu.wait_indirect_dma semaphore(%run_scoped3A_272 : memref<!tpu.dma_semaphore, #tpu.memory_space<semaphore_mem>>) src(%arg10 : memref<128x128xf32, #tpu.memory_space<vmem>>) dst(%dma_wait3A_284 : memref<10240x128xf32, #tpu.memory_space<vmem_shared>>)
        tpu.yield
      }) : () -> ()
    }
    %scan3A_25 = arith.constant 5 : i32
    %barrier3A_26 = arith.constant 0 : index
    tpu.barrier barrier_id(%barrier3A_26)
    %mul3A_27 = arith.constant 640 : i32
    %mul3A_28 = arith.muli %arg1, %mul3A_27 : i32
    %mul3A_29 = arith.constant 640 : i32
    %mul3A_30 = arith.muli %arg1, %mul3A_29 : i32
    "tpu.region"() ({
      %run_scoped3A = tpu.sem_alloc : memref<!tpu.dma_semaphore, #tpu.memory_space<semaphore_mem>>
      %dma_start3A = arith.constant 0 : i32
      %dma_start3A_31 = tpu.memref_slice %arg6[%arg0, %mul3A_30, %dma_start3A] : memref<2x10240x128xf32, #tpu.memory_space<hbm>> -> memref<1x640x128xf32, #tpu.memory_space<hbm>>
      %dma_start3A_32 = tpu.memref_squeeze %dma_start3A_31 : memref<1x640x128xf32, #tpu.memory_space<hbm>> -> memref<640x128xf32, #tpu.memory_space<hbm>>
      %dma_start3A_33 = arith.constant 0 : i32
      %dma_start3A_34 = tpu.memref_slice %arg11[%mul3A_28, %dma_start3A_33] : memref<10240x128xf32, #tpu.memory_space<vmem_shared>> -> memref<640x128xf32, #tpu.memory_space<vmem_shared>>
      tpu.enqueue_dma source(%dma_start3A_34 : memref<640x128xf32, #tpu.memory_space<vmem_shared>>) target(%dma_start3A_32 : memref<640x128xf32, #tpu.memory_space<hbm>>) target_semaphore(%run_scoped3A : memref<!tpu.dma_semaphore, #tpu.memory_space<semaphore_mem>>)
      %dma_wait3A = arith.constant 0 : i32
      %dma_wait3A_35 = tpu.memref_slice %arg6[%arg0, %mul3A_30, %dma_wait3A] : memref<2x10240x128xf32, #tpu.memory_space<hbm>> -> memref<1x640x128xf32, #tpu.memory_space<hbm>>
      %dma_wait3A_36 = tpu.memref_squeeze %dma_wait3A_35 : memref<1x640x128xf32, #tpu.memory_space<hbm>> -> memref<640x128xf32, #tpu.memory_space<hbm>>
      %dma_wait3A_37 = arith.constant 0 : i32
      %dma_wait3A_38 = tpu.memref_slice %arg11[%mul3A_28, %dma_wait3A_37] : memref<10240x128xf32, #tpu.memory_space<vmem_shared>> -> memref<640x128xf32, #tpu.memory_space<vmem_shared>>
      tpu.wait_dma2 semaphore(%run_scoped3A : memref<!tpu.dma_semaphore, #tpu.memory_space<semaphore_mem>>) src(%dma_wait3A_38 : memref<640x128xf32, #tpu.memory_space<vmem_shared>>) dst(%dma_wait3A_36 : memref<640x128xf32, #tpu.memory_space<hbm>>)
      tpu.yield
    }) : () -> ()
    return
  }
}

#map = affine_map<(d0, d1) -> (0, 0)>
#map1 = affine_map<(d0, d1) -> (0, 0, 0)>
module attributes {stable_mosaic.version = 14 : i64} {
  func.func @_sc_scatter_body(%arg0: i32, %arg1: i32, %arg2: memref<20000x128xf32, #tpu.memory_space<hbm>>, %arg3: memref<2560x128xi32, #tpu.memory_space<hbm>>, %arg4: memref<2560x128xi32, #tpu.memory_space<hbm>>, %arg5: memref<640x128xf32, #tpu.memory_space<hbm>>, %arg6: memref<2x10240x128xf32, #tpu.memory_space<hbm>>, %arg7: memref<16x128xi32, #tpu.memory_space<vmem>>, %arg8: memref<16x128xi32, #tpu.memory_space<vmem>>, %arg9: memref<128x128xf32, #tpu.memory_space<vmem>>, %arg10: memref<128x128xf32, #tpu.memory_space<vmem>>, %arg11: memref<10240x128xf32, #tpu.memory_space<vmem_shared>>, %arg12: memref<!tpu.dma_semaphore, #tpu.memory_space<semaphore_mem>>, %arg13: memref<!tpu.dma_semaphore, #tpu.memory_space<semaphore_mem>>) attributes {dimension_semantics = [#tpu.dimension_semantics<core_parallel>, #tpu.dimension_semantics<subcore_parallel>], iteration_bounds = array<i64: 2, 16>, scalar_prefetch = 0 : i64, scratch_operands = 7 : i64, tpu.core_type = #tpu.core_type<sc_vector_subcore>, window_params = [{transform_indices = #map}, {transform_indices = #map}, {transform_indices = #map}, {transform_indices = #map}, {transform_indices = #map1}]} {
    %mul3A = arith.constant 640 : i32
    %mul3A_0 = arith.muli %arg1, %mul3A : i32
    "tpu.region"() ({
      %run_scoped3A = tpu.sem_alloc : memref<!tpu.dma_semaphore, #tpu.memory_space<semaphore_mem>>
      %dma_start3A = arith.constant 0 : i32
      %dma_start3A_31 = tpu.memref_slice %arg11[%mul3A_0, %dma_start3A] : memref<10240x128xf32, #tpu.memory_space<vmem_shared>> -> memref<640x128xf32, #tpu.memory_space<vmem_shared>>
      tpu.enqueue_dma source(%arg5 : memref<640x128xf32, #tpu.memory_space<hbm>>) target(%dma_start3A_31 : memref<640x128xf32, #tpu.memory_space<vmem_shared>>) target_semaphore(%run_scoped3A : memref<!tpu.dma_semaphore, #tpu.memory_space<semaphore_mem>>)
      %dma_wait3A = arith.constant 0 : i32
      %dma_wait3A_32 = tpu.memref_slice %arg11[%mul3A_0, %dma_wait3A] : memref<10240x128xf32, #tpu.memory_space<vmem_shared>> -> memref<640x128xf32, #tpu.memory_space<vmem_shared>>
      tpu.wait_dma2 semaphore(%run_scoped3A : memref<!tpu.dma_semaphore, #tpu.memory_space<semaphore_mem>>) src(%arg5 : memref<640x128xf32, #tpu.memory_space<hbm>>) dst(%dma_wait3A_32 : memref<640x128xf32, #tpu.memory_space<vmem_shared>>)
      tpu.yield
    }) : () -> ()
    %barrier3A = arith.constant 0 : index
    tpu.barrier barrier_id(%barrier3A)
    %mul3A_1 = arith.constant 163840 : i32
    %mul3A_2 = arith.muli %arg0, %mul3A_1 : i32
    %mul3A_3 = arith.constant 10240 : i32
    %mul3A_4 = arith.muli %arg1, %mul3A_3 : i32
    %add3A = arith.addi %mul3A_2, %mul3A_4 : i32
    %jit3A = arith.constant 128 : i32
    %div3A = arith.divsi %add3A, %jit3A : i32
    %sign3A = arith.constant 0 : i32
    %sign3A_5 = arith.cmpi sgt, %add3A, %sign3A : i32
    %sign3A_6 = arith.extui %sign3A_5 : i1 to i32
    %sign3A_7 = arith.constant 0 : i32
    %sign3A_8 = arith.cmpi slt, %add3A, %sign3A_7 : i32
    %sign3A_9 = arith.extui %sign3A_8 : i1 to i32
    %sign3A_10 = arith.subi %sign3A_6, %sign3A_9 : i32
    %sign3A_11 = arith.constant 0 : i32
    %sign3A_12 = arith.cmpi sgt, %jit3A, %sign3A_11 : i32
    %sign3A_13 = arith.extui %sign3A_12 : i1 to i32
    %sign3A_14 = arith.constant 0 : i32
    %sign3A_15 = arith.cmpi slt, %jit3A, %sign3A_14 : i32
    %sign3A_16 = arith.extui %sign3A_15 : i1 to i32
    %sign3A_17 = arith.subi %sign3A_13, %sign3A_16 : i32
    %ne3A = arith.cmpi ne, %sign3A_10, %sign3A_17 : i32
    %rem3A = arith.remsi %add3A, %jit3A : i32
    %ne3A_18 = arith.constant 0 : i32
    %ne3A_19 = arith.cmpi ne, %rem3A, %ne3A_18 : i32
    %and3A = arith.andi %ne3A, %ne3A_19 : i1
    %sub3A = arith.constant 1 : i32
    %sub3A_20 = arith.subi %div3A, %sub3A : i32
    %select_n3A = arith.select %and3A, %sub3A_20, %div3A : i32
    %scan3A = arith.constant 0 : i32
    %scan3A_21 = arith.constant 0 : i32
    %scan3A_22 = arith.constant 5 : i32
    %scan3A_23 = arith.addi %scan3A_21, %scan3A_22 : i32
    %scan3A_24 = arith.constant 1 : i32
    scf.for %scan3A_31 = %scan3A_21 to %scan3A_23 step %scan3A_24  : i32 {
      %mul3A_32 = arith.constant 16 : i32
      %mul3A_33 = arith.muli %scan3A_31, %mul3A_32 : i32
      %add3A_34 = arith.addi %select_n3A, %mul3A_33 : i32
      %multiple_of3A = tpu.assume_multiple %add3A_34, 16 : i32
      "tpu.region"() ({
        %run_scoped3A_272 = tpu.sem_alloc : memref<!tpu.dma_semaphore, #tpu.memory_space<semaphore_mem>>
        %dma_start3A_273 = arith.constant 0 : i32
        %dma_start3A_274 = tpu.memref_slice %arg3[%multiple_of3A, %dma_start3A_273] : memref<2560x128xi32, #tpu.memory_space<hbm>> -> memref<16x128xi32, #tpu.memory_space<hbm>>
        %dma_start3A_275 = arith.constant 0 : i32
        %dma_start3A_276 = tpu.memref_slice %arg3[%multiple_of3A, %dma_start3A_275] : memref<2560x128xi32, #tpu.memory_space<hbm>> -> memref<16x128xi32, #tpu.memory_space<hbm>>
        tpu.enqueue_dma source(%dma_start3A_276 : memref<16x128xi32, #tpu.memory_space<hbm>>) target(%arg7 : memref<16x128xi32, #tpu.memory_space<vmem>>) target_semaphore(%run_scoped3A_272 : memref<!tpu.dma_semaphore, #tpu.memory_space<semaphore_mem>>)
        %dma_wait3A_277 = arith.constant 0 : i32
        %dma_wait3A_278 = tpu.memref_slice %arg3[%multiple_of3A, %dma_wait3A_277] : memref<2560x128xi32, #tpu.memory_space<hbm>> -> memref<16x128xi32, #tpu.memory_space<hbm>>
        %dma_wait3A_279 = arith.constant 0 : i32
        %dma_wait3A_280 = tpu.memref_slice %arg3[%multiple_of3A, %dma_wait3A_279] : memref<2560x128xi32, #tpu.memory_space<hbm>> -> memref<16x128xi32, #tpu.memory_space<hbm>>
        tpu.wait_dma2 semaphore(%run_scoped3A_272 : memref<!tpu.dma_semaphore, #tpu.memory_space<semaphore_mem>>) src(%dma_wait3A_280 : memref<16x128xi32, #tpu.memory_space<hbm>>) dst(%arg7 : memref<16x128xi32, #tpu.memory_space<vmem>>)
        tpu.yield
      }) : () -> ()
      "tpu.region"() ({
        %run_scoped3A_272 = tpu.sem_alloc : memref<!tpu.dma_semaphore, #tpu.memory_space<semaphore_mem>>
        %dma_start3A_273 = arith.constant 0 : i32
        %dma_start3A_274 = tpu.memref_slice %arg4[%multiple_of3A, %dma_start3A_273] : memref<2560x128xi32, #tpu.memory_space<hbm>> -> memref<16x128xi32, #tpu.memory_space<hbm>>
        %dma_start3A_275 = arith.constant 0 : i32
        %dma_start3A_276 = tpu.memref_slice %arg4[%multiple_of3A, %dma_start3A_275] : memref<2560x128xi32, #tpu.memory_space<hbm>> -> memref<16x128xi32, #tpu.memory_space<hbm>>
        tpu.enqueue_dma source(%dma_start3A_276 : memref<16x128xi32, #tpu.memory_space<hbm>>) target(%arg8 : memref<16x128xi32, #tpu.memory_space<vmem>>) target_semaphore(%run_scoped3A_272 : memref<!tpu.dma_semaphore, #tpu.memory_space<semaphore_mem>>)
        %dma_wait3A_277 = arith.constant 0 : i32
        %dma_wait3A_278 = tpu.memref_slice %arg4[%multiple_of3A, %dma_wait3A_277] : memref<2560x128xi32, #tpu.memory_space<hbm>> -> memref<16x128xi32, #tpu.memory_space<hbm>>
        %dma_wait3A_279 = arith.constant 0 : i32
        %dma_wait3A_280 = tpu.memref_slice %arg4[%multiple_of3A, %dma_wait3A_279] : memref<2560x128xi32, #tpu.memory_space<hbm>> -> memref<16x128xi32, #tpu.memory_space<hbm>>
        tpu.wait_dma2 semaphore(%run_scoped3A_272 : memref<!tpu.dma_semaphore, #tpu.memory_space<semaphore_mem>>) src(%dma_wait3A_280 : memref<16x128xi32, #tpu.memory_space<hbm>>) dst(%arg8 : memref<16x128xi32, #tpu.memory_space<vmem>>)
        tpu.yield
      }) : () -> ()
      %dma_start3A = arith.constant 0 : i32
      %dma_start3A_35 = arith.constant 0 : i32
      %dma_start3A_36 = tpu.memref_slice %arg7[%dma_start3A, %dma_start3A_35] : memref<16x128xi32, #tpu.memory_space<vmem>> -> memref<1x128xi32, #tpu.memory_space<vmem>>
      %dma_start3A_37 = tpu.memref_squeeze %dma_start3A_36 : memref<1x128xi32, #tpu.memory_space<vmem>> -> memref<128xi32, #tpu.memory_space<vmem>>
      %dma_start3A_38 = arith.constant 0 : i32
      %dma_start3A_39 = arith.constant 0 : i32
      %dma_start3A_40 = tpu.memref_slice %arg2[%dma_start3A_38, %dma_start3A_39] : memref<20000x128xf32, #tpu.memory_space<hbm>> -> memref<20000x128xf32, #tpu.memory_space<hbm>>
      tpu.enqueue_indirect_dma source(%dma_start3A_40 : memref<20000x128xf32, #tpu.memory_space<hbm>>) target(%arg9 : memref<128x128xf32, #tpu.memory_space<vmem>>) offsets(%dma_start3A_37 : memref<128xi32, #tpu.memory_space<vmem>>) semaphore(%arg12 : memref<!tpu.dma_semaphore, #tpu.memory_space<semaphore_mem>>)
      %dma_start3A_41 = arith.constant 1 : i32
      %dma_start3A_42 = arith.constant 0 : i32
      %dma_start3A_43 = tpu.memref_slice %arg7[%dma_start3A_41, %dma_start3A_42] : memref<16x128xi32, #tpu.memory_space<vmem>> -> memref<1x128xi32, #tpu.memory_space<vmem>>
      %dma_start3A_44 = tpu.memref_squeeze %dma_start3A_43 : memref<1x128xi32, #tpu.memory_space<vmem>> -> memref<128xi32, #tpu.memory_space<vmem>>
      %dma_start3A_45 = arith.constant 0 : i32
      %dma_start3A_46 = arith.constant 0 : i32
      %dma_start3A_47 = tpu.memref_slice %arg2[%dma_start3A_45, %dma_start3A_46] : memref<20000x128xf32, #tpu.memory_space<hbm>> -> memref<20000x128xf32, #tpu.memory_space<hbm>>
      tpu.enqueue_indirect_dma source(%dma_start3A_47 : memref<20000x128xf32, #tpu.memory_space<hbm>>) target(%arg10 : memref<128x128xf32, #tpu.memory_space<vmem>>) offsets(%dma_start3A_44 : memref<128xi32, #tpu.memory_space<vmem>>) semaphore(%arg13 : memref<!tpu.dma_semaphore, #tpu.memory_space<semaphore_mem>>)
      %dma_wait3A = arith.constant 0 : i32
      %dma_wait3A_48 = arith.constant 0 : i32
      %dma_wait3A_49 = tpu.memref_slice %arg7[%dma_wait3A, %dma_wait3A_48] : memref<16x128xi32, #tpu.memory_space<vmem>> -> memref<1x128xi32, #tpu.memory_space<vmem>>
      %dma_wait3A_50 = tpu.memref_squeeze %dma_wait3A_49 : memref<1x128xi32, #tpu.memory_space<vmem>> -> memref<128xi32, #tpu.memory_space<vmem>>
      %dma_wait3A_51 = arith.constant 0 : i32
      %dma_wait3A_52 = arith.constant 0 : i32
      %dma_wait3A_53 = tpu.memref_slice %arg2[%dma_wait3A_51, %dma_wait3A_52] : memref<20000x128xf32, #tpu.memory_space<hbm>> -> memref<20000x128xf32, #tpu.memory_space<hbm>>
      tpu.wait_indirect_dma semaphore(%arg12 : memref<!tpu.dma_semaphore, #tpu.memory_space<semaphore_mem>>) src(%dma_wait3A_53 : memref<20000x128xf32, #tpu.memory_space<hbm>>) dst(%arg9 : memref<128x128xf32, #tpu.memory_space<vmem>>)
      %run_scoped3A = arith.constant 0 : i32
      "tpu.region"() ({
        %run_scoped3A_272 = tpu.sem_alloc : memref<!tpu.dma_semaphore, #tpu.memory_space<semaphore_mem>>
        %dma_start3A_273 = arith.constant 0 : i32
        %dma_start3A_274 = tpu.memref_slice %arg8[%run_scoped3A, %dma_start3A_273] : memref<16x128xi32, #tpu.memory_space<vmem>> -> memref<1x128xi32, #tpu.memory_space<vmem>>
        %dma_start3A_275 = tpu.memref_squeeze %dma_start3A_274 : memref<1x128xi32, #tpu.memory_space<vmem>> -> memref<128xi32, #tpu.memory_space<vmem>>
        %dma_start3A_276 = arith.constant 0 : i32
        %dma_start3A_277 = arith.constant 0 : i32
        %dma_start3A_278 = tpu.memref_slice %arg11[%dma_start3A_276, %dma_start3A_277] : memref<10240x128xf32, #tpu.memory_space<vmem_shared>> -> memref<10240x128xf32, #tpu.memory_space<vmem_shared>>
        tpu.enqueue_indirect_dma source(%arg9 : memref<128x128xf32, #tpu.memory_space<vmem>>) target(%dma_start3A_278 : memref<10240x128xf32, #tpu.memory_space<vmem_shared>>) offsets(%dma_start3A_275 : memref<128xi32, #tpu.memory_space<vmem>>) semaphore(%run_scoped3A_272 : memref<!tpu.dma_semaphore, #tpu.memory_space<semaphore_mem>>) {add = true}
        %dma_wait3A_279 = arith.constant 0 : i32
        %dma_wait3A_280 = tpu.memref_slice %arg8[%run_scoped3A, %dma_wait3A_279] : memref<16x128xi32, #tpu.memory_space<vmem>> -> memref<1x128xi32, #tpu.memory_space<vmem>>
        %dma_wait3A_281 = tpu.memref_squeeze %dma_wait3A_280 : memref<1x128xi32, #tpu.memory_space<vmem>> -> memref<128xi32, #tpu.memory_space<vmem>>
        %dma_wait3A_282 = arith.constant 0 : i32
        %dma_wait3A_283 = arith.constant 0 : i32
        %dma_wait3A_284 = tpu.memref_slice %arg11[%dma_wait3A_282, %dma_wait3A_283] : memref<10240x128xf32, #tpu.memory_space<vmem_shared>> -> memref<10240x128xf32, #tpu.memory_space<vmem_shared>>
        tpu.wait_indirect_dma semaphore(%run_scoped3A_272 : memref<!tpu.dma_semaphore, #tpu.memory_space<semaphore_mem>>) src(%arg9 : memref<128x128xf32, #tpu.memory_space<vmem>>) dst(%dma_wait3A_284 : memref<10240x128xf32, #tpu.memory_space<vmem_shared>>)
        tpu.yield
      }) : () -> ()
      %dma_start3A_54 = arith.constant 2 : i32
      %dma_start3A_55 = arith.constant 0 : i32
      %dma_start3A_56 = tpu.memref_slice %arg7[%dma_start3A_54, %dma_start3A_55] : memref<16x128xi32, #tpu.memory_space<vmem>> -> memref<1x128xi32, #tpu.memory_space<vmem>>
      %dma_start3A_57 = tpu.memref_squeeze %dma_start3A_56 : memref<1x128xi32, #tpu.memory_space<vmem>> -> memref<128xi32, #tpu.memory_space<vmem>>
      %dma_start3A_58 = arith.constant 0 : i32
      %dma_start3A_59 = arith.constant 0 : i32
      %dma_start3A_60 = tpu.memref_slice %arg2[%dma_start3A_58, %dma_start3A_59] : memref<20000x128xf32, #tpu.memory_space<hbm>> -> memref<20000x128xf32, #tpu.memory_space<hbm>>
      tpu.enqueue_indirect_dma source(%dma_start3A_60 : memref<20000x128xf32, #tpu.memory_space<hbm>>) target(%arg9 : memref<128x128xf32, #tpu.memory_space<vmem>>) offsets(%dma_start3A_57 : memref<128xi32, #tpu.memory_space<vmem>>) semaphore(%arg12 : memref<!tpu.dma_semaphore, #tpu.memory_space<semaphore_mem>>)
      %dma_wait3A_61 = arith.constant 1 : i32
      %dma_wait3A_62 = arith.constant 0 : i32
      %dma_wait3A_63 = tpu.memref_slice %arg7[%dma_wait3A_61, %dma_wait3A_62] : memref<16x128xi32, #tpu.memory_space<vmem>> -> memref<1x128xi32, #tpu.memory_space<vmem>>
      %dma_wait3A_64 = tpu.memref_squeeze %dma_wait3A_63 : memref<1x128xi32, #tpu.memory_space<vmem>> -> memref<128xi32, #tpu.memory_space<vmem>>
      %dma_wait3A_65 = arith.constant 0 : i32
      %dma_wait3A_66 = arith.constant 0 : i32
      %dma_wait3A_67 = tpu.memref_slice %arg2[%dma_wait3A_65, %dma_wait3A_66] : memref<20000x128xf32, #tpu.memory_space<hbm>> -> memref<20000x128xf32, #tpu.memory_space<hbm>>
      tpu.wait_indirect_dma semaphore(%arg13 : memref<!tpu.dma_semaphore, #tpu.memory_space<semaphore_mem>>) src(%dma_wait3A_67 : memref<20000x128xf32, #tpu.memory_space<hbm>>) dst(%arg10 : memref<128x128xf32, #tpu.memory_space<vmem>>)
      %run_scoped3A_68 = arith.constant 1 : i32
      "tpu.region"() ({
        %run_scoped3A_272 = tpu.sem_alloc : memref<!tpu.dma_semaphore, #tpu.memory_space<semaphore_mem>>
        %dma_start3A_273 = arith.constant 0 : i32
        %dma_start3A_274 = tpu.memref_slice %arg8[%run_scoped3A_68, %dma_start3A_273] : memref<16x128xi32, #tpu.memory_space<vmem>> -> memref<1x128xi32, #tpu.memory_space<vmem>>
        %dma_start3A_275 = tpu.memref_squeeze %dma_start3A_274 : memref<1x128xi32, #tpu.memory_space<vmem>> -> memref<128xi32, #tpu.memory_space<vmem>>
        %dma_start3A_276 = arith.constant 0 : i32
        %dma_start3A_277 = arith.constant 0 : i32
        %dma_start3A_278 = tpu.memref_slice %arg11[%dma_start3A_276, %dma_start3A_277] : memref<10240x128xf32, #tpu.memory_space<vmem_shared>> -> memref<10240x128xf32, #tpu.memory_space<vmem_shared>>
        tpu.enqueue_indirect_dma source(%arg10 : memref<128x128xf32, #tpu.memory_space<vmem>>) target(%dma_start3A_278 : memref<10240x128xf32, #tpu.memory_space<vmem_shared>>) offsets(%dma_start3A_275 : memref<128xi32, #tpu.memory_space<vmem>>) semaphore(%run_scoped3A_272 : memref<!tpu.dma_semaphore, #tpu.memory_space<semaphore_mem>>) {add = true}
        %dma_wait3A_279 = arith.constant 0 : i32
        %dma_wait3A_280 = tpu.memref_slice %arg8[%run_scoped3A_68, %dma_wait3A_279] : memref<16x128xi32, #tpu.memory_space<vmem>> -> memref<1x128xi32, #tpu.memory_space<vmem>>
        %dma_wait3A_281 = tpu.memref_squeeze %dma_wait3A_280 : memref<1x128xi32, #tpu.memory_space<vmem>> -> memref<128xi32, #tpu.memory_space<vmem>>
        %dma_wait3A_282 = arith.constant 0 : i32
        %dma_wait3A_283 = arith.constant 0 : i32
        %dma_wait3A_284 = tpu.memref_slice %arg11[%dma_wait3A_282, %dma_wait3A_283] : memref<10240x128xf32, #tpu.memory_space<vmem_shared>> -> memref<10240x128xf32, #tpu.memory_space<vmem_shared>>
        tpu.wait_indirect_dma semaphore(%run_scoped3A_272 : memref<!tpu.dma_semaphore, #tpu.memory_space<semaphore_mem>>) src(%arg10 : memref<128x128xf32, #tpu.memory_space<vmem>>) dst(%dma_wait3A_284 : memref<10240x128xf32, #tpu.memory_space<vmem_shared>>)
        tpu.yield
      }) : () -> ()
      %dma_start3A_69 = arith.constant 3 : i32
      %dma_start3A_70 = arith.constant 0 : i32
      %dma_start3A_71 = tpu.memref_slice %arg7[%dma_start3A_69, %dma_start3A_70] : memref<16x128xi32, #tpu.memory_space<vmem>> -> memref<1x128xi32, #tpu.memory_space<vmem>>
      %dma_start3A_72 = tpu.memref_squeeze %dma_start3A_71 : memref<1x128xi32, #tpu.memory_space<vmem>> -> memref<128xi32, #tpu.memory_space<vmem>>
      %dma_start3A_73 = arith.constant 0 : i32
      %dma_start3A_74 = arith.constant 0 : i32
      %dma_start3A_75 = tpu.memref_slice %arg2[%dma_start3A_73, %dma_start3A_74] : memref<20000x128xf32, #tpu.memory_space<hbm>> -> memref<20000x128xf32, #tpu.memory_space<hbm>>
      tpu.enqueue_indirect_dma source(%dma_start3A_75 : memref<20000x128xf32, #tpu.memory_space<hbm>>) target(%arg10 : memref<128x128xf32, #tpu.memory_space<vmem>>) offsets(%dma_start3A_72 : memref<128xi32, #tpu.memory_space<vmem>>) semaphore(%arg13 : memref<!tpu.dma_semaphore, #tpu.memory_space<semaphore_mem>>)
      %dma_wait3A_76 = arith.constant 2 : i32
      %dma_wait3A_77 = arith.constant 0 : i32
      %dma_wait3A_78 = tpu.memref_slice %arg7[%dma_wait3A_76, %dma_wait3A_77] : memref<16x128xi32, #tpu.memory_space<vmem>> -> memref<1x128xi32, #tpu.memory_space<vmem>>
      %dma_wait3A_79 = tpu.memref_squeeze %dma_wait3A_78 : memref<1x128xi32, #tpu.memory_space<vmem>> -> memref<128xi32, #tpu.memory_space<vmem>>
      %dma_wait3A_80 = arith.constant 0 : i32
      %dma_wait3A_81 = arith.constant 0 : i32
      %dma_wait3A_82 = tpu.memref_slice %arg2[%dma_wait3A_80, %dma_wait3A_81] : memref<20000x128xf32, #tpu.memory_space<hbm>> -> memref<20000x128xf32, #tpu.memory_space<hbm>>
      tpu.wait_indirect_dma semaphore(%arg12 : memref<!tpu.dma_semaphore, #tpu.memory_space<semaphore_mem>>) src(%dma_wait3A_82 : memref<20000x128xf32, #tpu.memory_space<hbm>>) dst(%arg9 : memref<128x128xf32, #tpu.memory_space<vmem>>)
      %run_scoped3A_83 = arith.constant 2 : i32
      "tpu.region"() ({
        %run_scoped3A_272 = tpu.sem_alloc : memref<!tpu.dma_semaphore, #tpu.memory_space<semaphore_mem>>
        %dma_start3A_273 = arith.constant 0 : i32
        %dma_start3A_274 = tpu.memref_slice %arg8[%run_scoped3A_83, %dma_start3A_273] : memref<16x128xi32, #tpu.memory_space<vmem>> -> memref<1x128xi32, #tpu.memory_space<vmem>>
        %dma_start3A_275 = tpu.memref_squeeze %dma_start3A_274 : memref<1x128xi32, #tpu.memory_space<vmem>> -> memref<128xi32, #tpu.memory_space<vmem>>
        %dma_start3A_276 = arith.constant 0 : i32
        %dma_start3A_277 = arith.constant 0 : i32
        %dma_start3A_278 = tpu.memref_slice %arg11[%dma_start3A_276, %dma_start3A_277] : memref<10240x128xf32, #tpu.memory_space<vmem_shared>> -> memref<10240x128xf32, #tpu.memory_space<vmem_shared>>
        tpu.enqueue_indirect_dma source(%arg9 : memref<128x128xf32, #tpu.memory_space<vmem>>) target(%dma_start3A_278 : memref<10240x128xf32, #tpu.memory_space<vmem_shared>>) offsets(%dma_start3A_275 : memref<128xi32, #tpu.memory_space<vmem>>) semaphore(%run_scoped3A_272 : memref<!tpu.dma_semaphore, #tpu.memory_space<semaphore_mem>>) {add = true}
        %dma_wait3A_279 = arith.constant 0 : i32
        %dma_wait3A_280 = tpu.memref_slice %arg8[%run_scoped3A_83, %dma_wait3A_279] : memref<16x128xi32, #tpu.memory_space<vmem>> -> memref<1x128xi32, #tpu.memory_space<vmem>>
        %dma_wait3A_281 = tpu.memref_squeeze %dma_wait3A_280 : memref<1x128xi32, #tpu.memory_space<vmem>> -> memref<128xi32, #tpu.memory_space<vmem>>
        %dma_wait3A_282 = arith.constant 0 : i32
        %dma_wait3A_283 = arith.constant 0 : i32
        %dma_wait3A_284 = tpu.memref_slice %arg11[%dma_wait3A_282, %dma_wait3A_283] : memref<10240x128xf32, #tpu.memory_space<vmem_shared>> -> memref<10240x128xf32, #tpu.memory_space<vmem_shared>>
        tpu.wait_indirect_dma semaphore(%run_scoped3A_272 : memref<!tpu.dma_semaphore, #tpu.memory_space<semaphore_mem>>) src(%arg9 : memref<128x128xf32, #tpu.memory_space<vmem>>) dst(%dma_wait3A_284 : memref<10240x128xf32, #tpu.memory_space<vmem_shared>>)
        tpu.yield
      }) : () -> ()
      %dma_start3A_84 = arith.constant 4 : i32
      %dma_start3A_85 = arith.constant 0 : i32
      %dma_start3A_86 = tpu.memref_slice %arg7[%dma_start3A_84, %dma_start3A_85] : memref<16x128xi32, #tpu.memory_space<vmem>> -> memref<1x128xi32, #tpu.memory_space<vmem>>
      %dma_start3A_87 = tpu.memref_squeeze %dma_start3A_86 : memref<1x128xi32, #tpu.memory_space<vmem>> -> memref<128xi32, #tpu.memory_space<vmem>>
      %dma_start3A_88 = arith.constant 0 : i32
      %dma_start3A_89 = arith.constant 0 : i32
      %dma_start3A_90 = tpu.memref_slice %arg2[%dma_start3A_88, %dma_start3A_89] : memref<20000x128xf32, #tpu.memory_space<hbm>> -> memref<20000x128xf32, #tpu.memory_space<hbm>>
      tpu.enqueue_indirect_dma source(%dma_start3A_90 : memref<20000x128xf32, #tpu.memory_space<hbm>>) target(%arg9 : memref<128x128xf32, #tpu.memory_space<vmem>>) offsets(%dma_start3A_87 : memref<128xi32, #tpu.memory_space<vmem>>) semaphore(%arg12 : memref<!tpu.dma_semaphore, #tpu.memory_space<semaphore_mem>>)
      %dma_wait3A_91 = arith.constant 3 : i32
      %dma_wait3A_92 = arith.constant 0 : i32
      %dma_wait3A_93 = tpu.memref_slice %arg7[%dma_wait3A_91, %dma_wait3A_92] : memref<16x128xi32, #tpu.memory_space<vmem>> -> memref<1x128xi32, #tpu.memory_space<vmem>>
      %dma_wait3A_94 = tpu.memref_squeeze %dma_wait3A_93 : memref<1x128xi32, #tpu.memory_space<vmem>> -> memref<128xi32, #tpu.memory_space<vmem>>
      %dma_wait3A_95 = arith.constant 0 : i32
      %dma_wait3A_96 = arith.constant 0 : i32
      %dma_wait3A_97 = tpu.memref_slice %arg2[%dma_wait3A_95, %dma_wait3A_96] : memref<20000x128xf32, #tpu.memory_space<hbm>> -> memref<20000x128xf32, #tpu.memory_space<hbm>>
      tpu.wait_indirect_dma semaphore(%arg13 : memref<!tpu.dma_semaphore, #tpu.memory_space<semaphore_mem>>) src(%dma_wait3A_97 : memref<20000x128xf32, #tpu.memory_space<hbm>>) dst(%arg10 : memref<128x128xf32, #tpu.memory_space<vmem>>)
      %run_scoped3A_98 = arith.constant 3 : i32
      "tpu.region"() ({
        %run_scoped3A_272 = tpu.sem_alloc : memref<!tpu.dma_semaphore, #tpu.memory_space<semaphore_mem>>
        %dma_start3A_273 = arith.constant 0 : i32
        %dma_start3A_274 = tpu.memref_slice %arg8[%run_scoped3A_98, %dma_start3A_273] : memref<16x128xi32, #tpu.memory_space<vmem>> -> memref<1x128xi32, #tpu.memory_space<vmem>>
        %dma_start3A_275 = tpu.memref_squeeze %dma_start3A_274 : memref<1x128xi32, #tpu.memory_space<vmem>> -> memref<128xi32, #tpu.memory_space<vmem>>
        %dma_start3A_276 = arith.constant 0 : i32
        %dma_start3A_277 = arith.constant 0 : i32
        %dma_start3A_278 = tpu.memref_slice %arg11[%dma_start3A_276, %dma_start3A_277] : memref<10240x128xf32, #tpu.memory_space<vmem_shared>> -> memref<10240x128xf32, #tpu.memory_space<vmem_shared>>
        tpu.enqueue_indirect_dma source(%arg10 : memref<128x128xf32, #tpu.memory_space<vmem>>) target(%dma_start3A_278 : memref<10240x128xf32, #tpu.memory_space<vmem_shared>>) offsets(%dma_start3A_275 : memref<128xi32, #tpu.memory_space<vmem>>) semaphore(%run_scoped3A_272 : memref<!tpu.dma_semaphore, #tpu.memory_space<semaphore_mem>>) {add = true}
        %dma_wait3A_279 = arith.constant 0 : i32
        %dma_wait3A_280 = tpu.memref_slice %arg8[%run_scoped3A_98, %dma_wait3A_279] : memref<16x128xi32, #tpu.memory_space<vmem>> -> memref<1x128xi32, #tpu.memory_space<vmem>>
        %dma_wait3A_281 = tpu.memref_squeeze %dma_wait3A_280 : memref<1x128xi32, #tpu.memory_space<vmem>> -> memref<128xi32, #tpu.memory_space<vmem>>
        %dma_wait3A_282 = arith.constant 0 : i32
        %dma_wait3A_283 = arith.constant 0 : i32
        %dma_wait3A_284 = tpu.memref_slice %arg11[%dma_wait3A_282, %dma_wait3A_283] : memref<10240x128xf32, #tpu.memory_space<vmem_shared>> -> memref<10240x128xf32, #tpu.memory_space<vmem_shared>>
        tpu.wait_indirect_dma semaphore(%run_scoped3A_272 : memref<!tpu.dma_semaphore, #tpu.memory_space<semaphore_mem>>) src(%arg10 : memref<128x128xf32, #tpu.memory_space<vmem>>) dst(%dma_wait3A_284 : memref<10240x128xf32, #tpu.memory_space<vmem_shared>>)
        tpu.yield
      }) : () -> ()
      %dma_start3A_99 = arith.constant 5 : i32
      %dma_start3A_100 = arith.constant 0 : i32
      %dma_start3A_101 = tpu.memref_slice %arg7[%dma_start3A_99, %dma_start3A_100] : memref<16x128xi32, #tpu.memory_space<vmem>> -> memref<1x128xi32, #tpu.memory_space<vmem>>
      %dma_start3A_102 = tpu.memref_squeeze %dma_start3A_101 : memref<1x128xi32, #tpu.memory_space<vmem>> -> memref<128xi32, #tpu.memory_space<vmem>>
      %dma_start3A_103 = arith.constant 0 : i32
      %dma_start3A_104 = arith.constant 0 : i32
      %dma_start3A_105 = tpu.memref_slice %arg2[%dma_start3A_103, %dma_start3A_104] : memref<20000x128xf32, #tpu.memory_space<hbm>> -> memref<20000x128xf32, #tpu.memory_space<hbm>>
      tpu.enqueue_indirect_dma source(%dma_start3A_105 : memref<20000x128xf32, #tpu.memory_space<hbm>>) target(%arg10 : memref<128x128xf32, #tpu.memory_space<vmem>>) offsets(%dma_start3A_102 : memref<128xi32, #tpu.memory_space<vmem>>) semaphore(%arg13 : memref<!tpu.dma_semaphore, #tpu.memory_space<semaphore_mem>>)
      %dma_wait3A_106 = arith.constant 4 : i32
      %dma_wait3A_107 = arith.constant 0 : i32
      %dma_wait3A_108 = tpu.memref_slice %arg7[%dma_wait3A_106, %dma_wait3A_107] : memref<16x128xi32, #tpu.memory_space<vmem>> -> memref<1x128xi32, #tpu.memory_space<vmem>>
      %dma_wait3A_109 = tpu.memref_squeeze %dma_wait3A_108 : memref<1x128xi32, #tpu.memory_space<vmem>> -> memref<128xi32, #tpu.memory_space<vmem>>
      %dma_wait3A_110 = arith.constant 0 : i32
      %dma_wait3A_111 = arith.constant 0 : i32
      %dma_wait3A_112 = tpu.memref_slice %arg2[%dma_wait3A_110, %dma_wait3A_111] : memref<20000x128xf32, #tpu.memory_space<hbm>> -> memref<20000x128xf32, #tpu.memory_space<hbm>>
      tpu.wait_indirect_dma semaphore(%arg12 : memref<!tpu.dma_semaphore, #tpu.memory_space<semaphore_mem>>) src(%dma_wait3A_112 : memref<20000x128xf32, #tpu.memory_space<hbm>>) dst(%arg9 : memref<128x128xf32, #tpu.memory_space<vmem>>)
      %run_scoped3A_113 = arith.constant 4 : i32
      "tpu.region"() ({
        %run_scoped3A_272 = tpu.sem_alloc : memref<!tpu.dma_semaphore, #tpu.memory_space<semaphore_mem>>
        %dma_start3A_273 = arith.constant 0 : i32
        %dma_start3A_274 = tpu.memref_slice %arg8[%run_scoped3A_113, %dma_start3A_273] : memref<16x128xi32, #tpu.memory_space<vmem>> -> memref<1x128xi32, #tpu.memory_space<vmem>>
        %dma_start3A_275 = tpu.memref_squeeze %dma_start3A_274 : memref<1x128xi32, #tpu.memory_space<vmem>> -> memref<128xi32, #tpu.memory_space<vmem>>
        %dma_start3A_276 = arith.constant 0 : i32
        %dma_start3A_277 = arith.constant 0 : i32
        %dma_start3A_278 = tpu.memref_slice %arg11[%dma_start3A_276, %dma_start3A_277] : memref<10240x128xf32, #tpu.memory_space<vmem_shared>> -> memref<10240x128xf32, #tpu.memory_space<vmem_shared>>
        tpu.enqueue_indirect_dma source(%arg9 : memref<128x128xf32, #tpu.memory_space<vmem>>) target(%dma_start3A_278 : memref<10240x128xf32, #tpu.memory_space<vmem_shared>>) offsets(%dma_start3A_275 : memref<128xi32, #tpu.memory_space<vmem>>) semaphore(%run_scoped3A_272 : memref<!tpu.dma_semaphore, #tpu.memory_space<semaphore_mem>>) {add = true}
        %dma_wait3A_279 = arith.constant 0 : i32
        %dma_wait3A_280 = tpu.memref_slice %arg8[%run_scoped3A_113, %dma_wait3A_279] : memref<16x128xi32, #tpu.memory_space<vmem>> -> memref<1x128xi32, #tpu.memory_space<vmem>>
        %dma_wait3A_281 = tpu.memref_squeeze %dma_wait3A_280 : memref<1x128xi32, #tpu.memory_space<vmem>> -> memref<128xi32, #tpu.memory_space<vmem>>
        %dma_wait3A_282 = arith.constant 0 : i32
        %dma_wait3A_283 = arith.constant 0 : i32
        %dma_wait3A_284 = tpu.memref_slice %arg11[%dma_wait3A_282, %dma_wait3A_283] : memref<10240x128xf32, #tpu.memory_space<vmem_shared>> -> memref<10240x128xf32, #tpu.memory_space<vmem_shared>>
        tpu.wait_indirect_dma semaphore(%run_scoped3A_272 : memref<!tpu.dma_semaphore, #tpu.memory_space<semaphore_mem>>) src(%arg9 : memref<128x128xf32, #tpu.memory_space<vmem>>) dst(%dma_wait3A_284 : memref<10240x128xf32, #tpu.memory_space<vmem_shared>>)
        tpu.yield
      }) : () -> ()
      %dma_start3A_114 = arith.constant 6 : i32
      %dma_start3A_115 = arith.constant 0 : i32
      %dma_start3A_116 = tpu.memref_slice %arg7[%dma_start3A_114, %dma_start3A_115] : memref<16x128xi32, #tpu.memory_space<vmem>> -> memref<1x128xi32, #tpu.memory_space<vmem>>
      %dma_start3A_117 = tpu.memref_squeeze %dma_start3A_116 : memref<1x128xi32, #tpu.memory_space<vmem>> -> memref<128xi32, #tpu.memory_space<vmem>>
      %dma_start3A_118 = arith.constant 0 : i32
      %dma_start3A_119 = arith.constant 0 : i32
      %dma_start3A_120 = tpu.memref_slice %arg2[%dma_start3A_118, %dma_start3A_119] : memref<20000x128xf32, #tpu.memory_space<hbm>> -> memref<20000x128xf32, #tpu.memory_space<hbm>>
      tpu.enqueue_indirect_dma source(%dma_start3A_120 : memref<20000x128xf32, #tpu.memory_space<hbm>>) target(%arg9 : memref<128x128xf32, #tpu.memory_space<vmem>>) offsets(%dma_start3A_117 : memref<128xi32, #tpu.memory_space<vmem>>) semaphore(%arg12 : memref<!tpu.dma_semaphore, #tpu.memory_space<semaphore_mem>>)
      %dma_wait3A_121 = arith.constant 5 : i32
      %dma_wait3A_122 = arith.constant 0 : i32
      %dma_wait3A_123 = tpu.memref_slice %arg7[%dma_wait3A_121, %dma_wait3A_122] : memref<16x128xi32, #tpu.memory_space<vmem>> -> memref<1x128xi32, #tpu.memory_space<vmem>>
      %dma_wait3A_124 = tpu.memref_squeeze %dma_wait3A_123 : memref<1x128xi32, #tpu.memory_space<vmem>> -> memref<128xi32, #tpu.memory_space<vmem>>
      %dma_wait3A_125 = arith.constant 0 : i32
      %dma_wait3A_126 = arith.constant 0 : i32
      %dma_wait3A_127 = tpu.memref_slice %arg2[%dma_wait3A_125, %dma_wait3A_126] : memref<20000x128xf32, #tpu.memory_space<hbm>> -> memref<20000x128xf32, #tpu.memory_space<hbm>>
      tpu.wait_indirect_dma semaphore(%arg13 : memref<!tpu.dma_semaphore, #tpu.memory_space<semaphore_mem>>) src(%dma_wait3A_127 : memref<20000x128xf32, #tpu.memory_space<hbm>>) dst(%arg10 : memref<128x128xf32, #tpu.memory_space<vmem>>)
      %run_scoped3A_128 = arith.constant 5 : i32
      "tpu.region"() ({
        %run_scoped3A_272 = tpu.sem_alloc : memref<!tpu.dma_semaphore, #tpu.memory_space<semaphore_mem>>
        %dma_start3A_273 = arith.constant 0 : i32
        %dma_start3A_274 = tpu.memref_slice %arg8[%run_scoped3A_128, %dma_start3A_273] : memref<16x128xi32, #tpu.memory_space<vmem>> -> memref<1x128xi32, #tpu.memory_space<vmem>>
        %dma_start3A_275 = tpu.memref_squeeze %dma_start3A_274 : memref<1x128xi32, #tpu.memory_space<vmem>> -> memref<128xi32, #tpu.memory_space<vmem>>
        %dma_start3A_276 = arith.constant 0 : i32
        %dma_start3A_277 = arith.constant 0 : i32
        %dma_start3A_278 = tpu.memref_slice %arg11[%dma_start3A_276, %dma_start3A_277] : memref<10240x128xf32, #tpu.memory_space<vmem_shared>> -> memref<10240x128xf32, #tpu.memory_space<vmem_shared>>
        tpu.enqueue_indirect_dma source(%arg10 : memref<128x128xf32, #tpu.memory_space<vmem>>) target(%dma_start3A_278 : memref<10240x128xf32, #tpu.memory_space<vmem_shared>>) offsets(%dma_start3A_275 : memref<128xi32, #tpu.memory_space<vmem>>) semaphore(%run_scoped3A_272 : memref<!tpu.dma_semaphore, #tpu.memory_space<semaphore_mem>>) {add = true}
        %dma_wait3A_279 = arith.constant 0 : i32
        %dma_wait3A_280 = tpu.memref_slice %arg8[%run_scoped3A_128, %dma_wait3A_279] : memref<16x128xi32, #tpu.memory_space<vmem>> -> memref<1x128xi32, #tpu.memory_space<vmem>>
        %dma_wait3A_281 = tpu.memref_squeeze %dma_wait3A_280 : memref<1x128xi32, #tpu.memory_space<vmem>> -> memref<128xi32, #tpu.memory_space<vmem>>
        %dma_wait3A_282 = arith.constant 0 : i32
        %dma_wait3A_283 = arith.constant 0 : i32
        %dma_wait3A_284 = tpu.memref_slice %arg11[%dma_wait3A_282, %dma_wait3A_283] : memref<10240x128xf32, #tpu.memory_space<vmem_shared>> -> memref<10240x128xf32, #tpu.memory_space<vmem_shared>>
        tpu.wait_indirect_dma semaphore(%run_scoped3A_272 : memref<!tpu.dma_semaphore, #tpu.memory_space<semaphore_mem>>) src(%arg10 : memref<128x128xf32, #tpu.memory_space<vmem>>) dst(%dma_wait3A_284 : memref<10240x128xf32, #tpu.memory_space<vmem_shared>>)
        tpu.yield
      }) : () -> ()
      %dma_start3A_129 = arith.constant 7 : i32
      %dma_start3A_130 = arith.constant 0 : i32
      %dma_start3A_131 = tpu.memref_slice %arg7[%dma_start3A_129, %dma_start3A_130] : memref<16x128xi32, #tpu.memory_space<vmem>> -> memref<1x128xi32, #tpu.memory_space<vmem>>
      %dma_start3A_132 = tpu.memref_squeeze %dma_start3A_131 : memref<1x128xi32, #tpu.memory_space<vmem>> -> memref<128xi32, #tpu.memory_space<vmem>>
      %dma_start3A_133 = arith.constant 0 : i32
      %dma_start3A_134 = arith.constant 0 : i32
      %dma_start3A_135 = tpu.memref_slice %arg2[%dma_start3A_133, %dma_start3A_134] : memref<20000x128xf32, #tpu.memory_space<hbm>> -> memref<20000x128xf32, #tpu.memory_space<hbm>>
      tpu.enqueue_indirect_dma source(%dma_start3A_135 : memref<20000x128xf32, #tpu.memory_space<hbm>>) target(%arg10 : memref<128x128xf32, #tpu.memory_space<vmem>>) offsets(%dma_start3A_132 : memref<128xi32, #tpu.memory_space<vmem>>) semaphore(%arg13 : memref<!tpu.dma_semaphore, #tpu.memory_space<semaphore_mem>>)
      %dma_wait3A_136 = arith.constant 6 : i32
      %dma_wait3A_137 = arith.constant 0 : i32
      %dma_wait3A_138 = tpu.memref_slice %arg7[%dma_wait3A_136, %dma_wait3A_137] : memref<16x128xi32, #tpu.memory_space<vmem>> -> memref<1x128xi32, #tpu.memory_space<vmem>>
      %dma_wait3A_139 = tpu.memref_squeeze %dma_wait3A_138 : memref<1x128xi32, #tpu.memory_space<vmem>> -> memref<128xi32, #tpu.memory_space<vmem>>
      %dma_wait3A_140 = arith.constant 0 : i32
      %dma_wait3A_141 = arith.constant 0 : i32
      %dma_wait3A_142 = tpu.memref_slice %arg2[%dma_wait3A_140, %dma_wait3A_141] : memref<20000x128xf32, #tpu.memory_space<hbm>> -> memref<20000x128xf32, #tpu.memory_space<hbm>>
      tpu.wait_indirect_dma semaphore(%arg12 : memref<!tpu.dma_semaphore, #tpu.memory_space<semaphore_mem>>) src(%dma_wait3A_142 : memref<20000x128xf32, #tpu.memory_space<hbm>>) dst(%arg9 : memref<128x128xf32, #tpu.memory_space<vmem>>)
      %run_scoped3A_143 = arith.constant 6 : i32
      "tpu.region"() ({
        %run_scoped3A_272 = tpu.sem_alloc : memref<!tpu.dma_semaphore, #tpu.memory_space<semaphore_mem>>
        %dma_start3A_273 = arith.constant 0 : i32
        %dma_start3A_274 = tpu.memref_slice %arg8[%run_scoped3A_143, %dma_start3A_273] : memref<16x128xi32, #tpu.memory_space<vmem>> -> memref<1x128xi32, #tpu.memory_space<vmem>>
        %dma_start3A_275 = tpu.memref_squeeze %dma_start3A_274 : memref<1x128xi32, #tpu.memory_space<vmem>> -> memref<128xi32, #tpu.memory_space<vmem>>
        %dma_start3A_276 = arith.constant 0 : i32
        %dma_start3A_277 = arith.constant 0 : i32
        %dma_start3A_278 = tpu.memref_slice %arg11[%dma_start3A_276, %dma_start3A_277] : memref<10240x128xf32, #tpu.memory_space<vmem_shared>> -> memref<10240x128xf32, #tpu.memory_space<vmem_shared>>
        tpu.enqueue_indirect_dma source(%arg9 : memref<128x128xf32, #tpu.memory_space<vmem>>) target(%dma_start3A_278 : memref<10240x128xf32, #tpu.memory_space<vmem_shared>>) offsets(%dma_start3A_275 : memref<128xi32, #tpu.memory_space<vmem>>) semaphore(%run_scoped3A_272 : memref<!tpu.dma_semaphore, #tpu.memory_space<semaphore_mem>>) {add = true}
        %dma_wait3A_279 = arith.constant 0 : i32
        %dma_wait3A_280 = tpu.memref_slice %arg8[%run_scoped3A_143, %dma_wait3A_279] : memref<16x128xi32, #tpu.memory_space<vmem>> -> memref<1x128xi32, #tpu.memory_space<vmem>>
        %dma_wait3A_281 = tpu.memref_squeeze %dma_wait3A_280 : memref<1x128xi32, #tpu.memory_space<vmem>> -> memref<128xi32, #tpu.memory_space<vmem>>
        %dma_wait3A_282 = arith.constant 0 : i32
        %dma_wait3A_283 = arith.constant 0 : i32
        %dma_wait3A_284 = tpu.memref_slice %arg11[%dma_wait3A_282, %dma_wait3A_283] : memref<10240x128xf32, #tpu.memory_space<vmem_shared>> -> memref<10240x128xf32, #tpu.memory_space<vmem_shared>>
        tpu.wait_indirect_dma semaphore(%run_scoped3A_272 : memref<!tpu.dma_semaphore, #tpu.memory_space<semaphore_mem>>) src(%arg9 : memref<128x128xf32, #tpu.memory_space<vmem>>) dst(%dma_wait3A_284 : memref<10240x128xf32, #tpu.memory_space<vmem_shared>>)
        tpu.yield
      }) : () -> ()
      %dma_start3A_144 = arith.constant 8 : i32
      %dma_start3A_145 = arith.constant 0 : i32
      %dma_start3A_146 = tpu.memref_slice %arg7[%dma_start3A_144, %dma_start3A_145] : memref<16x128xi32, #tpu.memory_space<vmem>> -> memref<1x128xi32, #tpu.memory_space<vmem>>
      %dma_start3A_147 = tpu.memref_squeeze %dma_start3A_146 : memref<1x128xi32, #tpu.memory_space<vmem>> -> memref<128xi32, #tpu.memory_space<vmem>>
      %dma_start3A_148 = arith.constant 0 : i32
      %dma_start3A_149 = arith.constant 0 : i32
      %dma_start3A_150 = tpu.memref_slice %arg2[%dma_start3A_148, %dma_start3A_149] : memref<20000x128xf32, #tpu.memory_space<hbm>> -> memref<20000x128xf32, #tpu.memory_space<hbm>>
      tpu.enqueue_indirect_dma source(%dma_start3A_150 : memref<20000x128xf32, #tpu.memory_space<hbm>>) target(%arg9 : memref<128x128xf32, #tpu.memory_space<vmem>>) offsets(%dma_start3A_147 : memref<128xi32, #tpu.memory_space<vmem>>) semaphore(%arg12 : memref<!tpu.dma_semaphore, #tpu.memory_space<semaphore_mem>>)
      %dma_wait3A_151 = arith.constant 7 : i32
      %dma_wait3A_152 = arith.constant 0 : i32
      %dma_wait3A_153 = tpu.memref_slice %arg7[%dma_wait3A_151, %dma_wait3A_152] : memref<16x128xi32, #tpu.memory_space<vmem>> -> memref<1x128xi32, #tpu.memory_space<vmem>>
      %dma_wait3A_154 = tpu.memref_squeeze %dma_wait3A_153 : memref<1x128xi32, #tpu.memory_space<vmem>> -> memref<128xi32, #tpu.memory_space<vmem>>
      %dma_wait3A_155 = arith.constant 0 : i32
      %dma_wait3A_156 = arith.constant 0 : i32
      %dma_wait3A_157 = tpu.memref_slice %arg2[%dma_wait3A_155, %dma_wait3A_156] : memref<20000x128xf32, #tpu.memory_space<hbm>> -> memref<20000x128xf32, #tpu.memory_space<hbm>>
      tpu.wait_indirect_dma semaphore(%arg13 : memref<!tpu.dma_semaphore, #tpu.memory_space<semaphore_mem>>) src(%dma_wait3A_157 : memref<20000x128xf32, #tpu.memory_space<hbm>>) dst(%arg10 : memref<128x128xf32, #tpu.memory_space<vmem>>)
      %run_scoped3A_158 = arith.constant 7 : i32
      "tpu.region"() ({
        %run_scoped3A_272 = tpu.sem_alloc : memref<!tpu.dma_semaphore, #tpu.memory_space<semaphore_mem>>
        %dma_start3A_273 = arith.constant 0 : i32
        %dma_start3A_274 = tpu.memref_slice %arg8[%run_scoped3A_158, %dma_start3A_273] : memref<16x128xi32, #tpu.memory_space<vmem>> -> memref<1x128xi32, #tpu.memory_space<vmem>>
        %dma_start3A_275 = tpu.memref_squeeze %dma_start3A_274 : memref<1x128xi32, #tpu.memory_space<vmem>> -> memref<128xi32, #tpu.memory_space<vmem>>
        %dma_start3A_276 = arith.constant 0 : i32
        %dma_start3A_277 = arith.constant 0 : i32
        %dma_start3A_278 = tpu.memref_slice %arg11[%dma_start3A_276, %dma_start3A_277] : memref<10240x128xf32, #tpu.memory_space<vmem_shared>> -> memref<10240x128xf32, #tpu.memory_space<vmem_shared>>
        tpu.enqueue_indirect_dma source(%arg10 : memref<128x128xf32, #tpu.memory_space<vmem>>) target(%dma_start3A_278 : memref<10240x128xf32, #tpu.memory_space<vmem_shared>>) offsets(%dma_start3A_275 : memref<128xi32, #tpu.memory_space<vmem>>) semaphore(%run_scoped3A_272 : memref<!tpu.dma_semaphore, #tpu.memory_space<semaphore_mem>>) {add = true}
        %dma_wait3A_279 = arith.constant 0 : i32
        %dma_wait3A_280 = tpu.memref_slice %arg8[%run_scoped3A_158, %dma_wait3A_279] : memref<16x128xi32, #tpu.memory_space<vmem>> -> memref<1x128xi32, #tpu.memory_space<vmem>>
        %dma_wait3A_281 = tpu.memref_squeeze %dma_wait3A_280 : memref<1x128xi32, #tpu.memory_space<vmem>> -> memref<128xi32, #tpu.memory_space<vmem>>
        %dma_wait3A_282 = arith.constant 0 : i32
        %dma_wait3A_283 = arith.constant 0 : i32
        %dma_wait3A_284 = tpu.memref_slice %arg11[%dma_wait3A_282, %dma_wait3A_283] : memref<10240x128xf32, #tpu.memory_space<vmem_shared>> -> memref<10240x128xf32, #tpu.memory_space<vmem_shared>>
        tpu.wait_indirect_dma semaphore(%run_scoped3A_272 : memref<!tpu.dma_semaphore, #tpu.memory_space<semaphore_mem>>) src(%arg10 : memref<128x128xf32, #tpu.memory_space<vmem>>) dst(%dma_wait3A_284 : memref<10240x128xf32, #tpu.memory_space<vmem_shared>>)
        tpu.yield
      }) : () -> ()
      %dma_start3A_159 = arith.constant 9 : i32
      %dma_start3A_160 = arith.constant 0 : i32
      %dma_start3A_161 = tpu.memref_slice %arg7[%dma_start3A_159, %dma_start3A_160] : memref<16x128xi32, #tpu.memory_space<vmem>> -> memref<1x128xi32, #tpu.memory_space<vmem>>
      %dma_start3A_162 = tpu.memref_squeeze %dma_start3A_161 : memref<1x128xi32, #tpu.memory_space<vmem>> -> memref<128xi32, #tpu.memory_space<vmem>>
      %dma_start3A_163 = arith.constant 0 : i32
      %dma_start3A_164 = arith.constant 0 : i32
      %dma_start3A_165 = tpu.memref_slice %arg2[%dma_start3A_163, %dma_start3A_164] : memref<20000x128xf32, #tpu.memory_space<hbm>> -> memref<20000x128xf32, #tpu.memory_space<hbm>>
      tpu.enqueue_indirect_dma source(%dma_start3A_165 : memref<20000x128xf32, #tpu.memory_space<hbm>>) target(%arg10 : memref<128x128xf32, #tpu.memory_space<vmem>>) offsets(%dma_start3A_162 : memref<128xi32, #tpu.memory_space<vmem>>) semaphore(%arg13 : memref<!tpu.dma_semaphore, #tpu.memory_space<semaphore_mem>>)
      %dma_wait3A_166 = arith.constant 8 : i32
      %dma_wait3A_167 = arith.constant 0 : i32
      %dma_wait3A_168 = tpu.memref_slice %arg7[%dma_wait3A_166, %dma_wait3A_167] : memref<16x128xi32, #tpu.memory_space<vmem>> -> memref<1x128xi32, #tpu.memory_space<vmem>>
      %dma_wait3A_169 = tpu.memref_squeeze %dma_wait3A_168 : memref<1x128xi32, #tpu.memory_space<vmem>> -> memref<128xi32, #tpu.memory_space<vmem>>
      %dma_wait3A_170 = arith.constant 0 : i32
      %dma_wait3A_171 = arith.constant 0 : i32
      %dma_wait3A_172 = tpu.memref_slice %arg2[%dma_wait3A_170, %dma_wait3A_171] : memref<20000x128xf32, #tpu.memory_space<hbm>> -> memref<20000x128xf32, #tpu.memory_space<hbm>>
      tpu.wait_indirect_dma semaphore(%arg12 : memref<!tpu.dma_semaphore, #tpu.memory_space<semaphore_mem>>) src(%dma_wait3A_172 : memref<20000x128xf32, #tpu.memory_space<hbm>>) dst(%arg9 : memref<128x128xf32, #tpu.memory_space<vmem>>)
      %run_scoped3A_173 = arith.constant 8 : i32
      "tpu.region"() ({
        %run_scoped3A_272 = tpu.sem_alloc : memref<!tpu.dma_semaphore, #tpu.memory_space<semaphore_mem>>
        %dma_start3A_273 = arith.constant 0 : i32
        %dma_start3A_274 = tpu.memref_slice %arg8[%run_scoped3A_173, %dma_start3A_273] : memref<16x128xi32, #tpu.memory_space<vmem>> -> memref<1x128xi32, #tpu.memory_space<vmem>>
        %dma_start3A_275 = tpu.memref_squeeze %dma_start3A_274 : memref<1x128xi32, #tpu.memory_space<vmem>> -> memref<128xi32, #tpu.memory_space<vmem>>
        %dma_start3A_276 = arith.constant 0 : i32
        %dma_start3A_277 = arith.constant 0 : i32
        %dma_start3A_278 = tpu.memref_slice %arg11[%dma_start3A_276, %dma_start3A_277] : memref<10240x128xf32, #tpu.memory_space<vmem_shared>> -> memref<10240x128xf32, #tpu.memory_space<vmem_shared>>
        tpu.enqueue_indirect_dma source(%arg9 : memref<128x128xf32, #tpu.memory_space<vmem>>) target(%dma_start3A_278 : memref<10240x128xf32, #tpu.memory_space<vmem_shared>>) offsets(%dma_start3A_275 : memref<128xi32, #tpu.memory_space<vmem>>) semaphore(%run_scoped3A_272 : memref<!tpu.dma_semaphore, #tpu.memory_space<semaphore_mem>>) {add = true}
        %dma_wait3A_279 = arith.constant 0 : i32
        %dma_wait3A_280 = tpu.memref_slice %arg8[%run_scoped3A_173, %dma_wait3A_279] : memref<16x128xi32, #tpu.memory_space<vmem>> -> memref<1x128xi32, #tpu.memory_space<vmem>>
        %dma_wait3A_281 = tpu.memref_squeeze %dma_wait3A_280 : memref<1x128xi32, #tpu.memory_space<vmem>> -> memref<128xi32, #tpu.memory_space<vmem>>
        %dma_wait3A_282 = arith.constant 0 : i32
        %dma_wait3A_283 = arith.constant 0 : i32
        %dma_wait3A_284 = tpu.memref_slice %arg11[%dma_wait3A_282, %dma_wait3A_283] : memref<10240x128xf32, #tpu.memory_space<vmem_shared>> -> memref<10240x128xf32, #tpu.memory_space<vmem_shared>>
        tpu.wait_indirect_dma semaphore(%run_scoped3A_272 : memref<!tpu.dma_semaphore, #tpu.memory_space<semaphore_mem>>) src(%arg9 : memref<128x128xf32, #tpu.memory_space<vmem>>) dst(%dma_wait3A_284 : memref<10240x128xf32, #tpu.memory_space<vmem_shared>>)
        tpu.yield
      }) : () -> ()
      %dma_start3A_174 = arith.constant 10 : i32
      %dma_start3A_175 = arith.constant 0 : i32
      %dma_start3A_176 = tpu.memref_slice %arg7[%dma_start3A_174, %dma_start3A_175] : memref<16x128xi32, #tpu.memory_space<vmem>> -> memref<1x128xi32, #tpu.memory_space<vmem>>
      %dma_start3A_177 = tpu.memref_squeeze %dma_start3A_176 : memref<1x128xi32, #tpu.memory_space<vmem>> -> memref<128xi32, #tpu.memory_space<vmem>>
      %dma_start3A_178 = arith.constant 0 : i32
      %dma_start3A_179 = arith.constant 0 : i32
      %dma_start3A_180 = tpu.memref_slice %arg2[%dma_start3A_178, %dma_start3A_179] : memref<20000x128xf32, #tpu.memory_space<hbm>> -> memref<20000x128xf32, #tpu.memory_space<hbm>>
      tpu.enqueue_indirect_dma source(%dma_start3A_180 : memref<20000x128xf32, #tpu.memory_space<hbm>>) target(%arg9 : memref<128x128xf32, #tpu.memory_space<vmem>>) offsets(%dma_start3A_177 : memref<128xi32, #tpu.memory_space<vmem>>) semaphore(%arg12 : memref<!tpu.dma_semaphore, #tpu.memory_space<semaphore_mem>>)
      %dma_wait3A_181 = arith.constant 9 : i32
      %dma_wait3A_182 = arith.constant 0 : i32
      %dma_wait3A_183 = tpu.memref_slice %arg7[%dma_wait3A_181, %dma_wait3A_182] : memref<16x128xi32, #tpu.memory_space<vmem>> -> memref<1x128xi32, #tpu.memory_space<vmem>>
      %dma_wait3A_184 = tpu.memref_squeeze %dma_wait3A_183 : memref<1x128xi32, #tpu.memory_space<vmem>> -> memref<128xi32, #tpu.memory_space<vmem>>
      %dma_wait3A_185 = arith.constant 0 : i32
      %dma_wait3A_186 = arith.constant 0 : i32
      %dma_wait3A_187 = tpu.memref_slice %arg2[%dma_wait3A_185, %dma_wait3A_186] : memref<20000x128xf32, #tpu.memory_space<hbm>> -> memref<20000x128xf32, #tpu.memory_space<hbm>>
      tpu.wait_indirect_dma semaphore(%arg13 : memref<!tpu.dma_semaphore, #tpu.memory_space<semaphore_mem>>) src(%dma_wait3A_187 : memref<20000x128xf32, #tpu.memory_space<hbm>>) dst(%arg10 : memref<128x128xf32, #tpu.memory_space<vmem>>)
      %run_scoped3A_188 = arith.constant 9 : i32
      "tpu.region"() ({
        %run_scoped3A_272 = tpu.sem_alloc : memref<!tpu.dma_semaphore, #tpu.memory_space<semaphore_mem>>
        %dma_start3A_273 = arith.constant 0 : i32
        %dma_start3A_274 = tpu.memref_slice %arg8[%run_scoped3A_188, %dma_start3A_273] : memref<16x128xi32, #tpu.memory_space<vmem>> -> memref<1x128xi32, #tpu.memory_space<vmem>>
        %dma_start3A_275 = tpu.memref_squeeze %dma_start3A_274 : memref<1x128xi32, #tpu.memory_space<vmem>> -> memref<128xi32, #tpu.memory_space<vmem>>
        %dma_start3A_276 = arith.constant 0 : i32
        %dma_start3A_277 = arith.constant 0 : i32
        %dma_start3A_278 = tpu.memref_slice %arg11[%dma_start3A_276, %dma_start3A_277] : memref<10240x128xf32, #tpu.memory_space<vmem_shared>> -> memref<10240x128xf32, #tpu.memory_space<vmem_shared>>
        tpu.enqueue_indirect_dma source(%arg10 : memref<128x128xf32, #tpu.memory_space<vmem>>) target(%dma_start3A_278 : memref<10240x128xf32, #tpu.memory_space<vmem_shared>>) offsets(%dma_start3A_275 : memref<128xi32, #tpu.memory_space<vmem>>) semaphore(%run_scoped3A_272 : memref<!tpu.dma_semaphore, #tpu.memory_space<semaphore_mem>>) {add = true}
        %dma_wait3A_279 = arith.constant 0 : i32
        %dma_wait3A_280 = tpu.memref_slice %arg8[%run_scoped3A_188, %dma_wait3A_279] : memref<16x128xi32, #tpu.memory_space<vmem>> -> memref<1x128xi32, #tpu.memory_space<vmem>>
        %dma_wait3A_281 = tpu.memref_squeeze %dma_wait3A_280 : memref<1x128xi32, #tpu.memory_space<vmem>> -> memref<128xi32, #tpu.memory_space<vmem>>
        %dma_wait3A_282 = arith.constant 0 : i32
        %dma_wait3A_283 = arith.constant 0 : i32
        %dma_wait3A_284 = tpu.memref_slice %arg11[%dma_wait3A_282, %dma_wait3A_283] : memref<10240x128xf32, #tpu.memory_space<vmem_shared>> -> memref<10240x128xf32, #tpu.memory_space<vmem_shared>>
        tpu.wait_indirect_dma semaphore(%run_scoped3A_272 : memref<!tpu.dma_semaphore, #tpu.memory_space<semaphore_mem>>) src(%arg10 : memref<128x128xf32, #tpu.memory_space<vmem>>) dst(%dma_wait3A_284 : memref<10240x128xf32, #tpu.memory_space<vmem_shared>>)
        tpu.yield
      }) : () -> ()
      %dma_start3A_189 = arith.constant 11 : i32
      %dma_start3A_190 = arith.constant 0 : i32
      %dma_start3A_191 = tpu.memref_slice %arg7[%dma_start3A_189, %dma_start3A_190] : memref<16x128xi32, #tpu.memory_space<vmem>> -> memref<1x128xi32, #tpu.memory_space<vmem>>
      %dma_start3A_192 = tpu.memref_squeeze %dma_start3A_191 : memref<1x128xi32, #tpu.memory_space<vmem>> -> memref<128xi32, #tpu.memory_space<vmem>>
      %dma_start3A_193 = arith.constant 0 : i32
      %dma_start3A_194 = arith.constant 0 : i32
      %dma_start3A_195 = tpu.memref_slice %arg2[%dma_start3A_193, %dma_start3A_194] : memref<20000x128xf32, #tpu.memory_space<hbm>> -> memref<20000x128xf32, #tpu.memory_space<hbm>>
      tpu.enqueue_indirect_dma source(%dma_start3A_195 : memref<20000x128xf32, #tpu.memory_space<hbm>>) target(%arg10 : memref<128x128xf32, #tpu.memory_space<vmem>>) offsets(%dma_start3A_192 : memref<128xi32, #tpu.memory_space<vmem>>) semaphore(%arg13 : memref<!tpu.dma_semaphore, #tpu.memory_space<semaphore_mem>>)
      %dma_wait3A_196 = arith.constant 10 : i32
      %dma_wait3A_197 = arith.constant 0 : i32
      %dma_wait3A_198 = tpu.memref_slice %arg7[%dma_wait3A_196, %dma_wait3A_197] : memref<16x128xi32, #tpu.memory_space<vmem>> -> memref<1x128xi32, #tpu.memory_space<vmem>>
      %dma_wait3A_199 = tpu.memref_squeeze %dma_wait3A_198 : memref<1x128xi32, #tpu.memory_space<vmem>> -> memref<128xi32, #tpu.memory_space<vmem>>
      %dma_wait3A_200 = arith.constant 0 : i32
      %dma_wait3A_201 = arith.constant 0 : i32
      %dma_wait3A_202 = tpu.memref_slice %arg2[%dma_wait3A_200, %dma_wait3A_201] : memref<20000x128xf32, #tpu.memory_space<hbm>> -> memref<20000x128xf32, #tpu.memory_space<hbm>>
      tpu.wait_indirect_dma semaphore(%arg12 : memref<!tpu.dma_semaphore, #tpu.memory_space<semaphore_mem>>) src(%dma_wait3A_202 : memref<20000x128xf32, #tpu.memory_space<hbm>>) dst(%arg9 : memref<128x128xf32, #tpu.memory_space<vmem>>)
      %run_scoped3A_203 = arith.constant 10 : i32
      "tpu.region"() ({
        %run_scoped3A_272 = tpu.sem_alloc : memref<!tpu.dma_semaphore, #tpu.memory_space<semaphore_mem>>
        %dma_start3A_273 = arith.constant 0 : i32
        %dma_start3A_274 = tpu.memref_slice %arg8[%run_scoped3A_203, %dma_start3A_273] : memref<16x128xi32, #tpu.memory_space<vmem>> -> memref<1x128xi32, #tpu.memory_space<vmem>>
        %dma_start3A_275 = tpu.memref_squeeze %dma_start3A_274 : memref<1x128xi32, #tpu.memory_space<vmem>> -> memref<128xi32, #tpu.memory_space<vmem>>
        %dma_start3A_276 = arith.constant 0 : i32
        %dma_start3A_277 = arith.constant 0 : i32
        %dma_start3A_278 = tpu.memref_slice %arg11[%dma_start3A_276, %dma_start3A_277] : memref<10240x128xf32, #tpu.memory_space<vmem_shared>> -> memref<10240x128xf32, #tpu.memory_space<vmem_shared>>
        tpu.enqueue_indirect_dma source(%arg9 : memref<128x128xf32, #tpu.memory_space<vmem>>) target(%dma_start3A_278 : memref<10240x128xf32, #tpu.memory_space<vmem_shared>>) offsets(%dma_start3A_275 : memref<128xi32, #tpu.memory_space<vmem>>) semaphore(%run_scoped3A_272 : memref<!tpu.dma_semaphore, #tpu.memory_space<semaphore_mem>>) {add = true}
        %dma_wait3A_279 = arith.constant 0 : i32
        %dma_wait3A_280 = tpu.memref_slice %arg8[%run_scoped3A_203, %dma_wait3A_279] : memref<16x128xi32, #tpu.memory_space<vmem>> -> memref<1x128xi32, #tpu.memory_space<vmem>>
        %dma_wait3A_281 = tpu.memref_squeeze %dma_wait3A_280 : memref<1x128xi32, #tpu.memory_space<vmem>> -> memref<128xi32, #tpu.memory_space<vmem>>
        %dma_wait3A_282 = arith.constant 0 : i32
        %dma_wait3A_283 = arith.constant 0 : i32
        %dma_wait3A_284 = tpu.memref_slice %arg11[%dma_wait3A_282, %dma_wait3A_283] : memref<10240x128xf32, #tpu.memory_space<vmem_shared>> -> memref<10240x128xf32, #tpu.memory_space<vmem_shared>>
        tpu.wait_indirect_dma semaphore(%run_scoped3A_272 : memref<!tpu.dma_semaphore, #tpu.memory_space<semaphore_mem>>) src(%arg9 : memref<128x128xf32, #tpu.memory_space<vmem>>) dst(%dma_wait3A_284 : memref<10240x128xf32, #tpu.memory_space<vmem_shared>>)
        tpu.yield
      }) : () -> ()
      %dma_start3A_204 = arith.constant 12 : i32
      %dma_start3A_205 = arith.constant 0 : i32
      %dma_start3A_206 = tpu.memref_slice %arg7[%dma_start3A_204, %dma_start3A_205] : memref<16x128xi32, #tpu.memory_space<vmem>> -> memref<1x128xi32, #tpu.memory_space<vmem>>
      %dma_start3A_207 = tpu.memref_squeeze %dma_start3A_206 : memref<1x128xi32, #tpu.memory_space<vmem>> -> memref<128xi32, #tpu.memory_space<vmem>>
      %dma_start3A_208 = arith.constant 0 : i32
      %dma_start3A_209 = arith.constant 0 : i32
      %dma_start3A_210 = tpu.memref_slice %arg2[%dma_start3A_208, %dma_start3A_209] : memref<20000x128xf32, #tpu.memory_space<hbm>> -> memref<20000x128xf32, #tpu.memory_space<hbm>>
      tpu.enqueue_indirect_dma source(%dma_start3A_210 : memref<20000x128xf32, #tpu.memory_space<hbm>>) target(%arg9 : memref<128x128xf32, #tpu.memory_space<vmem>>) offsets(%dma_start3A_207 : memref<128xi32, #tpu.memory_space<vmem>>) semaphore(%arg12 : memref<!tpu.dma_semaphore, #tpu.memory_space<semaphore_mem>>)
      %dma_wait3A_211 = arith.constant 11 : i32
      %dma_wait3A_212 = arith.constant 0 : i32
      %dma_wait3A_213 = tpu.memref_slice %arg7[%dma_wait3A_211, %dma_wait3A_212] : memref<16x128xi32, #tpu.memory_space<vmem>> -> memref<1x128xi32, #tpu.memory_space<vmem>>
      %dma_wait3A_214 = tpu.memref_squeeze %dma_wait3A_213 : memref<1x128xi32, #tpu.memory_space<vmem>> -> memref<128xi32, #tpu.memory_space<vmem>>
      %dma_wait3A_215 = arith.constant 0 : i32
      %dma_wait3A_216 = arith.constant 0 : i32
      %dma_wait3A_217 = tpu.memref_slice %arg2[%dma_wait3A_215, %dma_wait3A_216] : memref<20000x128xf32, #tpu.memory_space<hbm>> -> memref<20000x128xf32, #tpu.memory_space<hbm>>
      tpu.wait_indirect_dma semaphore(%arg13 : memref<!tpu.dma_semaphore, #tpu.memory_space<semaphore_mem>>) src(%dma_wait3A_217 : memref<20000x128xf32, #tpu.memory_space<hbm>>) dst(%arg10 : memref<128x128xf32, #tpu.memory_space<vmem>>)
      %run_scoped3A_218 = arith.constant 11 : i32
      "tpu.region"() ({
        %run_scoped3A_272 = tpu.sem_alloc : memref<!tpu.dma_semaphore, #tpu.memory_space<semaphore_mem>>
        %dma_start3A_273 = arith.constant 0 : i32
        %dma_start3A_274 = tpu.memref_slice %arg8[%run_scoped3A_218, %dma_start3A_273] : memref<16x128xi32, #tpu.memory_space<vmem>> -> memref<1x128xi32, #tpu.memory_space<vmem>>
        %dma_start3A_275 = tpu.memref_squeeze %dma_start3A_274 : memref<1x128xi32, #tpu.memory_space<vmem>> -> memref<128xi32, #tpu.memory_space<vmem>>
        %dma_start3A_276 = arith.constant 0 : i32
        %dma_start3A_277 = arith.constant 0 : i32
        %dma_start3A_278 = tpu.memref_slice %arg11[%dma_start3A_276, %dma_start3A_277] : memref<10240x128xf32, #tpu.memory_space<vmem_shared>> -> memref<10240x128xf32, #tpu.memory_space<vmem_shared>>
        tpu.enqueue_indirect_dma source(%arg10 : memref<128x128xf32, #tpu.memory_space<vmem>>) target(%dma_start3A_278 : memref<10240x128xf32, #tpu.memory_space<vmem_shared>>) offsets(%dma_start3A_275 : memref<128xi32, #tpu.memory_space<vmem>>) semaphore(%run_scoped3A_272 : memref<!tpu.dma_semaphore, #tpu.memory_space<semaphore_mem>>) {add = true}
        %dma_wait3A_279 = arith.constant 0 : i32
        %dma_wait3A_280 = tpu.memref_slice %arg8[%run_scoped3A_218, %dma_wait3A_279] : memref<16x128xi32, #tpu.memory_space<vmem>> -> memref<1x128xi32, #tpu.memory_space<vmem>>
        %dma_wait3A_281 = tpu.memref_squeeze %dma_wait3A_280 : memref<1x128xi32, #tpu.memory_space<vmem>> -> memref<128xi32, #tpu.memory_space<vmem>>
        %dma_wait3A_282 = arith.constant 0 : i32
        %dma_wait3A_283 = arith.constant 0 : i32
        %dma_wait3A_284 = tpu.memref_slice %arg11[%dma_wait3A_282, %dma_wait3A_283] : memref<10240x128xf32, #tpu.memory_space<vmem_shared>> -> memref<10240x128xf32, #tpu.memory_space<vmem_shared>>
        tpu.wait_indirect_dma semaphore(%run_scoped3A_272 : memref<!tpu.dma_semaphore, #tpu.memory_space<semaphore_mem>>) src(%arg10 : memref<128x128xf32, #tpu.memory_space<vmem>>) dst(%dma_wait3A_284 : memref<10240x128xf32, #tpu.memory_space<vmem_shared>>)
        tpu.yield
      }) : () -> ()
      %dma_start3A_219 = arith.constant 13 : i32
      %dma_start3A_220 = arith.constant 0 : i32
      %dma_start3A_221 = tpu.memref_slice %arg7[%dma_start3A_219, %dma_start3A_220] : memref<16x128xi32, #tpu.memory_space<vmem>> -> memref<1x128xi32, #tpu.memory_space<vmem>>
      %dma_start3A_222 = tpu.memref_squeeze %dma_start3A_221 : memref<1x128xi32, #tpu.memory_space<vmem>> -> memref<128xi32, #tpu.memory_space<vmem>>
      %dma_start3A_223 = arith.constant 0 : i32
      %dma_start3A_224 = arith.constant 0 : i32
      %dma_start3A_225 = tpu.memref_slice %arg2[%dma_start3A_223, %dma_start3A_224] : memref<20000x128xf32, #tpu.memory_space<hbm>> -> memref<20000x128xf32, #tpu.memory_space<hbm>>
      tpu.enqueue_indirect_dma source(%dma_start3A_225 : memref<20000x128xf32, #tpu.memory_space<hbm>>) target(%arg10 : memref<128x128xf32, #tpu.memory_space<vmem>>) offsets(%dma_start3A_222 : memref<128xi32, #tpu.memory_space<vmem>>) semaphore(%arg13 : memref<!tpu.dma_semaphore, #tpu.memory_space<semaphore_mem>>)
      %dma_wait3A_226 = arith.constant 12 : i32
      %dma_wait3A_227 = arith.constant 0 : i32
      %dma_wait3A_228 = tpu.memref_slice %arg7[%dma_wait3A_226, %dma_wait3A_227] : memref<16x128xi32, #tpu.memory_space<vmem>> -> memref<1x128xi32, #tpu.memory_space<vmem>>
      %dma_wait3A_229 = tpu.memref_squeeze %dma_wait3A_228 : memref<1x128xi32, #tpu.memory_space<vmem>> -> memref<128xi32, #tpu.memory_space<vmem>>
      %dma_wait3A_230 = arith.constant 0 : i32
      %dma_wait3A_231 = arith.constant 0 : i32
      %dma_wait3A_232 = tpu.memref_slice %arg2[%dma_wait3A_230, %dma_wait3A_231] : memref<20000x128xf32, #tpu.memory_space<hbm>> -> memref<20000x128xf32, #tpu.memory_space<hbm>>
      tpu.wait_indirect_dma semaphore(%arg12 : memref<!tpu.dma_semaphore, #tpu.memory_space<semaphore_mem>>) src(%dma_wait3A_232 : memref<20000x128xf32, #tpu.memory_space<hbm>>) dst(%arg9 : memref<128x128xf32, #tpu.memory_space<vmem>>)
      %run_scoped3A_233 = arith.constant 12 : i32
      "tpu.region"() ({
        %run_scoped3A_272 = tpu.sem_alloc : memref<!tpu.dma_semaphore, #tpu.memory_space<semaphore_mem>>
        %dma_start3A_273 = arith.constant 0 : i32
        %dma_start3A_274 = tpu.memref_slice %arg8[%run_scoped3A_233, %dma_start3A_273] : memref<16x128xi32, #tpu.memory_space<vmem>> -> memref<1x128xi32, #tpu.memory_space<vmem>>
        %dma_start3A_275 = tpu.memref_squeeze %dma_start3A_274 : memref<1x128xi32, #tpu.memory_space<vmem>> -> memref<128xi32, #tpu.memory_space<vmem>>
        %dma_start3A_276 = arith.constant 0 : i32
        %dma_start3A_277 = arith.constant 0 : i32
        %dma_start3A_278 = tpu.memref_slice %arg11[%dma_start3A_276, %dma_start3A_277] : memref<10240x128xf32, #tpu.memory_space<vmem_shared>> -> memref<10240x128xf32, #tpu.memory_space<vmem_shared>>
        tpu.enqueue_indirect_dma source(%arg9 : memref<128x128xf32, #tpu.memory_space<vmem>>) target(%dma_start3A_278 : memref<10240x128xf32, #tpu.memory_space<vmem_shared>>) offsets(%dma_start3A_275 : memref<128xi32, #tpu.memory_space<vmem>>) semaphore(%run_scoped3A_272 : memref<!tpu.dma_semaphore, #tpu.memory_space<semaphore_mem>>) {add = true}
        %dma_wait3A_279 = arith.constant 0 : i32
        %dma_wait3A_280 = tpu.memref_slice %arg8[%run_scoped3A_233, %dma_wait3A_279] : memref<16x128xi32, #tpu.memory_space<vmem>> -> memref<1x128xi32, #tpu.memory_space<vmem>>
        %dma_wait3A_281 = tpu.memref_squeeze %dma_wait3A_280 : memref<1x128xi32, #tpu.memory_space<vmem>> -> memref<128xi32, #tpu.memory_space<vmem>>
        %dma_wait3A_282 = arith.constant 0 : i32
        %dma_wait3A_283 = arith.constant 0 : i32
        %dma_wait3A_284 = tpu.memref_slice %arg11[%dma_wait3A_282, %dma_wait3A_283] : memref<10240x128xf32, #tpu.memory_space<vmem_shared>> -> memref<10240x128xf32, #tpu.memory_space<vmem_shared>>
        tpu.wait_indirect_dma semaphore(%run_scoped3A_272 : memref<!tpu.dma_semaphore, #tpu.memory_space<semaphore_mem>>) src(%arg9 : memref<128x128xf32, #tpu.memory_space<vmem>>) dst(%dma_wait3A_284 : memref<10240x128xf32, #tpu.memory_space<vmem_shared>>)
        tpu.yield
      }) : () -> ()
      %dma_start3A_234 = arith.constant 14 : i32
      %dma_start3A_235 = arith.constant 0 : i32
      %dma_start3A_236 = tpu.memref_slice %arg7[%dma_start3A_234, %dma_start3A_235] : memref<16x128xi32, #tpu.memory_space<vmem>> -> memref<1x128xi32, #tpu.memory_space<vmem>>
      %dma_start3A_237 = tpu.memref_squeeze %dma_start3A_236 : memref<1x128xi32, #tpu.memory_space<vmem>> -> memref<128xi32, #tpu.memory_space<vmem>>
      %dma_start3A_238 = arith.constant 0 : i32
      %dma_start3A_239 = arith.constant 0 : i32
      %dma_start3A_240 = tpu.memref_slice %arg2[%dma_start3A_238, %dma_start3A_239] : memref<20000x128xf32, #tpu.memory_space<hbm>> -> memref<20000x128xf32, #tpu.memory_space<hbm>>
      tpu.enqueue_indirect_dma source(%dma_start3A_240 : memref<20000x128xf32, #tpu.memory_space<hbm>>) target(%arg9 : memref<128x128xf32, #tpu.memory_space<vmem>>) offsets(%dma_start3A_237 : memref<128xi32, #tpu.memory_space<vmem>>) semaphore(%arg12 : memref<!tpu.dma_semaphore, #tpu.memory_space<semaphore_mem>>)
      %dma_wait3A_241 = arith.constant 13 : i32
      %dma_wait3A_242 = arith.constant 0 : i32
      %dma_wait3A_243 = tpu.memref_slice %arg7[%dma_wait3A_241, %dma_wait3A_242] : memref<16x128xi32, #tpu.memory_space<vmem>> -> memref<1x128xi32, #tpu.memory_space<vmem>>
      %dma_wait3A_244 = tpu.memref_squeeze %dma_wait3A_243 : memref<1x128xi32, #tpu.memory_space<vmem>> -> memref<128xi32, #tpu.memory_space<vmem>>
      %dma_wait3A_245 = arith.constant 0 : i32
      %dma_wait3A_246 = arith.constant 0 : i32
      %dma_wait3A_247 = tpu.memref_slice %arg2[%dma_wait3A_245, %dma_wait3A_246] : memref<20000x128xf32, #tpu.memory_space<hbm>> -> memref<20000x128xf32, #tpu.memory_space<hbm>>
      tpu.wait_indirect_dma semaphore(%arg13 : memref<!tpu.dma_semaphore, #tpu.memory_space<semaphore_mem>>) src(%dma_wait3A_247 : memref<20000x128xf32, #tpu.memory_space<hbm>>) dst(%arg10 : memref<128x128xf32, #tpu.memory_space<vmem>>)
      %run_scoped3A_248 = arith.constant 13 : i32
      "tpu.region"() ({
        %run_scoped3A_272 = tpu.sem_alloc : memref<!tpu.dma_semaphore, #tpu.memory_space<semaphore_mem>>
        %dma_start3A_273 = arith.constant 0 : i32
        %dma_start3A_274 = tpu.memref_slice %arg8[%run_scoped3A_248, %dma_start3A_273] : memref<16x128xi32, #tpu.memory_space<vmem>> -> memref<1x128xi32, #tpu.memory_space<vmem>>
        %dma_start3A_275 = tpu.memref_squeeze %dma_start3A_274 : memref<1x128xi32, #tpu.memory_space<vmem>> -> memref<128xi32, #tpu.memory_space<vmem>>
        %dma_start3A_276 = arith.constant 0 : i32
        %dma_start3A_277 = arith.constant 0 : i32
        %dma_start3A_278 = tpu.memref_slice %arg11[%dma_start3A_276, %dma_start3A_277] : memref<10240x128xf32, #tpu.memory_space<vmem_shared>> -> memref<10240x128xf32, #tpu.memory_space<vmem_shared>>
        tpu.enqueue_indirect_dma source(%arg10 : memref<128x128xf32, #tpu.memory_space<vmem>>) target(%dma_start3A_278 : memref<10240x128xf32, #tpu.memory_space<vmem_shared>>) offsets(%dma_start3A_275 : memref<128xi32, #tpu.memory_space<vmem>>) semaphore(%run_scoped3A_272 : memref<!tpu.dma_semaphore, #tpu.memory_space<semaphore_mem>>) {add = true}
        %dma_wait3A_279 = arith.constant 0 : i32
        %dma_wait3A_280 = tpu.memref_slice %arg8[%run_scoped3A_248, %dma_wait3A_279] : memref<16x128xi32, #tpu.memory_space<vmem>> -> memref<1x128xi32, #tpu.memory_space<vmem>>
        %dma_wait3A_281 = tpu.memref_squeeze %dma_wait3A_280 : memref<1x128xi32, #tpu.memory_space<vmem>> -> memref<128xi32, #tpu.memory_space<vmem>>
        %dma_wait3A_282 = arith.constant 0 : i32
        %dma_wait3A_283 = arith.constant 0 : i32
        %dma_wait3A_284 = tpu.memref_slice %arg11[%dma_wait3A_282, %dma_wait3A_283] : memref<10240x128xf32, #tpu.memory_space<vmem_shared>> -> memref<10240x128xf32, #tpu.memory_space<vmem_shared>>
        tpu.wait_indirect_dma semaphore(%run_scoped3A_272 : memref<!tpu.dma_semaphore, #tpu.memory_space<semaphore_mem>>) src(%arg10 : memref<128x128xf32, #tpu.memory_space<vmem>>) dst(%dma_wait3A_284 : memref<10240x128xf32, #tpu.memory_space<vmem_shared>>)
        tpu.yield
      }) : () -> ()
      %dma_start3A_249 = arith.constant 15 : i32
      %dma_start3A_250 = arith.constant 0 : i32
      %dma_start3A_251 = tpu.memref_slice %arg7[%dma_start3A_249, %dma_start3A_250] : memref<16x128xi32, #tpu.memory_space<vmem>> -> memref<1x128xi32, #tpu.memory_space<vmem>>
      %dma_start3A_252 = tpu.memref_squeeze %dma_start3A_251 : memref<1x128xi32, #tpu.memory_space<vmem>> -> memref<128xi32, #tpu.memory_space<vmem>>
      %dma_start3A_253 = arith.constant 0 : i32
      %dma_start3A_254 = arith.constant 0 : i32
      %dma_start3A_255 = tpu.memref_slice %arg2[%dma_start3A_253, %dma_start3A_254] : memref<20000x128xf32, #tpu.memory_space<hbm>> -> memref<20000x128xf32, #tpu.memory_space<hbm>>
      tpu.enqueue_indirect_dma source(%dma_start3A_255 : memref<20000x128xf32, #tpu.memory_space<hbm>>) target(%arg10 : memref<128x128xf32, #tpu.memory_space<vmem>>) offsets(%dma_start3A_252 : memref<128xi32, #tpu.memory_space<vmem>>) semaphore(%arg13 : memref<!tpu.dma_semaphore, #tpu.memory_space<semaphore_mem>>)
      %dma_wait3A_256 = arith.constant 14 : i32
      %dma_wait3A_257 = arith.constant 0 : i32
      %dma_wait3A_258 = tpu.memref_slice %arg7[%dma_wait3A_256, %dma_wait3A_257] : memref<16x128xi32, #tpu.memory_space<vmem>> -> memref<1x128xi32, #tpu.memory_space<vmem>>
      %dma_wait3A_259 = tpu.memref_squeeze %dma_wait3A_258 : memref<1x128xi32, #tpu.memory_space<vmem>> -> memref<128xi32, #tpu.memory_space<vmem>>
      %dma_wait3A_260 = arith.constant 0 : i32
      %dma_wait3A_261 = arith.constant 0 : i32
      %dma_wait3A_262 = tpu.memref_slice %arg2[%dma_wait3A_260, %dma_wait3A_261] : memref<20000x128xf32, #tpu.memory_space<hbm>> -> memref<20000x128xf32, #tpu.memory_space<hbm>>
      tpu.wait_indirect_dma semaphore(%arg12 : memref<!tpu.dma_semaphore, #tpu.memory_space<semaphore_mem>>) src(%dma_wait3A_262 : memref<20000x128xf32, #tpu.memory_space<hbm>>) dst(%arg9 : memref<128x128xf32, #tpu.memory_space<vmem>>)
      %run_scoped3A_263 = arith.constant 14 : i32
      "tpu.region"() ({
        %run_scoped3A_272 = tpu.sem_alloc : memref<!tpu.dma_semaphore, #tpu.memory_space<semaphore_mem>>
        %dma_start3A_273 = arith.constant 0 : i32
        %dma_start3A_274 = tpu.memref_slice %arg8[%run_scoped3A_263, %dma_start3A_273] : memref<16x128xi32, #tpu.memory_space<vmem>> -> memref<1x128xi32, #tpu.memory_space<vmem>>
        %dma_start3A_275 = tpu.memref_squeeze %dma_start3A_274 : memref<1x128xi32, #tpu.memory_space<vmem>> -> memref<128xi32, #tpu.memory_space<vmem>>
        %dma_start3A_276 = arith.constant 0 : i32
        %dma_start3A_277 = arith.constant 0 : i32
        %dma_start3A_278 = tpu.memref_slice %arg11[%dma_start3A_276, %dma_start3A_277] : memref<10240x128xf32, #tpu.memory_space<vmem_shared>> -> memref<10240x128xf32, #tpu.memory_space<vmem_shared>>
        tpu.enqueue_indirect_dma source(%arg9 : memref<128x128xf32, #tpu.memory_space<vmem>>) target(%dma_start3A_278 : memref<10240x128xf32, #tpu.memory_space<vmem_shared>>) offsets(%dma_start3A_275 : memref<128xi32, #tpu.memory_space<vmem>>) semaphore(%run_scoped3A_272 : memref<!tpu.dma_semaphore, #tpu.memory_space<semaphore_mem>>) {add = true}
        %dma_wait3A_279 = arith.constant 0 : i32
        %dma_wait3A_280 = tpu.memref_slice %arg8[%run_scoped3A_263, %dma_wait3A_279] : memref<16x128xi32, #tpu.memory_space<vmem>> -> memref<1x128xi32, #tpu.memory_space<vmem>>
        %dma_wait3A_281 = tpu.memref_squeeze %dma_wait3A_280 : memref<1x128xi32, #tpu.memory_space<vmem>> -> memref<128xi32, #tpu.memory_space<vmem>>
        %dma_wait3A_282 = arith.constant 0 : i32
        %dma_wait3A_283 = arith.constant 0 : i32
        %dma_wait3A_284 = tpu.memref_slice %arg11[%dma_wait3A_282, %dma_wait3A_283] : memref<10240x128xf32, #tpu.memory_space<vmem_shared>> -> memref<10240x128xf32, #tpu.memory_space<vmem_shared>>
        tpu.wait_indirect_dma semaphore(%run_scoped3A_272 : memref<!tpu.dma_semaphore, #tpu.memory_space<semaphore_mem>>) src(%arg9 : memref<128x128xf32, #tpu.memory_space<vmem>>) dst(%dma_wait3A_284 : memref<10240x128xf32, #tpu.memory_space<vmem_shared>>)
        tpu.yield
      }) : () -> ()
      %dma_wait3A_264 = arith.constant 15 : i32
      %dma_wait3A_265 = arith.constant 0 : i32
      %dma_wait3A_266 = tpu.memref_slice %arg7[%dma_wait3A_264, %dma_wait3A_265] : memref<16x128xi32, #tpu.memory_space<vmem>> -> memref<1x128xi32, #tpu.memory_space<vmem>>
      %dma_wait3A_267 = tpu.memref_squeeze %dma_wait3A_266 : memref<1x128xi32, #tpu.memory_space<vmem>> -> memref<128xi32, #tpu.memory_space<vmem>>
      %dma_wait3A_268 = arith.constant 0 : i32
      %dma_wait3A_269 = arith.constant 0 : i32
      %dma_wait3A_270 = tpu.memref_slice %arg2[%dma_wait3A_268, %dma_wait3A_269] : memref<20000x128xf32, #tpu.memory_space<hbm>> -> memref<20000x128xf32, #tpu.memory_space<hbm>>
      tpu.wait_indirect_dma semaphore(%arg13 : memref<!tpu.dma_semaphore, #tpu.memory_space<semaphore_mem>>) src(%dma_wait3A_270 : memref<20000x128xf32, #tpu.memory_space<hbm>>) dst(%arg10 : memref<128x128xf32, #tpu.memory_space<vmem>>)
      %run_scoped3A_271 = arith.constant 15 : i32
      "tpu.region"() ({
        %run_scoped3A_272 = tpu.sem_alloc : memref<!tpu.dma_semaphore, #tpu.memory_space<semaphore_mem>>
        %dma_start3A_273 = arith.constant 0 : i32
        %dma_start3A_274 = tpu.memref_slice %arg8[%run_scoped3A_271, %dma_start3A_273] : memref<16x128xi32, #tpu.memory_space<vmem>> -> memref<1x128xi32, #tpu.memory_space<vmem>>
        %dma_start3A_275 = tpu.memref_squeeze %dma_start3A_274 : memref<1x128xi32, #tpu.memory_space<vmem>> -> memref<128xi32, #tpu.memory_space<vmem>>
        %dma_start3A_276 = arith.constant 0 : i32
        %dma_start3A_277 = arith.constant 0 : i32
        %dma_start3A_278 = tpu.memref_slice %arg11[%dma_start3A_276, %dma_start3A_277] : memref<10240x128xf32, #tpu.memory_space<vmem_shared>> -> memref<10240x128xf32, #tpu.memory_space<vmem_shared>>
        tpu.enqueue_indirect_dma source(%arg10 : memref<128x128xf32, #tpu.memory_space<vmem>>) target(%dma_start3A_278 : memref<10240x128xf32, #tpu.memory_space<vmem_shared>>) offsets(%dma_start3A_275 : memref<128xi32, #tpu.memory_space<vmem>>) semaphore(%run_scoped3A_272 : memref<!tpu.dma_semaphore, #tpu.memory_space<semaphore_mem>>) {add = true}
        %dma_wait3A_279 = arith.constant 0 : i32
        %dma_wait3A_280 = tpu.memref_slice %arg8[%run_scoped3A_271, %dma_wait3A_279] : memref<16x128xi32, #tpu.memory_space<vmem>> -> memref<1x128xi32, #tpu.memory_space<vmem>>
        %dma_wait3A_281 = tpu.memref_squeeze %dma_wait3A_280 : memref<1x128xi32, #tpu.memory_space<vmem>> -> memref<128xi32, #tpu.memory_space<vmem>>
        %dma_wait3A_282 = arith.constant 0 : i32
        %dma_wait3A_283 = arith.constant 0 : i32
        %dma_wait3A_284 = tpu.memref_slice %arg11[%dma_wait3A_282, %dma_wait3A_283] : memref<10240x128xf32, #tpu.memory_space<vmem_shared>> -> memref<10240x128xf32, #tpu.memory_space<vmem_shared>>
        tpu.wait_indirect_dma semaphore(%run_scoped3A_272 : memref<!tpu.dma_semaphore, #tpu.memory_space<semaphore_mem>>) src(%arg10 : memref<128x128xf32, #tpu.memory_space<vmem>>) dst(%dma_wait3A_284 : memref<10240x128xf32, #tpu.memory_space<vmem_shared>>)
        tpu.yield
      }) : () -> ()
    }
    %scan3A_25 = arith.constant 5 : i32
    %barrier3A_26 = arith.constant 0 : index
    tpu.barrier barrier_id(%barrier3A_26)
    %mul3A_27 = arith.constant 640 : i32
    %mul3A_28 = arith.muli %arg1, %mul3A_27 : i32
    %mul3A_29 = arith.constant 640 : i32
    %mul3A_30 = arith.muli %arg1, %mul3A_29 : i32
    "tpu.region"() ({
      %run_scoped3A = tpu.sem_alloc : memref<!tpu.dma_semaphore, #tpu.memory_space<semaphore_mem>>
      %dma_start3A = arith.constant 0 : i32
      %dma_start3A_31 = tpu.memref_slice %arg6[%arg0, %mul3A_30, %dma_start3A] : memref<2x10240x128xf32, #tpu.memory_space<hbm>> -> memref<1x640x128xf32, #tpu.memory_space<hbm>>
      %dma_start3A_32 = tpu.memref_squeeze %dma_start3A_31 : memref<1x640x128xf32, #tpu.memory_space<hbm>> -> memref<640x128xf32, #tpu.memory_space<hbm>>
      %dma_start3A_33 = arith.constant 0 : i32
      %dma_start3A_34 = tpu.memref_slice %arg11[%mul3A_28, %dma_start3A_33] : memref<10240x128xf32, #tpu.memory_space<vmem_shared>> -> memref<640x128xf32, #tpu.memory_space<vmem_shared>>
      tpu.enqueue_dma source(%dma_start3A_34 : memref<640x128xf32, #tpu.memory_space<vmem_shared>>) target(%dma_start3A_32 : memref<640x128xf32, #tpu.memory_space<hbm>>) target_semaphore(%run_scoped3A : memref<!tpu.dma_semaphore, #tpu.memory_space<semaphore_mem>>)
      %dma_wait3A = arith.constant 0 : i32
      %dma_wait3A_35 = tpu.memref_slice %arg6[%arg0, %mul3A_30, %dma_wait3A] : memref<2x10240x128xf32, #tpu.memory_space<hbm>> -> memref<1x640x128xf32, #tpu.memory_space<hbm>>
      %dma_wait3A_36 = tpu.memref_squeeze %dma_wait3A_35 : memref<1x640x128xf32, #tpu.memory_space<hbm>> -> memref<640x128xf32, #tpu.memory_space<hbm>>
      %dma_wait3A_37 = arith.constant 0 : i32
      %dma_wait3A_38 = tpu.memref_slice %arg11[%mul3A_28, %dma_wait3A_37] : memref<10240x128xf32, #tpu.memory_space<vmem_shared>> -> memref<640x128xf32, #tpu.memory_space<vmem_shared>>
      tpu.wait_dma2 semaphore(%run_scoped3A : memref<!tpu.dma_semaphore, #tpu.memory_space<semaphore_mem>>) src(%dma_wait3A_38 : memref<640x128xf32, #tpu.memory_space<vmem_shared>>) dst(%dma_wait3A_36 : memref<640x128xf32, #tpu.memory_space<hbm>>)
      tpu.yield
    }) : () -> ()
    return
  }
}

#map = affine_map<(d0, d1) -> (0, 0)>
#map1 = affine_map<(d0, d1) -> (0, 0, 0)>
module attributes {stable_mosaic.version = 14 : i64} {
  func.func @_sc_scatter_body(%arg0: i32, %arg1: i32, %arg2: memref<20000x128xf32, #tpu.memory_space<hbm>>, %arg3: memref<2560x128xi32, #tpu.memory_space<hbm>>, %arg4: memref<2560x128xi32, #tpu.memory_space<hbm>>, %arg5: memref<640x128xf32, #tpu.memory_space<hbm>>, %arg6: memref<2x10240x128xf32, #tpu.memory_space<hbm>>, %arg7: memref<16x128xi32, #tpu.memory_space<vmem>>, %arg8: memref<16x128xi32, #tpu.memory_space<vmem>>, %arg9: memref<128x128xf32, #tpu.memory_space<vmem>>, %arg10: memref<128x128xf32, #tpu.memory_space<vmem>>, %arg11: memref<10240x128xf32, #tpu.memory_space<vmem_shared>>, %arg12: memref<!tpu.dma_semaphore, #tpu.memory_space<semaphore_mem>>, %arg13: memref<!tpu.dma_semaphore, #tpu.memory_space<semaphore_mem>>) attributes {dimension_semantics = [#tpu.dimension_semantics<core_parallel>, #tpu.dimension_semantics<subcore_parallel>], iteration_bounds = array<i64: 2, 16>, scalar_prefetch = 0 : i64, scratch_operands = 7 : i64, tpu.core_type = #tpu.core_type<sc_vector_subcore>, window_params = [{transform_indices = #map}, {transform_indices = #map}, {transform_indices = #map}, {transform_indices = #map}, {transform_indices = #map1}]} {
    %mul3A = arith.constant 640 : i32
    %mul3A_0 = arith.muli %arg1, %mul3A : i32
    "tpu.region"() ({
      %run_scoped3A = tpu.sem_alloc : memref<!tpu.dma_semaphore, #tpu.memory_space<semaphore_mem>>
      %dma_start3A = arith.constant 0 : i32
      %dma_start3A_31 = tpu.memref_slice %arg11[%mul3A_0, %dma_start3A] : memref<10240x128xf32, #tpu.memory_space<vmem_shared>> -> memref<640x128xf32, #tpu.memory_space<vmem_shared>>
      tpu.enqueue_dma source(%arg5 : memref<640x128xf32, #tpu.memory_space<hbm>>) target(%dma_start3A_31 : memref<640x128xf32, #tpu.memory_space<vmem_shared>>) target_semaphore(%run_scoped3A : memref<!tpu.dma_semaphore, #tpu.memory_space<semaphore_mem>>)
      %dma_wait3A = arith.constant 0 : i32
      %dma_wait3A_32 = tpu.memref_slice %arg11[%mul3A_0, %dma_wait3A] : memref<10240x128xf32, #tpu.memory_space<vmem_shared>> -> memref<640x128xf32, #tpu.memory_space<vmem_shared>>
      tpu.wait_dma2 semaphore(%run_scoped3A : memref<!tpu.dma_semaphore, #tpu.memory_space<semaphore_mem>>) src(%arg5 : memref<640x128xf32, #tpu.memory_space<hbm>>) dst(%dma_wait3A_32 : memref<640x128xf32, #tpu.memory_space<vmem_shared>>)
      tpu.yield
    }) : () -> ()
    %barrier3A = arith.constant 0 : index
    tpu.barrier barrier_id(%barrier3A)
    %mul3A_1 = arith.constant 163840 : i32
    %mul3A_2 = arith.muli %arg0, %mul3A_1 : i32
    %mul3A_3 = arith.constant 10240 : i32
    %mul3A_4 = arith.muli %arg1, %mul3A_3 : i32
    %add3A = arith.addi %mul3A_2, %mul3A_4 : i32
    %jit3A = arith.constant 128 : i32
    %div3A = arith.divsi %add3A, %jit3A : i32
    %sign3A = arith.constant 0 : i32
    %sign3A_5 = arith.cmpi sgt, %add3A, %sign3A : i32
    %sign3A_6 = arith.extui %sign3A_5 : i1 to i32
    %sign3A_7 = arith.constant 0 : i32
    %sign3A_8 = arith.cmpi slt, %add3A, %sign3A_7 : i32
    %sign3A_9 = arith.extui %sign3A_8 : i1 to i32
    %sign3A_10 = arith.subi %sign3A_6, %sign3A_9 : i32
    %sign3A_11 = arith.constant 0 : i32
    %sign3A_12 = arith.cmpi sgt, %jit3A, %sign3A_11 : i32
    %sign3A_13 = arith.extui %sign3A_12 : i1 to i32
    %sign3A_14 = arith.constant 0 : i32
    %sign3A_15 = arith.cmpi slt, %jit3A, %sign3A_14 : i32
    %sign3A_16 = arith.extui %sign3A_15 : i1 to i32
    %sign3A_17 = arith.subi %sign3A_13, %sign3A_16 : i32
    %ne3A = arith.cmpi ne, %sign3A_10, %sign3A_17 : i32
    %rem3A = arith.remsi %add3A, %jit3A : i32
    %ne3A_18 = arith.constant 0 : i32
    %ne3A_19 = arith.cmpi ne, %rem3A, %ne3A_18 : i32
    %and3A = arith.andi %ne3A, %ne3A_19 : i1
    %sub3A = arith.constant 1 : i32
    %sub3A_20 = arith.subi %div3A, %sub3A : i32
    %select_n3A = arith.select %and3A, %sub3A_20, %div3A : i32
    %scan3A = arith.constant 0 : i32
    %scan3A_21 = arith.constant 0 : i32
    %scan3A_22 = arith.constant 5 : i32
    %scan3A_23 = arith.addi %scan3A_21, %scan3A_22 : i32
    %scan3A_24 = arith.constant 1 : i32
    scf.for %scan3A_31 = %scan3A_21 to %scan3A_23 step %scan3A_24  : i32 {
      %mul3A_32 = arith.constant 16 : i32
      %mul3A_33 = arith.muli %scan3A_31, %mul3A_32 : i32
      %add3A_34 = arith.addi %select_n3A, %mul3A_33 : i32
      %multiple_of3A = tpu.assume_multiple %add3A_34, 16 : i32
      "tpu.region"() ({
        %run_scoped3A_272 = tpu.sem_alloc : memref<!tpu.dma_semaphore, #tpu.memory_space<semaphore_mem>>
        %dma_start3A_273 = arith.constant 0 : i32
        %dma_start3A_274 = tpu.memref_slice %arg3[%multiple_of3A, %dma_start3A_273] : memref<2560x128xi32, #tpu.memory_space<hbm>> -> memref<16x128xi32, #tpu.memory_space<hbm>>
        %dma_start3A_275 = arith.constant 0 : i32
        %dma_start3A_276 = tpu.memref_slice %arg3[%multiple_of3A, %dma_start3A_275] : memref<2560x128xi32, #tpu.memory_space<hbm>> -> memref<16x128xi32, #tpu.memory_space<hbm>>
        tpu.enqueue_dma source(%dma_start3A_276 : memref<16x128xi32, #tpu.memory_space<hbm>>) target(%arg7 : memref<16x128xi32, #tpu.memory_space<vmem>>) target_semaphore(%run_scoped3A_272 : memref<!tpu.dma_semaphore, #tpu.memory_space<semaphore_mem>>)
        %dma_wait3A_277 = arith.constant 0 : i32
        %dma_wait3A_278 = tpu.memref_slice %arg3[%multiple_of3A, %dma_wait3A_277] : memref<2560x128xi32, #tpu.memory_space<hbm>> -> memref<16x128xi32, #tpu.memory_space<hbm>>
        %dma_wait3A_279 = arith.constant 0 : i32
        %dma_wait3A_280 = tpu.memref_slice %arg3[%multiple_of3A, %dma_wait3A_279] : memref<2560x128xi32, #tpu.memory_space<hbm>> -> memref<16x128xi32, #tpu.memory_space<hbm>>
        tpu.wait_dma2 semaphore(%run_scoped3A_272 : memref<!tpu.dma_semaphore, #tpu.memory_space<semaphore_mem>>) src(%dma_wait3A_280 : memref<16x128xi32, #tpu.memory_space<hbm>>) dst(%arg7 : memref<16x128xi32, #tpu.memory_space<vmem>>)
        tpu.yield
      }) : () -> ()
      "tpu.region"() ({
        %run_scoped3A_272 = tpu.sem_alloc : memref<!tpu.dma_semaphore, #tpu.memory_space<semaphore_mem>>
        %dma_start3A_273 = arith.constant 0 : i32
        %dma_start3A_274 = tpu.memref_slice %arg4[%multiple_of3A, %dma_start3A_273] : memref<2560x128xi32, #tpu.memory_space<hbm>> -> memref<16x128xi32, #tpu.memory_space<hbm>>
        %dma_start3A_275 = arith.constant 0 : i32
        %dma_start3A_276 = tpu.memref_slice %arg4[%multiple_of3A, %dma_start3A_275] : memref<2560x128xi32, #tpu.memory_space<hbm>> -> memref<16x128xi32, #tpu.memory_space<hbm>>
        tpu.enqueue_dma source(%dma_start3A_276 : memref<16x128xi32, #tpu.memory_space<hbm>>) target(%arg8 : memref<16x128xi32, #tpu.memory_space<vmem>>) target_semaphore(%run_scoped3A_272 : memref<!tpu.dma_semaphore, #tpu.memory_space<semaphore_mem>>)
        %dma_wait3A_277 = arith.constant 0 : i32
        %dma_wait3A_278 = tpu.memref_slice %arg4[%multiple_of3A, %dma_wait3A_277] : memref<2560x128xi32, #tpu.memory_space<hbm>> -> memref<16x128xi32, #tpu.memory_space<hbm>>
        %dma_wait3A_279 = arith.constant 0 : i32
        %dma_wait3A_280 = tpu.memref_slice %arg4[%multiple_of3A, %dma_wait3A_279] : memref<2560x128xi32, #tpu.memory_space<hbm>> -> memref<16x128xi32, #tpu.memory_space<hbm>>
        tpu.wait_dma2 semaphore(%run_scoped3A_272 : memref<!tpu.dma_semaphore, #tpu.memory_space<semaphore_mem>>) src(%dma_wait3A_280 : memref<16x128xi32, #tpu.memory_space<hbm>>) dst(%arg8 : memref<16x128xi32, #tpu.memory_space<vmem>>)
        tpu.yield
      }) : () -> ()
      %dma_start3A = arith.constant 0 : i32
      %dma_start3A_35 = arith.constant 0 : i32
      %dma_start3A_36 = tpu.memref_slice %arg7[%dma_start3A, %dma_start3A_35] : memref<16x128xi32, #tpu.memory_space<vmem>> -> memref<1x128xi32, #tpu.memory_space<vmem>>
      %dma_start3A_37 = tpu.memref_squeeze %dma_start3A_36 : memref<1x128xi32, #tpu.memory_space<vmem>> -> memref<128xi32, #tpu.memory_space<vmem>>
      %dma_start3A_38 = arith.constant 0 : i32
      %dma_start3A_39 = arith.constant 0 : i32
      %dma_start3A_40 = tpu.memref_slice %arg2[%dma_start3A_38, %dma_start3A_39] : memref<20000x128xf32, #tpu.memory_space<hbm>> -> memref<20000x128xf32, #tpu.memory_space<hbm>>
      tpu.enqueue_indirect_dma source(%dma_start3A_40 : memref<20000x128xf32, #tpu.memory_space<hbm>>) target(%arg9 : memref<128x128xf32, #tpu.memory_space<vmem>>) offsets(%dma_start3A_37 : memref<128xi32, #tpu.memory_space<vmem>>) semaphore(%arg12 : memref<!tpu.dma_semaphore, #tpu.memory_space<semaphore_mem>>)
      %dma_start3A_41 = arith.constant 1 : i32
      %dma_start3A_42 = arith.constant 0 : i32
      %dma_start3A_43 = tpu.memref_slice %arg7[%dma_start3A_41, %dma_start3A_42] : memref<16x128xi32, #tpu.memory_space<vmem>> -> memref<1x128xi32, #tpu.memory_space<vmem>>
      %dma_start3A_44 = tpu.memref_squeeze %dma_start3A_43 : memref<1x128xi32, #tpu.memory_space<vmem>> -> memref<128xi32, #tpu.memory_space<vmem>>
      %dma_start3A_45 = arith.constant 0 : i32
      %dma_start3A_46 = arith.constant 0 : i32
      %dma_start3A_47 = tpu.memref_slice %arg2[%dma_start3A_45, %dma_start3A_46] : memref<20000x128xf32, #tpu.memory_space<hbm>> -> memref<20000x128xf32, #tpu.memory_space<hbm>>
      tpu.enqueue_indirect_dma source(%dma_start3A_47 : memref<20000x128xf32, #tpu.memory_space<hbm>>) target(%arg10 : memref<128x128xf32, #tpu.memory_space<vmem>>) offsets(%dma_start3A_44 : memref<128xi32, #tpu.memory_space<vmem>>) semaphore(%arg13 : memref<!tpu.dma_semaphore, #tpu.memory_space<semaphore_mem>>)
      %dma_wait3A = arith.constant 0 : i32
      %dma_wait3A_48 = arith.constant 0 : i32
      %dma_wait3A_49 = tpu.memref_slice %arg7[%dma_wait3A, %dma_wait3A_48] : memref<16x128xi32, #tpu.memory_space<vmem>> -> memref<1x128xi32, #tpu.memory_space<vmem>>
      %dma_wait3A_50 = tpu.memref_squeeze %dma_wait3A_49 : memref<1x128xi32, #tpu.memory_space<vmem>> -> memref<128xi32, #tpu.memory_space<vmem>>
      %dma_wait3A_51 = arith.constant 0 : i32
      %dma_wait3A_52 = arith.constant 0 : i32
      %dma_wait3A_53 = tpu.memref_slice %arg2[%dma_wait3A_51, %dma_wait3A_52] : memref<20000x128xf32, #tpu.memory_space<hbm>> -> memref<20000x128xf32, #tpu.memory_space<hbm>>
      tpu.wait_indirect_dma semaphore(%arg12 : memref<!tpu.dma_semaphore, #tpu.memory_space<semaphore_mem>>) src(%dma_wait3A_53 : memref<20000x128xf32, #tpu.memory_space<hbm>>) dst(%arg9 : memref<128x128xf32, #tpu.memory_space<vmem>>)
      %run_scoped3A = arith.constant 0 : i32
      "tpu.region"() ({
        %run_scoped3A_272 = tpu.sem_alloc : memref<!tpu.dma_semaphore, #tpu.memory_space<semaphore_mem>>
        %dma_start3A_273 = arith.constant 0 : i32
        %dma_start3A_274 = tpu.memref_slice %arg8[%run_scoped3A, %dma_start3A_273] : memref<16x128xi32, #tpu.memory_space<vmem>> -> memref<1x128xi32, #tpu.memory_space<vmem>>
        %dma_start3A_275 = tpu.memref_squeeze %dma_start3A_274 : memref<1x128xi32, #tpu.memory_space<vmem>> -> memref<128xi32, #tpu.memory_space<vmem>>
        %dma_start3A_276 = arith.constant 0 : i32
        %dma_start3A_277 = arith.constant 0 : i32
        %dma_start3A_278 = tpu.memref_slice %arg11[%dma_start3A_276, %dma_start3A_277] : memref<10240x128xf32, #tpu.memory_space<vmem_shared>> -> memref<10240x128xf32, #tpu.memory_space<vmem_shared>>
        tpu.enqueue_indirect_dma source(%arg9 : memref<128x128xf32, #tpu.memory_space<vmem>>) target(%dma_start3A_278 : memref<10240x128xf32, #tpu.memory_space<vmem_shared>>) offsets(%dma_start3A_275 : memref<128xi32, #tpu.memory_space<vmem>>) semaphore(%run_scoped3A_272 : memref<!tpu.dma_semaphore, #tpu.memory_space<semaphore_mem>>) {add = true}
        %dma_wait3A_279 = arith.constant 0 : i32
        %dma_wait3A_280 = tpu.memref_slice %arg8[%run_scoped3A, %dma_wait3A_279] : memref<16x128xi32, #tpu.memory_space<vmem>> -> memref<1x128xi32, #tpu.memory_space<vmem>>
        %dma_wait3A_281 = tpu.memref_squeeze %dma_wait3A_280 : memref<1x128xi32, #tpu.memory_space<vmem>> -> memref<128xi32, #tpu.memory_space<vmem>>
        %dma_wait3A_282 = arith.constant 0 : i32
        %dma_wait3A_283 = arith.constant 0 : i32
        %dma_wait3A_284 = tpu.memref_slice %arg11[%dma_wait3A_282, %dma_wait3A_283] : memref<10240x128xf32, #tpu.memory_space<vmem_shared>> -> memref<10240x128xf32, #tpu.memory_space<vmem_shared>>
        tpu.wait_indirect_dma semaphore(%run_scoped3A_272 : memref<!tpu.dma_semaphore, #tpu.memory_space<semaphore_mem>>) src(%arg9 : memref<128x128xf32, #tpu.memory_space<vmem>>) dst(%dma_wait3A_284 : memref<10240x128xf32, #tpu.memory_space<vmem_shared>>)
        tpu.yield
      }) : () -> ()
      %dma_start3A_54 = arith.constant 2 : i32
      %dma_start3A_55 = arith.constant 0 : i32
      %dma_start3A_56 = tpu.memref_slice %arg7[%dma_start3A_54, %dma_start3A_55] : memref<16x128xi32, #tpu.memory_space<vmem>> -> memref<1x128xi32, #tpu.memory_space<vmem>>
      %dma_start3A_57 = tpu.memref_squeeze %dma_start3A_56 : memref<1x128xi32, #tpu.memory_space<vmem>> -> memref<128xi32, #tpu.memory_space<vmem>>
      %dma_start3A_58 = arith.constant 0 : i32
      %dma_start3A_59 = arith.constant 0 : i32
      %dma_start3A_60 = tpu.memref_slice %arg2[%dma_start3A_58, %dma_start3A_59] : memref<20000x128xf32, #tpu.memory_space<hbm>> -> memref<20000x128xf32, #tpu.memory_space<hbm>>
      tpu.enqueue_indirect_dma source(%dma_start3A_60 : memref<20000x128xf32, #tpu.memory_space<hbm>>) target(%arg9 : memref<128x128xf32, #tpu.memory_space<vmem>>) offsets(%dma_start3A_57 : memref<128xi32, #tpu.memory_space<vmem>>) semaphore(%arg12 : memref<!tpu.dma_semaphore, #tpu.memory_space<semaphore_mem>>)
      %dma_wait3A_61 = arith.constant 1 : i32
      %dma_wait3A_62 = arith.constant 0 : i32
      %dma_wait3A_63 = tpu.memref_slice %arg7[%dma_wait3A_61, %dma_wait3A_62] : memref<16x128xi32, #tpu.memory_space<vmem>> -> memref<1x128xi32, #tpu.memory_space<vmem>>
      %dma_wait3A_64 = tpu.memref_squeeze %dma_wait3A_63 : memref<1x128xi32, #tpu.memory_space<vmem>> -> memref<128xi32, #tpu.memory_space<vmem>>
      %dma_wait3A_65 = arith.constant 0 : i32
      %dma_wait3A_66 = arith.constant 0 : i32
      %dma_wait3A_67 = tpu.memref_slice %arg2[%dma_wait3A_65, %dma_wait3A_66] : memref<20000x128xf32, #tpu.memory_space<hbm>> -> memref<20000x128xf32, #tpu.memory_space<hbm>>
      tpu.wait_indirect_dma semaphore(%arg13 : memref<!tpu.dma_semaphore, #tpu.memory_space<semaphore_mem>>) src(%dma_wait3A_67 : memref<20000x128xf32, #tpu.memory_space<hbm>>) dst(%arg10 : memref<128x128xf32, #tpu.memory_space<vmem>>)
      %run_scoped3A_68 = arith.constant 1 : i32
      "tpu.region"() ({
        %run_scoped3A_272 = tpu.sem_alloc : memref<!tpu.dma_semaphore, #tpu.memory_space<semaphore_mem>>
        %dma_start3A_273 = arith.constant 0 : i32
        %dma_start3A_274 = tpu.memref_slice %arg8[%run_scoped3A_68, %dma_start3A_273] : memref<16x128xi32, #tpu.memory_space<vmem>> -> memref<1x128xi32, #tpu.memory_space<vmem>>
        %dma_start3A_275 = tpu.memref_squeeze %dma_start3A_274 : memref<1x128xi32, #tpu.memory_space<vmem>> -> memref<128xi32, #tpu.memory_space<vmem>>
        %dma_start3A_276 = arith.constant 0 : i32
        %dma_start3A_277 = arith.constant 0 : i32
        %dma_start3A_278 = tpu.memref_slice %arg11[%dma_start3A_276, %dma_start3A_277] : memref<10240x128xf32, #tpu.memory_space<vmem_shared>> -> memref<10240x128xf32, #tpu.memory_space<vmem_shared>>
        tpu.enqueue_indirect_dma source(%arg10 : memref<128x128xf32, #tpu.memory_space<vmem>>) target(%dma_start3A_278 : memref<10240x128xf32, #tpu.memory_space<vmem_shared>>) offsets(%dma_start3A_275 : memref<128xi32, #tpu.memory_space<vmem>>) semaphore(%run_scoped3A_272 : memref<!tpu.dma_semaphore, #tpu.memory_space<semaphore_mem>>) {add = true}
        %dma_wait3A_279 = arith.constant 0 : i32
        %dma_wait3A_280 = tpu.memref_slice %arg8[%run_scoped3A_68, %dma_wait3A_279] : memref<16x128xi32, #tpu.memory_space<vmem>> -> memref<1x128xi32, #tpu.memory_space<vmem>>
        %dma_wait3A_281 = tpu.memref_squeeze %dma_wait3A_280 : memref<1x128xi32, #tpu.memory_space<vmem>> -> memref<128xi32, #tpu.memory_space<vmem>>
        %dma_wait3A_282 = arith.constant 0 : i32
        %dma_wait3A_283 = arith.constant 0 : i32
        %dma_wait3A_284 = tpu.memref_slice %arg11[%dma_wait3A_282, %dma_wait3A_283] : memref<10240x128xf32, #tpu.memory_space<vmem_shared>> -> memref<10240x128xf32, #tpu.memory_space<vmem_shared>>
        tpu.wait_indirect_dma semaphore(%run_scoped3A_272 : memref<!tpu.dma_semaphore, #tpu.memory_space<semaphore_mem>>) src(%arg10 : memref<128x128xf32, #tpu.memory_space<vmem>>) dst(%dma_wait3A_284 : memref<10240x128xf32, #tpu.memory_space<vmem_shared>>)
        tpu.yield
      }) : () -> ()
      %dma_start3A_69 = arith.constant 3 : i32
      %dma_start3A_70 = arith.constant 0 : i32
      %dma_start3A_71 = tpu.memref_slice %arg7[%dma_start3A_69, %dma_start3A_70] : memref<16x128xi32, #tpu.memory_space<vmem>> -> memref<1x128xi32, #tpu.memory_space<vmem>>
      %dma_start3A_72 = tpu.memref_squeeze %dma_start3A_71 : memref<1x128xi32, #tpu.memory_space<vmem>> -> memref<128xi32, #tpu.memory_space<vmem>>
      %dma_start3A_73 = arith.constant 0 : i32
      %dma_start3A_74 = arith.constant 0 : i32
      %dma_start3A_75 = tpu.memref_slice %arg2[%dma_start3A_73, %dma_start3A_74] : memref<20000x128xf32, #tpu.memory_space<hbm>> -> memref<20000x128xf32, #tpu.memory_space<hbm>>
      tpu.enqueue_indirect_dma source(%dma_start3A_75 : memref<20000x128xf32, #tpu.memory_space<hbm>>) target(%arg10 : memref<128x128xf32, #tpu.memory_space<vmem>>) offsets(%dma_start3A_72 : memref<128xi32, #tpu.memory_space<vmem>>) semaphore(%arg13 : memref<!tpu.dma_semaphore, #tpu.memory_space<semaphore_mem>>)
      %dma_wait3A_76 = arith.constant 2 : i32
      %dma_wait3A_77 = arith.constant 0 : i32
      %dma_wait3A_78 = tpu.memref_slice %arg7[%dma_wait3A_76, %dma_wait3A_77] : memref<16x128xi32, #tpu.memory_space<vmem>> -> memref<1x128xi32, #tpu.memory_space<vmem>>
      %dma_wait3A_79 = tpu.memref_squeeze %dma_wait3A_78 : memref<1x128xi32, #tpu.memory_space<vmem>> -> memref<128xi32, #tpu.memory_space<vmem>>
      %dma_wait3A_80 = arith.constant 0 : i32
      %dma_wait3A_81 = arith.constant 0 : i32
      %dma_wait3A_82 = tpu.memref_slice %arg2[%dma_wait3A_80, %dma_wait3A_81] : memref<20000x128xf32, #tpu.memory_space<hbm>> -> memref<20000x128xf32, #tpu.memory_space<hbm>>
      tpu.wait_indirect_dma semaphore(%arg12 : memref<!tpu.dma_semaphore, #tpu.memory_space<semaphore_mem>>) src(%dma_wait3A_82 : memref<20000x128xf32, #tpu.memory_space<hbm>>) dst(%arg9 : memref<128x128xf32, #tpu.memory_space<vmem>>)
      %run_scoped3A_83 = arith.constant 2 : i32
      "tpu.region"() ({
        %run_scoped3A_272 = tpu.sem_alloc : memref<!tpu.dma_semaphore, #tpu.memory_space<semaphore_mem>>
        %dma_start3A_273 = arith.constant 0 : i32
        %dma_start3A_274 = tpu.memref_slice %arg8[%run_scoped3A_83, %dma_start3A_273] : memref<16x128xi32, #tpu.memory_space<vmem>> -> memref<1x128xi32, #tpu.memory_space<vmem>>
        %dma_start3A_275 = tpu.memref_squeeze %dma_start3A_274 : memref<1x128xi32, #tpu.memory_space<vmem>> -> memref<128xi32, #tpu.memory_space<vmem>>
        %dma_start3A_276 = arith.constant 0 : i32
        %dma_start3A_277 = arith.constant 0 : i32
        %dma_start3A_278 = tpu.memref_slice %arg11[%dma_start3A_276, %dma_start3A_277] : memref<10240x128xf32, #tpu.memory_space<vmem_shared>> -> memref<10240x128xf32, #tpu.memory_space<vmem_shared>>
        tpu.enqueue_indirect_dma source(%arg9 : memref<128x128xf32, #tpu.memory_space<vmem>>) target(%dma_start3A_278 : memref<10240x128xf32, #tpu.memory_space<vmem_shared>>) offsets(%dma_start3A_275 : memref<128xi32, #tpu.memory_space<vmem>>) semaphore(%run_scoped3A_272 : memref<!tpu.dma_semaphore, #tpu.memory_space<semaphore_mem>>) {add = true}
        %dma_wait3A_279 = arith.constant 0 : i32
        %dma_wait3A_280 = tpu.memref_slice %arg8[%run_scoped3A_83, %dma_wait3A_279] : memref<16x128xi32, #tpu.memory_space<vmem>> -> memref<1x128xi32, #tpu.memory_space<vmem>>
        %dma_wait3A_281 = tpu.memref_squeeze %dma_wait3A_280 : memref<1x128xi32, #tpu.memory_space<vmem>> -> memref<128xi32, #tpu.memory_space<vmem>>
        %dma_wait3A_282 = arith.constant 0 : i32
        %dma_wait3A_283 = arith.constant 0 : i32
        %dma_wait3A_284 = tpu.memref_slice %arg11[%dma_wait3A_282, %dma_wait3A_283] : memref<10240x128xf32, #tpu.memory_space<vmem_shared>> -> memref<10240x128xf32, #tpu.memory_space<vmem_shared>>
        tpu.wait_indirect_dma semaphore(%run_scoped3A_272 : memref<!tpu.dma_semaphore, #tpu.memory_space<semaphore_mem>>) src(%arg9 : memref<128x128xf32, #tpu.memory_space<vmem>>) dst(%dma_wait3A_284 : memref<10240x128xf32, #tpu.memory_space<vmem_shared>>)
        tpu.yield
      }) : () -> ()
      %dma_start3A_84 = arith.constant 4 : i32
      %dma_start3A_85 = arith.constant 0 : i32
      %dma_start3A_86 = tpu.memref_slice %arg7[%dma_start3A_84, %dma_start3A_85] : memref<16x128xi32, #tpu.memory_space<vmem>> -> memref<1x128xi32, #tpu.memory_space<vmem>>
      %dma_start3A_87 = tpu.memref_squeeze %dma_start3A_86 : memref<1x128xi32, #tpu.memory_space<vmem>> -> memref<128xi32, #tpu.memory_space<vmem>>
      %dma_start3A_88 = arith.constant 0 : i32
      %dma_start3A_89 = arith.constant 0 : i32
      %dma_start3A_90 = tpu.memref_slice %arg2[%dma_start3A_88, %dma_start3A_89] : memref<20000x128xf32, #tpu.memory_space<hbm>> -> memref<20000x128xf32, #tpu.memory_space<hbm>>
      tpu.enqueue_indirect_dma source(%dma_start3A_90 : memref<20000x128xf32, #tpu.memory_space<hbm>>) target(%arg9 : memref<128x128xf32, #tpu.memory_space<vmem>>) offsets(%dma_start3A_87 : memref<128xi32, #tpu.memory_space<vmem>>) semaphore(%arg12 : memref<!tpu.dma_semaphore, #tpu.memory_space<semaphore_mem>>)
      %dma_wait3A_91 = arith.constant 3 : i32
      %dma_wait3A_92 = arith.constant 0 : i32
      %dma_wait3A_93 = tpu.memref_slice %arg7[%dma_wait3A_91, %dma_wait3A_92] : memref<16x128xi32, #tpu.memory_space<vmem>> -> memref<1x128xi32, #tpu.memory_space<vmem>>
      %dma_wait3A_94 = tpu.memref_squeeze %dma_wait3A_93 : memref<1x128xi32, #tpu.memory_space<vmem>> -> memref<128xi32, #tpu.memory_space<vmem>>
      %dma_wait3A_95 = arith.constant 0 : i32
      %dma_wait3A_96 = arith.constant 0 : i32
      %dma_wait3A_97 = tpu.memref_slice %arg2[%dma_wait3A_95, %dma_wait3A_96] : memref<20000x128xf32, #tpu.memory_space<hbm>> -> memref<20000x128xf32, #tpu.memory_space<hbm>>
      tpu.wait_indirect_dma semaphore(%arg13 : memref<!tpu.dma_semaphore, #tpu.memory_space<semaphore_mem>>) src(%dma_wait3A_97 : memref<20000x128xf32, #tpu.memory_space<hbm>>) dst(%arg10 : memref<128x128xf32, #tpu.memory_space<vmem>>)
      %run_scoped3A_98 = arith.constant 3 : i32
      "tpu.region"() ({
        %run_scoped3A_272 = tpu.sem_alloc : memref<!tpu.dma_semaphore, #tpu.memory_space<semaphore_mem>>
        %dma_start3A_273 = arith.constant 0 : i32
        %dma_start3A_274 = tpu.memref_slice %arg8[%run_scoped3A_98, %dma_start3A_273] : memref<16x128xi32, #tpu.memory_space<vmem>> -> memref<1x128xi32, #tpu.memory_space<vmem>>
        %dma_start3A_275 = tpu.memref_squeeze %dma_start3A_274 : memref<1x128xi32, #tpu.memory_space<vmem>> -> memref<128xi32, #tpu.memory_space<vmem>>
        %dma_start3A_276 = arith.constant 0 : i32
        %dma_start3A_277 = arith.constant 0 : i32
        %dma_start3A_278 = tpu.memref_slice %arg11[%dma_start3A_276, %dma_start3A_277] : memref<10240x128xf32, #tpu.memory_space<vmem_shared>> -> memref<10240x128xf32, #tpu.memory_space<vmem_shared>>
        tpu.enqueue_indirect_dma source(%arg10 : memref<128x128xf32, #tpu.memory_space<vmem>>) target(%dma_start3A_278 : memref<10240x128xf32, #tpu.memory_space<vmem_shared>>) offsets(%dma_start3A_275 : memref<128xi32, #tpu.memory_space<vmem>>) semaphore(%run_scoped3A_272 : memref<!tpu.dma_semaphore, #tpu.memory_space<semaphore_mem>>) {add = true}
        %dma_wait3A_279 = arith.constant 0 : i32
        %dma_wait3A_280 = tpu.memref_slice %arg8[%run_scoped3A_98, %dma_wait3A_279] : memref<16x128xi32, #tpu.memory_space<vmem>> -> memref<1x128xi32, #tpu.memory_space<vmem>>
        %dma_wait3A_281 = tpu.memref_squeeze %dma_wait3A_280 : memref<1x128xi32, #tpu.memory_space<vmem>> -> memref<128xi32, #tpu.memory_space<vmem>>
        %dma_wait3A_282 = arith.constant 0 : i32
        %dma_wait3A_283 = arith.constant 0 : i32
        %dma_wait3A_284 = tpu.memref_slice %arg11[%dma_wait3A_282, %dma_wait3A_283] : memref<10240x128xf32, #tpu.memory_space<vmem_shared>> -> memref<10240x128xf32, #tpu.memory_space<vmem_shared>>
        tpu.wait_indirect_dma semaphore(%run_scoped3A_272 : memref<!tpu.dma_semaphore, #tpu.memory_space<semaphore_mem>>) src(%arg10 : memref<128x128xf32, #tpu.memory_space<vmem>>) dst(%dma_wait3A_284 : memref<10240x128xf32, #tpu.memory_space<vmem_shared>>)
        tpu.yield
      }) : () -> ()
      %dma_start3A_99 = arith.constant 5 : i32
      %dma_start3A_100 = arith.constant 0 : i32
      %dma_start3A_101 = tpu.memref_slice %arg7[%dma_start3A_99, %dma_start3A_100] : memref<16x128xi32, #tpu.memory_space<vmem>> -> memref<1x128xi32, #tpu.memory_space<vmem>>
      %dma_start3A_102 = tpu.memref_squeeze %dma_start3A_101 : memref<1x128xi32, #tpu.memory_space<vmem>> -> memref<128xi32, #tpu.memory_space<vmem>>
      %dma_start3A_103 = arith.constant 0 : i32
      %dma_start3A_104 = arith.constant 0 : i32
      %dma_start3A_105 = tpu.memref_slice %arg2[%dma_start3A_103, %dma_start3A_104] : memref<20000x128xf32, #tpu.memory_space<hbm>> -> memref<20000x128xf32, #tpu.memory_space<hbm>>
      tpu.enqueue_indirect_dma source(%dma_start3A_105 : memref<20000x128xf32, #tpu.memory_space<hbm>>) target(%arg10 : memref<128x128xf32, #tpu.memory_space<vmem>>) offsets(%dma_start3A_102 : memref<128xi32, #tpu.memory_space<vmem>>) semaphore(%arg13 : memref<!tpu.dma_semaphore, #tpu.memory_space<semaphore_mem>>)
      %dma_wait3A_106 = arith.constant 4 : i32
      %dma_wait3A_107 = arith.constant 0 : i32
      %dma_wait3A_108 = tpu.memref_slice %arg7[%dma_wait3A_106, %dma_wait3A_107] : memref<16x128xi32, #tpu.memory_space<vmem>> -> memref<1x128xi32, #tpu.memory_space<vmem>>
      %dma_wait3A_109 = tpu.memref_squeeze %dma_wait3A_108 : memref<1x128xi32, #tpu.memory_space<vmem>> -> memref<128xi32, #tpu.memory_space<vmem>>
      %dma_wait3A_110 = arith.constant 0 : i32
      %dma_wait3A_111 = arith.constant 0 : i32
      %dma_wait3A_112 = tpu.memref_slice %arg2[%dma_wait3A_110, %dma_wait3A_111] : memref<20000x128xf32, #tpu.memory_space<hbm>> -> memref<20000x128xf32, #tpu.memory_space<hbm>>
      tpu.wait_indirect_dma semaphore(%arg12 : memref<!tpu.dma_semaphore, #tpu.memory_space<semaphore_mem>>) src(%dma_wait3A_112 : memref<20000x128xf32, #tpu.memory_space<hbm>>) dst(%arg9 : memref<128x128xf32, #tpu.memory_space<vmem>>)
      %run_scoped3A_113 = arith.constant 4 : i32
      "tpu.region"() ({
        %run_scoped3A_272 = tpu.sem_alloc : memref<!tpu.dma_semaphore, #tpu.memory_space<semaphore_mem>>
        %dma_start3A_273 = arith.constant 0 : i32
        %dma_start3A_274 = tpu.memref_slice %arg8[%run_scoped3A_113, %dma_start3A_273] : memref<16x128xi32, #tpu.memory_space<vmem>> -> memref<1x128xi32, #tpu.memory_space<vmem>>
        %dma_start3A_275 = tpu.memref_squeeze %dma_start3A_274 : memref<1x128xi32, #tpu.memory_space<vmem>> -> memref<128xi32, #tpu.memory_space<vmem>>
        %dma_start3A_276 = arith.constant 0 : i32
        %dma_start3A_277 = arith.constant 0 : i32
        %dma_start3A_278 = tpu.memref_slice %arg11[%dma_start3A_276, %dma_start3A_277] : memref<10240x128xf32, #tpu.memory_space<vmem_shared>> -> memref<10240x128xf32, #tpu.memory_space<vmem_shared>>
        tpu.enqueue_indirect_dma source(%arg9 : memref<128x128xf32, #tpu.memory_space<vmem>>) target(%dma_start3A_278 : memref<10240x128xf32, #tpu.memory_space<vmem_shared>>) offsets(%dma_start3A_275 : memref<128xi32, #tpu.memory_space<vmem>>) semaphore(%run_scoped3A_272 : memref<!tpu.dma_semaphore, #tpu.memory_space<semaphore_mem>>) {add = true}
        %dma_wait3A_279 = arith.constant 0 : i32
        %dma_wait3A_280 = tpu.memref_slice %arg8[%run_scoped3A_113, %dma_wait3A_279] : memref<16x128xi32, #tpu.memory_space<vmem>> -> memref<1x128xi32, #tpu.memory_space<vmem>>
        %dma_wait3A_281 = tpu.memref_squeeze %dma_wait3A_280 : memref<1x128xi32, #tpu.memory_space<vmem>> -> memref<128xi32, #tpu.memory_space<vmem>>
        %dma_wait3A_282 = arith.constant 0 : i32
        %dma_wait3A_283 = arith.constant 0 : i32
        %dma_wait3A_284 = tpu.memref_slice %arg11[%dma_wait3A_282, %dma_wait3A_283] : memref<10240x128xf32, #tpu.memory_space<vmem_shared>> -> memref<10240x128xf32, #tpu.memory_space<vmem_shared>>
        tpu.wait_indirect_dma semaphore(%run_scoped3A_272 : memref<!tpu.dma_semaphore, #tpu.memory_space<semaphore_mem>>) src(%arg9 : memref<128x128xf32, #tpu.memory_space<vmem>>) dst(%dma_wait3A_284 : memref<10240x128xf32, #tpu.memory_space<vmem_shared>>)
        tpu.yield
      }) : () -> ()
      %dma_start3A_114 = arith.constant 6 : i32
      %dma_start3A_115 = arith.constant 0 : i32
      %dma_start3A_116 = tpu.memref_slice %arg7[%dma_start3A_114, %dma_start3A_115] : memref<16x128xi32, #tpu.memory_space<vmem>> -> memref<1x128xi32, #tpu.memory_space<vmem>>
      %dma_start3A_117 = tpu.memref_squeeze %dma_start3A_116 : memref<1x128xi32, #tpu.memory_space<vmem>> -> memref<128xi32, #tpu.memory_space<vmem>>
      %dma_start3A_118 = arith.constant 0 : i32
      %dma_start3A_119 = arith.constant 0 : i32
      %dma_start3A_120 = tpu.memref_slice %arg2[%dma_start3A_118, %dma_start3A_119] : memref<20000x128xf32, #tpu.memory_space<hbm>> -> memref<20000x128xf32, #tpu.memory_space<hbm>>
      tpu.enqueue_indirect_dma source(%dma_start3A_120 : memref<20000x128xf32, #tpu.memory_space<hbm>>) target(%arg9 : memref<128x128xf32, #tpu.memory_space<vmem>>) offsets(%dma_start3A_117 : memref<128xi32, #tpu.memory_space<vmem>>) semaphore(%arg12 : memref<!tpu.dma_semaphore, #tpu.memory_space<semaphore_mem>>)
      %dma_wait3A_121 = arith.constant 5 : i32
      %dma_wait3A_122 = arith.constant 0 : i32
      %dma_wait3A_123 = tpu.memref_slice %arg7[%dma_wait3A_121, %dma_wait3A_122] : memref<16x128xi32, #tpu.memory_space<vmem>> -> memref<1x128xi32, #tpu.memory_space<vmem>>
      %dma_wait3A_124 = tpu.memref_squeeze %dma_wait3A_123 : memref<1x128xi32, #tpu.memory_space<vmem>> -> memref<128xi32, #tpu.memory_space<vmem>>
      %dma_wait3A_125 = arith.constant 0 : i32
      %dma_wait3A_126 = arith.constant 0 : i32
      %dma_wait3A_127 = tpu.memref_slice %arg2[%dma_wait3A_125, %dma_wait3A_126] : memref<20000x128xf32, #tpu.memory_space<hbm>> -> memref<20000x128xf32, #tpu.memory_space<hbm>>
      tpu.wait_indirect_dma semaphore(%arg13 : memref<!tpu.dma_semaphore, #tpu.memory_space<semaphore_mem>>) src(%dma_wait3A_127 : memref<20000x128xf32, #tpu.memory_space<hbm>>) dst(%arg10 : memref<128x128xf32, #tpu.memory_space<vmem>>)
      %run_scoped3A_128 = arith.constant 5 : i32
      "tpu.region"() ({
        %run_scoped3A_272 = tpu.sem_alloc : memref<!tpu.dma_semaphore, #tpu.memory_space<semaphore_mem>>
        %dma_start3A_273 = arith.constant 0 : i32
        %dma_start3A_274 = tpu.memref_slice %arg8[%run_scoped3A_128, %dma_start3A_273] : memref<16x128xi32, #tpu.memory_space<vmem>> -> memref<1x128xi32, #tpu.memory_space<vmem>>
        %dma_start3A_275 = tpu.memref_squeeze %dma_start3A_274 : memref<1x128xi32, #tpu.memory_space<vmem>> -> memref<128xi32, #tpu.memory_space<vmem>>
        %dma_start3A_276 = arith.constant 0 : i32
        %dma_start3A_277 = arith.constant 0 : i32
        %dma_start3A_278 = tpu.memref_slice %arg11[%dma_start3A_276, %dma_start3A_277] : memref<10240x128xf32, #tpu.memory_space<vmem_shared>> -> memref<10240x128xf32, #tpu.memory_space<vmem_shared>>
        tpu.enqueue_indirect_dma source(%arg10 : memref<128x128xf32, #tpu.memory_space<vmem>>) target(%dma_start3A_278 : memref<10240x128xf32, #tpu.memory_space<vmem_shared>>) offsets(%dma_start3A_275 : memref<128xi32, #tpu.memory_space<vmem>>) semaphore(%run_scoped3A_272 : memref<!tpu.dma_semaphore, #tpu.memory_space<semaphore_mem>>) {add = true}
        %dma_wait3A_279 = arith.constant 0 : i32
        %dma_wait3A_280 = tpu.memref_slice %arg8[%run_scoped3A_128, %dma_wait3A_279] : memref<16x128xi32, #tpu.memory_space<vmem>> -> memref<1x128xi32, #tpu.memory_space<vmem>>
        %dma_wait3A_281 = tpu.memref_squeeze %dma_wait3A_280 : memref<1x128xi32, #tpu.memory_space<vmem>> -> memref<128xi32, #tpu.memory_space<vmem>>
        %dma_wait3A_282 = arith.constant 0 : i32
        %dma_wait3A_283 = arith.constant 0 : i32
        %dma_wait3A_284 = tpu.memref_slice %arg11[%dma_wait3A_282, %dma_wait3A_283] : memref<10240x128xf32, #tpu.memory_space<vmem_shared>> -> memref<10240x128xf32, #tpu.memory_space<vmem_shared>>
        tpu.wait_indirect_dma semaphore(%run_scoped3A_272 : memref<!tpu.dma_semaphore, #tpu.memory_space<semaphore_mem>>) src(%arg10 : memref<128x128xf32, #tpu.memory_space<vmem>>) dst(%dma_wait3A_284 : memref<10240x128xf32, #tpu.memory_space<vmem_shared>>)
        tpu.yield
      }) : () -> ()
      %dma_start3A_129 = arith.constant 7 : i32
      %dma_start3A_130 = arith.constant 0 : i32
      %dma_start3A_131 = tpu.memref_slice %arg7[%dma_start3A_129, %dma_start3A_130] : memref<16x128xi32, #tpu.memory_space<vmem>> -> memref<1x128xi32, #tpu.memory_space<vmem>>
      %dma_start3A_132 = tpu.memref_squeeze %dma_start3A_131 : memref<1x128xi32, #tpu.memory_space<vmem>> -> memref<128xi32, #tpu.memory_space<vmem>>
      %dma_start3A_133 = arith.constant 0 : i32
      %dma_start3A_134 = arith.constant 0 : i32
      %dma_start3A_135 = tpu.memref_slice %arg2[%dma_start3A_133, %dma_start3A_134] : memref<20000x128xf32, #tpu.memory_space<hbm>> -> memref<20000x128xf32, #tpu.memory_space<hbm>>
      tpu.enqueue_indirect_dma source(%dma_start3A_135 : memref<20000x128xf32, #tpu.memory_space<hbm>>) target(%arg10 : memref<128x128xf32, #tpu.memory_space<vmem>>) offsets(%dma_start3A_132 : memref<128xi32, #tpu.memory_space<vmem>>) semaphore(%arg13 : memref<!tpu.dma_semaphore, #tpu.memory_space<semaphore_mem>>)
      %dma_wait3A_136 = arith.constant 6 : i32
      %dma_wait3A_137 = arith.constant 0 : i32
      %dma_wait3A_138 = tpu.memref_slice %arg7[%dma_wait3A_136, %dma_wait3A_137] : memref<16x128xi32, #tpu.memory_space<vmem>> -> memref<1x128xi32, #tpu.memory_space<vmem>>
      %dma_wait3A_139 = tpu.memref_squeeze %dma_wait3A_138 : memref<1x128xi32, #tpu.memory_space<vmem>> -> memref<128xi32, #tpu.memory_space<vmem>>
      %dma_wait3A_140 = arith.constant 0 : i32
      %dma_wait3A_141 = arith.constant 0 : i32
      %dma_wait3A_142 = tpu.memref_slice %arg2[%dma_wait3A_140, %dma_wait3A_141] : memref<20000x128xf32, #tpu.memory_space<hbm>> -> memref<20000x128xf32, #tpu.memory_space<hbm>>
      tpu.wait_indirect_dma semaphore(%arg12 : memref<!tpu.dma_semaphore, #tpu.memory_space<semaphore_mem>>) src(%dma_wait3A_142 : memref<20000x128xf32, #tpu.memory_space<hbm>>) dst(%arg9 : memref<128x128xf32, #tpu.memory_space<vmem>>)
      %run_scoped3A_143 = arith.constant 6 : i32
      "tpu.region"() ({
        %run_scoped3A_272 = tpu.sem_alloc : memref<!tpu.dma_semaphore, #tpu.memory_space<semaphore_mem>>
        %dma_start3A_273 = arith.constant 0 : i32
        %dma_start3A_274 = tpu.memref_slice %arg8[%run_scoped3A_143, %dma_start3A_273] : memref<16x128xi32, #tpu.memory_space<vmem>> -> memref<1x128xi32, #tpu.memory_space<vmem>>
        %dma_start3A_275 = tpu.memref_squeeze %dma_start3A_274 : memref<1x128xi32, #tpu.memory_space<vmem>> -> memref<128xi32, #tpu.memory_space<vmem>>
        %dma_start3A_276 = arith.constant 0 : i32
        %dma_start3A_277 = arith.constant 0 : i32
        %dma_start3A_278 = tpu.memref_slice %arg11[%dma_start3A_276, %dma_start3A_277] : memref<10240x128xf32, #tpu.memory_space<vmem_shared>> -> memref<10240x128xf32, #tpu.memory_space<vmem_shared>>
        tpu.enqueue_indirect_dma source(%arg9 : memref<128x128xf32, #tpu.memory_space<vmem>>) target(%dma_start3A_278 : memref<10240x128xf32, #tpu.memory_space<vmem_shared>>) offsets(%dma_start3A_275 : memref<128xi32, #tpu.memory_space<vmem>>) semaphore(%run_scoped3A_272 : memref<!tpu.dma_semaphore, #tpu.memory_space<semaphore_mem>>) {add = true}
        %dma_wait3A_279 = arith.constant 0 : i32
        %dma_wait3A_280 = tpu.memref_slice %arg8[%run_scoped3A_143, %dma_wait3A_279] : memref<16x128xi32, #tpu.memory_space<vmem>> -> memref<1x128xi32, #tpu.memory_space<vmem>>
        %dma_wait3A_281 = tpu.memref_squeeze %dma_wait3A_280 : memref<1x128xi32, #tpu.memory_space<vmem>> -> memref<128xi32, #tpu.memory_space<vmem>>
        %dma_wait3A_282 = arith.constant 0 : i32
        %dma_wait3A_283 = arith.constant 0 : i32
        %dma_wait3A_284 = tpu.memref_slice %arg11[%dma_wait3A_282, %dma_wait3A_283] : memref<10240x128xf32, #tpu.memory_space<vmem_shared>> -> memref<10240x128xf32, #tpu.memory_space<vmem_shared>>
        tpu.wait_indirect_dma semaphore(%run_scoped3A_272 : memref<!tpu.dma_semaphore, #tpu.memory_space<semaphore_mem>>) src(%arg9 : memref<128x128xf32, #tpu.memory_space<vmem>>) dst(%dma_wait3A_284 : memref<10240x128xf32, #tpu.memory_space<vmem_shared>>)
        tpu.yield
      }) : () -> ()
      %dma_start3A_144 = arith.constant 8 : i32
      %dma_start3A_145 = arith.constant 0 : i32
      %dma_start3A_146 = tpu.memref_slice %arg7[%dma_start3A_144, %dma_start3A_145] : memref<16x128xi32, #tpu.memory_space<vmem>> -> memref<1x128xi32, #tpu.memory_space<vmem>>
      %dma_start3A_147 = tpu.memref_squeeze %dma_start3A_146 : memref<1x128xi32, #tpu.memory_space<vmem>> -> memref<128xi32, #tpu.memory_space<vmem>>
      %dma_start3A_148 = arith.constant 0 : i32
      %dma_start3A_149 = arith.constant 0 : i32
      %dma_start3A_150 = tpu.memref_slice %arg2[%dma_start3A_148, %dma_start3A_149] : memref<20000x128xf32, #tpu.memory_space<hbm>> -> memref<20000x128xf32, #tpu.memory_space<hbm>>
      tpu.enqueue_indirect_dma source(%dma_start3A_150 : memref<20000x128xf32, #tpu.memory_space<hbm>>) target(%arg9 : memref<128x128xf32, #tpu.memory_space<vmem>>) offsets(%dma_start3A_147 : memref<128xi32, #tpu.memory_space<vmem>>) semaphore(%arg12 : memref<!tpu.dma_semaphore, #tpu.memory_space<semaphore_mem>>)
      %dma_wait3A_151 = arith.constant 7 : i32
      %dma_wait3A_152 = arith.constant 0 : i32
      %dma_wait3A_153 = tpu.memref_slice %arg7[%dma_wait3A_151, %dma_wait3A_152] : memref<16x128xi32, #tpu.memory_space<vmem>> -> memref<1x128xi32, #tpu.memory_space<vmem>>
      %dma_wait3A_154 = tpu.memref_squeeze %dma_wait3A_153 : memref<1x128xi32, #tpu.memory_space<vmem>> -> memref<128xi32, #tpu.memory_space<vmem>>
      %dma_wait3A_155 = arith.constant 0 : i32
      %dma_wait3A_156 = arith.constant 0 : i32
      %dma_wait3A_157 = tpu.memref_slice %arg2[%dma_wait3A_155, %dma_wait3A_156] : memref<20000x128xf32, #tpu.memory_space<hbm>> -> memref<20000x128xf32, #tpu.memory_space<hbm>>
      tpu.wait_indirect_dma semaphore(%arg13 : memref<!tpu.dma_semaphore, #tpu.memory_space<semaphore_mem>>) src(%dma_wait3A_157 : memref<20000x128xf32, #tpu.memory_space<hbm>>) dst(%arg10 : memref<128x128xf32, #tpu.memory_space<vmem>>)
      %run_scoped3A_158 = arith.constant 7 : i32
      "tpu.region"() ({
        %run_scoped3A_272 = tpu.sem_alloc : memref<!tpu.dma_semaphore, #tpu.memory_space<semaphore_mem>>
        %dma_start3A_273 = arith.constant 0 : i32
        %dma_start3A_274 = tpu.memref_slice %arg8[%run_scoped3A_158, %dma_start3A_273] : memref<16x128xi32, #tpu.memory_space<vmem>> -> memref<1x128xi32, #tpu.memory_space<vmem>>
        %dma_start3A_275 = tpu.memref_squeeze %dma_start3A_274 : memref<1x128xi32, #tpu.memory_space<vmem>> -> memref<128xi32, #tpu.memory_space<vmem>>
        %dma_start3A_276 = arith.constant 0 : i32
        %dma_start3A_277 = arith.constant 0 : i32
        %dma_start3A_278 = tpu.memref_slice %arg11[%dma_start3A_276, %dma_start3A_277] : memref<10240x128xf32, #tpu.memory_space<vmem_shared>> -> memref<10240x128xf32, #tpu.memory_space<vmem_shared>>
        tpu.enqueue_indirect_dma source(%arg10 : memref<128x128xf32, #tpu.memory_space<vmem>>) target(%dma_start3A_278 : memref<10240x128xf32, #tpu.memory_space<vmem_shared>>) offsets(%dma_start3A_275 : memref<128xi32, #tpu.memory_space<vmem>>) semaphore(%run_scoped3A_272 : memref<!tpu.dma_semaphore, #tpu.memory_space<semaphore_mem>>) {add = true}
        %dma_wait3A_279 = arith.constant 0 : i32
        %dma_wait3A_280 = tpu.memref_slice %arg8[%run_scoped3A_158, %dma_wait3A_279] : memref<16x128xi32, #tpu.memory_space<vmem>> -> memref<1x128xi32, #tpu.memory_space<vmem>>
        %dma_wait3A_281 = tpu.memref_squeeze %dma_wait3A_280 : memref<1x128xi32, #tpu.memory_space<vmem>> -> memref<128xi32, #tpu.memory_space<vmem>>
        %dma_wait3A_282 = arith.constant 0 : i32
        %dma_wait3A_283 = arith.constant 0 : i32
        %dma_wait3A_284 = tpu.memref_slice %arg11[%dma_wait3A_282, %dma_wait3A_283] : memref<10240x128xf32, #tpu.memory_space<vmem_shared>> -> memref<10240x128xf32, #tpu.memory_space<vmem_shared>>
        tpu.wait_indirect_dma semaphore(%run_scoped3A_272 : memref<!tpu.dma_semaphore, #tpu.memory_space<semaphore_mem>>) src(%arg10 : memref<128x128xf32, #tpu.memory_space<vmem>>) dst(%dma_wait3A_284 : memref<10240x128xf32, #tpu.memory_space<vmem_shared>>)
        tpu.yield
      }) : () -> ()
      %dma_start3A_159 = arith.constant 9 : i32
      %dma_start3A_160 = arith.constant 0 : i32
      %dma_start3A_161 = tpu.memref_slice %arg7[%dma_start3A_159, %dma_start3A_160] : memref<16x128xi32, #tpu.memory_space<vmem>> -> memref<1x128xi32, #tpu.memory_space<vmem>>
      %dma_start3A_162 = tpu.memref_squeeze %dma_start3A_161 : memref<1x128xi32, #tpu.memory_space<vmem>> -> memref<128xi32, #tpu.memory_space<vmem>>
      %dma_start3A_163 = arith.constant 0 : i32
      %dma_start3A_164 = arith.constant 0 : i32
      %dma_start3A_165 = tpu.memref_slice %arg2[%dma_start3A_163, %dma_start3A_164] : memref<20000x128xf32, #tpu.memory_space<hbm>> -> memref<20000x128xf32, #tpu.memory_space<hbm>>
      tpu.enqueue_indirect_dma source(%dma_start3A_165 : memref<20000x128xf32, #tpu.memory_space<hbm>>) target(%arg10 : memref<128x128xf32, #tpu.memory_space<vmem>>) offsets(%dma_start3A_162 : memref<128xi32, #tpu.memory_space<vmem>>) semaphore(%arg13 : memref<!tpu.dma_semaphore, #tpu.memory_space<semaphore_mem>>)
      %dma_wait3A_166 = arith.constant 8 : i32
      %dma_wait3A_167 = arith.constant 0 : i32
      %dma_wait3A_168 = tpu.memref_slice %arg7[%dma_wait3A_166, %dma_wait3A_167] : memref<16x128xi32, #tpu.memory_space<vmem>> -> memref<1x128xi32, #tpu.memory_space<vmem>>
      %dma_wait3A_169 = tpu.memref_squeeze %dma_wait3A_168 : memref<1x128xi32, #tpu.memory_space<vmem>> -> memref<128xi32, #tpu.memory_space<vmem>>
      %dma_wait3A_170 = arith.constant 0 : i32
      %dma_wait3A_171 = arith.constant 0 : i32
      %dma_wait3A_172 = tpu.memref_slice %arg2[%dma_wait3A_170, %dma_wait3A_171] : memref<20000x128xf32, #tpu.memory_space<hbm>> -> memref<20000x128xf32, #tpu.memory_space<hbm>>
      tpu.wait_indirect_dma semaphore(%arg12 : memref<!tpu.dma_semaphore, #tpu.memory_space<semaphore_mem>>) src(%dma_wait3A_172 : memref<20000x128xf32, #tpu.memory_space<hbm>>) dst(%arg9 : memref<128x128xf32, #tpu.memory_space<vmem>>)
      %run_scoped3A_173 = arith.constant 8 : i32
      "tpu.region"() ({
        %run_scoped3A_272 = tpu.sem_alloc : memref<!tpu.dma_semaphore, #tpu.memory_space<semaphore_mem>>
        %dma_start3A_273 = arith.constant 0 : i32
        %dma_start3A_274 = tpu.memref_slice %arg8[%run_scoped3A_173, %dma_start3A_273] : memref<16x128xi32, #tpu.memory_space<vmem>> -> memref<1x128xi32, #tpu.memory_space<vmem>>
        %dma_start3A_275 = tpu.memref_squeeze %dma_start3A_274 : memref<1x128xi32, #tpu.memory_space<vmem>> -> memref<128xi32, #tpu.memory_space<vmem>>
        %dma_start3A_276 = arith.constant 0 : i32
        %dma_start3A_277 = arith.constant 0 : i32
        %dma_start3A_278 = tpu.memref_slice %arg11[%dma_start3A_276, %dma_start3A_277] : memref<10240x128xf32, #tpu.memory_space<vmem_shared>> -> memref<10240x128xf32, #tpu.memory_space<vmem_shared>>
        tpu.enqueue_indirect_dma source(%arg9 : memref<128x128xf32, #tpu.memory_space<vmem>>) target(%dma_start3A_278 : memref<10240x128xf32, #tpu.memory_space<vmem_shared>>) offsets(%dma_start3A_275 : memref<128xi32, #tpu.memory_space<vmem>>) semaphore(%run_scoped3A_272 : memref<!tpu.dma_semaphore, #tpu.memory_space<semaphore_mem>>) {add = true}
        %dma_wait3A_279 = arith.constant 0 : i32
        %dma_wait3A_280 = tpu.memref_slice %arg8[%run_scoped3A_173, %dma_wait3A_279] : memref<16x128xi32, #tpu.memory_space<vmem>> -> memref<1x128xi32, #tpu.memory_space<vmem>>
        %dma_wait3A_281 = tpu.memref_squeeze %dma_wait3A_280 : memref<1x128xi32, #tpu.memory_space<vmem>> -> memref<128xi32, #tpu.memory_space<vmem>>
        %dma_wait3A_282 = arith.constant 0 : i32
        %dma_wait3A_283 = arith.constant 0 : i32
        %dma_wait3A_284 = tpu.memref_slice %arg11[%dma_wait3A_282, %dma_wait3A_283] : memref<10240x128xf32, #tpu.memory_space<vmem_shared>> -> memref<10240x128xf32, #tpu.memory_space<vmem_shared>>
        tpu.wait_indirect_dma semaphore(%run_scoped3A_272 : memref<!tpu.dma_semaphore, #tpu.memory_space<semaphore_mem>>) src(%arg9 : memref<128x128xf32, #tpu.memory_space<vmem>>) dst(%dma_wait3A_284 : memref<10240x128xf32, #tpu.memory_space<vmem_shared>>)
        tpu.yield
      }) : () -> ()
      %dma_start3A_174 = arith.constant 10 : i32
      %dma_start3A_175 = arith.constant 0 : i32
      %dma_start3A_176 = tpu.memref_slice %arg7[%dma_start3A_174, %dma_start3A_175] : memref<16x128xi32, #tpu.memory_space<vmem>> -> memref<1x128xi32, #tpu.memory_space<vmem>>
      %dma_start3A_177 = tpu.memref_squeeze %dma_start3A_176 : memref<1x128xi32, #tpu.memory_space<vmem>> -> memref<128xi32, #tpu.memory_space<vmem>>
      %dma_start3A_178 = arith.constant 0 : i32
      %dma_start3A_179 = arith.constant 0 : i32
      %dma_start3A_180 = tpu.memref_slice %arg2[%dma_start3A_178, %dma_start3A_179] : memref<20000x128xf32, #tpu.memory_space<hbm>> -> memref<20000x128xf32, #tpu.memory_space<hbm>>
      tpu.enqueue_indirect_dma source(%dma_start3A_180 : memref<20000x128xf32, #tpu.memory_space<hbm>>) target(%arg9 : memref<128x128xf32, #tpu.memory_space<vmem>>) offsets(%dma_start3A_177 : memref<128xi32, #tpu.memory_space<vmem>>) semaphore(%arg12 : memref<!tpu.dma_semaphore, #tpu.memory_space<semaphore_mem>>)
      %dma_wait3A_181 = arith.constant 9 : i32
      %dma_wait3A_182 = arith.constant 0 : i32
      %dma_wait3A_183 = tpu.memref_slice %arg7[%dma_wait3A_181, %dma_wait3A_182] : memref<16x128xi32, #tpu.memory_space<vmem>> -> memref<1x128xi32, #tpu.memory_space<vmem>>
      %dma_wait3A_184 = tpu.memref_squeeze %dma_wait3A_183 : memref<1x128xi32, #tpu.memory_space<vmem>> -> memref<128xi32, #tpu.memory_space<vmem>>
      %dma_wait3A_185 = arith.constant 0 : i32
      %dma_wait3A_186 = arith.constant 0 : i32
      %dma_wait3A_187 = tpu.memref_slice %arg2[%dma_wait3A_185, %dma_wait3A_186] : memref<20000x128xf32, #tpu.memory_space<hbm>> -> memref<20000x128xf32, #tpu.memory_space<hbm>>
      tpu.wait_indirect_dma semaphore(%arg13 : memref<!tpu.dma_semaphore, #tpu.memory_space<semaphore_mem>>) src(%dma_wait3A_187 : memref<20000x128xf32, #tpu.memory_space<hbm>>) dst(%arg10 : memref<128x128xf32, #tpu.memory_space<vmem>>)
      %run_scoped3A_188 = arith.constant 9 : i32
      "tpu.region"() ({
        %run_scoped3A_272 = tpu.sem_alloc : memref<!tpu.dma_semaphore, #tpu.memory_space<semaphore_mem>>
        %dma_start3A_273 = arith.constant 0 : i32
        %dma_start3A_274 = tpu.memref_slice %arg8[%run_scoped3A_188, %dma_start3A_273] : memref<16x128xi32, #tpu.memory_space<vmem>> -> memref<1x128xi32, #tpu.memory_space<vmem>>
        %dma_start3A_275 = tpu.memref_squeeze %dma_start3A_274 : memref<1x128xi32, #tpu.memory_space<vmem>> -> memref<128xi32, #tpu.memory_space<vmem>>
        %dma_start3A_276 = arith.constant 0 : i32
        %dma_start3A_277 = arith.constant 0 : i32
        %dma_start3A_278 = tpu.memref_slice %arg11[%dma_start3A_276, %dma_start3A_277] : memref<10240x128xf32, #tpu.memory_space<vmem_shared>> -> memref<10240x128xf32, #tpu.memory_space<vmem_shared>>
        tpu.enqueue_indirect_dma source(%arg10 : memref<128x128xf32, #tpu.memory_space<vmem>>) target(%dma_start3A_278 : memref<10240x128xf32, #tpu.memory_space<vmem_shared>>) offsets(%dma_start3A_275 : memref<128xi32, #tpu.memory_space<vmem>>) semaphore(%run_scoped3A_272 : memref<!tpu.dma_semaphore, #tpu.memory_space<semaphore_mem>>) {add = true}
        %dma_wait3A_279 = arith.constant 0 : i32
        %dma_wait3A_280 = tpu.memref_slice %arg8[%run_scoped3A_188, %dma_wait3A_279] : memref<16x128xi32, #tpu.memory_space<vmem>> -> memref<1x128xi32, #tpu.memory_space<vmem>>
        %dma_wait3A_281 = tpu.memref_squeeze %dma_wait3A_280 : memref<1x128xi32, #tpu.memory_space<vmem>> -> memref<128xi32, #tpu.memory_space<vmem>>
        %dma_wait3A_282 = arith.constant 0 : i32
        %dma_wait3A_283 = arith.constant 0 : i32
        %dma_wait3A_284 = tpu.memref_slice %arg11[%dma_wait3A_282, %dma_wait3A_283] : memref<10240x128xf32, #tpu.memory_space<vmem_shared>> -> memref<10240x128xf32, #tpu.memory_space<vmem_shared>>
        tpu.wait_indirect_dma semaphore(%run_scoped3A_272 : memref<!tpu.dma_semaphore, #tpu.memory_space<semaphore_mem>>) src(%arg10 : memref<128x128xf32, #tpu.memory_space<vmem>>) dst(%dma_wait3A_284 : memref<10240x128xf32, #tpu.memory_space<vmem_shared>>)
        tpu.yield
      }) : () -> ()
      %dma_start3A_189 = arith.constant 11 : i32
      %dma_start3A_190 = arith.constant 0 : i32
      %dma_start3A_191 = tpu.memref_slice %arg7[%dma_start3A_189, %dma_start3A_190] : memref<16x128xi32, #tpu.memory_space<vmem>> -> memref<1x128xi32, #tpu.memory_space<vmem>>
      %dma_start3A_192 = tpu.memref_squeeze %dma_start3A_191 : memref<1x128xi32, #tpu.memory_space<vmem>> -> memref<128xi32, #tpu.memory_space<vmem>>
      %dma_start3A_193 = arith.constant 0 : i32
      %dma_start3A_194 = arith.constant 0 : i32
      %dma_start3A_195 = tpu.memref_slice %arg2[%dma_start3A_193, %dma_start3A_194] : memref<20000x128xf32, #tpu.memory_space<hbm>> -> memref<20000x128xf32, #tpu.memory_space<hbm>>
      tpu.enqueue_indirect_dma source(%dma_start3A_195 : memref<20000x128xf32, #tpu.memory_space<hbm>>) target(%arg10 : memref<128x128xf32, #tpu.memory_space<vmem>>) offsets(%dma_start3A_192 : memref<128xi32, #tpu.memory_space<vmem>>) semaphore(%arg13 : memref<!tpu.dma_semaphore, #tpu.memory_space<semaphore_mem>>)
      %dma_wait3A_196 = arith.constant 10 : i32
      %dma_wait3A_197 = arith.constant 0 : i32
      %dma_wait3A_198 = tpu.memref_slice %arg7[%dma_wait3A_196, %dma_wait3A_197] : memref<16x128xi32, #tpu.memory_space<vmem>> -> memref<1x128xi32, #tpu.memory_space<vmem>>
      %dma_wait3A_199 = tpu.memref_squeeze %dma_wait3A_198 : memref<1x128xi32, #tpu.memory_space<vmem>> -> memref<128xi32, #tpu.memory_space<vmem>>
      %dma_wait3A_200 = arith.constant 0 : i32
      %dma_wait3A_201 = arith.constant 0 : i32
      %dma_wait3A_202 = tpu.memref_slice %arg2[%dma_wait3A_200, %dma_wait3A_201] : memref<20000x128xf32, #tpu.memory_space<hbm>> -> memref<20000x128xf32, #tpu.memory_space<hbm>>
      tpu.wait_indirect_dma semaphore(%arg12 : memref<!tpu.dma_semaphore, #tpu.memory_space<semaphore_mem>>) src(%dma_wait3A_202 : memref<20000x128xf32, #tpu.memory_space<hbm>>) dst(%arg9 : memref<128x128xf32, #tpu.memory_space<vmem>>)
      %run_scoped3A_203 = arith.constant 10 : i32
      "tpu.region"() ({
        %run_scoped3A_272 = tpu.sem_alloc : memref<!tpu.dma_semaphore, #tpu.memory_space<semaphore_mem>>
        %dma_start3A_273 = arith.constant 0 : i32
        %dma_start3A_274 = tpu.memref_slice %arg8[%run_scoped3A_203, %dma_start3A_273] : memref<16x128xi32, #tpu.memory_space<vmem>> -> memref<1x128xi32, #tpu.memory_space<vmem>>
        %dma_start3A_275 = tpu.memref_squeeze %dma_start3A_274 : memref<1x128xi32, #tpu.memory_space<vmem>> -> memref<128xi32, #tpu.memory_space<vmem>>
        %dma_start3A_276 = arith.constant 0 : i32
        %dma_start3A_277 = arith.constant 0 : i32
        %dma_start3A_278 = tpu.memref_slice %arg11[%dma_start3A_276, %dma_start3A_277] : memref<10240x128xf32, #tpu.memory_space<vmem_shared>> -> memref<10240x128xf32, #tpu.memory_space<vmem_shared>>
        tpu.enqueue_indirect_dma source(%arg9 : memref<128x128xf32, #tpu.memory_space<vmem>>) target(%dma_start3A_278 : memref<10240x128xf32, #tpu.memory_space<vmem_shared>>) offsets(%dma_start3A_275 : memref<128xi32, #tpu.memory_space<vmem>>) semaphore(%run_scoped3A_272 : memref<!tpu.dma_semaphore, #tpu.memory_space<semaphore_mem>>) {add = true}
        %dma_wait3A_279 = arith.constant 0 : i32
        %dma_wait3A_280 = tpu.memref_slice %arg8[%run_scoped3A_203, %dma_wait3A_279] : memref<16x128xi32, #tpu.memory_space<vmem>> -> memref<1x128xi32, #tpu.memory_space<vmem>>
        %dma_wait3A_281 = tpu.memref_squeeze %dma_wait3A_280 : memref<1x128xi32, #tpu.memory_space<vmem>> -> memref<128xi32, #tpu.memory_space<vmem>>
        %dma_wait3A_282 = arith.constant 0 : i32
        %dma_wait3A_283 = arith.constant 0 : i32
        %dma_wait3A_284 = tpu.memref_slice %arg11[%dma_wait3A_282, %dma_wait3A_283] : memref<10240x128xf32, #tpu.memory_space<vmem_shared>> -> memref<10240x128xf32, #tpu.memory_space<vmem_shared>>
        tpu.wait_indirect_dma semaphore(%run_scoped3A_272 : memref<!tpu.dma_semaphore, #tpu.memory_space<semaphore_mem>>) src(%arg9 : memref<128x128xf32, #tpu.memory_space<vmem>>) dst(%dma_wait3A_284 : memref<10240x128xf32, #tpu.memory_space<vmem_shared>>)
        tpu.yield
      }) : () -> ()
      %dma_start3A_204 = arith.constant 12 : i32
      %dma_start3A_205 = arith.constant 0 : i32
      %dma_start3A_206 = tpu.memref_slice %arg7[%dma_start3A_204, %dma_start3A_205] : memref<16x128xi32, #tpu.memory_space<vmem>> -> memref<1x128xi32, #tpu.memory_space<vmem>>
      %dma_start3A_207 = tpu.memref_squeeze %dma_start3A_206 : memref<1x128xi32, #tpu.memory_space<vmem>> -> memref<128xi32, #tpu.memory_space<vmem>>
      %dma_start3A_208 = arith.constant 0 : i32
      %dma_start3A_209 = arith.constant 0 : i32
      %dma_start3A_210 = tpu.memref_slice %arg2[%dma_start3A_208, %dma_start3A_209] : memref<20000x128xf32, #tpu.memory_space<hbm>> -> memref<20000x128xf32, #tpu.memory_space<hbm>>
      tpu.enqueue_indirect_dma source(%dma_start3A_210 : memref<20000x128xf32, #tpu.memory_space<hbm>>) target(%arg9 : memref<128x128xf32, #tpu.memory_space<vmem>>) offsets(%dma_start3A_207 : memref<128xi32, #tpu.memory_space<vmem>>) semaphore(%arg12 : memref<!tpu.dma_semaphore, #tpu.memory_space<semaphore_mem>>)
      %dma_wait3A_211 = arith.constant 11 : i32
      %dma_wait3A_212 = arith.constant 0 : i32
      %dma_wait3A_213 = tpu.memref_slice %arg7[%dma_wait3A_211, %dma_wait3A_212] : memref<16x128xi32, #tpu.memory_space<vmem>> -> memref<1x128xi32, #tpu.memory_space<vmem>>
      %dma_wait3A_214 = tpu.memref_squeeze %dma_wait3A_213 : memref<1x128xi32, #tpu.memory_space<vmem>> -> memref<128xi32, #tpu.memory_space<vmem>>
      %dma_wait3A_215 = arith.constant 0 : i32
      %dma_wait3A_216 = arith.constant 0 : i32
      %dma_wait3A_217 = tpu.memref_slice %arg2[%dma_wait3A_215, %dma_wait3A_216] : memref<20000x128xf32, #tpu.memory_space<hbm>> -> memref<20000x128xf32, #tpu.memory_space<hbm>>
      tpu.wait_indirect_dma semaphore(%arg13 : memref<!tpu.dma_semaphore, #tpu.memory_space<semaphore_mem>>) src(%dma_wait3A_217 : memref<20000x128xf32, #tpu.memory_space<hbm>>) dst(%arg10 : memref<128x128xf32, #tpu.memory_space<vmem>>)
      %run_scoped3A_218 = arith.constant 11 : i32
      "tpu.region"() ({
        %run_scoped3A_272 = tpu.sem_alloc : memref<!tpu.dma_semaphore, #tpu.memory_space<semaphore_mem>>
        %dma_start3A_273 = arith.constant 0 : i32
        %dma_start3A_274 = tpu.memref_slice %arg8[%run_scoped3A_218, %dma_start3A_273] : memref<16x128xi32, #tpu.memory_space<vmem>> -> memref<1x128xi32, #tpu.memory_space<vmem>>
        %dma_start3A_275 = tpu.memref_squeeze %dma_start3A_274 : memref<1x128xi32, #tpu.memory_space<vmem>> -> memref<128xi32, #tpu.memory_space<vmem>>
        %dma_start3A_276 = arith.constant 0 : i32
        %dma_start3A_277 = arith.constant 0 : i32
        %dma_start3A_278 = tpu.memref_slice %arg11[%dma_start3A_276, %dma_start3A_277] : memref<10240x128xf32, #tpu.memory_space<vmem_shared>> -> memref<10240x128xf32, #tpu.memory_space<vmem_shared>>
        tpu.enqueue_indirect_dma source(%arg10 : memref<128x128xf32, #tpu.memory_space<vmem>>) target(%dma_start3A_278 : memref<10240x128xf32, #tpu.memory_space<vmem_shared>>) offsets(%dma_start3A_275 : memref<128xi32, #tpu.memory_space<vmem>>) semaphore(%run_scoped3A_272 : memref<!tpu.dma_semaphore, #tpu.memory_space<semaphore_mem>>) {add = true}
        %dma_wait3A_279 = arith.constant 0 : i32
        %dma_wait3A_280 = tpu.memref_slice %arg8[%run_scoped3A_218, %dma_wait3A_279] : memref<16x128xi32, #tpu.memory_space<vmem>> -> memref<1x128xi32, #tpu.memory_space<vmem>>
        %dma_wait3A_281 = tpu.memref_squeeze %dma_wait3A_280 : memref<1x128xi32, #tpu.memory_space<vmem>> -> memref<128xi32, #tpu.memory_space<vmem>>
        %dma_wait3A_282 = arith.constant 0 : i32
        %dma_wait3A_283 = arith.constant 0 : i32
        %dma_wait3A_284 = tpu.memref_slice %arg11[%dma_wait3A_282, %dma_wait3A_283] : memref<10240x128xf32, #tpu.memory_space<vmem_shared>> -> memref<10240x128xf32, #tpu.memory_space<vmem_shared>>
        tpu.wait_indirect_dma semaphore(%run_scoped3A_272 : memref<!tpu.dma_semaphore, #tpu.memory_space<semaphore_mem>>) src(%arg10 : memref<128x128xf32, #tpu.memory_space<vmem>>) dst(%dma_wait3A_284 : memref<10240x128xf32, #tpu.memory_space<vmem_shared>>)
        tpu.yield
      }) : () -> ()
      %dma_start3A_219 = arith.constant 13 : i32
      %dma_start3A_220 = arith.constant 0 : i32
      %dma_start3A_221 = tpu.memref_slice %arg7[%dma_start3A_219, %dma_start3A_220] : memref<16x128xi32, #tpu.memory_space<vmem>> -> memref<1x128xi32, #tpu.memory_space<vmem>>
      %dma_start3A_222 = tpu.memref_squeeze %dma_start3A_221 : memref<1x128xi32, #tpu.memory_space<vmem>> -> memref<128xi32, #tpu.memory_space<vmem>>
      %dma_start3A_223 = arith.constant 0 : i32
      %dma_start3A_224 = arith.constant 0 : i32
      %dma_start3A_225 = tpu.memref_slice %arg2[%dma_start3A_223, %dma_start3A_224] : memref<20000x128xf32, #tpu.memory_space<hbm>> -> memref<20000x128xf32, #tpu.memory_space<hbm>>
      tpu.enqueue_indirect_dma source(%dma_start3A_225 : memref<20000x128xf32, #tpu.memory_space<hbm>>) target(%arg10 : memref<128x128xf32, #tpu.memory_space<vmem>>) offsets(%dma_start3A_222 : memref<128xi32, #tpu.memory_space<vmem>>) semaphore(%arg13 : memref<!tpu.dma_semaphore, #tpu.memory_space<semaphore_mem>>)
      %dma_wait3A_226 = arith.constant 12 : i32
      %dma_wait3A_227 = arith.constant 0 : i32
      %dma_wait3A_228 = tpu.memref_slice %arg7[%dma_wait3A_226, %dma_wait3A_227] : memref<16x128xi32, #tpu.memory_space<vmem>> -> memref<1x128xi32, #tpu.memory_space<vmem>>
      %dma_wait3A_229 = tpu.memref_squeeze %dma_wait3A_228 : memref<1x128xi32, #tpu.memory_space<vmem>> -> memref<128xi32, #tpu.memory_space<vmem>>
      %dma_wait3A_230 = arith.constant 0 : i32
      %dma_wait3A_231 = arith.constant 0 : i32
      %dma_wait3A_232 = tpu.memref_slice %arg2[%dma_wait3A_230, %dma_wait3A_231] : memref<20000x128xf32, #tpu.memory_space<hbm>> -> memref<20000x128xf32, #tpu.memory_space<hbm>>
      tpu.wait_indirect_dma semaphore(%arg12 : memref<!tpu.dma_semaphore, #tpu.memory_space<semaphore_mem>>) src(%dma_wait3A_232 : memref<20000x128xf32, #tpu.memory_space<hbm>>) dst(%arg9 : memref<128x128xf32, #tpu.memory_space<vmem>>)
      %run_scoped3A_233 = arith.constant 12 : i32
      "tpu.region"() ({
        %run_scoped3A_272 = tpu.sem_alloc : memref<!tpu.dma_semaphore, #tpu.memory_space<semaphore_mem>>
        %dma_start3A_273 = arith.constant 0 : i32
        %dma_start3A_274 = tpu.memref_slice %arg8[%run_scoped3A_233, %dma_start3A_273] : memref<16x128xi32, #tpu.memory_space<vmem>> -> memref<1x128xi32, #tpu.memory_space<vmem>>
        %dma_start3A_275 = tpu.memref_squeeze %dma_start3A_274 : memref<1x128xi32, #tpu.memory_space<vmem>> -> memref<128xi32, #tpu.memory_space<vmem>>
        %dma_start3A_276 = arith.constant 0 : i32
        %dma_start3A_277 = arith.constant 0 : i32
        %dma_start3A_278 = tpu.memref_slice %arg11[%dma_start3A_276, %dma_start3A_277] : memref<10240x128xf32, #tpu.memory_space<vmem_shared>> -> memref<10240x128xf32, #tpu.memory_space<vmem_shared>>
        tpu.enqueue_indirect_dma source(%arg9 : memref<128x128xf32, #tpu.memory_space<vmem>>) target(%dma_start3A_278 : memref<10240x128xf32, #tpu.memory_space<vmem_shared>>) offsets(%dma_start3A_275 : memref<128xi32, #tpu.memory_space<vmem>>) semaphore(%run_scoped3A_272 : memref<!tpu.dma_semaphore, #tpu.memory_space<semaphore_mem>>) {add = true}
        %dma_wait3A_279 = arith.constant 0 : i32
        %dma_wait3A_280 = tpu.memref_slice %arg8[%run_scoped3A_233, %dma_wait3A_279] : memref<16x128xi32, #tpu.memory_space<vmem>> -> memref<1x128xi32, #tpu.memory_space<vmem>>
        %dma_wait3A_281 = tpu.memref_squeeze %dma_wait3A_280 : memref<1x128xi32, #tpu.memory_space<vmem>> -> memref<128xi32, #tpu.memory_space<vmem>>
        %dma_wait3A_282 = arith.constant 0 : i32
        %dma_wait3A_283 = arith.constant 0 : i32
        %dma_wait3A_284 = tpu.memref_slice %arg11[%dma_wait3A_282, %dma_wait3A_283] : memref<10240x128xf32, #tpu.memory_space<vmem_shared>> -> memref<10240x128xf32, #tpu.memory_space<vmem_shared>>
        tpu.wait_indirect_dma semaphore(%run_scoped3A_272 : memref<!tpu.dma_semaphore, #tpu.memory_space<semaphore_mem>>) src(%arg9 : memref<128x128xf32, #tpu.memory_space<vmem>>) dst(%dma_wait3A_284 : memref<10240x128xf32, #tpu.memory_space<vmem_shared>>)
        tpu.yield
      }) : () -> ()
      %dma_start3A_234 = arith.constant 14 : i32
      %dma_start3A_235 = arith.constant 0 : i32
      %dma_start3A_236 = tpu.memref_slice %arg7[%dma_start3A_234, %dma_start3A_235] : memref<16x128xi32, #tpu.memory_space<vmem>> -> memref<1x128xi32, #tpu.memory_space<vmem>>
      %dma_start3A_237 = tpu.memref_squeeze %dma_start3A_236 : memref<1x128xi32, #tpu.memory_space<vmem>> -> memref<128xi32, #tpu.memory_space<vmem>>
      %dma_start3A_238 = arith.constant 0 : i32
      %dma_start3A_239 = arith.constant 0 : i32
      %dma_start3A_240 = tpu.memref_slice %arg2[%dma_start3A_238, %dma_start3A_239] : memref<20000x128xf32, #tpu.memory_space<hbm>> -> memref<20000x128xf32, #tpu.memory_space<hbm>>
      tpu.enqueue_indirect_dma source(%dma_start3A_240 : memref<20000x128xf32, #tpu.memory_space<hbm>>) target(%arg9 : memref<128x128xf32, #tpu.memory_space<vmem>>) offsets(%dma_start3A_237 : memref<128xi32, #tpu.memory_space<vmem>>) semaphore(%arg12 : memref<!tpu.dma_semaphore, #tpu.memory_space<semaphore_mem>>)
      %dma_wait3A_241 = arith.constant 13 : i32
      %dma_wait3A_242 = arith.constant 0 : i32
      %dma_wait3A_243 = tpu.memref_slice %arg7[%dma_wait3A_241, %dma_wait3A_242] : memref<16x128xi32, #tpu.memory_space<vmem>> -> memref<1x128xi32, #tpu.memory_space<vmem>>
      %dma_wait3A_244 = tpu.memref_squeeze %dma_wait3A_243 : memref<1x128xi32, #tpu.memory_space<vmem>> -> memref<128xi32, #tpu.memory_space<vmem>>
      %dma_wait3A_245 = arith.constant 0 : i32
      %dma_wait3A_246 = arith.constant 0 : i32
      %dma_wait3A_247 = tpu.memref_slice %arg2[%dma_wait3A_245, %dma_wait3A_246] : memref<20000x128xf32, #tpu.memory_space<hbm>> -> memref<20000x128xf32, #tpu.memory_space<hbm>>
      tpu.wait_indirect_dma semaphore(%arg13 : memref<!tpu.dma_semaphore, #tpu.memory_space<semaphore_mem>>) src(%dma_wait3A_247 : memref<20000x128xf32, #tpu.memory_space<hbm>>) dst(%arg10 : memref<128x128xf32, #tpu.memory_space<vmem>>)
      %run_scoped3A_248 = arith.constant 13 : i32
      "tpu.region"() ({
        %run_scoped3A_272 = tpu.sem_alloc : memref<!tpu.dma_semaphore, #tpu.memory_space<semaphore_mem>>
        %dma_start3A_273 = arith.constant 0 : i32
        %dma_start3A_274 = tpu.memref_slice %arg8[%run_scoped3A_248, %dma_start3A_273] : memref<16x128xi32, #tpu.memory_space<vmem>> -> memref<1x128xi32, #tpu.memory_space<vmem>>
        %dma_start3A_275 = tpu.memref_squeeze %dma_start3A_274 : memref<1x128xi32, #tpu.memory_space<vmem>> -> memref<128xi32, #tpu.memory_space<vmem>>
        %dma_start3A_276 = arith.constant 0 : i32
        %dma_start3A_277 = arith.constant 0 : i32
        %dma_start3A_278 = tpu.memref_slice %arg11[%dma_start3A_276, %dma_start3A_277] : memref<10240x128xf32, #tpu.memory_space<vmem_shared>> -> memref<10240x128xf32, #tpu.memory_space<vmem_shared>>
        tpu.enqueue_indirect_dma source(%arg10 : memref<128x128xf32, #tpu.memory_space<vmem>>) target(%dma_start3A_278 : memref<10240x128xf32, #tpu.memory_space<vmem_shared>>) offsets(%dma_start3A_275 : memref<128xi32, #tpu.memory_space<vmem>>) semaphore(%run_scoped3A_272 : memref<!tpu.dma_semaphore, #tpu.memory_space<semaphore_mem>>) {add = true}
        %dma_wait3A_279 = arith.constant 0 : i32
        %dma_wait3A_280 = tpu.memref_slice %arg8[%run_scoped3A_248, %dma_wait3A_279] : memref<16x128xi32, #tpu.memory_space<vmem>> -> memref<1x128xi32, #tpu.memory_space<vmem>>
        %dma_wait3A_281 = tpu.memref_squeeze %dma_wait3A_280 : memref<1x128xi32, #tpu.memory_space<vmem>> -> memref<128xi32, #tpu.memory_space<vmem>>
        %dma_wait3A_282 = arith.constant 0 : i32
        %dma_wait3A_283 = arith.constant 0 : i32
        %dma_wait3A_284 = tpu.memref_slice %arg11[%dma_wait3A_282, %dma_wait3A_283] : memref<10240x128xf32, #tpu.memory_space<vmem_shared>> -> memref<10240x128xf32, #tpu.memory_space<vmem_shared>>
        tpu.wait_indirect_dma semaphore(%run_scoped3A_272 : memref<!tpu.dma_semaphore, #tpu.memory_space<semaphore_mem>>) src(%arg10 : memref<128x128xf32, #tpu.memory_space<vmem>>) dst(%dma_wait3A_284 : memref<10240x128xf32, #tpu.memory_space<vmem_shared>>)
        tpu.yield
      }) : () -> ()
      %dma_start3A_249 = arith.constant 15 : i32
      %dma_start3A_250 = arith.constant 0 : i32
      %dma_start3A_251 = tpu.memref_slice %arg7[%dma_start3A_249, %dma_start3A_250] : memref<16x128xi32, #tpu.memory_space<vmem>> -> memref<1x128xi32, #tpu.memory_space<vmem>>
      %dma_start3A_252 = tpu.memref_squeeze %dma_start3A_251 : memref<1x128xi32, #tpu.memory_space<vmem>> -> memref<128xi32, #tpu.memory_space<vmem>>
      %dma_start3A_253 = arith.constant 0 : i32
      %dma_start3A_254 = arith.constant 0 : i32
      %dma_start3A_255 = tpu.memref_slice %arg2[%dma_start3A_253, %dma_start3A_254] : memref<20000x128xf32, #tpu.memory_space<hbm>> -> memref<20000x128xf32, #tpu.memory_space<hbm>>
      tpu.enqueue_indirect_dma source(%dma_start3A_255 : memref<20000x128xf32, #tpu.memory_space<hbm>>) target(%arg10 : memref<128x128xf32, #tpu.memory_space<vmem>>) offsets(%dma_start3A_252 : memref<128xi32, #tpu.memory_space<vmem>>) semaphore(%arg13 : memref<!tpu.dma_semaphore, #tpu.memory_space<semaphore_mem>>)
      %dma_wait3A_256 = arith.constant 14 : i32
      %dma_wait3A_257 = arith.constant 0 : i32
      %dma_wait3A_258 = tpu.memref_slice %arg7[%dma_wait3A_256, %dma_wait3A_257] : memref<16x128xi32, #tpu.memory_space<vmem>> -> memref<1x128xi32, #tpu.memory_space<vmem>>
      %dma_wait3A_259 = tpu.memref_squeeze %dma_wait3A_258 : memref<1x128xi32, #tpu.memory_space<vmem>> -> memref<128xi32, #tpu.memory_space<vmem>>
      %dma_wait3A_260 = arith.constant 0 : i32
      %dma_wait3A_261 = arith.constant 0 : i32
      %dma_wait3A_262 = tpu.memref_slice %arg2[%dma_wait3A_260, %dma_wait3A_261] : memref<20000x128xf32, #tpu.memory_space<hbm>> -> memref<20000x128xf32, #tpu.memory_space<hbm>>
      tpu.wait_indirect_dma semaphore(%arg12 : memref<!tpu.dma_semaphore, #tpu.memory_space<semaphore_mem>>) src(%dma_wait3A_262 : memref<20000x128xf32, #tpu.memory_space<hbm>>) dst(%arg9 : memref<128x128xf32, #tpu.memory_space<vmem>>)
      %run_scoped3A_263 = arith.constant 14 : i32
      "tpu.region"() ({
        %run_scoped3A_272 = tpu.sem_alloc : memref<!tpu.dma_semaphore, #tpu.memory_space<semaphore_mem>>
        %dma_start3A_273 = arith.constant 0 : i32
        %dma_start3A_274 = tpu.memref_slice %arg8[%run_scoped3A_263, %dma_start3A_273] : memref<16x128xi32, #tpu.memory_space<vmem>> -> memref<1x128xi32, #tpu.memory_space<vmem>>
        %dma_start3A_275 = tpu.memref_squeeze %dma_start3A_274 : memref<1x128xi32, #tpu.memory_space<vmem>> -> memref<128xi32, #tpu.memory_space<vmem>>
        %dma_start3A_276 = arith.constant 0 : i32
        %dma_start3A_277 = arith.constant 0 : i32
        %dma_start3A_278 = tpu.memref_slice %arg11[%dma_start3A_276, %dma_start3A_277] : memref<10240x128xf32, #tpu.memory_space<vmem_shared>> -> memref<10240x128xf32, #tpu.memory_space<vmem_shared>>
        tpu.enqueue_indirect_dma source(%arg9 : memref<128x128xf32, #tpu.memory_space<vmem>>) target(%dma_start3A_278 : memref<10240x128xf32, #tpu.memory_space<vmem_shared>>) offsets(%dma_start3A_275 : memref<128xi32, #tpu.memory_space<vmem>>) semaphore(%run_scoped3A_272 : memref<!tpu.dma_semaphore, #tpu.memory_space<semaphore_mem>>) {add = true}
        %dma_wait3A_279 = arith.constant 0 : i32
        %dma_wait3A_280 = tpu.memref_slice %arg8[%run_scoped3A_263, %dma_wait3A_279] : memref<16x128xi32, #tpu.memory_space<vmem>> -> memref<1x128xi32, #tpu.memory_space<vmem>>
        %dma_wait3A_281 = tpu.memref_squeeze %dma_wait3A_280 : memref<1x128xi32, #tpu.memory_space<vmem>> -> memref<128xi32, #tpu.memory_space<vmem>>
        %dma_wait3A_282 = arith.constant 0 : i32
        %dma_wait3A_283 = arith.constant 0 : i32
        %dma_wait3A_284 = tpu.memref_slice %arg11[%dma_wait3A_282, %dma_wait3A_283] : memref<10240x128xf32, #tpu.memory_space<vmem_shared>> -> memref<10240x128xf32, #tpu.memory_space<vmem_shared>>
        tpu.wait_indirect_dma semaphore(%run_scoped3A_272 : memref<!tpu.dma_semaphore, #tpu.memory_space<semaphore_mem>>) src(%arg9 : memref<128x128xf32, #tpu.memory_space<vmem>>) dst(%dma_wait3A_284 : memref<10240x128xf32, #tpu.memory_space<vmem_shared>>)
        tpu.yield
      }) : () -> ()
      %dma_wait3A_264 = arith.constant 15 : i32
      %dma_wait3A_265 = arith.constant 0 : i32
      %dma_wait3A_266 = tpu.memref_slice %arg7[%dma_wait3A_264, %dma_wait3A_265] : memref<16x128xi32, #tpu.memory_space<vmem>> -> memref<1x128xi32, #tpu.memory_space<vmem>>
      %dma_wait3A_267 = tpu.memref_squeeze %dma_wait3A_266 : memref<1x128xi32, #tpu.memory_space<vmem>> -> memref<128xi32, #tpu.memory_space<vmem>>
      %dma_wait3A_268 = arith.constant 0 : i32
      %dma_wait3A_269 = arith.constant 0 : i32
      %dma_wait3A_270 = tpu.memref_slice %arg2[%dma_wait3A_268, %dma_wait3A_269] : memref<20000x128xf32, #tpu.memory_space<hbm>> -> memref<20000x128xf32, #tpu.memory_space<hbm>>
      tpu.wait_indirect_dma semaphore(%arg13 : memref<!tpu.dma_semaphore, #tpu.memory_space<semaphore_mem>>) src(%dma_wait3A_270 : memref<20000x128xf32, #tpu.memory_space<hbm>>) dst(%arg10 : memref<128x128xf32, #tpu.memory_space<vmem>>)
      %run_scoped3A_271 = arith.constant 15 : i32
      "tpu.region"() ({
        %run_scoped3A_272 = tpu.sem_alloc : memref<!tpu.dma_semaphore, #tpu.memory_space<semaphore_mem>>
        %dma_start3A_273 = arith.constant 0 : i32
        %dma_start3A_274 = tpu.memref_slice %arg8[%run_scoped3A_271, %dma_start3A_273] : memref<16x128xi32, #tpu.memory_space<vmem>> -> memref<1x128xi32, #tpu.memory_space<vmem>>
        %dma_start3A_275 = tpu.memref_squeeze %dma_start3A_274 : memref<1x128xi32, #tpu.memory_space<vmem>> -> memref<128xi32, #tpu.memory_space<vmem>>
        %dma_start3A_276 = arith.constant 0 : i32
        %dma_start3A_277 = arith.constant 0 : i32
        %dma_start3A_278 = tpu.memref_slice %arg11[%dma_start3A_276, %dma_start3A_277] : memref<10240x128xf32, #tpu.memory_space<vmem_shared>> -> memref<10240x128xf32, #tpu.memory_space<vmem_shared>>
        tpu.enqueue_indirect_dma source(%arg10 : memref<128x128xf32, #tpu.memory_space<vmem>>) target(%dma_start3A_278 : memref<10240x128xf32, #tpu.memory_space<vmem_shared>>) offsets(%dma_start3A_275 : memref<128xi32, #tpu.memory_space<vmem>>) semaphore(%run_scoped3A_272 : memref<!tpu.dma_semaphore, #tpu.memory_space<semaphore_mem>>) {add = true}
        %dma_wait3A_279 = arith.constant 0 : i32
        %dma_wait3A_280 = tpu.memref_slice %arg8[%run_scoped3A_271, %dma_wait3A_279] : memref<16x128xi32, #tpu.memory_space<vmem>> -> memref<1x128xi32, #tpu.memory_space<vmem>>
        %dma_wait3A_281 = tpu.memref_squeeze %dma_wait3A_280 : memref<1x128xi32, #tpu.memory_space<vmem>> -> memref<128xi32, #tpu.memory_space<vmem>>
        %dma_wait3A_282 = arith.constant 0 : i32
        %dma_wait3A_283 = arith.constant 0 : i32
        %dma_wait3A_284 = tpu.memref_slice %arg11[%dma_wait3A_282, %dma_wait3A_283] : memref<10240x128xf32, #tpu.memory_space<vmem_shared>> -> memref<10240x128xf32, #tpu.memory_space<vmem_shared>>
        tpu.wait_indirect_dma semaphore(%run_scoped3A_272 : memref<!tpu.dma_semaphore, #tpu.memory_space<semaphore_mem>>) src(%arg10 : memref<128x128xf32, #tpu.memory_space<vmem>>) dst(%dma_wait3A_284 : memref<10240x128xf32, #tpu.memory_space<vmem_shared>>)
        tpu.yield
      }) : () -> ()
    }
    %scan3A_25 = arith.constant 5 : i32
    %barrier3A_26 = arith.constant 0 : index
    tpu.barrier barrier_id(%barrier3A_26)
    %mul3A_27 = arith.constant 640 : i32
    %mul3A_28 = arith.muli %arg1, %mul3A_27 : i32
    %mul3A_29 = arith.constant 640 : i32
    %mul3A_30 = arith.muli %arg1, %mul3A_29 : i32
    "tpu.region"() ({
      %run_scoped3A = tpu.sem_alloc : memref<!tpu.dma_semaphore, #tpu.memory_space<semaphore_mem>>
      %dma_start3A = arith.constant 0 : i32
      %dma_start3A_31 = tpu.memref_slice %arg6[%arg0, %mul3A_30, %dma_start3A] : memref<2x10240x128xf32, #tpu.memory_space<hbm>> -> memref<1x640x128xf32, #tpu.memory_space<hbm>>
      %dma_start3A_32 = tpu.memref_squeeze %dma_start3A_31 : memref<1x640x128xf32, #tpu.memory_space<hbm>> -> memref<640x128xf32, #tpu.memory_space<hbm>>
      %dma_start3A_33 = arith.constant 0 : i32
      %dma_start3A_34 = tpu.memref_slice %arg11[%mul3A_28, %dma_start3A_33] : memref<10240x128xf32, #tpu.memory_space<vmem_shared>> -> memref<640x128xf32, #tpu.memory_space<vmem_shared>>
      tpu.enqueue_dma source(%dma_start3A_34 : memref<640x128xf32, #tpu.memory_space<vmem_shared>>) target(%dma_start3A_32 : memref<640x128xf32, #tpu.memory_space<hbm>>) target_semaphore(%run_scoped3A : memref<!tpu.dma_semaphore, #tpu.memory_space<semaphore_mem>>)
      %dma_wait3A = arith.constant 0 : i32
      %dma_wait3A_35 = tpu.memref_slice %arg6[%arg0, %mul3A_30, %dma_wait3A] : memref<2x10240x128xf32, #tpu.memory_space<hbm>> -> memref<1x640x128xf32, #tpu.memory_space<hbm>>
      %dma_wait3A_36 = tpu.memref_squeeze %dma_wait3A_35 : memref<1x640x128xf32, #tpu.memory_space<hbm>> -> memref<640x128xf32, #tpu.memory_space<hbm>>
      %dma_wait3A_37 = arith.constant 0 : i32
      %dma_wait3A_38 = tpu.memref_slice %arg11[%mul3A_28, %dma_wait3A_37] : memref<10240x128xf32, #tpu.memory_space<vmem_shared>> -> memref<640x128xf32, #tpu.memory_space<vmem_shared>>
      tpu.wait_dma2 semaphore(%run_scoped3A : memref<!tpu.dma_semaphore, #tpu.memory_space<semaphore_mem>>) src(%dma_wait3A_38 : memref<640x128xf32, #tpu.memory_space<vmem_shared>>) dst(%dma_wait3A_36 : memref<640x128xf32, #tpu.memory_space<hbm>>)
      tpu.yield
    }) : () -> ()
    return
  }
}

module attributes {stable_mosaic.version = 14 : i64} {
  func.func @_tc_first_body(%arg0: i32, %arg1: memref<1000x1xf32, #tpu.memory_space<vmem>>, %arg2: memref<1000x256xf32, #tpu.memory_space<vmem>>, %arg3: memref<256x256xf32, #tpu.memory_space<vmem>>, %arg4: memref<1x256xf32, #tpu.memory_space<vmem>>, %arg5: memref<1000x256xf32, #tpu.memory_space<vmem>>, %arg6: memref<2x1000x128xf32, #tpu.memory_space<vmem>>, %arg7: memref<1000x1xf32, #tpu.memory_space<vmem>>) attributes {dimension_semantics = [#tpu.dimension_semantics<arbitrary>], iteration_bounds = array<i64: 10>, scalar_prefetch = 0 : i64, scratch_operands = 0 : i64, tpu.core_type = #tpu.core_type<tc>, window_params = [{transform_indices = @transform_0, window_bounds = array<i64: 1000, 1>}, {transform_indices = @transform_1, window_bounds = array<i64: 1000, 256>}, {pipeline_mode = #tpu.pipeline_mode<synchronous>, transform_indices = @transform_2, window_bounds = array<i64: 256, 256>}, {pipeline_mode = #tpu.pipeline_mode<synchronous>, transform_indices = @transform_3, window_bounds = array<i64: 1, 256>}, {transform_indices = @transform_4, window_bounds = array<i64: 1000, 256>}, {transform_indices = @transform_5, window_bounds = array<i64: 2, 1000, 128>}, {transform_indices = @transform_6, window_bounds = array<i64: 1000, 1>}]} {
    %get3A = arith.constant 0 : index
    %get3A_0 = arith.constant 0 : index
    %get3A_1 = vector.load %arg1[%get3A, %get3A_0] : memref<1000x1xf32, #tpu.memory_space<vmem>>, vector<1000x1xf32>
    %add3A = arith.constant 1.000000e+00 : f32
    %add3A_2 = vector.broadcast %add3A : f32 to vector<1000x1xf32>
    %add3A_3 = arith.addf %get3A_1, %add3A_2 : vector<1000x1xf32>
    %rsqrt3A = math.rsqrt %add3A_3 : vector<1000x1xf32>
    %swap3A = arith.constant 0 : index
    %swap3A_4 = arith.constant 0 : index
    %swap3A_5 = vector.load %arg7[%swap3A, %swap3A_4] : memref<1000x1xf32, #tpu.memory_space<vmem>>, vector<1000x1xf32>
    tpu.vector_store %arg7[%swap3A, %swap3A_4], %rsqrt3A {strides = array<i32>} : memref<1000x1xf32, #tpu.memory_space<vmem>>, vector<1000x1xf32>,
    %get3A_6 = arith.constant 0 : index
    %get3A_7 = arith.constant 0 : index
    %get3A_8 = vector.load %arg2[%get3A_6, %get3A_7] : memref<1000x256xf32, #tpu.memory_space<vmem>>, vector<1000x256xf32>
    %get3A_9 = arith.constant 0 : index
    %get3A_10 = arith.constant 0 : index
    %get3A_11 = vector.load %arg3[%get3A_9, %get3A_10] : memref<256x256xf32, #tpu.memory_space<vmem>>, vector<256x256xf32>
    %dot_general3A = arith.constant dense<0.000000e+00> : vector<1000x256xf32>
    %dot_general3A_12 = tpu.matmul %get3A_8, %get3A_11, %dot_general3A {dimension_numbers = #tpu.dot_dimension_numbers<[1], [1], [0], [0], [0, 0, 1, 0], [], []>, precision = #tpu.contract_precision<fp32>, transpose_lhs_hint = false} : vector<1000x256xf32>, vector<256x256xf32>, vector<1000x256xf32> -> vector<1000x256xf32>
    %get3A_13 = arith.constant 0 : index
    %get3A_14 = arith.constant 0 : index
    %get3A_15 = vector.load %arg4[%get3A_13, %get3A_14] : memref<1x256xf32, #tpu.memory_space<vmem>>, vector<1x256xf32>
    %add3A_16 = vector.broadcast %get3A_15 : vector<1x256xf32> to vector<1000x256xf32>
    %add3A_17 = arith.addf %dot_general3A_12, %add3A_16 : vector<1000x256xf32>
    %max3A = arith.constant 0.000000e+00 : f32
    %max3A_18 = vector.broadcast %max3A : f32 to vector<1000x256xf32>
    %max3A_19 = arith.maximumf %add3A_17, %max3A_18 : vector<1000x256xf32>
    %swap3A_20 = arith.constant 0 : index
    %swap3A_21 = arith.constant 0 : index
    %swap3A_22 = vector.load %arg5[%swap3A_20, %swap3A_21] : memref<1000x256xf32, #tpu.memory_space<vmem>>, vector<1000x256xf32>
    tpu.vector_store %arg5[%swap3A_20, %swap3A_21], %max3A_19 {strides = array<i32>} : memref<1000x256xf32, #tpu.memory_space<vmem>>, vector<1000x256xf32>,
    %mul3A = vector.broadcast %rsqrt3A : vector<1000x1xf32> to vector<1000x256xf32>
    %mul3A_23 = arith.mulf %mul3A, %max3A_19 : vector<1000x256xf32>
    %slice3A = vector.extract_strided_slice %mul3A_23 {offsets = [0, 0], sizes = [1000, 128], strides = [1, 1]} : vector<1000x256xf32> to vector<1000x128xf32>
    %swap3A_24 = arith.constant 0 : index
    %swap3A_25 = arith.constant 0 : index
    %swap3A_26 = arith.constant 0 : index
    %swap3A_27 = vector.load %arg6[%swap3A_24, %swap3A_25, %swap3A_26] : memref<2x1000x128xf32, #tpu.memory_space<vmem>>, vector<1x1000x128xf32>
    %swap3A_28 = vector.shape_cast %swap3A_27 : vector<1x1000x128xf32> to vector<1000x128xf32>
    %swap3A_29 = vector.shape_cast %slice3A : vector<1000x128xf32> to vector<1x1000x128xf32>
    tpu.vector_store %arg6[%swap3A_24, %swap3A_25, %swap3A_26], %swap3A_29 {strides = array<i32>} : memref<2x1000x128xf32, #tpu.memory_space<vmem>>, vector<1x1000x128xf32>,
    %slice3A_30 = vector.extract_strided_slice %mul3A_23 {offsets = [0, 128], sizes = [1000, 128], strides = [1, 1]} : vector<1000x256xf32> to vector<1000x128xf32>
    %swap3A_31 = arith.constant 1 : index
    %swap3A_32 = arith.constant 0 : index
    %swap3A_33 = arith.constant 0 : index
    %swap3A_34 = vector.load %arg6[%swap3A_31, %swap3A_32, %swap3A_33] : memref<2x1000x128xf32, #tpu.memory_space<vmem>>, vector<1x1000x128xf32>
    %swap3A_35 = vector.shape_cast %swap3A_34 : vector<1x1000x128xf32> to vector<1000x128xf32>
    %swap3A_36 = vector.shape_cast %slice3A_30 : vector<1000x128xf32> to vector<1x1000x128xf32>
    tpu.vector_store %arg6[%swap3A_31, %swap3A_32, %swap3A_33], %swap3A_36 {strides = array<i32>} : memref<2x1000x128xf32, #tpu.memory_space<vmem>>, vector<1x1000x128xf32>,
    return
  }
  func.func @transform_0(%arg0: i32) -> (i32, i32) {
    %c0_i32 = arith.constant 0 : i32
    %c0_i32_0 = arith.constant 0 : i32
    return %arg0, %c0_i32 : i32, i32
  }
  func.func @transform_1(%arg0: i32) -> (i32, i32) {
    %c0_i32 = arith.constant 0 : i32
    %c0_i32_0 = arith.constant 0 : i32
    return %arg0, %c0_i32 : i32, i32
  }
  func.func @transform_2(%arg0: i32) -> (i32, i32) {
    %c0_i32 = arith.constant 0 : i32
    %c0_i32_0 = arith.constant 0 : i32
    %c0_i32_1 = arith.constant 0 : i32
    return %c0_i32, %c0_i32_0 : i32, i32
  }
  func.func @transform_3(%arg0: i32) -> (i32, i32) {
    %c0_i32 = arith.constant 0 : i32
    %c0_i32_0 = arith.constant 0 : i32
    %c0_i32_1 = arith.constant 0 : i32
    return %c0_i32, %c0_i32_0 : i32, i32
  }
  func.func @transform_4(%arg0: i32) -> (i32, i32) {
    %c0_i32 = arith.constant 0 : i32
    %c0_i32_0 = arith.constant 0 : i32
    return %arg0, %c0_i32 : i32, i32
  }
  func.func @transform_5(%arg0: i32) -> (i32, i32, i32) {
    %c0_i32 = arith.constant 0 : i32
    %c0_i32_0 = arith.constant 0 : i32
    %c0_i32_1 = arith.constant 0 : i32
    return %c0_i32, %arg0, %c0_i32_0 : i32, i32, i32
  }
  func.func @transform_6(%arg0: i32) -> (i32, i32) {
    %c0_i32 = arith.constant 0 : i32
    %c0_i32_0 = arith.constant 0 : i32
    return %arg0, %c0_i32 : i32, i32
  }
}

module attributes {stable_mosaic.version = 14 : i64} {
  func.func @_tc_mid_body(%arg0: i32, %arg1: memref<2x1000x128xf32, #tpu.memory_space<vmem>>, %arg2: memref<1000x256xf32, #tpu.memory_space<vmem>>, %arg3: memref<1000x1xf32, #tpu.memory_space<vmem>>, %arg4: memref<256x256xf32, #tpu.memory_space<vmem>>, %arg5: memref<1x256xf32, #tpu.memory_space<vmem>>, %arg6: memref<1000x256xf32, #tpu.memory_space<vmem>>, %arg7: memref<2x1000x128xf32, #tpu.memory_space<vmem>>) attributes {dimension_semantics = [#tpu.dimension_semantics<arbitrary>], iteration_bounds = array<i64: 10>, scalar_prefetch = 0 : i64, scratch_operands = 0 : i64, tpu.core_type = #tpu.core_type<tc>, window_params = [{transform_indices = @transform_0, window_bounds = array<i64: 2, 1000, 128>}, {transform_indices = @transform_1, window_bounds = array<i64: 1000, 256>}, {transform_indices = @transform_2, window_bounds = array<i64: 1000, 1>}, {pipeline_mode = #tpu.pipeline_mode<synchronous>, transform_indices = @transform_3, window_bounds = array<i64: 256, 256>}, {pipeline_mode = #tpu.pipeline_mode<synchronous>, transform_indices = @transform_4, window_bounds = array<i64: 1, 256>}, {transform_indices = @transform_5, window_bounds = array<i64: 1000, 256>}, {transform_indices = @transform_6, window_bounds = array<i64: 2, 1000, 128>}]} {
    %get3A = arith.constant 0 : index
    %get3A_0 = arith.constant 0 : index
    %get3A_1 = vector.load %arg3[%get3A, %get3A_0] : memref<1000x1xf32, #tpu.memory_space<vmem>>, vector<1000x1xf32>
    %get3A_2 = arith.constant 0 : index
    %get3A_3 = arith.constant 0 : index
    %get3A_4 = arith.constant 0 : index
    %get3A_5 = vector.load %arg1[%get3A_2, %get3A_3, %get3A_4] : memref<2x1000x128xf32, #tpu.memory_space<vmem>>, vector<1x1000x128xf32>
    %get3A_6 = vector.shape_cast %get3A_5 : vector<1x1000x128xf32> to vector<1000x128xf32>
    %mul3A = vector.broadcast %get3A_1 : vector<1000x1xf32> to vector<1000x128xf32>
    %mul3A_7 = arith.mulf %mul3A, %get3A_6 : vector<1000x128xf32>
    %get3A_8 = arith.constant 1 : index
    %get3A_9 = arith.constant 0 : index
    %get3A_10 = arith.constant 0 : index
    %get3A_11 = vector.load %arg1[%get3A_8, %get3A_9, %get3A_10] : memref<2x1000x128xf32, #tpu.memory_space<vmem>>, vector<1x1000x128xf32>
    %get3A_12 = vector.shape_cast %get3A_11 : vector<1x1000x128xf32> to vector<1000x128xf32>
    %mul3A_13 = vector.broadcast %get3A_1 : vector<1000x1xf32> to vector<1000x128xf32>
    %mul3A_14 = arith.mulf %mul3A_13, %get3A_12 : vector<1000x128xf32>
    %concatenate3A = tpu.concatenate %mul3A_7, %mul3A_14 in 1 : vector<1000x128xf32>, vector<1000x128xf32> -> vector<1000x256xf32>
    %mul3A_15 = arith.mulf %get3A_1, %get3A_1 : vector<1000x1xf32>
    %get3A_16 = arith.constant 0 : index
    %get3A_17 = arith.constant 0 : index
    %get3A_18 = vector.load %arg2[%get3A_16, %get3A_17] : memref<1000x256xf32, #tpu.memory_space<vmem>>, vector<1000x256xf32>
    %mul3A_19 = vector.broadcast %mul3A_15 : vector<1000x1xf32> to vector<1000x256xf32>
    %mul3A_20 = arith.mulf %mul3A_19, %get3A_18 : vector<1000x256xf32>
    %add3A = arith.addf %concatenate3A, %mul3A_20 : vector<1000x256xf32>
    %get3A_21 = arith.constant 0 : index
    %get3A_22 = arith.constant 0 : index
    %get3A_23 = vector.load %arg4[%get3A_21, %get3A_22] : memref<256x256xf32, #tpu.memory_space<vmem>>, vector<256x256xf32>
    %dot_general3A = arith.constant dense<0.000000e+00> : vector<1000x256xf32>
    %dot_general3A_24 = tpu.matmul %add3A, %get3A_23, %dot_general3A {dimension_numbers = #tpu.dot_dimension_numbers<[1], [1], [0], [0], [0, 0, 1, 0], [], []>, precision = #tpu.contract_precision<fp32>, transpose_lhs_hint = false} : vector<1000x256xf32>, vector<256x256xf32>, vector<1000x256xf32> -> vector<1000x256xf32>
    %get3A_25 = arith.constant 0 : index
    %get3A_26 = arith.constant 0 : index
    %get3A_27 = vector.load %arg5[%get3A_25, %get3A_26] : memref<1x256xf32, #tpu.memory_space<vmem>>, vector<1x256xf32>
    %add3A_28 = vector.broadcast %get3A_27 : vector<1x256xf32> to vector<1000x256xf32>
    %add3A_29 = arith.addf %dot_general3A_24, %add3A_28 : vector<1000x256xf32>
    %max3A = arith.constant 0.000000e+00 : f32
    %max3A_30 = vector.broadcast %max3A : f32 to vector<1000x256xf32>
    %max3A_31 = arith.maximumf %add3A_29, %max3A_30 : vector<1000x256xf32>
    %swap3A = arith.constant 0 : index
    %swap3A_32 = arith.constant 0 : index
    %swap3A_33 = vector.load %arg6[%swap3A, %swap3A_32] : memref<1000x256xf32, #tpu.memory_space<vmem>>, vector<1000x256xf32>
    tpu.vector_store %arg6[%swap3A, %swap3A_32], %max3A_31 {strides = array<i32>} : memref<1000x256xf32, #tpu.memory_space<vmem>>, vector<1000x256xf32>,
    %mul3A_34 = vector.broadcast %get3A_1 : vector<1000x1xf32> to vector<1000x256xf32>
    %mul3A_35 = arith.mulf %mul3A_34, %max3A_31 : vector<1000x256xf32>
    %slice3A = vector.extract_strided_slice %mul3A_35 {offsets = [0, 0], sizes = [1000, 128], strides = [1, 1]} : vector<1000x256xf32> to vector<1000x128xf32>
    %swap3A_36 = arith.constant 0 : index
    %swap3A_37 = arith.constant 0 : index
    %swap3A_38 = arith.constant 0 : index
    %swap3A_39 = vector.load %arg7[%swap3A_36, %swap3A_37, %swap3A_38] : memref<2x1000x128xf32, #tpu.memory_space<vmem>>, vector<1x1000x128xf32>
    %swap3A_40 = vector.shape_cast %swap3A_39 : vector<1x1000x128xf32> to vector<1000x128xf32>
    %swap3A_41 = vector.shape_cast %slice3A : vector<1000x128xf32> to vector<1x1000x128xf32>
    tpu.vector_store %arg7[%swap3A_36, %swap3A_37, %swap3A_38], %swap3A_41 {strides = array<i32>} : memref<2x1000x128xf32, #tpu.memory_space<vmem>>, vector<1x1000x128xf32>,
    %slice3A_42 = vector.extract_strided_slice %mul3A_35 {offsets = [0, 128], sizes = [1000, 128], strides = [1, 1]} : vector<1000x256xf32> to vector<1000x128xf32>
    %swap3A_43 = arith.constant 1 : index
    %swap3A_44 = arith.constant 0 : index
    %swap3A_45 = arith.constant 0 : index
    %swap3A_46 = vector.load %arg7[%swap3A_43, %swap3A_44, %swap3A_45] : memref<2x1000x128xf32, #tpu.memory_space<vmem>>, vector<1x1000x128xf32>
    %swap3A_47 = vector.shape_cast %swap3A_46 : vector<1x1000x128xf32> to vector<1000x128xf32>
    %swap3A_48 = vector.shape_cast %slice3A_42 : vector<1000x128xf32> to vector<1x1000x128xf32>
    tpu.vector_store %arg7[%swap3A_43, %swap3A_44, %swap3A_45], %swap3A_48 {strides = array<i32>} : memref<2x1000x128xf32, #tpu.memory_space<vmem>>, vector<1x1000x128xf32>,
    return
  }
  func.func @transform_0(%arg0: i32) -> (i32, i32, i32) {
    %c0_i32 = arith.constant 0 : i32
    %c0_i32_0 = arith.constant 0 : i32
    %c0_i32_1 = arith.constant 0 : i32
    return %c0_i32, %arg0, %c0_i32_0 : i32, i32, i32
  }
  func.func @transform_1(%arg0: i32) -> (i32, i32) {
    %c0_i32 = arith.constant 0 : i32
    %c0_i32_0 = arith.constant 0 : i32
    return %arg0, %c0_i32 : i32, i32
  }
  func.func @transform_2(%arg0: i32) -> (i32, i32) {
    %c0_i32 = arith.constant 0 : i32
    %c0_i32_0 = arith.constant 0 : i32
    return %arg0, %c0_i32 : i32, i32
  }
  func.func @transform_3(%arg0: i32) -> (i32, i32) {
    %c0_i32 = arith.constant 0 : i32
    %c0_i32_0 = arith.constant 0 : i32
    %c0_i32_1 = arith.constant 0 : i32
    return %c0_i32, %c0_i32_0 : i32, i32
  }
  func.func @transform_4(%arg0: i32) -> (i32, i32) {
    %c0_i32 = arith.constant 0 : i32
    %c0_i32_0 = arith.constant 0 : i32
    %c0_i32_1 = arith.constant 0 : i32
    return %c0_i32, %c0_i32_0 : i32, i32
  }
  func.func @transform_5(%arg0: i32) -> (i32, i32) {
    %c0_i32 = arith.constant 0 : i32
    %c0_i32_0 = arith.constant 0 : i32
    return %arg0, %c0_i32 : i32, i32
  }
  func.func @transform_6(%arg0: i32) -> (i32, i32, i32) {
    %c0_i32 = arith.constant 0 : i32
    %c0_i32_0 = arith.constant 0 : i32
    %c0_i32_1 = arith.constant 0 : i32
    return %c0_i32, %arg0, %c0_i32_0 : i32, i32, i32
  }
}

module attributes {stable_mosaic.version = 14 : i64} {
  func.func @_tc_final_body(%arg0: i32, %arg1: memref<2x1000x128xf32, #tpu.memory_space<vmem>>, %arg2: memref<1000x256xf32, #tpu.memory_space<vmem>>, %arg3: memref<1000x1xf32, #tpu.memory_space<vmem>>, %arg4: memref<1000x256xf32, #tpu.memory_space<vmem>>) attributes {dimension_semantics = [#tpu.dimension_semantics<arbitrary>], iteration_bounds = array<i64: 10>, scalar_prefetch = 0 : i64, scratch_operands = 0 : i64, tpu.core_type = #tpu.core_type<tc>, window_params = [{transform_indices = @transform_0, window_bounds = array<i64: 2, 1000, 128>}, {transform_indices = @transform_1, window_bounds = array<i64: 1000, 256>}, {transform_indices = @transform_2, window_bounds = array<i64: 1000, 1>}, {transform_indices = @transform_3, window_bounds = array<i64: 1000, 256>}]} {
    %get3A = arith.constant 0 : index
    %get3A_0 = arith.constant 0 : index
    %get3A_1 = vector.load %arg3[%get3A, %get3A_0] : memref<1000x1xf32, #tpu.memory_space<vmem>>, vector<1000x1xf32>
    %get3A_2 = arith.constant 0 : index
    %get3A_3 = arith.constant 0 : index
    %get3A_4 = arith.constant 0 : index
    %get3A_5 = vector.load %arg1[%get3A_2, %get3A_3, %get3A_4] : memref<2x1000x128xf32, #tpu.memory_space<vmem>>, vector<1x1000x128xf32>
    %get3A_6 = vector.shape_cast %get3A_5 : vector<1x1000x128xf32> to vector<1000x128xf32>
    %mul3A = vector.broadcast %get3A_1 : vector<1000x1xf32> to vector<1000x128xf32>
    %mul3A_7 = arith.mulf %mul3A, %get3A_6 : vector<1000x128xf32>
    %get3A_8 = arith.constant 1 : index
    %get3A_9 = arith.constant 0 : index
    %get3A_10 = arith.constant 0 : index
    %get3A_11 = vector.load %arg1[%get3A_8, %get3A_9, %get3A_10] : memref<2x1000x128xf32, #tpu.memory_space<vmem>>, vector<1x1000x128xf32>
    %get3A_12 = vector.shape_cast %get3A_11 : vector<1x1000x128xf32> to vector<1000x128xf32>
    %mul3A_13 = vector.broadcast %get3A_1 : vector<1000x1xf32> to vector<1000x128xf32>
    %mul3A_14 = arith.mulf %mul3A_13, %get3A_12 : vector<1000x128xf32>
    %concatenate3A = tpu.concatenate %mul3A_7, %mul3A_14 in 1 : vector<1000x128xf32>, vector<1000x128xf32> -> vector<1000x256xf32>
    %mul3A_15 = arith.mulf %get3A_1, %get3A_1 : vector<1000x1xf32>
    %get3A_16 = arith.constant 0 : index
    %get3A_17 = arith.constant 0 : index
    %get3A_18 = vector.load %arg2[%get3A_16, %get3A_17] : memref<1000x256xf32, #tpu.memory_space<vmem>>, vector<1000x256xf32>
    %mul3A_19 = vector.broadcast %mul3A_15 : vector<1000x1xf32> to vector<1000x256xf32>
    %mul3A_20 = arith.mulf %mul3A_19, %get3A_18 : vector<1000x256xf32>
    %add3A = arith.addf %concatenate3A, %mul3A_20 : vector<1000x256xf32>
    %swap3A = arith.constant 0 : index
    %swap3A_21 = arith.constant 0 : index
    %swap3A_22 = vector.load %arg4[%swap3A, %swap3A_21] : memref<1000x256xf32, #tpu.memory_space<vmem>>, vector<1000x256xf32>
    tpu.vector_store %arg4[%swap3A, %swap3A_21], %add3A {strides = array<i32>} : memref<1000x256xf32, #tpu.memory_space<vmem>>, vector<1000x256xf32>,
    return
  }
  func.func @transform_0(%arg0: i32) -> (i32, i32, i32) {
    %c0_i32 = arith.constant 0 : i32
    %c0_i32_0 = arith.constant 0 : i32
    %c0_i32_1 = arith.constant 0 : i32
    return %c0_i32, %arg0, %c0_i32_0 : i32, i32, i32
  }
  func.func @transform_1(%arg0: i32) -> (i32, i32) {
    %c0_i32 = arith.constant 0 : i32
    %c0_i32_0 = arith.constant 0 : i32
    return %arg0, %c0_i32 : i32, i32
  }
  func.func @transform_2(%arg0: i32) -> (i32, i32) {
    %c0_i32 = arith.constant 0 : i32
    %c0_i32_0 = arith.constant 0 : i32
    return %arg0, %c0_i32 : i32, i32
  }
  func.func @transform_3(%arg0: i32) -> (i32, i32) {
    %c0_i32 = arith.constant 0 : i32
    %c0_i32_0 = arith.constant 0 : i32
    return %arg0, %c0_i32 : i32, i32
  }
}

</mosaic_0001>

<sc_bundles>
// kernel: kernel.10.cloned.1.call-start
scs
__scs_entry_jumppad:
0x0: {  	(pc) =	sbr.rel $0x88, $3  }
0x1: {  	(tag) =	ssettag $0x0;
	lr =	simm.s32 $0x1  }
0x2: {  	[smem:$0x3F99] =	sst lr;
	_ =	strace $0xD0000000  }
0x3: {  	_ = 	snop  }
0x4: {  	_ = 	snop  }
0x5: {  	_ = 	snop  }
0x6: {  	_ = 	snop  }
0x7: {  	_ = 	snop  }
__scs_overlays_trampoline_lowered:
0x8: {  	[smem:$0x3FA8] =	sst s0  }
0x9: {  	[smem:$0x3FA9] =	sst s1  }
0xa: {  	[smem:$0x3FAA] =	sst s2  }
0xb: {  	[smem:$0x3FAB] =	sst s3  }
0xc: {  	[smem:$0x3FAC] =	sst s4  }
0xd: {  	[smem:$0x3FAD] =	sst s5  }
0xe: {  	[smem:$0x3FAE] =	sst s6  }
0xf: {  	[smem:$0x3FAF] =	sst s7  }
0x10: {  	[smem:$0x3FB0] =	sst s8  }
0x11: {  	[smem:$0x3FB1] =	sst s9;
	s0 =	simm.s32 @!p0 $0x0  }
0x12: {  	s1 =	sld [smem:$0x3F97];
	s0 =	simm.s32 @p0 $0x1  }
0x13: {  	[smem:$0x3FB2] =	sst s0;
	s0 =	simm.s32 @!p1 $0x0  }
0x14: {  	s2 =	sld [smem:$0x3F96];
	s0 =	simm.s32 @p1 $0x1  }
0x15: {  	[smem:$0x3FB3] =	sst s0;
	s0 =	simm.s32 @!p2 $0x0  }
0x16: {  	s3 =	sld [smem:$0x3FDB];
	s0 =	simm.s32 @p2 $0x1  }
0x17: {  	s4 =	simm.s32 $0x1BF5;
	[smem:$0x3FB5] =	sst s0  }
0x18: {  	s0 =	sld [smem:$0x3F98];
	_ =	swait.ge [sflag:s4], $0x0  }
0x19: {  	s7 =	sld [smem:$0x3F99]  }
0x1a: {  	s8 =	sadd.s32 $0xFFFFE003, lr  }
0x1b: {  	s9 =	sadd.s32 $0xFFFFFEF7, lr;
	s5 =	simm.s32 $0xFFFFFFFF;
	p2 =	slt.u32 s8, $0xFFFFF086  }
0x1c: {  	p1 =	slt.u32 s9, $0xF7A;
	s5 =	simm.s32 @!p2 $0x0  }
0x1d: {  	s5 =	simm.s32 @p1 $0x1;
	p0 =	seq.s32 s7, s2  }
0x1e: {  	s7 =	smul.u32 @!p0 $0xF7A, s2;
	p2 =	seq.s32 @!p0 s5, $0x0  }
0x1f: {  	s9 =	smul.u32 $0xF7A, s1;
	s8 =	simm.s32 @!p0 $0x1BF5;
	p2 =	por !p2, p0  }
0x20: {  	[sflag:s8] =	ssyncset.s32 @!p0 $0xFFFFF086;
	s6 =	sadd.s32 @!p0 s3, s7;
	s7 =	simm.s32 @!p0 $0x108  }
0x21: {  	s3 =	sadd.s32 s3, s9;
	s6 =	sadd.s32 @!p0 $0x88, s6;
	s7 =	simm.s32 @p2 $0x1082  }
0x22: {  	[simem:s7], [sflag:s8] =	dma.local @!p0 [hbm:s6], $0xF7A  }
0x23: {  	s9 =	sor.u32 $0xD0000000, s2;
	s6 =	simm.s32 $0x108;
	_ =	swait.ge @!p0 [sflag:s8], $0x0  }
0x24: {  	s3 =	sadd.s32 $0x88, s3;
	s6 =	simm.s32 @!p1 $0x1082;
	[sflag:s4] =	ssyncset.s32 $0xFFFFF086  }
0x25: {  	[simem:s6], [sflag:s4] =	dma.local [hbm:s3], $0xF7A  }
0x26: {  	[smem:$0x3F99] =	sst s1;
	(tag) =	ssettag s2;
	_ =	strace s9  }
0x27: {  	s1 =	sld [smem:$0x3FA9]  }
0x28: {  	s2 =	sld [smem:$0x3FAA]  }
0x29: {  	s4 =	sld [smem:$0x3FAC]  }
0x2a: {  	p0 =	seq.s32 s5, $0x0;
	s5 =	sld [smem:$0x3FAD]  }
0x2b: {  	s6 =	sld [smem:$0x3FAE]  }
0x2c: {  	s7 =	sld [smem:$0x3FAF]  }
0x2d: {  	s3 =	simm.s32 $0x108;
	s8 =	sld [smem:$0x3FB0]  }
0x2e: {  	s3 =	simm.s32 @!p0 $0x1082;
	s9 =	sld [smem:$0x3FB1]  }
0x2f: {  	lr =	sadd.s32 s0, s3;
	s0 =	sld [smem:$0x3FA8]  }
0x30: {  	s3 =	sld [smem:$0x3FAB]  }
0x31: {  	[smem:$0x3FB4] =	sst s10  }
0x32: {  	s10 =	sld [smem:$0x3FB2];
	_ =	sdelay $0x3  }
0x33: {  	p0 =	seq.s32 s10, $0x1;
	s10 =	sld [smem:$0x3FB4];
	_ =	sdelay $0x3  }
0x34: {  	[smem:$0x3FB4] =	sst s10  }
0x35: {  	s10 =	sld [smem:$0x3FB3];
	_ =	sdelay $0x3  }
0x36: {  	p1 =	seq.s32 s10, $0x1;
	s10 =	sld [smem:$0x3FB4];
	_ =	sdelay $0x3  }
0x37: {  	[smem:$0x3FB4] =	sst s10  }
0x38: {  	s10 =	sld [smem:$0x3FB5]  }
0x39: {  	_ = 	snop;
	(pc) =	sbr.ind lr, $3  }
0x3a: {  	_ = 	snop  }
0x3b: {  	_ = 	snop  }
0x3c: {  	p2 =	seq.s32 s10, $0x1;
	s10 =	sld [smem:$0x3FB4]  }
0x3d: {  	_ =	shalt  }
0x3e: {  	_ =	shalt  }
0x3f: {  	_ =	shalt  }
0x40: {  	_ =	shalt  }
0x41: {  	_ =	shalt  }
0x42: {  	_ =	shalt  }
0x43: {  	_ =	shalt  }
0x44: {  	_ =	shalt  }
0x45: {  	_ =	shalt  }
0x46: {  	_ =	shalt  }
0x47: {  	_ =	shalt  }
0x48: {  	_ =	shalt  }
0x49: {  	_ =	shalt  }
0x4a: {  	_ =	shalt  }
0x4b: {  	_ =	shalt  }
0x4c: {  	_ =	shalt  }
0x4d: {  	_ =	shalt  }
0x4e: {  	_ =	shalt  }
0x4f: {  	_ =	shalt  }
0x50: {  	_ =	shalt  }
0x51: {  	_ =	shalt  }
0x52: {  	_ =	shalt  }
0x53: {  	_ =	shalt  }
0x54: {  	_ =	shalt  }
0x55: {  	_ =	shalt  }
0x56: {  	_ =	shalt  }
0x57: {  	_ =	shalt  }
0x58: {  	_ =	shalt  }
0x59: {  	_ =	shalt  }
0x5a: {  	_ =	shalt  }
0x5b: {  	_ =	shalt  }
0x5c: {  	_ =	shalt  }
0x5d: {  	_ =	shalt  }
0x5e: {  	_ =	shalt  }
0x5f: {  	_ =	shalt  }
0x60: {  	_ =	shalt  }
0x61: {  	_ =	shalt  }
0x62: {  	_ =	shalt  }
0x63: {  	_ =	shalt  }
0x64: {  	_ =	shalt  }
0x65: {  	_ =	shalt  }
0x66: {  	_ =	shalt  }
0x67: {  	_ =	shalt  }
0x68: {  	_ =	shalt  }
0x69: {  	_ =	shalt  }
0x6a: {  	_ =	shalt  }
0x6b: {  	_ =	shalt  }
0x6c: {  	_ =	shalt  }
0x6d: {  	_ =	shalt  }
0x6e: {  	_ =	shalt  }
0x6f: {  	_ =	shalt  }
0x70: {  	_ =	shalt  }
0x71: {  	_ =	shalt  }
0x72: {  	_ =	shalt  }
0x73: {  	_ =	shalt  }
0x74: {  	_ =	shalt  }
0x75: {  	_ =	shalt  }
0x76: {  	_ =	shalt  }
0x77: {  	_ =	shalt  }
0x78: {  	_ =	shalt  }
0x79: {  	_ =	shalt  }
0x7a: {  	_ =	shalt  }
0x7b: {  	_ =	shalt  }
0x7c: {  	_ =	shalt  }
0x7d: {  	_ =	shalt  }
0x7e: {  	_ =	shalt  }
0x7f: {  	_ =	shalt  }
0x80: {  	_ =	shalt  }
0x81: {  	_ =	shalt  }
0x82: {  	_ =	shalt  }
0x83: {  	_ =	shalt  }
0x84: {  	_ =	shalt  }
0x85: {  	_ =	shalt  }
0x86: {  	_ =	shalt  }
0x87: {  	_ =	shalt  }
.Lfunc_end0:
.L_simem_size_0:
called_computation_lowered:
.L_overlay_start_0:
0x88: {  	s2 =	sld [smem:$0x3FD9]  }
0x89: {  	s3 =	sld [smem:$0x3FFE];
	_ =	sdelay $0x1  }
0x8a: {  	s1 =	srdreg.scid  }
0x8b: {  	s0 =	sand.u32 $0x1, s1  }
0x8c: {  	s17 =	sshll.u32 s0, $0xA;
	s2 =	sadd.s32 s3, s2  }
0x8d: {  	s2 =	sadd.s32 s2, s17  }
0x8e: {  	[smem:$0x3FC0] =	sst s2  }
0x8f: {  	_ = 	snop  }
0x90: {  	s2 =	sld [smem:$0x3FD0];
	(tm) =	ssettm $0x1  }
0x91: {  	s18 =	sld [smem:$0x3FFB];
	_ =	sdelay $0x3  }
0x92: {  	_ =	strace s18  }
0x93: {  	s3 =	sld [smem:$0x3FFC];
	_ =	sdelay $0x3  }
0x94: {  	_ =	strace s3  }
0x95: {  	s3 =	sld [smem:$0x3FFD];
	_ =	sdelay $0x3  }
0x96: {  	_ =	strace s3  }
0x97: {  	_ =	strace $0x8FFFFFFF  }
0x98: {  	s19 =	sld [smem:$0x3FDB];
	_ =	sdelay $0x1  }
0x99: {  	s4 =	simm.s32 $_scs_section_size  }
0x9a: {  	s5 =	simm.s32 $_size__tile_overlayer_lowered;
	s6 =	simm.s32 $_tile_overlayer_lowered  }
0x9b: {  	s22 =	simm.s32 $0x1BFF;
	s21 =	sshll.u32 s6, $0x1;
	s3 =	sadd.s32 s4, s19  }
0x9c: {  	s7 =	simm.s32 $0x0;
	s20 =	sshll.u32 s5, $0x1;
	s5 =	sadd.s32 s21, s3  }
0x9d: {  	[timem:s7], [sflag:s22] =	dma.local [hbm:s5], s20  }
0x9e: {  	_ =	swait.ge [sflag:s22], s20  }
0x9f: {  	s4 =	ssub.s32 $0x0, s20;
	[sflag:s22] =	ssyncset.done $0x0  }
0xa0: {  	[sflag:s22] =	ssyncadd.s32 s4;
	_ =	sdelay $0x1  }
0xa1: {  	s23 =	simm.s32 $0x1B8B  }
0xa2: {  	_ =	swait.ge [sflag:s23], $0x1  }
0xa3: {  	[sflag:s23] =	ssyncset.done $0x0  }
0xa4: {  	s25 =	simm.s32 $0x1B8E;
	s24 =	sld [smem:$0x3FFE];
	[sflag:s23] =	ssyncadd.s32 $0xFFFFFFFF  }
0xa5: {  	s26 =	simm.s32 $execute0_lowered;
	[smem:$0x3FD2] =	sst s25  }
0xa6: {  	s5 =	sshll.u32 s26, $0x1;
	_ =	strace $0x80000046;
	[dreg:$0x1] =	wrdreg $0xFFFFFFFF  }
0xa7: {  	s28 =	simm.s32 $_size_execute0_lowered;
	s3 =	sadd.s32 s3, s5;
	[dreg:$0x0] =	wrdreg $0x0  }
0xa8: {  	s5 =	sshll.u32 s28, $0x1;
	[dreg:$0x2] =	wrdreg s3  }
0xa9: {  	[dreg:$0x3] =	wrdreg s5  }
0xaa: {  	[dreg:$0x4] =	wrdreg $0xC0  }
0xab: {  	_ =	task [dreg:s7], $0x5FFFF  }
0xac: {  	[dreg:$0x1] =	wrdreg $0xFFFFFFFF  }
0xad: {  	[dreg:$0x0] =	wrdreg $0x60  }
0xae: {  	[dreg:$0x2] =	wrdreg s2  }
0xaf: {  	[dreg:$0x3] =	wrdreg s24  }
0xb0: {  	[dreg:$0x4] =	wrdreg $0x48000  }
0xb1: {  	[dreg:$0x5] =	wrdreg $0x9  }
0xb2: {  	_ =	task.clear_ibuf [dreg:s7], $0x6FFFF;
	_ =	strace $0x90000046  }
0xb3: {  	s29 =	simm.s32 $0x9;
	_ =	strace $0x80000048  }
0xb4: {  	_ =	swait.ge [sflag:s29], $0x1  }
0xb5: {  	[sflag:s29] =	ssyncadd.s32 $0xFFFFFFFF  }
0xb6: {  	_ =	strace $0x90000048  }
0xb7: {  	_ =	sfence  }
0xb8: {  	s30 =	sld [smem:$0x0];
	_ =	sdelay $0x2  }
0xb9: {  	s31 =	sshll.u32 s1, $0xD;
	s1 =	sshrl.u32 s1, $0x2  }
0xba: {  	s3 =	sand.u32 $0x4000, s31;
	s1 =	sadd.s32 s1, s30  }
0xbb: {  	s0 =	sor.u32 s3, s0;
	s1 =	sshll.u32 s1, $0x11  }
0xbc: {  	s0 =	sor.u32 s1, s0  }
0xbd: {  	s0 =	sadd.s32 $0x8F2B, s0  }
0xbe: {  	[sflag:s0] =	ssyncadd.remote.s32 $0x1  }
0xbf: {  	_ =	sfence.sel $0xFFFF  }
0xc0: {  	[dreg:$0x0] =	wrdreg $0xFFFFFFFF;
	(pc) =	sbr.abs _section_cstart, $3  }
0xc1: {  	[dreg:$0x1] =	wrdreg $0xFFFFFFFF  }
0xc2: {  	_ =	task.clear_ibuf [dreg:s7], $0x2FFFF;
	_ =	strace $0x9FFFFFFF  }
0xc3: {  	(tm) =	ssettm $0x7FFFFFFF  }
tec
execute0_lowered:
.L_overlay_start_1:
0x0: {  	(tag) =	ssettag $0x1  }
0x1: {  	s1 =	rddreg [dreg:$0x0]  }
0x2: {  	s0 =	srdreg.scid;
	s2 =	rddreg [dreg:$0x1]  }
0x3: {  	s21 =	stileid.u32;
	s3 =	rddreg [dreg:$0x2]  }
0x4: {  	s4 =	simm.s32 $0x0;
	s12 =	simm.s32 $0x800;
	s13 =	simm.s32 $0x80  }
0x5: {  	s14 =	simm.s32 $0x100;
	s15 =	simm.s32 $0x180;
	s16 =	simm.s32 $0x200  }
0x6: {  	s17 =	simm.s32 $0x280;
	s18 =	simm.s32 $0x300;
	s7 =	smul.u32 $0x2800, s21  }
0x7: {  	s19 =	simm.s32 $0x380;
	s20 =	simm.s32 $0x400;
	s22 =	smul.u32 $0x14000, s21  }
0x8: {  	s28 =	simm.s32 $0x780;
	s5 =	sand.u32 $0x1, s0;
	s25 =	smul.u32 $0x50000, s21  }
0x9: {  	s29 =	simm.s32 $0x0;
	[smem:$0x7FF] =	sst s4;
	s6 =	smul.u32 $0x28000, s5  }
0xa: {  	s31 =	sshll.u32 s21, $0x6;
	s21 =	simm.s32 $0x480;
	s8 =	smul.u32 $0x140000, s5  }
0xb: {  	_ =	strace $0x80000047;
	s24 =	ssub.s32 $0x2, s5;
	s5 =	sadd.s32 $0x16000, s2  }
0xc: {  	s26 =	sshrl.u32 s24, $0x1;
	s30 =	sshrl.u32 s25, $0x2;
	s25 =	simm.s32 $0x680  }
0xd: {  	s6 =	sadd.s32 s7, s6;
	s23 =	sadd.s32 s22, s8;
	s10 =	ssub.s32 s24, s26  }
0xe: {  	s11 =	sadd.s32 s30, s3;
	s22 =	simm.s32 $0x500;
	s24 =	simm.s32 $0x600  }
0xf: {  	s26 =	simm.s32 $0x700;
	s6 =	sshrl.u32 s6, $0x3;
	s8 =	smax.u32 s10, $0x1  }
0x10: {  	s10 =	sshrl.u32 s11, $0x3;
	s9 =	sadd.s32 s6, s2;
	s6 =	sshrl.u32 s23, $0x3  }
0x11: {  	s11 =	simm.s32 $0x1;
	s23 =	simm.s32 $0x580;
	s2 =	sadd.s32 s6, s2  }
0x12: {  	s6 =	sor.u32 $0x1C01, s31;
	s9 =	sadd.s32 $0x2000, s9;
	s7 =	sadd.s32 $0x18800, s2  }
.LBB2_1:
0x13: {  	[spmem:s10], [sflag:s6] =	dma.local [hbm:s5], $0x2800  }
0x14: {  	_ =	swait.ge [sflag:s11], $0x2800  }
0x15: {  	[sflag:s11] =	ssyncset.done $0x0  }
0x16: {  	[sflag:s11] =	ssyncadd.s32 $0xFFFFD800  }
0x17: {  	[tilespmem:s12], [sflag:$0x1] =	stream.linear.gather [hbm4b:s1+s4], $0x4000, $0x38;
	[tilespmem:$0x18800] =	vst v63  }
0x18: {  	_ =	swait.ge [sflag:s11], $0x4000  }
0x19: {  	[sflag:s11] =	ssyncset.done $0x0  }
0x1a: {  	[sflag:s11] =	ssyncadd.s32 $0xFFFFC000  }
0x1b: {  	s2 =	sadd.s32 $0x0, s9;
	[bflag:$0x0] =	sbarrier.arrive $0xFFFF  }
0x1c: {  	[tilespmem:s4], [sflag:$0x1] =	stream.linear.gather [hbm4b:s2+s4], $0x800, $0x38;
	[tilespmem:$0x18800] =	vst v63  }
0x1d: {  	_ =	swait.ge [sflag:s11], $0x800  }
0x1e: {  	[sflag:s11] =	ssyncset.done $0x0  }
0x1f: {  	[sflag:s11] =	ssyncadd.s32 $0xFFFFF800  }
0x20: {  	[spmem:s3] =	stream.indirect.scatter.add.f32 [tilespmem:s12], [sflag:$0x1], $0x80, s4, s13, $0xb8;
	[tilespmem:$0x18800] =	vst v63  }
0x21: {  	_ =	swait.ge [sflag:s11], $0x4000  }
0x22: {  	[sflag:s11] =	ssyncset.done $0x0  }
0x23: {  	[sflag:s11] =	ssyncadd.s32 $0xFFFFC000  }
0x24: {  	[spmem:s3] =	stream.indirect.scatter.add.f32 [tilespmem:s12], [sflag:$0x1], $0x80, s13, s13, $0xb8;
	[tilespmem:$0x18800] =	vst v63  }
0x25: {  	_ =	swait.ge [sflag:s11], $0x4000  }
0x26: {  	[sflag:s11] =	ssyncset.done $0x0  }
0x27: {  	[sflag:s11] =	ssyncadd.s32 $0xFFFFC000  }
0x28: {  	[spmem:s3] =	stream.indirect.scatter.add.f32 [tilespmem:s12], [sflag:$0x1], $0x80, s14, s13, $0xb8;
	[tilespmem:$0x18800] =	vst v63  }
0x29: {  	_ =	swait.ge [sflag:s11], $0x4000  }
0x2a: {  	[sflag:s11] =	ssyncset.done $0x0  }
0x2b: {  	[sflag:s11] =	ssyncadd.s32 $0xFFFFC000  }
0x2c: {  	[spmem:s3] =	stream.indirect.scatter.add.f32 [tilespmem:s12], [sflag:$0x1], $0x80, s15, s13, $0xb8;
	[tilespmem:$0x18800] =	vst v63  }
0x2d: {  	_ =	swait.ge [sflag:s11], $0x4000  }
0x2e: {  	[sflag:s11] =	ssyncset.done $0x0  }
0x2f: {  	[sflag:s11] =	ssyncadd.s32 $0xFFFFC000  }
0x30: {  	[spmem:s3] =	stream.indirect.scatter.add.f32 [tilespmem:s12], [sflag:$0x1], $0x80, s16, s13, $0xb8;
	[tilespmem:$0x18800] =	vst v63  }
0x31: {  	_ =	swait.ge [sflag:s11], $0x4000  }
0x32: {  	[sflag:s11] =	ssyncset.done $0x0  }
0x33: {  	[sflag:s11] =	ssyncadd.s32 $0xFFFFC000  }
0x34: {  	[spmem:s3] =	stream.indirect.scatter.add.f32 [tilespmem:s12], [sflag:$0x1], $0x80, s17, s13, $0xb8;
	[tilespmem:$0x18800] =	vst v63  }
0x35: {  	_ =	swait.ge [sflag:s11], $0x4000  }
0x36: {  	[sflag:s11] =	ssyncset.done $0x0  }
0x37: {  	[sflag:s11] =	ssyncadd.s32 $0xFFFFC000  }
0x38: {  	[spmem:s3] =	stream.indirect.scatter.add.f32 [tilespmem:s12], [sflag:$0x1], $0x80, s18, s13, $0xb8;
	[tilespmem:$0x18800] =	vst v63  }
0x39: {  	_ =	swait.ge [sflag:s11], $0x4000  }
0x3a: {  	[sflag:s11] =	ssyncset.done $0x0  }
0x3b: {  	[sflag:s11] =	ssyncadd.s32 $0xFFFFC000  }
0x3c: {  	[spmem:s3] =	stream.indirect.scatter.add.f32 [tilespmem:s12], [sflag:$0x1], $0x80, s19, s13, $0xb8;
	[tilespmem:$0x18800] =	vst v63  }
0x3d: {  	_ =	swait.ge [sflag:s11], $0x4000  }
0x3e: {  	[sflag:s11] =	ssyncset.done $0x0  }
0x3f: {  	[sflag:s11] =	ssyncadd.s32 $0xFFFFC000  }
0x40: {  	[spmem:s3] =	stream.indirect.scatter.add.f32 [tilespmem:s12], [sflag:$0x1], $0x80, s20, s13, $0xb8;
	[tilespmem:$0x18800] =	vst v63  }
0x41: {  	_ =	swait.ge [sflag:s11], $0x4000  }
0x42: {  	[sflag:s11] =	ssyncset.done $0x0  }
0x43: {  	[sflag:s11] =	ssyncadd.s32 $0xFFFFC000  }
0x44: {  	[spmem:s3] =	stream.indirect.scatter.add.f32 [tilespmem:s12], [sflag:$0x1], $0x80, s21, s13, $0xb8;
	[tilespmem:$0x18800] =	vst v63  }
0x45: {  	_ =	swait.ge [sflag:s11], $0x4000  }
0x46: {  	[sflag:s11] =	ssyncset.done $0x0  }
0x47: {  	[sflag:s11] =	ssyncadd.s32 $0xFFFFC000  }
0x48: {  	[spmem:s3] =	stream.indirect.scatter.add.f32 [tilespmem:s12], [sflag:$0x1], $0x80, s22, s13, $0xb8;
	[tilespmem:$0x18800] =	vst v63  }
0x49: {  	_ =	swait.ge [sflag:s11], $0x4000  }
0x4a: {  	[sflag:s11] =	ssyncset.done $0x0  }
0x4b: {  	[sflag:s11] =	ssyncadd.s32 $0xFFFFC000  }
0x4c: {  	[spmem:s3] =	stream.indirect.scatter.add.f32 [tilespmem:s12], [sflag:$0x1], $0x80, s23, s13, $0xb8;
	[tilespmem:$0x18800] =	vst v63  }
0x4d: {  	_ =	swait.ge [sflag:s11], $0x4000  }
0x4e: {  	[sflag:s11] =	ssyncset.done $0x0  }
0x4f: {  	[sflag:s11] =	ssyncadd.s32 $0xFFFFC000  }
0x50: {  	[spmem:s3] =	stream.indirect.scatter.add.f32 [tilespmem:s12], [sflag:$0x1], $0x80, s24, s13, $0xb8;
	[tilespmem:$0x18800] =	vst v63  }
0x51: {  	_ =	swait.ge [sflag:s11], $0x4000  }
0x52: {  	[sflag:s11] =	ssyncset.done $0x0  }
0x53: {  	[sflag:s11] =	ssyncadd.s32 $0xFFFFC000  }
0x54: {  	[spmem:s3] =	stream.indirect.scatter.add.f32 [tilespmem:s12], [sflag:$0x1], $0x80, s25, s13, $0xb8;
	[tilespmem:$0x18800] =	vst v63  }
0x55: {  	_ =	swait.ge [sflag:s11], $0x4000  }
0x56: {  	[sflag:s11] =	ssyncset.done $0x0  }
0x57: {  	[sflag:s11] =	ssyncadd.s32 $0xFFFFC000  }
0x58: {  	[spmem:s3] =	stream.indirect.scatter.add.f32 [tilespmem:s12], [sflag:$0x1], $0x80, s26, s13, $0xb8;
	[tilespmem:$0x18800] =	vst v63  }
0x59: {  	_ =	swait.ge [sflag:s11], $0x4000  }
0x5a: {  	[sflag:s11] =	ssyncset.done $0x0  }
0x5b: {  	[sflag:s11] =	ssyncadd.s32 $0xFFFFC000  }
0x5c: {  	[spmem:s3] =	stream.indirect.scatter.add.f32 [tilespmem:s12], [sflag:$0x1], $0x80, s28, s13, $0xb8;
	[tilespmem:$0x18800] =	vst v63  }
0x5d: {  	_ =	swait.ge [sflag:s11], $0x4000  }
0x5e: {  	s30 =	simm.s32 $0x100;
	s31 =	simm.s32 $0x200;
	[sflag:s11] =	ssyncset.done $0x0  }
.LBB2_2:
0x5f: {  	s0 =	sadd.s32 s30, s9  }
0x60: {  	[sflag:s11] =	ssyncadd.s32 $0xFFFFC000;
	s30 =	smov.u32 s31;
	s2 =	sadd.s32 $0x100, s31  }
0x61: {  	[tilespmem:s4], [sflag:$0x1] =	stream.linear.gather [hbm4b:s0+s4], $0x800, $0x38;
	[tilespmem:$0x18800] =	vst v63  }
0x62: {  	p0 =	sne.s32 s31, $0x400;
	_ =	swait.ge [sflag:s11], $0x800  }
0x63: {  	[sflag:s11] =	ssyncset.done $0x0  }
0x64: {  	[sflag:s11] =	ssyncadd.s32 $0xFFFFF800  }
0x65: {  	[spmem:s3] =	stream.indirect.scatter.add.f32 [tilespmem:s12], [sflag:$0x1], $0x80, s4, s13, $0xb8;
	[tilespmem:$0x18800] =	vst v63  }
0x66: {  	_ =	swait.ge [sflag:s11], $0x4000  }
0x67: {  	[sflag:s11] =	ssyncset.done $0x0  }
0x68: {  	[sflag:s11] =	ssyncadd.s32 $0xFFFFC000  }
0x69: {  	[spmem:s3] =	stream.indirect.scatter.add.f32 [tilespmem:s12], [sflag:$0x1], $0x80, s13, s13, $0xb8;
	[tilespmem:$0x18800] =	vst v63  }
0x6a: {  	_ =	swait.ge [sflag:s11], $0x4000  }
0x6b: {  	[sflag:s11] =	ssyncset.done $0x0  }
0x6c: {  	[sflag:s11] =	ssyncadd.s32 $0xFFFFC000  }
0x6d: {  	[spmem:s3] =	stream.indirect.scatter.add.f32 [tilespmem:s12], [sflag:$0x1], $0x80, s14, s13, $0xb8;
	[tilespmem:$0x18800] =	vst v63  }
0x6e: {  	_ =	swait.ge [sflag:s11], $0x4000  }
0x6f: {  	[sflag:s11] =	ssyncset.done $0x0  }
0x70: {  	[sflag:s11] =	ssyncadd.s32 $0xFFFFC000  }
0x71: {  	[spmem:s3] =	stream.indirect.scatter.add.f32 [tilespmem:s12], [sflag:$0x1], $0x80, s15, s13, $0xb8;
	[tilespmem:$0x18800] =	vst v63  }
0x72: {  	_ =	swait.ge [sflag:s11], $0x4000  }
0x73: {  	[sflag:s11] =	ssyncset.done $0x0  }
0x74: {  	[sflag:s11] =	ssyncadd.s32 $0xFFFFC000  }
0x75: {  	[spmem:s3] =	stream.indirect.scatter.add.f32 [tilespmem:s12], [sflag:$0x1], $0x80, s16, s13, $0xb8;
	[tilespmem:$0x18800] =	vst v63  }
0x76: {  	_ =	swait.ge [sflag:s11], $0x4000  }
0x77: {  	[sflag:s11] =	ssyncset.done $0x0  }
0x78: {  	[sflag:s11] =	ssyncadd.s32 $0xFFFFC000  }
0x79: {  	[spmem:s3] =	stream.indirect.scatter.add.f32 [tilespmem:s12], [sflag:$0x1], $0x80, s17, s13, $0xb8;
	[tilespmem:$0x18800] =	vst v63  }
0x7a: {  	_ =	swait.ge [sflag:s11], $0x4000  }
0x7b: {  	[sflag:s11] =	ssyncset.done $0x0  }
0x7c: {  	[sflag:s11] =	ssyncadd.s32 $0xFFFFC000  }
0x7d: {  	[spmem:s3] =	stream.indirect.scatter.add.f32 [tilespmem:s12], [sflag:$0x1], $0x80, s18, s13, $0xb8;
	[tilespmem:$0x18800] =	vst v63  }
0x7e: {  	_ =	swait.ge [sflag:s11], $0x4000  }
0x7f: {  	[sflag:s11] =	ssyncset.done $0x0  }
0x80: {  	[sflag:s11] =	ssyncadd.s32 $0xFFFFC000  }
0x81: {  	[spmem:s3] =	stream.indirect.scatter.add.f32 [tilespmem:s12], [sflag:$0x1], $0x80, s19, s13, $0xb8;
	[tilespmem:$0x18800] =	vst v63  }
0x82: {  	_ =	swait.ge [sflag:s11], $0x4000  }
0x83: {  	[sflag:s11] =	ssyncset.done $0x0  }
0x84: {  	[sflag:s11] =	ssyncadd.s32 $0xFFFFC000  }
0x85: {  	[spmem:s3] =	stream.indirect.scatter.add.f32 [tilespmem:s12], [sflag:$0x1], $0x80, s20, s13, $0xb8;
	[tilespmem:$0x18800] =	vst v63  }
0x86: {  	_ =	swait.ge [sflag:s11], $0x4000  }
0x87: {  	[sflag:s11] =	ssyncset.done $0x0  }
0x88: {  	[sflag:s11] =	ssyncadd.s32 $0xFFFFC000  }
0x89: {  	[spmem:s3] =	stream.indirect.scatter.add.f32 [tilespmem:s12], [sflag:$0x1], $0x80, s21, s13, $0xb8;
	[tilespmem:$0x18800] =	vst v63  }
0x8a: {  	_ =	swait.ge [sflag:s11], $0x4000  }
0x8b: {  	[sflag:s11] =	ssyncset.done $0x0  }
0x8c: {  	[sflag:s11] =	ssyncadd.s32 $0xFFFFC000  }
0x8d: {  	[spmem:s3] =	stream.indirect.scatter.add.f32 [tilespmem:s12], [sflag:$0x1], $0x80, s22, s13, $0xb8;
	[tilespmem:$0x18800] =	vst v63  }
0x8e: {  	_ =	swait.ge [sflag:s11], $0x4000  }
0x8f: {  	[sflag:s11] =	ssyncset.done $0x0  }
0x90: {  	[sflag:s11] =	ssyncadd.s32 $0xFFFFC000  }
0x91: {  	[spmem:s3] =	stream.indirect.scatter.add.f32 [tilespmem:s12], [sflag:$0x1], $0x80, s23, s13, $0xb8;
	[tilespmem:$0x18800] =	vst v63  }
0x92: {  	_ =	swait.ge [sflag:s11], $0x4000  }
0x93: {  	[sflag:s11] =	ssyncset.done $0x0  }
0x94: {  	[sflag:s11] =	ssyncadd.s32 $0xFFFFC000  }
0x95: {  	[spmem:s3] =	stream.indirect.scatter.add.f32 [tilespmem:s12], [sflag:$0x1], $0x80, s24, s13, $0xb8;
	[tilespmem:$0x18800] =	vst v63  }
0x96: {  	_ =	swait.ge [sflag:s11], $0x4000  }
0x97: {  	[sflag:s11] =	ssyncset.done $0x0  }
0x98: {  	[sflag:s11] =	ssyncadd.s32 $0xFFFFC000  }
0x99: {  	[spmem:s3] =	stream.indirect.scatter.add.f32 [tilespmem:s12], [sflag:$0x1], $0x80, s25, s13, $0xb8;
	[tilespmem:$0x18800] =	vst v63  }
0x9a: {  	_ =	swait.ge [sflag:s11], $0x4000  }
0x9b: {  	[sflag:s11] =	ssyncset.done $0x0  }
0x9c: {  	[sflag:s11] =	ssyncadd.s32 $0xFFFFC000  }
0x9d: {  	[spmem:s3] =	stream.indirect.scatter.add.f32 [tilespmem:s12], [sflag:$0x1], $0x80, s26, s13, $0xb8;
	[tilespmem:$0x18800] =	vst v63  }
0x9e: {  	_ =	swait.ge [sflag:s11], $0x4000  }
.Ltmp0:
0x9f: {  	[sflag:s11] =	ssyncset.done $0x0;
	(pc) =	sbr.rel @p0 .LBB2_2-.Ltmp0, $4  }
0xa0: {  	[sflag:s11] =	ssyncadd.s32 $0xFFFFC000  }
0xa1: {  	[spmem:s3] =	stream.indirect.scatter.add.f32 [tilespmem:s12], [sflag:$0x1], $0x80, s28, s13, $0xb8;
	[tilespmem:$0x18800] =	vst v63  }
0xa2: {  	_ =	swait.ge [sflag:s11], $0x4000  }
0xa3: {  	s31 =	smov.u32 s2;
	[sflag:s11] =	ssyncset.done $0x0  }
0xa4: {  	s0 =	sadd.s32 s30, s9;
	[sflag:s11] =	ssyncadd.s32 $0xFFFFC000  }
0xa5: {  	[tilespmem:s4], [sflag:$0x1] =	stream.linear.gather [hbm4b:s0+s4], $0x800, $0x38;
	[tilespmem:$0x18800] =	vst v63  }
0xa6: {  	_ =	swait.ge [sflag:s11], $0x800  }
0xa7: {  	[sflag:s11] =	ssyncset.done $0x0  }
0xa8: {  	[sflag:s11] =	ssyncadd.s32 $0xFFFFF800  }
0xa9: {  	[spmem:s3] =	stream.indirect.scatter.add.f32 [tilespmem:s12], [sflag:$0x1], $0x80, s4, s13, $0xb8;
	[tilespmem:$0x18800] =	vst v63  }
0xaa: {  	_ =	swait.ge [sflag:s11], $0x4000  }
0xab: {  	[sflag:s11] =	ssyncset.done $0x0  }
0xac: {  	[sflag:s11] =	ssyncadd.s32 $0xFFFFC000  }
0xad: {  	[spmem:s3] =	stream.indirect.scatter.add.f32 [tilespmem:s12], [sflag:$0x1], $0x80, s13, s13, $0xb8;
	[tilespmem:$0x18800] =	vst v63  }
0xae: {  	_ =	swait.ge [sflag:s11], $0x4000  }
0xaf: {  	[sflag:s11] =	ssyncset.done $0x0  }
0xb0: {  	[sflag:s11] =	ssyncadd.s32 $0xFFFFC000  }
0xb1: {  	[spmem:s3] =	stream.indirect.scatter.add.f32 [tilespmem:s12], [sflag:$0x1], $0x80, s14, s13, $0xb8;
	[tilespmem:$0x18800] =	vst v63  }
0xb2: {  	_ =	swait.ge [sflag:s11], $0x4000  }
0xb3: {  	[sflag:s11] =	ssyncset.done $0x0  }
0xb4: {  	[sflag:s11] =	ssyncadd.s32 $0xFFFFC000  }
0xb5: {  	[spmem:s3] =	stream.indirect.scatter.add.f32 [tilespmem:s12], [sflag:$0x1], $0x80, s15, s13, $0xb8;
	[tilespmem:$0x18800] =	vst v63  }
0xb6: {  	_ =	swait.ge [sflag:s11], $0x4000  }
0xb7: {  	[sflag:s11] =	ssyncset.done $0x0  }
0xb8: {  	[sflag:s11] =	ssyncadd.s32 $0xFFFFC000  }
0xb9: {  	[spmem:s3] =	stream.indirect.scatter.add.f32 [tilespmem:s12], [sflag:$0x1], $0x80, s16, s13, $0xb8;
	[tilespmem:$0x18800] =	vst v63  }
0xba: {  	_ =	swait.ge [sflag:s11], $0x4000  }
0xbb: {  	[sflag:s11] =	ssyncset.done $0x0  }
0xbc: {  	[sflag:s11] =	ssyncadd.s32 $0xFFFFC000  }
0xbd: {  	[spmem:s3] =	stream.indirect.scatter.add.f32 [tilespmem:s12], [sflag:$0x1], $0x80, s17, s13, $0xb8;
	[tilespmem:$0x18800] =	vst v63  }
0xbe: {  	_ =	swait.ge [sflag:s11], $0x4000  }
0xbf: {  	[sflag:s11] =	ssyncset.done $0x0  }
0xc0: {  	[sflag:s11] =	ssyncadd.s32 $0xFFFFC000  }
0xc1: {  	[spmem:s3] =	stream.indirect.scatter.add.f32 [tilespmem:s12], [sflag:$0x1], $0x80, s18, s13, $0xb8;
	[tilespmem:$0x18800] =	vst v63  }
0xc2: {  	_ =	swait.ge [sflag:s11], $0x4000  }
0xc3: {  	[sflag:s11] =	ssyncset.done $0x0  }
0xc4: {  	[sflag:s11] =	ssyncadd.s32 $0xFFFFC000  }
0xc5: {  	[spmem:s3] =	stream.indirect.scatter.add.f32 [tilespmem:s12], [sflag:$0x1], $0x80, s19, s13, $0xb8;
	[tilespmem:$0x18800] =	vst v63  }
0xc6: {  	_ =	swait.ge [sflag:s11], $0x4000  }
0xc7: {  	[sflag:s11] =	ssyncset.done $0x0  }
0xc8: {  	[sflag:s11] =	ssyncadd.s32 $0xFFFFC000  }
0xc9: {  	[spmem:s3] =	stream.indirect.scatter.add.f32 [tilespmem:s12], [sflag:$0x1], $0x80, s20, s13, $0xb8;
	[tilespmem:$0x18800] =	vst v63  }
0xca: {  	_ =	swait.ge [sflag:s11], $0x4000  }
0xcb: {  	[sflag:s11] =	ssyncset.done $0x0  }
0xcc: {  	[sflag:s11] =	ssyncadd.s32 $0xFFFFC000  }
0xcd: {  	[spmem:s3] =	stream.indirect.scatter.add.f32 [tilespmem:s12], [sflag:$0x1], $0x80, s21, s13, $0xb8;
	[tilespmem:$0x18800] =	vst v63  }
0xce: {  	_ =	swait.ge [sflag:s11], $0x4000  }
0xcf: {  	[sflag:s11] =	ssyncset.done $0x0  }
0xd0: {  	[sflag:s11] =	ssyncadd.s32 $0xFFFFC000  }
0xd1: {  	[spmem:s3] =	stream.indirect.scatter.add.f32 [tilespmem:s12], [sflag:$0x1], $0x80, s22, s13, $0xb8;
	[tilespmem:$0x18800] =	vst v63  }
0xd2: {  	_ =	swait.ge [sflag:s11], $0x4000  }
0xd3: {  	[sflag:s11] =	ssyncset.done $0x0  }
0xd4: {  	[sflag:s11] =	ssyncadd.s32 $0xFFFFC000  }
0xd5: {  	[spmem:s3] =	stream.indirect.scatter.add.f32 [tilespmem:s12], [sflag:$0x1], $0x80, s23, s13, $0xb8;
	[tilespmem:$0x18800] =	vst v63  }
0xd6: {  	_ =	swait.ge [sflag:s11], $0x4000  }
0xd7: {  	[sflag:s11] =	ssyncset.done $0x0  }
0xd8: {  	[sflag:s11] =	ssyncadd.s32 $0xFFFFC000  }
0xd9: {  	[spmem:s3] =	stream.indirect.scatter.add.f32 [tilespmem:s12], [sflag:$0x1], $0x80, s24, s13, $0xb8;
	[tilespmem:$0x18800] =	vst v63  }
0xda: {  	_ =	swait.ge [sflag:s11], $0x4000  }
0xdb: {  	[sflag:s11] =	ssyncset.done $0x0  }
0xdc: {  	[sflag:s11] =	ssyncadd.s32 $0xFFFFC000  }
0xdd: {  	[spmem:s3] =	stream.indirect.scatter.add.f32 [tilespmem:s12], [sflag:$0x1], $0x80, s25, s13, $0xb8;
	[tilespmem:$0x18800] =	vst v63  }
0xde: {  	_ =	swait.ge [sflag:s11], $0x4000  }
0xdf: {  	[sflag:s11] =	ssyncset.done $0x0  }
0xe0: {  	[sflag:s11] =	ssyncadd.s32 $0xFFFFC000  }
0xe1: {  	[spmem:s3] =	stream.indirect.scatter.add.f32 [tilespmem:s12], [sflag:$0x1], $0x80, s26, s13, $0xb8;
	[tilespmem:$0x18800] =	vst v63  }
0xe2: {  	_ =	swait.ge [sflag:s11], $0x4000  }
0xe3: {  	[sflag:s11] =	ssyncset.done $0x0  }
0xe4: {  	[sflag:s11] =	ssyncadd.s32 $0xFFFFC000  }
0xe5: {  	[spmem:s3] =	stream.indirect.scatter.add.f32 [tilespmem:s12], [sflag:$0x1], $0x80, s28, s13, $0xb8;
	[tilespmem:$0x18800] =	vst v63  }
0xe6: {  	_ =	swait.ge [sflag:s11], $0x4000  }
0xe7: {  	s29 =	sadd.s32 $0x1, s29;
	[sflag:s11] =	ssyncset.done $0x0  }
0xe8: {  	p0 =	sne.s32 s29, s8;
	[sflag:s11] =	ssyncadd.s32 $0xFFFFC000  }
.Ltmp1:
0xe9: {  	[bflag:$0x0] =	sbarrier.arrive $0xFFFF;
	(pc) =	sbr.rel @p0 .LBB2_1-.Ltmp1, $4  }
0xea: {  	[hbm:s7], [sflag:s6] =	dma.local [spmem:s10], $0x2800  }
0xeb: {  	_ =	swait.ge [sflag:s11], $0x2800  }
0xec: {  	[sflag:s11] =	ssyncset.done $0x0  }
0xed: {  	[sflag:s11] =	ssyncadd.s32 $0xFFFFD800  }
0xee: {  	_ =	sfence.sel $0x180000  }
0xef: {  	[bflag:$0x0] =	sbarrier.arrive $0xFFFF  }
0xf0: {  	_ =	strace $0x90000047  }
0xf1: {  	s0 =	stileid.u32;
	[bflag:$0x2] =	sbarrier.arrive $0xFFFF  }
0xf2: {  	p0 =	sne.s32 s0, $0x0;
	s0 =	rddreg [dreg:$0x3]  }
0xf3: {  	s0 =	sadd.s32 @!p0 $0x100000, s0  }
0xf4: {  	[sflag:s0] =	ssyncadd.tile.s32 @!p0 $0x1;
	_ =	shalt  }
.Lfunc_end2:
_tile_overlayer_lowered:
.L_overlay_start_2:
0xf5: {  	(tag) =	ssettag $0x2  }
0xf6: {  	s0 =	rddreg [dreg:$0x0];
	s2 =	stileid.u32  }
0xf7: {  	s1 =	rddreg [dreg:$0x1];
	p0 =	sne.s32 s2, $0x0  }
0xf8: {  	s3 =	rddreg [dreg:$0x2];
	[bflag:$0x3] =	sbarrier.arrive $0xFFFF;
	s2 =	simm.s32 @!p0 $0x1C01  }
0xf9: {  	[timem:s3], [sflag:s2] =	dma.local @!p0 [hbm:s0], s1  }
0xfa: {  	s0 =	simm.s32 @!p0 $0x1  }
0xfb: {  	_ =	swait.ge @!p0 [sflag:s0], s1  }
0xfc: {  	s1 =	ssub.s32 @!p0 $0x0, s1;
	[sflag:s0] =	ssyncset.done @!p0 $0x0  }
0xfd: {  	[sflag:s0] =	ssyncadd.s32 @!p0 s1  }
0xfe: {  	[bflag:$0x3] =	sbarrier.arrive $0xFFFF  }
0xff: {  	_ =	shalt  }

// kernel: kernel.13.cloned.1.call-start
scs
__scs_entry_jumppad:
0x0: {  	(pc) =	sbr.rel $0x88, $3  }
0x1: {  	(tag) =	ssettag $0x0;
	lr =	simm.s32 $0x1  }
0x2: {  	[smem:$0x3F99] =	sst lr;
	_ =	strace $0xD0000000  }
0x3: {  	_ = 	snop  }
0x4: {  	_ = 	snop  }
0x5: {  	_ = 	snop  }
0x6: {  	_ = 	snop  }
0x7: {  	_ = 	snop  }
__scs_overlays_trampoline_lowered:
0x8: {  	[smem:$0x3FA8] =	sst s0  }
0x9: {  	[smem:$0x3FA9] =	sst s1  }
0xa: {  	[smem:$0x3FAA] =	sst s2  }
0xb: {  	[smem:$0x3FAB] =	sst s3  }
0xc: {  	[smem:$0x3FAC] =	sst s4  }
0xd: {  	[smem:$0x3FAD] =	sst s5  }
0xe: {  	[smem:$0x3FAE] =	sst s6  }
0xf: {  	[smem:$0x3FAF] =	sst s7  }
0x10: {  	[smem:$0x3FB0] =	sst s8  }
0x11: {  	[smem:$0x3FB1] =	sst s9;
	s0 =	simm.s32 @!p0 $0x0  }
0x12: {  	s1 =	sld [smem:$0x3F97];
	s0 =	simm.s32 @p0 $0x1  }
0x13: {  	[smem:$0x3FB2] =	sst s0;
	s0 =	simm.s32 @!p1 $0x0  }
0x14: {  	s2 =	sld [smem:$0x3F96];
	s0 =	simm.s32 @p1 $0x1  }
0x15: {  	[smem:$0x3FB3] =	sst s0;
	s0 =	simm.s32 @!p2 $0x0  }
0x16: {  	s3 =	sld [smem:$0x3FDB];
	s0 =	simm.s32 @p2 $0x1  }
0x17: {  	s4 =	simm.s32 $0x1BF5;
	[smem:$0x3FB5] =	sst s0  }
0x18: {  	s0 =	sld [smem:$0x3F98];
	_ =	swait.ge [sflag:s4], $0x0  }
0x19: {  	s7 =	sld [smem:$0x3F99]  }
0x1a: {  	s8 =	sadd.s32 $0xFFFFE003, lr  }
0x1b: {  	s9 =	sadd.s32 $0xFFFFFEF7, lr;
	s5 =	simm.s32 $0xFFFFFFFF;
	p2 =	slt.u32 s8, $0xFFFFF086  }
0x1c: {  	p1 =	slt.u32 s9, $0xF7A;
	s5 =	simm.s32 @!p2 $0x0  }
0x1d: {  	s5 =	simm.s32 @p1 $0x1;
	p0 =	seq.s32 s7, s2  }
0x1e: {  	s7 =	smul.u32 @!p0 $0xF7A, s2;
	p2 =	seq.s32 @!p0 s5, $0x0  }
0x1f: {  	s9 =	smul.u32 $0xF7A, s1;
	s8 =	simm.s32 @!p0 $0x1BF5;
	p2 =	por !p2, p0  }
0x20: {  	[sflag:s8] =	ssyncset.s32 @!p0 $0xFFFFF086;
	s6 =	sadd.s32 @!p0 s3, s7;
	s7 =	simm.s32 @!p0 $0x108  }
0x21: {  	s3 =	sadd.s32 s3, s9;
	s6 =	sadd.s32 @!p0 $0x88, s6;
	s7 =	simm.s32 @p2 $0x1082  }
0x22: {  	[simem:s7], [sflag:s8] =	dma.local @!p0 [hbm:s6], $0xF7A  }
0x23: {  	s9 =	sor.u32 $0xD0000000, s2;
	s6 =	simm.s32 $0x108;
	_ =	swait.ge @!p0 [sflag:s8], $0x0  }
0x24: {  	s3 =	sadd.s32 $0x88, s3;
	s6 =	simm.s32 @!p1 $0x1082;
	[sflag:s4] =	ssyncset.s32 $0xFFFFF086  }
0x25: {  	[simem:s6], [sflag:s4] =	dma.local [hbm:s3], $0xF7A  }
0x26: {  	[smem:$0x3F99] =	sst s1;
	(tag) =	ssettag s2;
	_ =	strace s9  }
0x27: {  	s1 =	sld [smem:$0x3FA9]  }
0x28: {  	s2 =	sld [smem:$0x3FAA]  }
0x29: {  	s4 =	sld [smem:$0x3FAC]  }
0x2a: {  	p0 =	seq.s32 s5, $0x0;
	s5 =	sld [smem:$0x3FAD]  }
0x2b: {  	s6 =	sld [smem:$0x3FAE]  }
0x2c: {  	s7 =	sld [smem:$0x3FAF]  }
0x2d: {  	s3 =	simm.s32 $0x108;
	s8 =	sld [smem:$0x3FB0]  }
0x2e: {  	s3 =	simm.s32 @!p0 $0x1082;
	s9 =	sld [smem:$0x3FB1]  }
0x2f: {  	lr =	sadd.s32 s0, s3;
	s0 =	sld [smem:$0x3FA8]  }
0x30: {  	s3 =	sld [smem:$0x3FAB]  }
0x31: {  	[smem:$0x3FB4] =	sst s10  }
0x32: {  	s10 =	sld [smem:$0x3FB2];
	_ =	sdelay $0x3  }
0x33: {  	p0 =	seq.s32 s10, $0x1;
	s10 =	sld [smem:$0x3FB4];
	_ =	sdelay $0x3  }
0x34: {  	[smem:$0x3FB4] =	sst s10  }
0x35: {  	s10 =	sld [smem:$0x3FB3];
	_ =	sdelay $0x3  }
0x36: {  	p1 =	seq.s32 s10, $0x1;
	s10 =	sld [smem:$0x3FB4];
	_ =	sdelay $0x3  }
0x37: {  	[smem:$0x3FB4] =	sst s10  }
0x38: {  	s10 =	sld [smem:$0x3FB5]  }
0x39: {  	_ = 	snop;
	(pc) =	sbr.ind lr, $3  }
0x3a: {  	_ = 	snop  }
0x3b: {  	_ = 	snop  }
0x3c: {  	p2 =	seq.s32 s10, $0x1;
	s10 =	sld [smem:$0x3FB4]  }
0x3d: {  	_ =	shalt  }
0x3e: {  	_ =	shalt  }
0x3f: {  	_ =	shalt  }
0x40: {  	_ =	shalt  }
0x41: {  	_ =	shalt  }
0x42: {  	_ =	shalt  }
0x43: {  	_ =	shalt  }
0x44: {  	_ =	shalt  }
0x45: {  	_ =	shalt  }
0x46: {  	_ =	shalt  }
0x47: {  	_ =	shalt  }
0x48: {  	_ =	shalt  }
0x49: {  	_ =	shalt  }
0x4a: {  	_ =	shalt  }
0x4b: {  	_ =	shalt  }
0x4c: {  	_ =	shalt  }
0x4d: {  	_ =	shalt  }
0x4e: {  	_ =	shalt  }
0x4f: {  	_ =	shalt  }
0x50: {  	_ =	shalt  }
0x51: {  	_ =	shalt  }
0x52: {  	_ =	shalt  }
0x53: {  	_ =	shalt  }
0x54: {  	_ =	shalt  }
0x55: {  	_ =	shalt  }
0x56: {  	_ =	shalt  }
0x57: {  	_ =	shalt  }
0x58: {  	_ =	shalt  }
0x59: {  	_ =	shalt  }
0x5a: {  	_ =	shalt  }
0x5b: {  	_ =	shalt  }
0x5c: {  	_ =	shalt  }
0x5d: {  	_ =	shalt  }
0x5e: {  	_ =	shalt  }
0x5f: {  	_ =	shalt  }
0x60: {  	_ =	shalt  }
0x61: {  	_ =	shalt  }
0x62: {  	_ =	shalt  }
0x63: {  	_ =	shalt  }
0x64: {  	_ =	shalt  }
0x65: {  	_ =	shalt  }
0x66: {  	_ =	shalt  }
0x67: {  	_ =	shalt  }
0x68: {  	_ =	shalt  }
0x69: {  	_ =	shalt  }
0x6a: {  	_ =	shalt  }
0x6b: {  	_ =	shalt  }
0x6c: {  	_ =	shalt  }
0x6d: {  	_ =	shalt  }
0x6e: {  	_ =	shalt  }
0x6f: {  	_ =	shalt  }
0x70: {  	_ =	shalt  }
0x71: {  	_ =	shalt  }
0x72: {  	_ =	shalt  }
0x73: {  	_ =	shalt  }
0x74: {  	_ =	shalt  }
0x75: {  	_ =	shalt  }
0x76: {  	_ =	shalt  }
0x77: {  	_ =	shalt  }
0x78: {  	_ =	shalt  }
0x79: {  	_ =	shalt  }
0x7a: {  	_ =	shalt  }
0x7b: {  	_ =	shalt  }
0x7c: {  	_ =	shalt  }
0x7d: {  	_ =	shalt  }
0x7e: {  	_ =	shalt  }
0x7f: {  	_ =	shalt  }
0x80: {  	_ =	shalt  }
0x81: {  	_ =	shalt  }
0x82: {  	_ =	shalt  }
0x83: {  	_ =	shalt  }
0x84: {  	_ =	shalt  }
0x85: {  	_ =	shalt  }
0x86: {  	_ =	shalt  }
0x87: {  	_ =	shalt  }
.Lfunc_end0:
.L_simem_size_0:
called_computation.1_lowered:
.L_overlay_start_0:
0x88: {  	s2 =	sld [smem:$0x3FD9]  }
0x89: {  	s3 =	sld [smem:$0x3FFE];
	_ =	sdelay $0x1  }
0x8a: {  	s1 =	srdreg.scid  }
0x8b: {  	s0 =	sand.u32 $0x1, s1  }
0x8c: {  	s17 =	sshll.u32 s0, $0xA;
	s2 =	sadd.s32 s3, s2  }
0x8d: {  	s2 =	sadd.s32 s2, s17  }
0x8e: {  	[smem:$0x3FC0] =	sst s2  }
0x8f: {  	_ = 	snop  }
0x90: {  	s2 =	sld [smem:$0x3FD0];
	(tm) =	ssettm $0x1  }
0x91: {  	s18 =	sld [smem:$0x3FFB];
	_ =	sdelay $0x3  }
0x92: {  	_ =	strace s18  }
0x93: {  	s3 =	sld [smem:$0x3FFC];
	_ =	sdelay $0x3  }
0x94: {  	_ =	strace s3  }
0x95: {  	s3 =	sld [smem:$0x3FFD];
	_ =	sdelay $0x3  }
0x96: {  	_ =	strace s3  }
0x97: {  	_ =	strace $0x8FFFFFFF  }
0x98: {  	s19 =	sld [smem:$0x3FDB];
	_ =	sdelay $0x1  }
0x99: {  	s4 =	simm.s32 $_scs_section_size  }
0x9a: {  	s5 =	simm.s32 $_size__tile_overlayer_lowered;
	s6 =	simm.s32 $_tile_overlayer_lowered  }
0x9b: {  	s22 =	simm.s32 $0x1BFF;
	s21 =	sshll.u32 s6, $0x1;
	s3 =	sadd.s32 s4, s19  }
0x9c: {  	s7 =	simm.s32 $0x0;
	s20 =	sshll.u32 s5, $0x1;
	s5 =	sadd.s32 s21, s3  }
0x9d: {  	[timem:s7], [sflag:s22] =	dma.local [hbm:s5], s20  }
0x9e: {  	_ =	swait.ge [sflag:s22], s20  }
0x9f: {  	s4 =	ssub.s32 $0x0, s20;
	[sflag:s22] =	ssyncset.done $0x0  }
0xa0: {  	[sflag:s22] =	ssyncadd.s32 s4;
	_ =	sdelay $0x1  }
0xa1: {  	s23 =	simm.s32 $0x1B8B  }
0xa2: {  	_ =	swait.ge [sflag:s23], $0x1  }
0xa3: {  	[sflag:s23] =	ssyncset.done $0x0  }
0xa4: {  	s25 =	simm.s32 $0x1B8E;
	s24 =	sld [smem:$0x3FFE];
	[sflag:s23] =	ssyncadd.s32 $0xFFFFFFFF  }
0xa5: {  	s26 =	simm.s32 $execute0_lowered;
	[smem:$0x3FD2] =	sst s25  }
0xa6: {  	s5 =	sshll.u32 s26, $0x1;
	_ =	strace $0x80000049;
	[dreg:$0x1] =	wrdreg $0xFFFFFFFF  }
0xa7: {  	s28 =	simm.s32 $_size_execute0_lowered;
	s3 =	sadd.s32 s3, s5;
	[dreg:$0x0] =	wrdreg $0x0  }
0xa8: {  	s5 =	sshll.u32 s28, $0x1;
	[dreg:$0x2] =	wrdreg s3  }
0xa9: {  	[dreg:$0x3] =	wrdreg s5  }
0xaa: {  	[dreg:$0x4] =	wrdreg $0xC0  }
0xab: {  	_ =	task [dreg:s7], $0x5FFFF  }
0xac: {  	[dreg:$0x1] =	wrdreg $0xFFFFFFFF  }
0xad: {  	[dreg:$0x0] =	wrdreg $0x60  }
0xae: {  	[dreg:$0x2] =	wrdreg s2  }
0xaf: {  	[dreg:$0x3] =	wrdreg s24  }
0xb0: {  	[dreg:$0x4] =	wrdreg $0x90000  }
0xb1: {  	[dreg:$0x5] =	wrdreg $0x9  }
0xb2: {  	_ =	task.clear_ibuf [dreg:s7], $0x6FFFF;
	_ =	strace $0x90000049  }
0xb3: {  	s29 =	simm.s32 $0x9;
	_ =	strace $0x8000004B  }
0xb4: {  	_ =	swait.ge [sflag:s29], $0x1  }
0xb5: {  	[sflag:s29] =	ssyncadd.s32 $0xFFFFFFFF  }
0xb6: {  	_ =	strace $0x9000004B  }
0xb7: {  	_ =	sfence  }
0xb8: {  	s30 =	sld [smem:$0x0];
	_ =	sdelay $0x2  }
0xb9: {  	s31 =	sshll.u32 s1, $0xD;
	s1 =	sshrl.u32 s1, $0x2  }
0xba: {  	s3 =	sand.u32 $0x4000, s31;
	s1 =	sadd.s32 s1, s30  }
0xbb: {  	s0 =	sor.u32 s3, s0;
	s1 =	sshll.u32 s1, $0x11  }
0xbc: {  	s0 =	sor.u32 s1, s0  }
0xbd: {  	s0 =	sadd.s32 $0x8F2B, s0  }
0xbe: {  	[sflag:s0] =	ssyncadd.remote.s32 $0x1  }
0xbf: {  	_ =	sfence.sel $0xFFFF  }
0xc0: {  	[dreg:$0x0] =	wrdreg $0xFFFFFFFF;
	(pc) =	sbr.abs _section_cstart, $3  }
0xc1: {  	[dreg:$0x1] =	wrdreg $0xFFFFFFFF  }
0xc2: {  	_ =	task.clear_ibuf [dreg:s7], $0x2FFFF;
	_ =	strace $0x9FFFFFFF  }
0xc3: {  	(tm) =	ssettm $0x7FFFFFFF  }
tec
execute0_lowered:
.L_overlay_start_1:
0x0: {  	(tag) =	ssettag $0x1  }
0x1: {  	s2 =	rddreg [dreg:$0x0]  }
0x2: {  	s0 =	srdreg.scid;
	s6 =	rddreg [dreg:$0x1]  }
0x3: {  	s9 =	stileid.u32;
	s3 =	rddreg [dreg:$0x2]  }
0x4: {  	s4 =	simm.s32 $0x0;
	s14 =	simm.s32 $0x100;
	s15 =	simm.s32 $0x880  }
0x5: {  	s17 =	simm.s32 $0x180;
	s18 =	simm.s32 $0x900;
	[smem:$0x7FF] =	sst s4  }
0x6: {  	s19 =	simm.s32 $0x200;
	_ =	strace $0x8000004A;
	[dreg:$0x6] =	wrdreg s14  }
0x7: {  	s20 =	simm.s32 $0x980;
	s21 =	simm.s32 $0x280;
	[dreg:$0x7] =	wrdreg s15  }
0x8: {  	s22 =	simm.s32 $0xA00;
	s23 =	simm.s32 $0x300;
	[dreg:$0x8] =	wrdreg s17  }
0x9: {  	s24 =	simm.s32 $0xA80;
	s25 =	simm.s32 $0x380;
	[dreg:$0x9] =	wrdreg s18  }
0xa: {  	s26 =	simm.s32 $0xB00;
	s28 =	simm.s32 $0x680;
	[dreg:$0xa] =	wrdreg s19  }
0xb: {  	s29 =	simm.s32 $0xE00;
	s30 =	simm.s32 $0x700;
	[dreg:$0xb] =	wrdreg s20  }
0xc: {  	s31 =	simm.s32 $0xE80;
	s5 =	smul.u32 $0x2800, s9;
	[dreg:$0xc] =	wrdreg s21  }
0xd: {  	s0 =	sand.u32 $0x1, s0;
	s8 =	smul.u32 $0x14000, s9;
	[dreg:$0xd] =	wrdreg s22  }
0xe: {  	s11 =	smul.u32 $0x50000, s9;
	s16 =	sshll.u32 s9, $0x6;
	[dreg:$0xe] =	wrdreg s23  }
0xf: {  	s9 =	simm.s32 $0x0;
	s1 =	smul.u32 $0x28000, s0;
	[dreg:$0xf] =	wrdreg s24  }
0x10: {  	s7 =	smul.u32 $0x140000, s0;
	s0 =	ssub.s32 $0x2, s0;
	[dreg:$0x10] =	wrdreg s25  }
0x11: {  	s14 =	simm.s32 $0x5000;
	s15 =	simm.s32 $0x1;
	[dreg:$0x11] =	wrdreg s26  }
0x12: {  	s17 =	simm.s32 $0x400;
	s18 =	simm.s32 $0xB80;
	s19 =	simm.s32 $0x480  }
0x13: {  	s20 =	simm.s32 $0xC00;
	s21 =	simm.s32 $0x500;
	s22 =	simm.s32 $0xC80  }
0x14: {  	s23 =	simm.s32 $0x580;
	s24 =	simm.s32 $0xD00;
	s25 =	simm.s32 $0x600  }
0x15: {  	s26 =	simm.s32 $0xD80;
	s10 =	sshrl.u32 s0, $0x1;
	s13 =	sshrl.u32 s11, $0x2  }
0x16: {  	s11 =	simm.s32 $0x800;
	s1 =	sadd.s32 s5, s1;
	s7 =	sadd.s32 s8, s7  }
0x17: {  	s8 =	sadd.s32 $0x16000, s6;
	s0 =	ssub.s32 s0, s10;
	s10 =	simm.s32 $0x3  }
0x18: {  	s1 =	sshrl.u32 s1, $0x3;
	s5 =	sshrl.u32 s7, $0x3;
	[dreg:$0x12] =	wrdreg s8  }
0x19: {  	s7 =	sor.u32 $0x1C03, s16;
	s0 =	smax.u32 s0, $0x1;
	s16 =	simm.s32 $0x2  }
0x1a: {  	s1 =	sadd.s32 s1, s6;
	s5 =	sadd.s32 s5, s6;
	[dreg:$0x15] =	wrdreg s0  }
0x1b: {  	s6 =	sadd.s32 s13, s3;
	[dreg:$0x13] =	wrdreg s7;
	s12 =	sadd.s32 $0x2000, s1  }
0x1c: {  	s13 =	simm.s32 $0x1000;
	s1 =	sadd.s32 $0xC000, s1;
	[dreg:$0x4] =	wrdreg s12  }
0x1d: {  	s0 =	simm.s32 $0xF00;
	s5 =	sadd.s32 $0x66A00, s5;
	[dreg:$0x5] =	wrdreg s1  }
0x1e: {  	s8 =	sshrl.u32 s6, $0x3;
	[dreg:$0x14] =	wrdreg s5;
	s12 =	simm.s32 $0x80  }
0x1f: {  	s1 =	simm.s32 $0x780;
	s5 =	simm.s32 $0xF80;
	[dreg:$0x16] =	wrdreg s8  }
.LBB2_1:
0x20: {  	[dreg:$0x17] =	wrdreg s9  }
0x21: {  	s6 =	rddreg [dreg:$0x12]  }
0x22: {  	[spmem:s8], [sflag:s7] =	dma.local [hbm:s6], $0x2800  }
0x23: {  	_ =	swait.ge [sflag:s10], $0x2800  }
0x24: {  	[sflag:s10] =	ssyncset.done $0x0  }
0x25: {  	[sflag:s10] =	ssyncadd.s32 $0xFFFFD800  }
0x26: {  	[bflag:$0x0] =	sbarrier.arrive $0xFFFF  }
0x27: {  	s8 =	rddreg [dreg:$0x5]  }
0x28: {  	s6 =	sadd.s32 $0x0, s8  }
0x29: {  	[tilespmem:s4], [sflag:$0x3] =	stream.linear.gather [hbm4b:s6+s4], $0x800, $0x38;
	[tilespmem:$0x1D000] =	vst v63  }
0x2a: {  	_ =	swait.ge [sflag:s10], $0x800  }
0x2b: {  	s9 =	rddreg [dreg:$0x4];
	[sflag:s10] =	ssyncset.done $0x0  }
0x2c: {  	[sflag:s10] =	ssyncadd.s32 $0xFFFFF800;
	s6 =	sadd.s32 $0x0, s9  }
0x2d: {  	[tilespmem:s11], [sflag:$0x3] =	stream.linear.gather [hbm4b:s6+s4], $0x800, $0x38;
	[tilespmem:$0x1D000] =	vst v63  }
0x2e: {  	_ =	swait.ge [sflag:s10], $0x800  }
0x2f: {  	[sflag:s10] =	ssyncset.done $0x0  }
0x30: {  	[sflag:s10] =	ssyncadd.s32 $0xFFFFF800  }
0x31: {  	[tilespmem:s13], [sflag:$0x1] =	stream.indirect.gather [hbm4b:s2+s12], $0x80, s4, s12, $0xb8;
	[tilespmem:$0x1D000] =	vst v63  }
0x32: {  	_ = 	snop  }
0x33: {  	[tilespmem:s14], [sflag:$0x2] =	stream.indirect.gather [hbm4b:s2+s12], $0x80, s12, s12, $0xb8;
	[tilespmem:$0x1D000] =	vst v63  }
0x34: {  	_ =	swait.ge [sflag:s15], $0x4000  }
0x35: {  	[sflag:s15] =	ssyncset.done $0x0  }
0x36: {  	[sflag:s15] =	ssyncadd.s32 $0xFFFFC000  }
0x37: {  	[spmem:s3] =	stream.indirect.scatter.add.f32 [tilespmem:s13], [sflag:$0x3], $0x80, s11, s12, $0xb8;
	[tilespmem:$0x1D000] =	vst v63  }
0x38: {  	_ =	swait.ge [sflag:s10], $0x4000  }
0x39: {  	[sflag:s10] =	ssyncset.done $0x0  }
0x3a: {  	s7 =	rddreg [dreg:$0x6];
	[sflag:s10] =	ssyncadd.s32 $0xFFFFC000  }
0x3b: {  	[tilespmem:s13], [sflag:$0x1] =	stream.indirect.gather [hbm4b:s2+s12], $0x80, s7, s12, $0xb8;
	[tilespmem:$0x1D000] =	vst v63  }
0x3c: {  	_ =	swait.ge [sflag:s16], $0x4000  }
0x3d: {  	[sflag:s16] =	ssyncset.done $0x0  }
0x3e: {  	s8 =	rddreg [dreg:$0x7];
	[sflag:s16] =	ssyncadd.s32 $0xFFFFC000  }
0x3f: {  	[spmem:s3] =	stream.indirect.scatter.add.f32 [tilespmem:s14], [sflag:$0x3], $0x80, s8, s12, $0xb8;
	[tilespmem:$0x1D000] =	vst v63  }
0x40: {  	_ =	swait.ge [sflag:s10], $0x4000  }
0x41: {  	[sflag:s10] =	ssyncset.done $0x0  }
0x42: {  	s9 =	rddreg [dreg:$0x8];
	[sflag:s10] =	ssyncadd.s32 $0xFFFFC000  }
0x43: {  	[tilespmem:s14], [sflag:$0x2] =	stream.indirect.gather [hbm4b:s2+s12], $0x80, s9, s12, $0xb8;
	[tilespmem:$0x1D000] =	vst v63  }
0x44: {  	_ =	swait.ge [sflag:s15], $0x4000  }
0x45: {  	[sflag:s15] =	ssyncset.done $0x0  }
0x46: {  	s7 =	rddreg [dreg:$0x9];
	[sflag:s15] =	ssyncadd.s32 $0xFFFFC000  }
0x47: {  	[spmem:s3] =	stream.indirect.scatter.add.f32 [tilespmem:s13], [sflag:$0x3], $0x80, s7, s12, $0xb8;
	[tilespmem:$0x1D000] =	vst v63  }
0x48: {  	_ =	swait.ge [sflag:s10], $0x4000  }
0x49: {  	[sflag:s10] =	ssyncset.done $0x0  }
0x4a: {  	s8 =	rddreg [dreg:$0xa];
	[sflag:s10] =	ssyncadd.s32 $0xFFFFC000  }
0x4b: {  	[tilespmem:s13], [sflag:$0x1] =	stream.indirect.gather [hbm4b:s2+s12], $0x80, s8, s12, $0xb8;
	[tilespmem:$0x1D000] =	vst v63  }
0x4c: {  	_ =	swait.ge [sflag:s16], $0x4000  }
0x4d: {  	[sflag:s16] =	ssyncset.done $0x0  }
0x4e: {  	s9 =	rddreg [dreg:$0xb];
	[sflag:s16] =	ssyncadd.s32 $0xFFFFC000  }
0x4f: {  	[spmem:s3] =	stream.indirect.scatter.add.f32 [tilespmem:s14], [sflag:$0x3], $0x80, s9, s12, $0xb8;
	[tilespmem:$0x1D000] =	vst v63  }
0x50: {  	_ =	swait.ge [sflag:s10], $0x4000  }
0x51: {  	[sflag:s10] =	ssyncset.done $0x0  }
0x52: {  	s7 =	rddreg [dreg:$0xc];
	[sflag:s10] =	ssyncadd.s32 $0xFFFFC000  }
0x53: {  	[tilespmem:s14], [sflag:$0x2] =	stream.indirect.gather [hbm4b:s2+s12], $0x80, s7, s12, $0xb8;
	[tilespmem:$0x1D000] =	vst v63  }
0x54: {  	_ =	swait.ge [sflag:s15], $0x4000  }
0x55: {  	[sflag:s15] =	ssyncset.done $0x0  }
0x56: {  	s8 =	rddreg [dreg:$0xd];
	[sflag:s15] =	ssyncadd.s32 $0xFFFFC000  }
0x57: {  	[spmem:s3] =	stream.indirect.scatter.add.f32 [tilespmem:s13], [sflag:$0x3], $0x80, s8, s12, $0xb8;
	[tilespmem:$0x1D000] =	vst v63  }
0x58: {  	_ =	swait.ge [sflag:s10], $0x4000  }
0x59: {  	[sflag:s10] =	ssyncset.done $0x0  }
0x5a: {  	s9 =	rddreg [dreg:$0xe];
	[sflag:s10] =	ssyncadd.s32 $0xFFFFC000  }
0x5b: {  	[tilespmem:s13], [sflag:$0x1] =	stream.indirect.gather [hbm4b:s2+s12], $0x80, s9, s12, $0xb8;
	[tilespmem:$0x1D000] =	vst v63  }
0x5c: {  	_ =	swait.ge [sflag:s16], $0x4000  }
0x5d: {  	[sflag:s16] =	ssyncset.done $0x0  }
0x5e: {  	s7 =	rddreg [dreg:$0xf];
	[sflag:s16] =	ssyncadd.s32 $0xFFFFC000  }
0x5f: {  	[spmem:s3] =	stream.indirect.scatter.add.f32 [tilespmem:s14], [sflag:$0x3], $0x80, s7, s12, $0xb8;
	[tilespmem:$0x1D000] =	vst v63  }
0x60: {  	_ =	swait.ge [sflag:s10], $0x4000  }
0x61: {  	[sflag:s10] =	ssyncset.done $0x0  }
0x62: {  	s8 =	rddreg [dreg:$0x10];
	[sflag:s10] =	ssyncadd.s32 $0xFFFFC000  }
0x63: {  	[tilespmem:s14], [sflag:$0x2] =	stream.indirect.gather [hbm4b:s2+s12], $0x80, s8, s12, $0xb8;
	[tilespmem:$0x1D000] =	vst v63  }
0x64: {  	_ =	swait.ge [sflag:s15], $0x4000  }
0x65: {  	[sflag:s15] =	ssyncset.done $0x0  }
0x66: {  	s9 =	rddreg [dreg:$0x11];
	[sflag:s15] =	ssyncadd.s32 $0xFFFFC000  }
0x67: {  	[spmem:s3] =	stream.indirect.scatter.add.f32 [tilespmem:s13], [sflag:$0x3], $0x80, s9, s12, $0xb8;
	[tilespmem:$0x1D000] =	vst v63  }
0x68: {  	_ =	swait.ge [sflag:s10], $0x4000  }
0x69: {  	[sflag:s10] =	ssyncset.done $0x0  }
0x6a: {  	[sflag:s10] =	ssyncadd.s32 $0xFFFFC000  }
0x6b: {  	[tilespmem:s13], [sflag:$0x1] =	stream.indirect.gather [hbm4b:s2+s12], $0x80, s17, s12, $0xb8;
	[tilespmem:$0x1D000] =	vst v63  }
0x6c: {  	_ =	swait.ge [sflag:s16], $0x4000  }
0x6d: {  	[sflag:s16] =	ssyncset.done $0x0  }
0x6e: {  	[sflag:s16] =	ssyncadd.s32 $0xFFFFC000  }
0x6f: {  	[spmem:s3] =	stream.indirect.scatter.add.f32 [tilespmem:s14], [sflag:$0x3], $0x80, s18, s12, $0xb8;
	[tilespmem:$0x1D000] =	vst v63  }
0x70: {  	_ =	swait.ge [sflag:s10], $0x4000  }
0x71: {  	[sflag:s10] =	ssyncset.done $0x0  }
0x72: {  	[sflag:s10] =	ssyncadd.s32 $0xFFFFC000  }
0x73: {  	[tilespmem:s14], [sflag:$0x2] =	stream.indirect.gather [hbm4b:s2+s12], $0x80, s19, s12, $0xb8;
	[tilespmem:$0x1D000] =	vst v63  }
0x74: {  	_ =	swait.ge [sflag:s15], $0x4000  }
0x75: {  	[sflag:s15] =	ssyncset.done $0x0  }
0x76: {  	[sflag:s15] =	ssyncadd.s32 $0xFFFFC000  }
0x77: {  	[spmem:s3] =	stream.indirect.scatter.add.f32 [tilespmem:s13], [sflag:$0x3], $0x80, s20, s12, $0xb8;
	[tilespmem:$0x1D000] =	vst v63  }
0x78: {  	_ =	swait.ge [sflag:s10], $0x4000  }
0x79: {  	[sflag:s10] =	ssyncset.done $0x0  }
0x7a: {  	[sflag:s10] =	ssyncadd.s32 $0xFFFFC000  }
0x7b: {  	[tilespmem:s13], [sflag:$0x1] =	stream.indirect.gather [hbm4b:s2+s12], $0x80, s21, s12, $0xb8;
	[tilespmem:$0x1D000] =	vst v63  }
0x7c: {  	_ =	swait.ge [sflag:s16], $0x4000  }
0x7d: {  	[sflag:s16] =	ssyncset.done $0x0  }
0x7e: {  	[sflag:s16] =	ssyncadd.s32 $0xFFFFC000  }
0x7f: {  	[spmem:s3] =	stream.indirect.scatter.add.f32 [tilespmem:s14], [sflag:$0x3], $0x80, s22, s12, $0xb8;
	[tilespmem:$0x1D000] =	vst v63  }
0x80: {  	_ =	swait.ge [sflag:s10], $0x4000  }
0x81: {  	[sflag:s10] =	ssyncset.done $0x0  }
0x82: {  	[sflag:s10] =	ssyncadd.s32 $0xFFFFC000  }
0x83: {  	[tilespmem:s14], [sflag:$0x2] =	stream.indirect.gather [hbm4b:s2+s12], $0x80, s23, s12, $0xb8;
	[tilespmem:$0x1D000] =	vst v63  }
0x84: {  	_ =	swait.ge [sflag:s15], $0x4000  }
0x85: {  	[sflag:s15] =	ssyncset.done $0x0  }
0x86: {  	[sflag:s15] =	ssyncadd.s32 $0xFFFFC000  }
0x87: {  	[spmem:s3] =	stream.indirect.scatter.add.f32 [tilespmem:s13], [sflag:$0x3], $0x80, s24, s12, $0xb8;
	[tilespmem:$0x1D000] =	vst v63  }
0x88: {  	_ =	swait.ge [sflag:s10], $0x4000  }
0x89: {  	[sflag:s10] =	ssyncset.done $0x0  }
0x8a: {  	[sflag:s10] =	ssyncadd.s32 $0xFFFFC000  }
0x8b: {  	[tilespmem:s13], [sflag:$0x1] =	stream.indirect.gather [hbm4b:s2+s12], $0x80, s25, s12, $0xb8;
	[tilespmem:$0x1D000] =	vst v63  }
0x8c: {  	_ =	swait.ge [sflag:s16], $0x4000  }
0x8d: {  	[sflag:s16] =	ssyncset.done $0x0  }
0x8e: {  	[sflag:s16] =	ssyncadd.s32 $0xFFFFC000  }
0x8f: {  	[spmem:s3] =	stream.indirect.scatter.add.f32 [tilespmem:s14], [sflag:$0x3], $0x80, s26, s12, $0xb8;
	[tilespmem:$0x1D000] =	vst v63  }
0x90: {  	_ =	swait.ge [sflag:s10], $0x4000  }
0x91: {  	[sflag:s10] =	ssyncset.done $0x0  }
0x92: {  	[sflag:s10] =	ssyncadd.s32 $0xFFFFC000  }
0x93: {  	[tilespmem:s14], [sflag:$0x2] =	stream.indirect.gather [hbm4b:s2+s12], $0x80, s28, s12, $0xb8;
	[tilespmem:$0x1D000] =	vst v63  }
0x94: {  	_ =	swait.ge [sflag:s15], $0x4000  }
0x95: {  	[sflag:s15] =	ssyncset.done $0x0  }
0x96: {  	[sflag:s15] =	ssyncadd.s32 $0xFFFFC000  }
0x97: {  	[spmem:s3] =	stream.indirect.scatter.add.f32 [tilespmem:s13], [sflag:$0x3], $0x80, s29, s12, $0xb8;
	[tilespmem:$0x1D000] =	vst v63  }
0x98: {  	_ =	swait.ge [sflag:s10], $0x4000  }
0x99: {  	[sflag:s10] =	ssyncset.done $0x0  }
0x9a: {  	[sflag:s10] =	ssyncadd.s32 $0xFFFFC000  }
0x9b: {  	[tilespmem:s13], [sflag:$0x1] =	stream.indirect.gather [hbm4b:s2+s12], $0x80, s30, s12, $0xb8;
	[tilespmem:$0x1D000] =	vst v63  }
0x9c: {  	_ =	swait.ge [sflag:s16], $0x4000  }
0x9d: {  	[sflag:s16] =	ssyncset.done $0x0  }
0x9e: {  	[sflag:s16] =	ssyncadd.s32 $0xFFFFC000  }
0x9f: {  	[spmem:s3] =	stream.indirect.scatter.add.f32 [tilespmem:s14], [sflag:$0x3], $0x80, s31, s12, $0xb8;
	[tilespmem:$0x1D000] =	vst v63  }
0xa0: {  	_ =	swait.ge [sflag:s10], $0x4000  }
0xa1: {  	[sflag:s10] =	ssyncset.done $0x0  }
0xa2: {  	[sflag:s10] =	ssyncadd.s32 $0xFFFFC000  }
0xa3: {  	[tilespmem:s14], [sflag:$0x2] =	stream.indirect.gather [hbm4b:s2+s12], $0x80, s1, s12, $0xb8;
	[tilespmem:$0x1D000] =	vst v63  }
0xa4: {  	_ =	swait.ge [sflag:s15], $0x4000  }
0xa5: {  	[sflag:s15] =	ssyncset.done $0x0  }
0xa6: {  	[sflag:s15] =	ssyncadd.s32 $0xFFFFC000  }
0xa7: {  	[spmem:s3] =	stream.indirect.scatter.add.f32 [tilespmem:s13], [sflag:$0x3], $0x80, s0, s12, $0xb8;
	[tilespmem:$0x1D000] =	vst v63  }
0xa8: {  	_ =	swait.ge [sflag:s10], $0x4000  }
0xa9: {  	[sflag:s10] =	ssyncset.done $0x0  }
0xaa: {  	[sflag:s10] =	ssyncadd.s32 $0xFFFFC000  }
0xab: {  	_ =	swait.ge [sflag:s16], $0x4000  }
0xac: {  	[sflag:s16] =	ssyncset.done $0x0  }
0xad: {  	[sflag:s16] =	ssyncadd.s32 $0xFFFFC000  }
0xae: {  	[spmem:s3] =	stream.indirect.scatter.add.f32 [tilespmem:s14], [sflag:$0x3], $0x80, s5, s12, $0xb8;
	[tilespmem:$0x1D000] =	vst v63  }
0xaf: {  	s6 =	simm.s32 $0x200;
	_ =	swait.ge [sflag:s10], $0x4000  }
0xb0: {  	s8 =	simm.s32 $0x100;
	s9 =	rddreg [dreg:$0x5];
	[sflag:s10] =	ssyncset.done $0x0  }
.LBB2_2:
0xb1: {  	[sflag:s10] =	ssyncadd.s32 $0xFFFFC000;
	s9 =	sadd.s32 s8, s9  }
0xb2: {  	[tilespmem:s4], [sflag:$0x3] =	stream.linear.gather [hbm4b:s9+s4], $0x800, $0x38;
	[tilespmem:$0x1D000] =	vst v63  }
0xb3: {  	_ =	swait.ge [sflag:s10], $0x800  }
0xb4: {  	s9 =	rddreg [dreg:$0x4];
	[sflag:s10] =	ssyncset.done $0x0  }
0xb5: {  	[sflag:s10] =	ssyncadd.s32 $0xFFFFF800;
	s9 =	sadd.s32 s8, s9  }
0xb6: {  	[tilespmem:s11], [sflag:$0x3] =	stream.linear.gather [hbm4b:s9+s4], $0x800, $0x38;
	[tilespmem:$0x1D000] =	vst v63  }
0xb7: {  	_ =	swait.ge [sflag:s10], $0x800  }
0xb8: {  	[sflag:s10] =	ssyncset.done $0x0  }
0xb9: {  	[sflag:s10] =	ssyncadd.s32 $0xFFFFF800  }
0xba: {  	[tilespmem:s13], [sflag:$0x1] =	stream.indirect.gather [hbm4b:s2+s12], $0x80, s4, s12, $0xb8;
	[tilespmem:$0x1D000] =	vst v63  }
0xbb: {  	_ = 	snop  }
0xbc: {  	[tilespmem:s14], [sflag:$0x2] =	stream.indirect.gather [hbm4b:s2+s12], $0x80, s12, s12, $0xb8;
	[tilespmem:$0x1D000] =	vst v63  }
0xbd: {  	_ =	swait.ge [sflag:s15], $0x4000  }
0xbe: {  	[sflag:s15] =	ssyncset.done $0x0  }
0xbf: {  	[sflag:s15] =	ssyncadd.s32 $0xFFFFC000  }
0xc0: {  	[spmem:s3] =	stream.indirect.scatter.add.f32 [tilespmem:s13], [sflag:$0x3], $0x80, s11, s12, $0xb8;
	[tilespmem:$0x1D000] =	vst v63  }
0xc1: {  	_ =	swait.ge [sflag:s10], $0x4000  }
0xc2: {  	[sflag:s10] =	ssyncset.done $0x0  }
0xc3: {  	s9 =	rddreg [dreg:$0x6];
	[sflag:s10] =	ssyncadd.s32 $0xFFFFC000  }
0xc4: {  	[tilespmem:s13], [sflag:$0x1] =	stream.indirect.gather [hbm4b:s2+s12], $0x80, s9, s12, $0xb8;
	[tilespmem:$0x1D000] =	vst v63  }
0xc5: {  	_ =	swait.ge [sflag:s16], $0x4000  }
0xc6: {  	[sflag:s16] =	ssyncset.done $0x0  }
0xc7: {  	s9 =	rddreg [dreg:$0x7];
	[sflag:s16] =	ssyncadd.s32 $0xFFFFC000  }
0xc8: {  	[spmem:s3] =	stream.indirect.scatter.add.f32 [tilespmem:s14], [sflag:$0x3], $0x80, s9, s12, $0xb8;
	[tilespmem:$0x1D000] =	vst v63  }
0xc9: {  	_ =	swait.ge [sflag:s10], $0x4000  }
0xca: {  	[sflag:s10] =	ssyncset.done $0x0  }
0xcb: {  	s9 =	rddreg [dreg:$0x8];
	[sflag:s10] =	ssyncadd.s32 $0xFFFFC000  }
0xcc: {  	[tilespmem:s14], [sflag:$0x2] =	stream.indirect.gather [hbm4b:s2+s12], $0x80, s9, s12, $0xb8;
	[tilespmem:$0x1D000] =	vst v63  }
0xcd: {  	_ =	swait.ge [sflag:s15], $0x4000  }
0xce: {  	[sflag:s15] =	ssyncset.done $0x0  }
0xcf: {  	s9 =	rddreg [dreg:$0x9];
	[sflag:s15] =	ssyncadd.s32 $0xFFFFC000  }
0xd0: {  	[spmem:s3] =	stream.indirect.scatter.add.f32 [tilespmem:s13], [sflag:$0x3], $0x80, s9, s12, $0xb8;
	[tilespmem:$0x1D000] =	vst v63  }
0xd1: {  	_ =	swait.ge [sflag:s10], $0x4000  }
0xd2: {  	[sflag:s10] =	ssyncset.done $0x0  }
0xd3: {  	s9 =	rddreg [dreg:$0xa];
	[sflag:s10] =	ssyncadd.s32 $0xFFFFC000  }
0xd4: {  	[tilespmem:s13], [sflag:$0x1] =	stream.indirect.gather [hbm4b:s2+s12], $0x80, s9, s12, $0xb8;
	[tilespmem:$0x1D000] =	vst v63  }
0xd5: {  	_ =	swait.ge [sflag:s16], $0x4000  }
0xd6: {  	[sflag:s16] =	ssyncset.done $0x0  }
0xd7: {  	s9 =	rddreg [dreg:$0xb];
	[sflag:s16] =	ssyncadd.s32 $0xFFFFC000  }
0xd8: {  	[spmem:s3] =	stream.indirect.scatter.add.f32 [tilespmem:s14], [sflag:$0x3], $0x80, s9, s12, $0xb8;
	[tilespmem:$0x1D000] =	vst v63  }
0xd9: {  	_ =	swait.ge [sflag:s10], $0x4000  }
0xda: {  	[sflag:s10] =	ssyncset.done $0x0  }
0xdb: {  	s9 =	rddreg [dreg:$0xc];
	[sflag:s10] =	ssyncadd.s32 $0xFFFFC000  }
0xdc: {  	[tilespmem:s14], [sflag:$0x2] =	stream.indirect.gather [hbm4b:s2+s12], $0x80, s9, s12, $0xb8;
	[tilespmem:$0x1D000] =	vst v63  }
0xdd: {  	_ =	swait.ge [sflag:s15], $0x4000  }
0xde: {  	[sflag:s15] =	ssyncset.done $0x0  }
0xdf: {  	s9 =	rddreg [dreg:$0xd];
	[sflag:s15] =	ssyncadd.s32 $0xFFFFC000  }
0xe0: {  	[spmem:s3] =	stream.indirect.scatter.add.f32 [tilespmem:s13], [sflag:$0x3], $0x80, s9, s12, $0xb8;
	[tilespmem:$0x1D000] =	vst v63  }
0xe1: {  	_ =	swait.ge [sflag:s10], $0x4000  }
0xe2: {  	[sflag:s10] =	ssyncset.done $0x0  }
0xe3: {  	s9 =	rddreg [dreg:$0xe];
	[sflag:s10] =	ssyncadd.s32 $0xFFFFC000  }
0xe4: {  	[tilespmem:s13], [sflag:$0x1] =	stream.indirect.gather [hbm4b:s2+s12], $0x80, s9, s12, $0xb8;
	[tilespmem:$0x1D000] =	vst v63  }
0xe5: {  	_ =	swait.ge [sflag:s16], $0x4000  }
0xe6: {  	[sflag:s16] =	ssyncset.done $0x0  }
0xe7: {  	s9 =	rddreg [dreg:$0xf];
	[sflag:s16] =	ssyncadd.s32 $0xFFFFC000  }
0xe8: {  	[spmem:s3] =	stream.indirect.scatter.add.f32 [tilespmem:s14], [sflag:$0x3], $0x80, s9, s12, $0xb8;
	[tilespmem:$0x1D000] =	vst v63  }
0xe9: {  	_ =	swait.ge [sflag:s10], $0x4000  }
0xea: {  	[sflag:s10] =	ssyncset.done $0x0  }
0xeb: {  	s9 =	rddreg [dreg:$0x10];
	[sflag:s10] =	ssyncadd.s32 $0xFFFFC000  }
0xec: {  	[tilespmem:s14], [sflag:$0x2] =	stream.indirect.gather [hbm4b:s2+s12], $0x80, s9, s12, $0xb8;
	[tilespmem:$0x1D000] =	vst v63  }
0xed: {  	_ =	swait.ge [sflag:s15], $0x4000  }
0xee: {  	[sflag:s15] =	ssyncset.done $0x0  }
0xef: {  	s9 =	rddreg [dreg:$0x11];
	[sflag:s15] =	ssyncadd.s32 $0xFFFFC000  }
0xf0: {  	[spmem:s3] =	stream.indirect.scatter.add.f32 [tilespmem:s13], [sflag:$0x3], $0x80, s9, s12, $0xb8;
	[tilespmem:$0x1D000] =	vst v63  }
0xf1: {  	_ =	swait.ge [sflag:s10], $0x4000  }
0xf2: {  	[sflag:s10] =	ssyncset.done $0x0  }
0xf3: {  	[sflag:s10] =	ssyncadd.s32 $0xFFFFC000  }
0xf4: {  	[tilespmem:s13], [sflag:$0x1] =	stream.indirect.gather [hbm4b:s2+s12], $0x80, s17, s12, $0xb8;
	[tilespmem:$0x1D000] =	vst v63  }
0xf5: {  	_ =	swait.ge [sflag:s16], $0x4000  }
0xf6: {  	[sflag:s16] =	ssyncset.done $0x0  }
0xf7: {  	[sflag:s16] =	ssyncadd.s32 $0xFFFFC000  }
0xf8: {  	[spmem:s3] =	stream.indirect.scatter.add.f32 [tilespmem:s14], [sflag:$0x3], $0x80, s18, s12, $0xb8;
	[tilespmem:$0x1D000] =	vst v63  }
0xf9: {  	_ =	swait.ge [sflag:s10], $0x4000  }
0xfa: {  	[sflag:s10] =	ssyncset.done $0x0  }
0xfb: {  	[sflag:s10] =	ssyncadd.s32 $0xFFFFC000  }
0xfc: {  	[tilespmem:s14], [sflag:$0x2] =	stream.indirect.gather [hbm4b:s2+s12], $0x80, s19, s12, $0xb8;
	[tilespmem:$0x1D000] =	vst v63  }
0xfd: {  	_ =	swait.ge [sflag:s15], $0x4000  }
0xfe: {  	[sflag:s15] =	ssyncset.done $0x0  }
0xff: {  	[sflag:s15] =	ssyncadd.s32 $0xFFFFC000  }
0x100: {  	[spmem:s3] =	stream.indirect.scatter.add.f32 [tilespmem:s13], [sflag:$0x3], $0x80, s20, s12, $0xb8;
	[tilespmem:$0x1D000] =	vst v63  }
0x101: {  	_ =	swait.ge [sflag:s10], $0x4000  }
0x102: {  	[sflag:s10] =	ssyncset.done $0x0  }
0x103: {  	[sflag:s10] =	ssyncadd.s32 $0xFFFFC000  }
0x104: {  	[tilespmem:s13], [sflag:$0x1] =	stream.indirect.gather [hbm4b:s2+s12], $0x80, s21, s12, $0xb8;
	[tilespmem:$0x1D000] =	vst v63  }
0x105: {  	_ =	swait.ge [sflag:s16], $0x4000  }
0x106: {  	[sflag:s16] =	ssyncset.done $0x0  }
0x107: {  	[sflag:s16] =	ssyncadd.s32 $0xFFFFC000  }
0x108: {  	[spmem:s3] =	stream.indirect.scatter.add.f32 [tilespmem:s14], [sflag:$0x3], $0x80, s22, s12, $0xb8;
	[tilespmem:$0x1D000] =	vst v63  }
0x109: {  	_ =	swait.ge [sflag:s10], $0x4000  }
0x10a: {  	[sflag:s10] =	ssyncset.done $0x0  }
0x10b: {  	[sflag:s10] =	ssyncadd.s32 $0xFFFFC000  }
0x10c: {  	[tilespmem:s14], [sflag:$0x2] =	stream.indirect.gather [hbm4b:s2+s12], $0x80, s23, s12, $0xb8;
	[tilespmem:$0x1D000] =	vst v63  }
0x10d: {  	_ =	swait.ge [sflag:s15], $0x4000  }
0x10e: {  	[sflag:s15] =	ssyncset.done $0x0  }
0x10f: {  	[sflag:s15] =	ssyncadd.s32 $0xFFFFC000  }
0x110: {  	[spmem:s3] =	stream.indirect.scatter.add.f32 [tilespmem:s13], [sflag:$0x3], $0x80, s24, s12, $0xb8;
	[tilespmem:$0x1D000] =	vst v63  }
0x111: {  	_ =	swait.ge [sflag:s10], $0x4000  }
0x112: {  	[sflag:s10] =	ssyncset.done $0x0  }
0x113: {  	[sflag:s10] =	ssyncadd.s32 $0xFFFFC000  }
0x114: {  	[tilespmem:s13], [sflag:$0x1] =	stream.indirect.gather [hbm4b:s2+s12], $0x80, s25, s12, $0xb8;
	[tilespmem:$0x1D000] =	vst v63  }
0x115: {  	_ =	swait.ge [sflag:s16], $0x4000  }
0x116: {  	[sflag:s16] =	ssyncset.done $0x0  }
0x117: {  	[sflag:s16] =	ssyncadd.s32 $0xFFFFC000  }
0x118: {  	[spmem:s3] =	stream.indirect.scatter.add.f32 [tilespmem:s14], [sflag:$0x3], $0x80, s26, s12, $0xb8;
	[tilespmem:$0x1D000] =	vst v63  }
0x119: {  	_ =	swait.ge [sflag:s10], $0x4000  }
0x11a: {  	[sflag:s10] =	ssyncset.done $0x0  }
0x11b: {  	[sflag:s10] =	ssyncadd.s32 $0xFFFFC000  }
0x11c: {  	[tilespmem:s14], [sflag:$0x2] =	stream.indirect.gather [hbm4b:s2+s12], $0x80, s28, s12, $0xb8;
	[tilespmem:$0x1D000] =	vst v63  }
0x11d: {  	_ =	swait.ge [sflag:s15], $0x4000  }
0x11e: {  	[sflag:s15] =	ssyncset.done $0x0  }
0x11f: {  	[sflag:s15] =	ssyncadd.s32 $0xFFFFC000  }
0x120: {  	[spmem:s3] =	stream.indirect.scatter.add.f32 [tilespmem:s13], [sflag:$0x3], $0x80, s29, s12, $0xb8;
	[tilespmem:$0x1D000] =	vst v63  }
0x121: {  	_ =	swait.ge [sflag:s10], $0x4000  }
0x122: {  	[sflag:s10] =	ssyncset.done $0x0  }
0x123: {  	[sflag:s10] =	ssyncadd.s32 $0xFFFFC000  }
0x124: {  	[tilespmem:s13], [sflag:$0x1] =	stream.indirect.gather [hbm4b:s2+s12], $0x80, s30, s12, $0xb8;
	[tilespmem:$0x1D000] =	vst v63  }
0x125: {  	_ =	swait.ge [sflag:s16], $0x4000  }
0x126: {  	[sflag:s16] =	ssyncset.done $0x0  }
0x127: {  	[sflag:s16] =	ssyncadd.s32 $0xFFFFC000  }
0x128: {  	[spmem:s3] =	stream.indirect.scatter.add.f32 [tilespmem:s14], [sflag:$0x3], $0x80, s31, s12, $0xb8;
	[tilespmem:$0x1D000] =	vst v63  }
0x129: {  	_ =	swait.ge [sflag:s10], $0x4000  }
0x12a: {  	[sflag:s10] =	ssyncset.done $0x0  }
0x12b: {  	[sflag:s10] =	ssyncadd.s32 $0xFFFFC000  }
0x12c: {  	[tilespmem:s14], [sflag:$0x2] =	stream.indirect.gather [hbm4b:s2+s12], $0x80, s1, s12, $0xb8;
	[tilespmem:$0x1D000] =	vst v63  }
0x12d: {  	_ =	swait.ge [sflag:s15], $0x4000  }
0x12e: {  	[sflag:s15] =	ssyncset.done $0x0  }
0x12f: {  	[sflag:s15] =	ssyncadd.s32 $0xFFFFC000  }
0x130: {  	[spmem:s3] =	stream.indirect.scatter.add.f32 [tilespmem:s13], [sflag:$0x3], $0x80, s0, s12, $0xb8;
	[tilespmem:$0x1D000] =	vst v63  }
0x131: {  	_ =	swait.ge [sflag:s10], $0x4000  }
0x132: {  	[sflag:s10] =	ssyncset.done $0x0  }
0x133: {  	[sflag:s10] =	ssyncadd.s32 $0xFFFFC000  }
0x134: {  	p0 =	sne.s32 s6, $0x400;
	_ =	swait.ge [sflag:s16], $0x4000  }
.Ltmp0:
0x135: {  	[sflag:s16] =	ssyncset.done $0x0;
	(pc) =	sbr.rel @p0 .LBB2_2-.Ltmp0, $4  }
0x136: {  	[sflag:s16] =	ssyncadd.s32 $0xFFFFC000  }
0x137: {  	[spmem:s3] =	stream.indirect.scatter.add.f32 [tilespmem:s14], [sflag:$0x3], $0x80, s5, s12, $0xb8;
	[tilespmem:$0x1D000] =	vst v63  }
0x138: {  	s7 =	smov.u32 s6;
	s6 =	sadd.s32 $0x100, s6;
	_ =	swait.ge [sflag:s10], $0x4000  }
0x139: {  	s8 =	smov.u32 s7;
	s9 =	rddreg [dreg:$0x5];
	[sflag:s10] =	ssyncset.done $0x0  }
0x13a: {  	[sflag:s10] =	ssyncadd.s32 $0xFFFFC000;
	s6 =	sadd.s32 s8, s9  }
0x13b: {  	[tilespmem:s4], [sflag:$0x3] =	stream.linear.gather [hbm4b:s6+s4], $0x800, $0x38;
	[tilespmem:$0x1D000] =	vst v63  }
0x13c: {  	_ =	swait.ge [sflag:s10], $0x800  }
0x13d: {  	s7 =	rddreg [dreg:$0x4];
	[sflag:s10] =	ssyncset.done $0x0  }
0x13e: {  	s6 =	sadd.s32 s8, s7;
	[sflag:s10] =	ssyncadd.s32 $0xFFFFF800  }
0x13f: {  	[tilespmem:s11], [sflag:$0x3] =	stream.linear.gather [hbm4b:s6+s4], $0x800, $0x38;
	[tilespmem:$0x1D000] =	vst v63  }
0x140: {  	_ =	swait.ge [sflag:s10], $0x800  }
0x141: {  	[sflag:s10] =	ssyncset.done $0x0  }
0x142: {  	[sflag:s10] =	ssyncadd.s32 $0xFFFFF800  }
0x143: {  	[tilespmem:s13], [sflag:$0x1] =	stream.indirect.gather [hbm4b:s2+s12], $0x80, s4, s12, $0xb8;
	[tilespmem:$0x1D000] =	vst v63  }
0x144: {  	_ = 	snop  }
0x145: {  	[tilespmem:s14], [sflag:$0x2] =	stream.indirect.gather [hbm4b:s2+s12], $0x80, s12, s12, $0xb8;
	[tilespmem:$0x1D000] =	vst v63  }
0x146: {  	_ =	swait.ge [sflag:s15], $0x4000  }
0x147: {  	[sflag:s15] =	ssyncset.done $0x0  }
0x148: {  	[sflag:s15] =	ssyncadd.s32 $0xFFFFC000  }
0x149: {  	[spmem:s3] =	stream.indirect.scatter.add.f32 [tilespmem:s13], [sflag:$0x3], $0x80, s11, s12, $0xb8;
	[tilespmem:$0x1D000] =	vst v63  }
0x14a: {  	_ =	swait.ge [sflag:s10], $0x4000  }
0x14b: {  	[sflag:s10] =	ssyncset.done $0x0  }
0x14c: {  	s9 =	rddreg [dreg:$0x6];
	[sflag:s10] =	ssyncadd.s32 $0xFFFFC000  }
0x14d: {  	[tilespmem:s13], [sflag:$0x1] =	stream.indirect.gather [hbm4b:s2+s12], $0x80, s9, s12, $0xb8;
	[tilespmem:$0x1D000] =	vst v63  }
0x14e: {  	_ =	swait.ge [sflag:s16], $0x4000  }
0x14f: {  	[sflag:s16] =	ssyncset.done $0x0  }
0x150: {  	s7 =	rddreg [dreg:$0x7];
	[sflag:s16] =	ssyncadd.s32 $0xFFFFC000  }
0x151: {  	[spmem:s3] =	stream.indirect.scatter.add.f32 [tilespmem:s14], [sflag:$0x3], $0x80, s7, s12, $0xb8;
	[tilespmem:$0x1D000] =	vst v63  }
0x152: {  	_ =	swait.ge [sflag:s10], $0x4000  }
0x153: {  	[sflag:s10] =	ssyncset.done $0x0  }
0x154: {  	s8 =	rddreg [dreg:$0x8];
	[sflag:s10] =	ssyncadd.s32 $0xFFFFC000  }
0x155: {  	[tilespmem:s14], [sflag:$0x2] =	stream.indirect.gather [hbm4b:s2+s12], $0x80, s8, s12, $0xb8;
	[tilespmem:$0x1D000] =	vst v63  }
0x156: {  	_ =	swait.ge [sflag:s15], $0x4000  }
0x157: {  	[sflag:s15] =	ssyncset.done $0x0  }
0x158: {  	s9 =	rddreg [dreg:$0x9];
	[sflag:s15] =	ssyncadd.s32 $0xFFFFC000  }
0x159: {  	[spmem:s3] =	stream.indirect.scatter.add.f32 [tilespmem:s13], [sflag:$0x3], $0x80, s9, s12, $0xb8;
	[tilespmem:$0x1D000] =	vst v63  }
0x15a: {  	_ =	swait.ge [sflag:s10], $0x4000  }
0x15b: {  	[sflag:s10] =	ssyncset.done $0x0  }
0x15c: {  	s7 =	rddreg [dreg:$0xa];
	[sflag:s10] =	ssyncadd.s32 $0xFFFFC000  }
0x15d: {  	[tilespmem:s13], [sflag:$0x1] =	stream.indirect.gather [hbm4b:s2+s12], $0x80, s7, s12, $0xb8;
	[tilespmem:$0x1D000] =	vst v63  }
0x15e: {  	_ =	swait.ge [sflag:s16], $0x4000  }
0x15f: {  	[sflag:s16] =	ssyncset.done $0x0  }
0x160: {  	s8 =	rddreg [dreg:$0xb];
	[sflag:s16] =	ssyncadd.s32 $0xFFFFC000  }
0x161: {  	[spmem:s3] =	stream.indirect.scatter.add.f32 [tilespmem:s14], [sflag:$0x3], $0x80, s8, s12, $0xb8;
	[tilespmem:$0x1D000] =	vst v63  }
0x162: {  	_ =	swait.ge [sflag:s10], $0x4000  }
0x163: {  	[sflag:s10] =	ssyncset.done $0x0  }
0x164: {  	s9 =	rddreg [dreg:$0xc];
	[sflag:s10] =	ssyncadd.s32 $0xFFFFC000  }
0x165: {  	[tilespmem:s14], [sflag:$0x2] =	stream.indirect.gather [hbm4b:s2+s12], $0x80, s9, s12, $0xb8;
	[tilespmem:$0x1D000] =	vst v63  }
0x166: {  	_ =	swait.ge [sflag:s15], $0x4000  }
0x167: {  	[sflag:s15] =	ssyncset.done $0x0  }
0x168: {  	s7 =	rddreg [dreg:$0xd];
	[sflag:s15] =	ssyncadd.s32 $0xFFFFC000  }
0x169: {  	[spmem:s3] =	stream.indirect.scatter.add.f32 [tilespmem:s13], [sflag:$0x3], $0x80, s7, s12, $0xb8;
	[tilespmem:$0x1D000] =	vst v63  }
0x16a: {  	_ =	swait.ge [sflag:s10], $0x4000  }
0x16b: {  	[sflag:s10] =	ssyncset.done $0x0  }
0x16c: {  	s8 =	rddreg [dreg:$0xe];
	[sflag:s10] =	ssyncadd.s32 $0xFFFFC000  }
0x16d: {  	[tilespmem:s13], [sflag:$0x1] =	stream.indirect.gather [hbm4b:s2+s12], $0x80, s8, s12, $0xb8;
	[tilespmem:$0x1D000] =	vst v63  }
0x16e: {  	_ =	swait.ge [sflag:s16], $0x4000  }
0x16f: {  	[sflag:s16] =	ssyncset.done $0x0  }
0x170: {  	s9 =	rddreg [dreg:$0xf];
	[sflag:s16] =	ssyncadd.s32 $0xFFFFC000  }
0x171: {  	[spmem:s3] =	stream.indirect.scatter.add.f32 [tilespmem:s14], [sflag:$0x3], $0x80, s9, s12, $0xb8;
	[tilespmem:$0x1D000] =	vst v63  }
0x172: {  	_ =	swait.ge [sflag:s10], $0x4000  }
0x173: {  	[sflag:s10] =	ssyncset.done $0x0  }
0x174: {  	s7 =	rddreg [dreg:$0x10];
	[sflag:s10] =	ssyncadd.s32 $0xFFFFC000  }
0x175: {  	[tilespmem:s14], [sflag:$0x2] =	stream.indirect.gather [hbm4b:s2+s12], $0x80, s7, s12, $0xb8;
	[tilespmem:$0x1D000] =	vst v63  }
0x176: {  	_ =	swait.ge [sflag:s15], $0x4000  }
0x177: {  	[sflag:s15] =	ssyncset.done $0x0  }
0x178: {  	s8 =	rddreg [dreg:$0x11];
	[sflag:s15] =	ssyncadd.s32 $0xFFFFC000  }
0x179: {  	[spmem:s3] =	stream.indirect.scatter.add.f32 [tilespmem:s13], [sflag:$0x3], $0x80, s8, s12, $0xb8;
	[tilespmem:$0x1D000] =	vst v63  }
0x17a: {  	_ =	swait.ge [sflag:s10], $0x4000  }
0x17b: {  	[sflag:s10] =	ssyncset.done $0x0  }
0x17c: {  	[sflag:s10] =	ssyncadd.s32 $0xFFFFC000  }
0x17d: {  	[tilespmem:s13], [sflag:$0x1] =	stream.indirect.gather [hbm4b:s2+s12], $0x80, s17, s12, $0xb8;
	[tilespmem:$0x1D000] =	vst v63  }
0x17e: {  	_ =	swait.ge [sflag:s16], $0x4000  }
0x17f: {  	[sflag:s16] =	ssyncset.done $0x0  }
0x180: {  	[sflag:s16] =	ssyncadd.s32 $0xFFFFC000  }
0x181: {  	[spmem:s3] =	stream.indirect.scatter.add.f32 [tilespmem:s14], [sflag:$0x3], $0x80, s18, s12, $0xb8;
	[tilespmem:$0x1D000] =	vst v63  }
0x182: {  	_ =	swait.ge [sflag:s10], $0x4000  }
0x183: {  	[sflag:s10] =	ssyncset.done $0x0  }
0x184: {  	[sflag:s10] =	ssyncadd.s32 $0xFFFFC000  }
0x185: {  	[tilespmem:s14], [sflag:$0x2] =	stream.indirect.gather [hbm4b:s2+s12], $0x80, s19, s12, $0xb8;
	[tilespmem:$0x1D000] =	vst v63  }
0x186: {  	_ =	swait.ge [sflag:s15], $0x4000  }
0x187: {  	[sflag:s15] =	ssyncset.done $0x0  }
0x188: {  	[sflag:s15] =	ssyncadd.s32 $0xFFFFC000  }
0x189: {  	[spmem:s3] =	stream.indirect.scatter.add.f32 [tilespmem:s13], [sflag:$0x3], $0x80, s20, s12, $0xb8;
	[tilespmem:$0x1D000] =	vst v63  }
0x18a: {  	_ =	swait.ge [sflag:s10], $0x4000  }
0x18b: {  	[sflag:s10] =	ssyncset.done $0x0  }
0x18c: {  	[sflag:s10] =	ssyncadd.s32 $0xFFFFC000  }
0x18d: {  	[tilespmem:s13], [sflag:$0x1] =	stream.indirect.gather [hbm4b:s2+s12], $0x80, s21, s12, $0xb8;
	[tilespmem:$0x1D000] =	vst v63  }
0x18e: {  	_ =	swait.ge [sflag:s16], $0x4000  }
0x18f: {  	[sflag:s16] =	ssyncset.done $0x0  }
0x190: {  	[sflag:s16] =	ssyncadd.s32 $0xFFFFC000  }
0x191: {  	[spmem:s3] =	stream.indirect.scatter.add.f32 [tilespmem:s14], [sflag:$0x3], $0x80, s22, s12, $0xb8;
	[tilespmem:$0x1D000] =	vst v63  }
0x192: {  	_ =	swait.ge [sflag:s10], $0x4000  }
0x193: {  	[sflag:s10] =	ssyncset.done $0x0  }
0x194: {  	[sflag:s10] =	ssyncadd.s32 $0xFFFFC000  }
0x195: {  	[tilespmem:s14], [sflag:$0x2] =	stream.indirect.gather [hbm4b:s2+s12], $0x80, s23, s12, $0xb8;
	[tilespmem:$0x1D000] =	vst v63  }
0x196: {  	_ =	swait.ge [sflag:s15], $0x4000  }
0x197: {  	[sflag:s15] =	ssyncset.done $0x0  }
0x198: {  	[sflag:s15] =	ssyncadd.s32 $0xFFFFC000  }
0x199: {  	[spmem:s3] =	stream.indirect.scatter.add.f32 [tilespmem:s13], [sflag:$0x3], $0x80, s24, s12, $0xb8;
	[tilespmem:$0x1D000] =	vst v63  }
0x19a: {  	_ =	swait.ge [sflag:s10], $0x4000  }
0x19b: {  	[sflag:s10] =	ssyncset.done $0x0  }
0x19c: {  	[sflag:s10] =	ssyncadd.s32 $0xFFFFC000  }
0x19d: {  	[tilespmem:s13], [sflag:$0x1] =	stream.indirect.gather [hbm4b:s2+s12], $0x80, s25, s12, $0xb8;
	[tilespmem:$0x1D000] =	vst v63  }
0x19e: {  	_ =	swait.ge [sflag:s16], $0x4000  }
0x19f: {  	[sflag:s16] =	ssyncset.done $0x0  }
0x1a0: {  	[sflag:s16] =	ssyncadd.s32 $0xFFFFC000  }
0x1a1: {  	[spmem:s3] =	stream.indirect.scatter.add.f32 [tilespmem:s14], [sflag:$0x3], $0x80, s26, s12, $0xb8;
	[tilespmem:$0x1D000] =	vst v63  }
0x1a2: {  	_ =	swait.ge [sflag:s10], $0x4000  }
0x1a3: {  	[sflag:s10] =	ssyncset.done $0x0  }
0x1a4: {  	[sflag:s10] =	ssyncadd.s32 $0xFFFFC000  }
0x1a5: {  	[tilespmem:s14], [sflag:$0x2] =	stream.indirect.gather [hbm4b:s2+s12], $0x80, s28, s12, $0xb8;
	[tilespmem:$0x1D000] =	vst v63  }
0x1a6: {  	_ =	swait.ge [sflag:s15], $0x4000  }
0x1a7: {  	[sflag:s15] =	ssyncset.done $0x0  }
0x1a8: {  	[sflag:s15] =	ssyncadd.s32 $0xFFFFC000  }
0x1a9: {  	[spmem:s3] =	stream.indirect.scatter.add.f32 [tilespmem:s13], [sflag:$0x3], $0x80, s29, s12, $0xb8;
	[tilespmem:$0x1D000] =	vst v63  }
0x1aa: {  	_ =	swait.ge [sflag:s10], $0x4000  }
0x1ab: {  	[sflag:s10] =	ssyncset.done $0x0  }
0x1ac: {  	[sflag:s10] =	ssyncadd.s32 $0xFFFFC000  }
0x1ad: {  	[tilespmem:s13], [sflag:$0x1] =	stream.indirect.gather [hbm4b:s2+s12], $0x80, s30, s12, $0xb8;
	[tilespmem:$0x1D000] =	vst v63  }
0x1ae: {  	_ =	swait.ge [sflag:s16], $0x4000  }
0x1af: {  	[sflag:s16] =	ssyncset.done $0x0  }
0x1b0: {  	[sflag:s16] =	ssyncadd.s32 $0xFFFFC000  }
0x1b1: {  	[spmem:s3] =	stream.indirect.scatter.add.f32 [tilespmem:s14], [sflag:$0x3], $0x80, s31, s12, $0xb8;
	[tilespmem:$0x1D000] =	vst v63  }
0x1b2: {  	_ =	swait.ge [sflag:s10], $0x4000  }
0x1b3: {  	[sflag:s10] =	ssyncset.done $0x0  }
0x1b4: {  	[sflag:s10] =	ssyncadd.s32 $0xFFFFC000  }
0x1b5: {  	[tilespmem:s14], [sflag:$0x2] =	stream.indirect.gather [hbm4b:s2+s12], $0x80, s1, s12, $0xb8;
	[tilespmem:$0x1D000] =	vst v63  }
0x1b6: {  	_ =	swait.ge [sflag:s15], $0x4000  }
0x1b7: {  	[sflag:s15] =	ssyncset.done $0x0  }
0x1b8: {  	[sflag:s15] =	ssyncadd.s32 $0xFFFFC000  }
0x1b9: {  	[spmem:s3] =	stream.indirect.scatter.add.f32 [tilespmem:s13], [sflag:$0x3], $0x80, s0, s12, $0xb8;
	[tilespmem:$0x1D000] =	vst v63  }
0x1ba: {  	_ =	swait.ge [sflag:s10], $0x4000  }
0x1bb: {  	[sflag:s10] =	ssyncset.done $0x0  }
0x1bc: {  	[sflag:s10] =	ssyncadd.s32 $0xFFFFC000  }
0x1bd: {  	_ =	swait.ge [sflag:s16], $0x4000  }
0x1be: {  	[sflag:s16] =	ssyncset.done $0x0  }
0x1bf: {  	[sflag:s16] =	ssyncadd.s32 $0xFFFFC000  }
0x1c0: {  	[spmem:s3] =	stream.indirect.scatter.add.f32 [tilespmem:s14], [sflag:$0x3], $0x80, s5, s12, $0xb8;
	[tilespmem:$0x1D000] =	vst v63  }
0x1c1: {  	_ =	swait.ge [sflag:s10], $0x4000  }
0x1c2: {  	[sflag:s10] =	ssyncset.done $0x0  }
0x1c3: {  	[sflag:s10] =	ssyncadd.s32 $0xFFFFC000  }
0x1c4: {  	[bflag:$0x0] =	sbarrier.arrive $0xFFFF  }
0x1c5: {  	s7 =	rddreg [dreg:$0x13]  }
0x1c6: {  	s9 =	rddreg [dreg:$0x14]  }
0x1c7: {  	s8 =	rddreg [dreg:$0x16]  }
0x1c8: {  	[hbm:s9], [sflag:s7] =	dma.local [spmem:s8], $0x2800  }
0x1c9: {  	_ =	swait.ge [sflag:s10], $0x2800  }
0x1ca: {  	s6 =	rddreg [dreg:$0x17]  }
0x1cb: {  	s9 =	sadd.s32 $0x1, s6;
	s6 =	rddreg [dreg:$0x15]  }
0x1cc: {  	p0 =	sne.s32 s9, s6  }
.Ltmp1:
0x1cd: {  	_ = 	snop;
	(pc) =	sbr.rel @p0 .LBB2_1-.Ltmp1, $3  }
0x1ce: {  	_ =	sdelay $0x1  }
0x1cf: {  	[sflag:s10] =	ssyncset.done $0x0  }
0x1d0: {  	[sflag:s10] =	ssyncadd.s32 $0xFFFFD800  }
0x1d1: {  	_ =	sfence.sel $0x180000  }
0x1d2: {  	[bflag:$0x0] =	sbarrier.arrive $0xFFFF  }
0x1d3: {  	_ =	strace $0x9000004A  }
0x1d4: {  	s0 =	stileid.u32;
	[bflag:$0x2] =	sbarrier.arrive $0xFFFF  }
0x1d5: {  	p0 =	sne.s32 s0, $0x0;
	s0 =	rddreg [dreg:$0x3]  }
0x1d6: {  	s0 =	sadd.s32 @!p0 $0x100000, s0  }
0x1d7: {  	[sflag:s0] =	ssyncadd.tile.s32 @!p0 $0x1;
	_ =	shalt  }
.Lfunc_end2:
_tile_overlayer_lowered:
.L_overlay_start_2:
0x1d8: {  	(tag) =	ssettag $0x2  }
0x1d9: {  	s0 =	rddreg [dreg:$0x0];
	s2 =	stileid.u32  }
0x1da: {  	s1 =	rddreg [dreg:$0x1];
	p0 =	sne.s32 s2, $0x0  }
0x1db: {  	s3 =	rddreg [dreg:$0x2];
	[bflag:$0x3] =	sbarrier.arrive $0xFFFF;
	s2 =	simm.s32 @!p0 $0x1C03  }
0x1dc: {  	[timem:s3], [sflag:s2] =	dma.local @!p0 [hbm:s0], s1  }
0x1dd: {  	s0 =	simm.s32 @!p0 $0x3  }
0x1de: {  	_ =	swait.ge @!p0 [sflag:s0], s1  }
0x1df: {  	s1 =	ssub.s32 @!p0 $0x0, s1;
	[sflag:s0] =	ssyncset.done @!p0 $0x0  }
0x1e0: {  	[sflag:s0] =	ssyncadd.s32 @!p0 s1  }
0x1e1: {  	[bflag:$0x3] =	sbarrier.arrive $0xFFFF  }
0x1e2: {  	_ =	shalt  }

// kernel: kernel.16.cloned.1.call-start
scs
__scs_entry_jumppad:
0x0: {  	(pc) =	sbr.rel $0x88, $3  }
0x1: {  	(tag) =	ssettag $0x0;
	lr =	simm.s32 $0x1  }
0x2: {  	[smem:$0x3F99] =	sst lr;
	_ =	strace $0xD0000000  }
0x3: {  	_ = 	snop  }
0x4: {  	_ = 	snop  }
0x5: {  	_ = 	snop  }
0x6: {  	_ = 	snop  }
0x7: {  	_ = 	snop  }
__scs_overlays_trampoline_lowered:
0x8: {  	[smem:$0x3FA8] =	sst s0  }
0x9: {  	[smem:$0x3FA9] =	sst s1  }
0xa: {  	[smem:$0x3FAA] =	sst s2  }
0xb: {  	[smem:$0x3FAB] =	sst s3  }
0xc: {  	[smem:$0x3FAC] =	sst s4  }
0xd: {  	[smem:$0x3FAD] =	sst s5  }
0xe: {  	[smem:$0x3FAE] =	sst s6  }
0xf: {  	[smem:$0x3FAF] =	sst s7  }
0x10: {  	[smem:$0x3FB0] =	sst s8  }
0x11: {  	[smem:$0x3FB1] =	sst s9;
	s0 =	simm.s32 @!p0 $0x0  }
0x12: {  	s1 =	sld [smem:$0x3F97];
	s0 =	simm.s32 @p0 $0x1  }
0x13: {  	[smem:$0x3FB2] =	sst s0;
	s0 =	simm.s32 @!p1 $0x0  }
0x14: {  	s2 =	sld [smem:$0x3F96];
	s0 =	simm.s32 @p1 $0x1  }
0x15: {  	[smem:$0x3FB3] =	sst s0;
	s0 =	simm.s32 @!p2 $0x0  }
0x16: {  	s3 =	sld [smem:$0x3FDB];
	s0 =	simm.s32 @p2 $0x1  }
0x17: {  	s4 =	simm.s32 $0x1BF5;
	[smem:$0x3FB5] =	sst s0  }
0x18: {  	s0 =	sld [smem:$0x3F98];
	_ =	swait.ge [sflag:s4], $0x0  }
0x19: {  	s7 =	sld [smem:$0x3F99]  }
0x1a: {  	s8 =	sadd.s32 $0xFFFFE003, lr  }
0x1b: {  	s9 =	sadd.s32 $0xFFFFFEF7, lr;
	s5 =	simm.s32 $0xFFFFFFFF;
	p2 =	slt.u32 s8, $0xFFFFF086  }
0x1c: {  	p1 =	slt.u32 s9, $0xF7A;
	s5 =	simm.s32 @!p2 $0x0  }
0x1d: {  	s5 =	simm.s32 @p1 $0x1;
	p0 =	seq.s32 s7, s2  }
0x1e: {  	s7 =	smul.u32 @!p0 $0xF7A, s2;
	p2 =	seq.s32 @!p0 s5, $0x0  }
0x1f: {  	s9 =	smul.u32 $0xF7A, s1;
	s8 =	simm.s32 @!p0 $0x1BF5;
	p2 =	por !p2, p0  }
0x20: {  	[sflag:s8] =	ssyncset.s32 @!p0 $0xFFFFF086;
	s6 =	sadd.s32 @!p0 s3, s7;
	s7 =	simm.s32 @!p0 $0x108  }
0x21: {  	s3 =	sadd.s32 s3, s9;
	s6 =	sadd.s32 @!p0 $0x88, s6;
	s7 =	simm.s32 @p2 $0x1082  }
0x22: {  	[simem:s7], [sflag:s8] =	dma.local @!p0 [hbm:s6], $0xF7A  }
0x23: {  	s9 =	sor.u32 $0xD0000000, s2;
	s6 =	simm.s32 $0x108;
	_ =	swait.ge @!p0 [sflag:s8], $0x0  }
0x24: {  	s3 =	sadd.s32 $0x88, s3;
	s6 =	simm.s32 @!p1 $0x1082;
	[sflag:s4] =	ssyncset.s32 $0xFFFFF086  }
0x25: {  	[simem:s6], [sflag:s4] =	dma.local [hbm:s3], $0xF7A  }
0x26: {  	[smem:$0x3F99] =	sst s1;
	(tag) =	ssettag s2;
	_ =	strace s9  }
0x27: {  	s1 =	sld [smem:$0x3FA9]  }
0x28: {  	s2 =	sld [smem:$0x3FAA]  }
0x29: {  	s4 =	sld [smem:$0x3FAC]  }
0x2a: {  	p0 =	seq.s32 s5, $0x0;
	s5 =	sld [smem:$0x3FAD]  }
0x2b: {  	s6 =	sld [smem:$0x3FAE]  }
0x2c: {  	s7 =	sld [smem:$0x3FAF]  }
0x2d: {  	s3 =	simm.s32 $0x108;
	s8 =	sld [smem:$0x3FB0]  }
0x2e: {  	s3 =	simm.s32 @!p0 $0x1082;
	s9 =	sld [smem:$0x3FB1]  }
0x2f: {  	lr =	sadd.s32 s0, s3;
	s0 =	sld [smem:$0x3FA8]  }
0x30: {  	s3 =	sld [smem:$0x3FAB]  }
0x31: {  	[smem:$0x3FB4] =	sst s10  }
0x32: {  	s10 =	sld [smem:$0x3FB2];
	_ =	sdelay $0x3  }
0x33: {  	p0 =	seq.s32 s10, $0x1;
	s10 =	sld [smem:$0x3FB4];
	_ =	sdelay $0x3  }
0x34: {  	[smem:$0x3FB4] =	sst s10  }
0x35: {  	s10 =	sld [smem:$0x3FB3];
	_ =	sdelay $0x3  }
0x36: {  	p1 =	seq.s32 s10, $0x1;
	s10 =	sld [smem:$0x3FB4];
	_ =	sdelay $0x3  }
0x37: {  	[smem:$0x3FB4] =	sst s10  }
0x38: {  	s10 =	sld [smem:$0x3FB5]  }
0x39: {  	_ = 	snop;
	(pc) =	sbr.ind lr, $3  }
0x3a: {  	_ = 	snop  }
0x3b: {  	_ = 	snop  }
0x3c: {  	p2 =	seq.s32 s10, $0x1;
	s10 =	sld [smem:$0x3FB4]  }
0x3d: {  	_ =	shalt  }
0x3e: {  	_ =	shalt  }
0x3f: {  	_ =	shalt  }
0x40: {  	_ =	shalt  }
0x41: {  	_ =	shalt  }
0x42: {  	_ =	shalt  }
0x43: {  	_ =	shalt  }
0x44: {  	_ =	shalt  }
0x45: {  	_ =	shalt  }
0x46: {  	_ =	shalt  }
0x47: {  	_ =	shalt  }
0x48: {  	_ =	shalt  }
0x49: {  	_ =	shalt  }
0x4a: {  	_ =	shalt  }
0x4b: {  	_ =	shalt  }
0x4c: {  	_ =	shalt  }
0x4d: {  	_ =	shalt  }
0x4e: {  	_ =	shalt  }
0x4f: {  	_ =	shalt  }
0x50: {  	_ =	shalt  }
0x51: {  	_ =	shalt  }
0x52: {  	_ =	shalt  }
0x53: {  	_ =	shalt  }
0x54: {  	_ =	shalt  }
0x55: {  	_ =	shalt  }
0x56: {  	_ =	shalt  }
0x57: {  	_ =	shalt  }
0x58: {  	_ =	shalt  }
0x59: {  	_ =	shalt  }
0x5a: {  	_ =	shalt  }
0x5b: {  	_ =	shalt  }
0x5c: {  	_ =	shalt  }
0x5d: {  	_ =	shalt  }
0x5e: {  	_ =	shalt  }
0x5f: {  	_ =	shalt  }
0x60: {  	_ =	shalt  }
0x61: {  	_ =	shalt  }
0x62: {  	_ =	shalt  }
0x63: {  	_ =	shalt  }
0x64: {  	_ =	shalt  }
0x65: {  	_ =	shalt  }
0x66: {  	_ =	shalt  }
0x67: {  	_ =	shalt  }
0x68: {  	_ =	shalt  }
0x69: {  	_ =	shalt  }
0x6a: {  	_ =	shalt  }
0x6b: {  	_ =	shalt  }
0x6c: {  	_ =	shalt  }
0x6d: {  	_ =	shalt  }
0x6e: {  	_ =	shalt  }
0x6f: {  	_ =	shalt  }
0x70: {  	_ =	shalt  }
0x71: {  	_ =	shalt  }
0x72: {  	_ =	shalt  }
0x73: {  	_ =	shalt  }
0x74: {  	_ =	shalt  }
0x75: {  	_ =	shalt  }
0x76: {  	_ =	shalt  }
0x77: {  	_ =	shalt  }
0x78: {  	_ =	shalt  }
0x79: {  	_ =	shalt  }
0x7a: {  	_ =	shalt  }
0x7b: {  	_ =	shalt  }
0x7c: {  	_ =	shalt  }
0x7d: {  	_ =	shalt  }
0x7e: {  	_ =	shalt  }
0x7f: {  	_ =	shalt  }
0x80: {  	_ =	shalt  }
0x81: {  	_ =	shalt  }
0x82: {  	_ =	shalt  }
0x83: {  	_ =	shalt  }
0x84: {  	_ =	shalt  }
0x85: {  	_ =	shalt  }
0x86: {  	_ =	shalt  }
0x87: {  	_ =	shalt  }
.Lfunc_end0:
.L_simem_size_0:
called_computation.2_lowered:
.L_overlay_start_0:
0x88: {  	s2 =	sld [smem:$0x3FD9]  }
0x89: {  	s3 =	sld [smem:$0x3FFE];
	_ =	sdelay $0x1  }
0x8a: {  	s1 =	srdreg.scid  }
0x8b: {  	s0 =	sand.u32 $0x1, s1  }
0x8c: {  	s17 =	sshll.u32 s0, $0xA;
	s2 =	sadd.s32 s3, s2  }
0x8d: {  	s2 =	sadd.s32 s2, s17  }
0x8e: {  	[smem:$0x3FC0] =	sst s2  }
0x8f: {  	_ = 	snop  }
0x90: {  	s2 =	sld [smem:$0x3FD0];
	(tm) =	ssettm $0x1  }
0x91: {  	s18 =	sld [smem:$0x3FFB];
	_ =	sdelay $0x3  }
0x92: {  	_ =	strace s18  }
0x93: {  	s3 =	sld [smem:$0x3FFC];
	_ =	sdelay $0x3  }
0x94: {  	_ =	strace s3  }
0x95: {  	s3 =	sld [smem:$0x3FFD];
	_ =	sdelay $0x3  }
0x96: {  	_ =	strace s3  }
0x97: {  	_ =	strace $0x8FFFFFFF  }
0x98: {  	s19 =	sld [smem:$0x3FDB];
	_ =	sdelay $0x1  }
0x99: {  	s4 =	simm.s32 $_scs_section_size  }
0x9a: {  	s5 =	simm.s32 $_size__tile_overlayer_lowered;
	s6 =	simm.s32 $_tile_overlayer_lowered  }
0x9b: {  	s22 =	simm.s32 $0x1BFF;
	s21 =	sshll.u32 s6, $0x1;
	s3 =	sadd.s32 s4, s19  }
0x9c: {  	s7 =	simm.s32 $0x0;
	s20 =	sshll.u32 s5, $0x1;
	s5 =	sadd.s32 s21, s3  }
0x9d: {  	[timem:s7], [sflag:s22] =	dma.local [hbm:s5], s20  }
0x9e: {  	_ =	swait.ge [sflag:s22], s20  }
0x9f: {  	s4 =	ssub.s32 $0x0, s20;
	[sflag:s22] =	ssyncset.done $0x0  }
0xa0: {  	[sflag:s22] =	ssyncadd.s32 s4;
	_ =	sdelay $0x1  }
0xa1: {  	s23 =	simm.s32 $0x1B8B  }
0xa2: {  	_ =	swait.ge [sflag:s23], $0x1  }
0xa3: {  	[sflag:s23] =	ssyncset.done $0x0  }
0xa4: {  	s25 =	simm.s32 $0x1B8E;
	s24 =	sld [smem:$0x3FFE];
	[sflag:s23] =	ssyncadd.s32 $0xFFFFFFFF  }
0xa5: {  	s26 =	simm.s32 $execute0_lowered;
	[smem:$0x3FD2] =	sst s25  }
0xa6: {  	s5 =	sshll.u32 s26, $0x1;
	_ =	strace $0x8000004C;
	[dreg:$0x1] =	wrdreg $0xFFFFFFFF  }
0xa7: {  	s28 =	simm.s32 $_size_execute0_lowered;
	s3 =	sadd.s32 s3, s5;
	[dreg:$0x0] =	wrdreg $0x0  }
0xa8: {  	s5 =	sshll.u32 s28, $0x1;
	[dreg:$0x2] =	wrdreg s3  }
0xa9: {  	[dreg:$0x3] =	wrdreg s5  }
0xaa: {  	[dreg:$0x4] =	wrdreg $0xC0  }
0xab: {  	_ =	task [dreg:s7], $0x5FFFF  }
0xac: {  	[dreg:$0x1] =	wrdreg $0xFFFFFFFF  }
0xad: {  	[dreg:$0x0] =	wrdreg $0x60  }
0xae: {  	[dreg:$0x2] =	wrdreg s2  }
0xaf: {  	[dreg:$0x3] =	wrdreg s24  }
0xb0: {  	[dreg:$0x4] =	wrdreg $0x90000  }
0xb1: {  	[dreg:$0x5] =	wrdreg $0x9  }
0xb2: {  	_ =	task.clear_ibuf [dreg:s7], $0x6FFFF;
	_ =	strace $0x9000004C  }
0xb3: {  	s29 =	simm.s32 $0x9;
	_ =	strace $0x8000004E  }
0xb4: {  	_ =	swait.ge [sflag:s29], $0x1  }
0xb5: {  	[sflag:s29] =	ssyncadd.s32 $0xFFFFFFFF  }
0xb6: {  	_ =	strace $0x9000004E  }
0xb7: {  	_ =	sfence  }
0xb8: {  	s30 =	sld [smem:$0x0];
	_ =	sdelay $0x2  }
0xb9: {  	s31 =	sshll.u32 s1, $0xD;
	s1 =	sshrl.u32 s1, $0x2  }
0xba: {  	s3 =	sand.u32 $0x4000, s31;
	s1 =	sadd.s32 s1, s30  }
0xbb: {  	s0 =	sor.u32 s3, s0;
	s1 =	sshll.u32 s1, $0x11  }
0xbc: {  	s0 =	sor.u32 s1, s0  }
0xbd: {  	s0 =	sadd.s32 $0x8F2B, s0  }
0xbe: {  	[sflag:s0] =	ssyncadd.remote.s32 $0x1  }
0xbf: {  	_ =	sfence.sel $0xFFFF  }
0xc0: {  	[dreg:$0x0] =	wrdreg $0xFFFFFFFF;
	(pc) =	sbr.abs _section_cstart, $3  }
0xc1: {  	[dreg:$0x1] =	wrdreg $0xFFFFFFFF  }
0xc2: {  	_ =	task.clear_ibuf [dreg:s7], $0x2FFFF;
	_ =	strace $0x9FFFFFFF  }
0xc3: {  	(tm) =	ssettm $0x7FFFFFFF  }
tec
execute0_lowered:
.L_overlay_start_1:
0x0: {  	(tag) =	ssettag $0x1  }
0x1: {  	s2 =	rddreg [dreg:$0x0]  }
0x2: {  	s0 =	srdreg.scid;
	s6 =	rddreg [dreg:$0x1]  }
0x3: {  	s9 =	stileid.u32;
	s3 =	rddreg [dreg:$0x2]  }
0x4: {  	s4 =	simm.s32 $0x0;
	s14 =	simm.s32 $0x100;
	s15 =	simm.s32 $0x880  }
0x5: {  	s17 =	simm.s32 $0x180;
	s18 =	simm.s32 $0x900;
	[smem:$0x7FF] =	sst s4  }
0x6: {  	s19 =	simm.s32 $0x200;
	_ =	strace $0x8000004D;
	[dreg:$0x6] =	wrdreg s14  }
0x7: {  	s20 =	simm.s32 $0x980;
	s21 =	simm.s32 $0x280;
	[dreg:$0x7] =	wrdreg s15  }
0x8: {  	s22 =	simm.s32 $0xA00;
	s23 =	simm.s32 $0x300;
	[dreg:$0x8] =	wrdreg s17  }
0x9: {  	s24 =	simm.s32 $0xA80;
	s25 =	simm.s32 $0x380;
	[dreg:$0x9] =	wrdreg s18  }
0xa: {  	s26 =	simm.s32 $0xB00;
	s28 =	simm.s32 $0x680;
	[dreg:$0xa] =	wrdreg s19  }
0xb: {  	s29 =	simm.s32 $0xE00;
	s30 =	simm.s32 $0x700;
	[dreg:$0xb] =	wrdreg s20  }
0xc: {  	s31 =	simm.s32 $0xE80;
	s5 =	smul.u32 $0x2800, s9;
	[dreg:$0xc] =	wrdreg s21  }
0xd: {  	s0 =	sand.u32 $0x1, s0;
	s8 =	smul.u32 $0x14000, s9;
	[dreg:$0xd] =	wrdreg s22  }
0xe: {  	s11 =	smul.u32 $0x50000, s9;
	s16 =	sshll.u32 s9, $0x6;
	[dreg:$0xe] =	wrdreg s23  }
0xf: {  	s9 =	simm.s32 $0x0;
	s1 =	smul.u32 $0x28000, s0;
	[dreg:$0xf] =	wrdreg s24  }
0x10: {  	s7 =	smul.u32 $0x140000, s0;
	s0 =	ssub.s32 $0x2, s0;
	[dreg:$0x10] =	wrdreg s25  }
0x11: {  	s14 =	simm.s32 $0x5000;
	s15 =	simm.s32 $0x1;
	[dreg:$0x11] =	wrdreg s26  }
0x12: {  	s17 =	simm.s32 $0x400;
	s18 =	simm.s32 $0xB80;
	s19 =	simm.s32 $0x480  }
0x13: {  	s20 =	simm.s32 $0xC00;
	s21 =	simm.s32 $0x500;
	s22 =	simm.s32 $0xC80  }
0x14: {  	s23 =	simm.s32 $0x580;
	s24 =	simm.s32 $0xD00;
	s25 =	simm.s32 $0x600  }
0x15: {  	s26 =	simm.s32 $0xD80;
	s10 =	sshrl.u32 s0, $0x1;
	s13 =	sshrl.u32 s11, $0x2  }
0x16: {  	s11 =	simm.s32 $0x800;
	s1 =	sadd.s32 s5, s1;
	s7 =	sadd.s32 s8, s7  }
0x17: {  	s8 =	sadd.s32 $0x16000, s6;
	s0 =	ssub.s32 s0, s10;
	s10 =	simm.s32 $0x3  }
0x18: {  	s1 =	sshrl.u32 s1, $0x3;
	s5 =	sshrl.u32 s7, $0x3;
	[dreg:$0x12] =	wrdreg s8  }
0x19: {  	s7 =	sor.u32 $0x1C03, s16;
	s0 =	smax.u32 s0, $0x1;
	s16 =	simm.s32 $0x2  }
0x1a: {  	s1 =	sadd.s32 s1, s6;
	s5 =	sadd.s32 s5, s6;
	[dreg:$0x15] =	wrdreg s0  }
0x1b: {  	s6 =	sadd.s32 s13, s3;
	[dreg:$0x13] =	wrdreg s7;
	s12 =	sadd.s32 $0x2000, s1  }
0x1c: {  	s13 =	simm.s32 $0x1000;
	s1 =	sadd.s32 $0xC000, s1;
	[dreg:$0x4] =	wrdreg s12  }
0x1d: {  	s0 =	simm.s32 $0xF00;
	s5 =	sadd.s32 $0x66A00, s5;
	[dreg:$0x5] =	wrdreg s1  }
0x1e: {  	s8 =	sshrl.u32 s6, $0x3;
	[dreg:$0x14] =	wrdreg s5;
	s12 =	simm.s32 $0x80  }
0x1f: {  	s1 =	simm.s32 $0x780;
	s5 =	simm.s32 $0xF80;
	[dreg:$0x16] =	wrdreg s8  }
.LBB2_1:
0x20: {  	[dreg:$0x17] =	wrdreg s9  }
0x21: {  	s6 =	rddreg [dreg:$0x12]  }
0x22: {  	[spmem:s8], [sflag:s7] =	dma.local [hbm:s6], $0x2800  }
0x23: {  	_ =	swait.ge [sflag:s10], $0x2800  }
0x24: {  	[sflag:s10] =	ssyncset.done $0x0  }
0x25: {  	[sflag:s10] =	ssyncadd.s32 $0xFFFFD800  }
0x26: {  	[bflag:$0x0] =	sbarrier.arrive $0xFFFF  }
0x27: {  	s8 =	rddreg [dreg:$0x5]  }
0x28: {  	s6 =	sadd.s32 $0x0, s8  }
0x29: {  	[tilespmem:s4], [sflag:$0x3] =	stream.linear.gather [hbm4b:s6+s4], $0x800, $0x38;
	[tilespmem:$0x1D000] =	vst v63  }
0x2a: {  	_ =	swait.ge [sflag:s10], $0x800  }
0x2b: {  	s9 =	rddreg [dreg:$0x4];
	[sflag:s10] =	ssyncset.done $0x0  }
0x2c: {  	[sflag:s10] =	ssyncadd.s32 $0xFFFFF800;
	s6 =	sadd.s32 $0x0, s9  }
0x2d: {  	[tilespmem:s11], [sflag:$0x3] =	stream.linear.gather [hbm4b:s6+s4], $0x800, $0x38;
	[tilespmem:$0x1D000] =	vst v63  }
0x2e: {  	_ =	swait.ge [sflag:s10], $0x800  }
0x2f: {  	[sflag:s10] =	ssyncset.done $0x0  }
0x30: {  	[sflag:s10] =	ssyncadd.s32 $0xFFFFF800  }
0x31: {  	[tilespmem:s13], [sflag:$0x1] =	stream.indirect.gather [hbm4b:s2+s12], $0x80, s4, s12, $0xb8;
	[tilespmem:$0x1D000] =	vst v63  }
0x32: {  	_ = 	snop  }
0x33: {  	[tilespmem:s14], [sflag:$0x2] =	stream.indirect.gather [hbm4b:s2+s12], $0x80, s12, s12, $0xb8;
	[tilespmem:$0x1D000] =	vst v63  }
0x34: {  	_ =	swait.ge [sflag:s15], $0x4000  }
0x35: {  	[sflag:s15] =	ssyncset.done $0x0  }
0x36: {  	[sflag:s15] =	ssyncadd.s32 $0xFFFFC000  }
0x37: {  	[spmem:s3] =	stream.indirect.scatter.add.f32 [tilespmem:s13], [sflag:$0x3], $0x80, s11, s12, $0xb8;
	[tilespmem:$0x1D000] =	vst v63  }
0x38: {  	_ =	swait.ge [sflag:s10], $0x4000  }
0x39: {  	[sflag:s10] =	ssyncset.done $0x0  }
0x3a: {  	s7 =	rddreg [dreg:$0x6];
	[sflag:s10] =	ssyncadd.s32 $0xFFFFC000  }
0x3b: {  	[tilespmem:s13], [sflag:$0x1] =	stream.indirect.gather [hbm4b:s2+s12], $0x80, s7, s12, $0xb8;
	[tilespmem:$0x1D000] =	vst v63  }
0x3c: {  	_ =	swait.ge [sflag:s16], $0x4000  }
0x3d: {  	[sflag:s16] =	ssyncset.done $0x0  }
0x3e: {  	s8 =	rddreg [dreg:$0x7];
	[sflag:s16] =	ssyncadd.s32 $0xFFFFC000  }
0x3f: {  	[spmem:s3] =	stream.indirect.scatter.add.f32 [tilespmem:s14], [sflag:$0x3], $0x80, s8, s12, $0xb8;
	[tilespmem:$0x1D000] =	vst v63  }
0x40: {  	_ =	swait.ge [sflag:s10], $0x4000  }
0x41: {  	[sflag:s10] =	ssyncset.done $0x0  }
0x42: {  	s9 =	rddreg [dreg:$0x8];
	[sflag:s10] =	ssyncadd.s32 $0xFFFFC000  }
0x43: {  	[tilespmem:s14], [sflag:$0x2] =	stream.indirect.gather [hbm4b:s2+s12], $0x80, s9, s12, $0xb8;
	[tilespmem:$0x1D000] =	vst v63  }
0x44: {  	_ =	swait.ge [sflag:s15], $0x4000  }
0x45: {  	[sflag:s15] =	ssyncset.done $0x0  }
0x46: {  	s7 =	rddreg [dreg:$0x9];
	[sflag:s15] =	ssyncadd.s32 $0xFFFFC000  }
0x47: {  	[spmem:s3] =	stream.indirect.scatter.add.f32 [tilespmem:s13], [sflag:$0x3], $0x80, s7, s12, $0xb8;
	[tilespmem:$0x1D000] =	vst v63  }
0x48: {  	_ =	swait.ge [sflag:s10], $0x4000  }
0x49: {  	[sflag:s10] =	ssyncset.done $0x0  }
0x4a: {  	s8 =	rddreg [dreg:$0xa];
	[sflag:s10] =	ssyncadd.s32 $0xFFFFC000  }
0x4b: {  	[tilespmem:s13], [sflag:$0x1] =	stream.indirect.gather [hbm4b:s2+s12], $0x80, s8, s12, $0xb8;
	[tilespmem:$0x1D000] =	vst v63  }
0x4c: {  	_ =	swait.ge [sflag:s16], $0x4000  }
0x4d: {  	[sflag:s16] =	ssyncset.done $0x0  }
0x4e: {  	s9 =	rddreg [dreg:$0xb];
	[sflag:s16] =	ssyncadd.s32 $0xFFFFC000  }
0x4f: {  	[spmem:s3] =	stream.indirect.scatter.add.f32 [tilespmem:s14], [sflag:$0x3], $0x80, s9, s12, $0xb8;
	[tilespmem:$0x1D000] =	vst v63  }
0x50: {  	_ =	swait.ge [sflag:s10], $0x4000  }
0x51: {  	[sflag:s10] =	ssyncset.done $0x0  }
0x52: {  	s7 =	rddreg [dreg:$0xc];
	[sflag:s10] =	ssyncadd.s32 $0xFFFFC000  }
0x53: {  	[tilespmem:s14], [sflag:$0x2] =	stream.indirect.gather [hbm4b:s2+s12], $0x80, s7, s12, $0xb8;
	[tilespmem:$0x1D000] =	vst v63  }
0x54: {  	_ =	swait.ge [sflag:s15], $0x4000  }
0x55: {  	[sflag:s15] =	ssyncset.done $0x0  }
0x56: {  	s8 =	rddreg [dreg:$0xd];
	[sflag:s15] =	ssyncadd.s32 $0xFFFFC000  }
0x57: {  	[spmem:s3] =	stream.indirect.scatter.add.f32 [tilespmem:s13], [sflag:$0x3], $0x80, s8, s12, $0xb8;
	[tilespmem:$0x1D000] =	vst v63  }
0x58: {  	_ =	swait.ge [sflag:s10], $0x4000  }
0x59: {  	[sflag:s10] =	ssyncset.done $0x0  }
0x5a: {  	s9 =	rddreg [dreg:$0xe];
	[sflag:s10] =	ssyncadd.s32 $0xFFFFC000  }
0x5b: {  	[tilespmem:s13], [sflag:$0x1] =	stream.indirect.gather [hbm4b:s2+s12], $0x80, s9, s12, $0xb8;
	[tilespmem:$0x1D000] =	vst v63  }
0x5c: {  	_ =	swait.ge [sflag:s16], $0x4000  }
0x5d: {  	[sflag:s16] =	ssyncset.done $0x0  }
0x5e: {  	s7 =	rddreg [dreg:$0xf];
	[sflag:s16] =	ssyncadd.s32 $0xFFFFC000  }
0x5f: {  	[spmem:s3] =	stream.indirect.scatter.add.f32 [tilespmem:s14], [sflag:$0x3], $0x80, s7, s12, $0xb8;
	[tilespmem:$0x1D000] =	vst v63  }
0x60: {  	_ =	swait.ge [sflag:s10], $0x4000  }
0x61: {  	[sflag:s10] =	ssyncset.done $0x0  }
0x62: {  	s8 =	rddreg [dreg:$0x10];
	[sflag:s10] =	ssyncadd.s32 $0xFFFFC000  }
0x63: {  	[tilespmem:s14], [sflag:$0x2] =	stream.indirect.gather [hbm4b:s2+s12], $0x80, s8, s12, $0xb8;
	[tilespmem:$0x1D000] =	vst v63  }
0x64: {  	_ =	swait.ge [sflag:s15], $0x4000  }
0x65: {  	[sflag:s15] =	ssyncset.done $0x0  }
0x66: {  	s9 =	rddreg [dreg:$0x11];
	[sflag:s15] =	ssyncadd.s32 $0xFFFFC000  }
0x67: {  	[spmem:s3] =	stream.indirect.scatter.add.f32 [tilespmem:s13], [sflag:$0x3], $0x80, s9, s12, $0xb8;
	[tilespmem:$0x1D000] =	vst v63  }
0x68: {  	_ =	swait.ge [sflag:s10], $0x4000  }
0x69: {  	[sflag:s10] =	ssyncset.done $0x0  }
0x6a: {  	[sflag:s10] =	ssyncadd.s32 $0xFFFFC000  }
0x6b: {  	[tilespmem:s13], [sflag:$0x1] =	stream.indirect.gather [hbm4b:s2+s12], $0x80, s17, s12, $0xb8;
	[tilespmem:$0x1D000] =	vst v63  }
0x6c: {  	_ =	swait.ge [sflag:s16], $0x4000  }
0x6d: {  	[sflag:s16] =	ssyncset.done $0x0  }
0x6e: {  	[sflag:s16] =	ssyncadd.s32 $0xFFFFC000  }
0x6f: {  	[spmem:s3] =	stream.indirect.scatter.add.f32 [tilespmem:s14], [sflag:$0x3], $0x80, s18, s12, $0xb8;
	[tilespmem:$0x1D000] =	vst v63  }
0x70: {  	_ =	swait.ge [sflag:s10], $0x4000  }
0x71: {  	[sflag:s10] =	ssyncset.done $0x0  }
0x72: {  	[sflag:s10] =	ssyncadd.s32 $0xFFFFC000  }
0x73: {  	[tilespmem:s14], [sflag:$0x2] =	stream.indirect.gather [hbm4b:s2+s12], $0x80, s19, s12, $0xb8;
	[tilespmem:$0x1D000] =	vst v63  }
0x74: {  	_ =	swait.ge [sflag:s15], $0x4000  }
0x75: {  	[sflag:s15] =	ssyncset.done $0x0  }
0x76: {  	[sflag:s15] =	ssyncadd.s32 $0xFFFFC000  }
0x77: {  	[spmem:s3] =	stream.indirect.scatter.add.f32 [tilespmem:s13], [sflag:$0x3], $0x80, s20, s12, $0xb8;
	[tilespmem:$0x1D000] =	vst v63  }
0x78: {  	_ =	swait.ge [sflag:s10], $0x4000  }
0x79: {  	[sflag:s10] =	ssyncset.done $0x0  }
0x7a: {  	[sflag:s10] =	ssyncadd.s32 $0xFFFFC000  }
0x7b: {  	[tilespmem:s13], [sflag:$0x1] =	stream.indirect.gather [hbm4b:s2+s12], $0x80, s21, s12, $0xb8;
	[tilespmem:$0x1D000] =	vst v63  }
0x7c: {  	_ =	swait.ge [sflag:s16], $0x4000  }
0x7d: {  	[sflag:s16] =	ssyncset.done $0x0  }
0x7e: {  	[sflag:s16] =	ssyncadd.s32 $0xFFFFC000  }
0x7f: {  	[spmem:s3] =	stream.indirect.scatter.add.f32 [tilespmem:s14], [sflag:$0x3], $0x80, s22, s12, $0xb8;
	[tilespmem:$0x1D000] =	vst v63  }
0x80: {  	_ =	swait.ge [sflag:s10], $0x4000  }
0x81: {  	[sflag:s10] =	ssyncset.done $0x0  }
0x82: {  	[sflag:s10] =	ssyncadd.s32 $0xFFFFC000  }
0x83: {  	[tilespmem:s14], [sflag:$0x2] =	stream.indirect.gather [hbm4b:s2+s12], $0x80, s23, s12, $0xb8;
	[tilespmem:$0x1D000] =	vst v63  }
0x84: {  	_ =	swait.ge [sflag:s15], $0x4000  }
0x85: {  	[sflag:s15] =	ssyncset.done $0x0  }
0x86: {  	[sflag:s15] =	ssyncadd.s32 $0xFFFFC000  }
0x87: {  	[spmem:s3] =	stream.indirect.scatter.add.f32 [tilespmem:s13], [sflag:$0x3], $0x80, s24, s12, $0xb8;
	[tilespmem:$0x1D000] =	vst v63  }
0x88: {  	_ =	swait.ge [sflag:s10], $0x4000  }
0x89: {  	[sflag:s10] =	ssyncset.done $0x0  }
0x8a: {  	[sflag:s10] =	ssyncadd.s32 $0xFFFFC000  }
0x8b: {  	[tilespmem:s13], [sflag:$0x1] =	stream.indirect.gather [hbm4b:s2+s12], $0x80, s25, s12, $0xb8;
	[tilespmem:$0x1D000] =	vst v63  }
0x8c: {  	_ =	swait.ge [sflag:s16], $0x4000  }
0x8d: {  	[sflag:s16] =	ssyncset.done $0x0  }
0x8e: {  	[sflag:s16] =	ssyncadd.s32 $0xFFFFC000  }
0x8f: {  	[spmem:s3] =	stream.indirect.scatter.add.f32 [tilespmem:s14], [sflag:$0x3], $0x80, s26, s12, $0xb8;
	[tilespmem:$0x1D000] =	vst v63  }
0x90: {  	_ =	swait.ge [sflag:s10], $0x4000  }
0x91: {  	[sflag:s10] =	ssyncset.done $0x0  }
0x92: {  	[sflag:s10] =	ssyncadd.s32 $0xFFFFC000  }
0x93: {  	[tilespmem:s14], [sflag:$0x2] =	stream.indirect.gather [hbm4b:s2+s12], $0x80, s28, s12, $0xb8;
	[tilespmem:$0x1D000] =	vst v63  }
0x94: {  	_ =	swait.ge [sflag:s15], $0x4000  }
0x95: {  	[sflag:s15] =	ssyncset.done $0x0  }
0x96: {  	[sflag:s15] =	ssyncadd.s32 $0xFFFFC000  }
0x97: {  	[spmem:s3] =	stream.indirect.scatter.add.f32 [tilespmem:s13], [sflag:$0x3], $0x80, s29, s12, $0xb8;
	[tilespmem:$0x1D000] =	vst v63  }
0x98: {  	_ =	swait.ge [sflag:s10], $0x4000  }
0x99: {  	[sflag:s10] =	ssyncset.done $0x0  }
0x9a: {  	[sflag:s10] =	ssyncadd.s32 $0xFFFFC000  }
0x9b: {  	[tilespmem:s13], [sflag:$0x1] =	stream.indirect.gather [hbm4b:s2+s12], $0x80, s30, s12, $0xb8;
	[tilespmem:$0x1D000] =	vst v63  }
0x9c: {  	_ =	swait.ge [sflag:s16], $0x4000  }
0x9d: {  	[sflag:s16] =	ssyncset.done $0x0  }
0x9e: {  	[sflag:s16] =	ssyncadd.s32 $0xFFFFC000  }
0x9f: {  	[spmem:s3] =	stream.indirect.scatter.add.f32 [tilespmem:s14], [sflag:$0x3], $0x80, s31, s12, $0xb8;
	[tilespmem:$0x1D000] =	vst v63  }
0xa0: {  	_ =	swait.ge [sflag:s10], $0x4000  }
0xa1: {  	[sflag:s10] =	ssyncset.done $0x0  }
0xa2: {  	[sflag:s10] =	ssyncadd.s32 $0xFFFFC000  }
0xa3: {  	[tilespmem:s14], [sflag:$0x2] =	stream.indirect.gather [hbm4b:s2+s12], $0x80, s1, s12, $0xb8;
	[tilespmem:$0x1D000] =	vst v63  }
0xa4: {  	_ =	swait.ge [sflag:s15], $0x4000  }
0xa5: {  	[sflag:s15] =	ssyncset.done $0x0  }
0xa6: {  	[sflag:s15] =	ssyncadd.s32 $0xFFFFC000  }
0xa7: {  	[spmem:s3] =	stream.indirect.scatter.add.f32 [tilespmem:s13], [sflag:$0x3], $0x80, s0, s12, $0xb8;
	[tilespmem:$0x1D000] =	vst v63  }
0xa8: {  	_ =	swait.ge [sflag:s10], $0x4000  }
0xa9: {  	[sflag:s10] =	ssyncset.done $0x0  }
0xaa: {  	[sflag:s10] =	ssyncadd.s32 $0xFFFFC000  }
0xab: {  	_ =	swait.ge [sflag:s16], $0x4000  }
0xac: {  	[sflag:s16] =	ssyncset.done $0x0  }
0xad: {  	[sflag:s16] =	ssyncadd.s32 $0xFFFFC000  }
0xae: {  	[spmem:s3] =	stream.indirect.scatter.add.f32 [tilespmem:s14], [sflag:$0x3], $0x80, s5, s12, $0xb8;
	[tilespmem:$0x1D000] =	vst v63  }
0xaf: {  	s6 =	simm.s32 $0x200;
	_ =	swait.ge [sflag:s10], $0x4000  }
0xb0: {  	s8 =	simm.s32 $0x100;
	s9 =	rddreg [dreg:$0x5];
	[sflag:s10] =	ssyncset.done $0x0  }
.LBB2_2:
0xb1: {  	[sflag:s10] =	ssyncadd.s32 $0xFFFFC000;
	s9 =	sadd.s32 s8, s9  }
0xb2: {  	[tilespmem:s4], [sflag:$0x3] =	stream.linear.gather [hbm4b:s9+s4], $0x800, $0x38;
	[tilespmem:$0x1D000] =	vst v63  }
0xb3: {  	_ =	swait.ge [sflag:s10], $0x800  }
0xb4: {  	s9 =	rddreg [dreg:$0x4];
	[sflag:s10] =	ssyncset.done $0x0  }
0xb5: {  	[sflag:s10] =	ssyncadd.s32 $0xFFFFF800;
	s9 =	sadd.s32 s8, s9  }
0xb6: {  	[tilespmem:s11], [sflag:$0x3] =	stream.linear.gather [hbm4b:s9+s4], $0x800, $0x38;
	[tilespmem:$0x1D000] =	vst v63  }
0xb7: {  	_ =	swait.ge [sflag:s10], $0x800  }
0xb8: {  	[sflag:s10] =	ssyncset.done $0x0  }
0xb9: {  	[sflag:s10] =	ssyncadd.s32 $0xFFFFF800  }
0xba: {  	[tilespmem:s13], [sflag:$0x1] =	stream.indirect.gather [hbm4b:s2+s12], $0x80, s4, s12, $0xb8;
	[tilespmem:$0x1D000] =	vst v63  }
0xbb: {  	_ = 	snop  }
0xbc: {  	[tilespmem:s14], [sflag:$0x2] =	stream.indirect.gather [hbm4b:s2+s12], $0x80, s12, s12, $0xb8;
	[tilespmem:$0x1D000] =	vst v63  }
0xbd: {  	_ =	swait.ge [sflag:s15], $0x4000  }
0xbe: {  	[sflag:s15] =	ssyncset.done $0x0  }
0xbf: {  	[sflag:s15] =	ssyncadd.s32 $0xFFFFC000  }
0xc0: {  	[spmem:s3] =	stream.indirect.scatter.add.f32 [tilespmem:s13], [sflag:$0x3], $0x80, s11, s12, $0xb8;
	[tilespmem:$0x1D000] =	vst v63  }
0xc1: {  	_ =	swait.ge [sflag:s10], $0x4000  }
0xc2: {  	[sflag:s10] =	ssyncset.done $0x0  }
0xc3: {  	s9 =	rddreg [dreg:$0x6];
	[sflag:s10] =	ssyncadd.s32 $0xFFFFC000  }
0xc4: {  	[tilespmem:s13], [sflag:$0x1] =	stream.indirect.gather [hbm4b:s2+s12], $0x80, s9, s12, $0xb8;
	[tilespmem:$0x1D000] =	vst v63  }
0xc5: {  	_ =	swait.ge [sflag:s16], $0x4000  }
0xc6: {  	[sflag:s16] =	ssyncset.done $0x0  }
0xc7: {  	s9 =	rddreg [dreg:$0x7];
	[sflag:s16] =	ssyncadd.s32 $0xFFFFC000  }
0xc8: {  	[spmem:s3] =	stream.indirect.scatter.add.f32 [tilespmem:s14], [sflag:$0x3], $0x80, s9, s12, $0xb8;
	[tilespmem:$0x1D000] =	vst v63  }
0xc9: {  	_ =	swait.ge [sflag:s10], $0x4000  }
0xca: {  	[sflag:s10] =	ssyncset.done $0x0  }
0xcb: {  	s9 =	rddreg [dreg:$0x8];
	[sflag:s10] =	ssyncadd.s32 $0xFFFFC000  }
0xcc: {  	[tilespmem:s14], [sflag:$0x2] =	stream.indirect.gather [hbm4b:s2+s12], $0x80, s9, s12, $0xb8;
	[tilespmem:$0x1D000] =	vst v63  }
0xcd: {  	_ =	swait.ge [sflag:s15], $0x4000  }
0xce: {  	[sflag:s15] =	ssyncset.done $0x0  }
0xcf: {  	s9 =	rddreg [dreg:$0x9];
	[sflag:s15] =	ssyncadd.s32 $0xFFFFC000  }
0xd0: {  	[spmem:s3] =	stream.indirect.scatter.add.f32 [tilespmem:s13], [sflag:$0x3], $0x80, s9, s12, $0xb8;
	[tilespmem:$0x1D000] =	vst v63  }
0xd1: {  	_ =	swait.ge [sflag:s10], $0x4000  }
0xd2: {  	[sflag:s10] =	ssyncset.done $0x0  }
0xd3: {  	s9 =	rddreg [dreg:$0xa];
	[sflag:s10] =	ssyncadd.s32 $0xFFFFC000  }
0xd4: {  	[tilespmem:s13], [sflag:$0x1] =	stream.indirect.gather [hbm4b:s2+s12], $0x80, s9, s12, $0xb8;
	[tilespmem:$0x1D000] =	vst v63  }
0xd5: {  	_ =	swait.ge [sflag:s16], $0x4000  }
0xd6: {  	[sflag:s16] =	ssyncset.done $0x0  }
0xd7: {  	s9 =	rddreg [dreg:$0xb];
	[sflag:s16] =	ssyncadd.s32 $0xFFFFC000  }
0xd8: {  	[spmem:s3] =	stream.indirect.scatter.add.f32 [tilespmem:s14], [sflag:$0x3], $0x80, s9, s12, $0xb8;
	[tilespmem:$0x1D000] =	vst v63  }
0xd9: {  	_ =	swait.ge [sflag:s10], $0x4000  }
0xda: {  	[sflag:s10] =	ssyncset.done $0x0  }
0xdb: {  	s9 =	rddreg [dreg:$0xc];
	[sflag:s10] =	ssyncadd.s32 $0xFFFFC000  }
0xdc: {  	[tilespmem:s14], [sflag:$0x2] =	stream.indirect.gather [hbm4b:s2+s12], $0x80, s9, s12, $0xb8;
	[tilespmem:$0x1D000] =	vst v63  }
0xdd: {  	_ =	swait.ge [sflag:s15], $0x4000  }
0xde: {  	[sflag:s15] =	ssyncset.done $0x0  }
0xdf: {  	s9 =	rddreg [dreg:$0xd];
	[sflag:s15] =	ssyncadd.s32 $0xFFFFC000  }
0xe0: {  	[spmem:s3] =	stream.indirect.scatter.add.f32 [tilespmem:s13], [sflag:$0x3], $0x80, s9, s12, $0xb8;
	[tilespmem:$0x1D000] =	vst v63  }
0xe1: {  	_ =	swait.ge [sflag:s10], $0x4000  }
0xe2: {  	[sflag:s10] =	ssyncset.done $0x0  }
0xe3: {  	s9 =	rddreg [dreg:$0xe];
	[sflag:s10] =	ssyncadd.s32 $0xFFFFC000  }
0xe4: {  	[tilespmem:s13], [sflag:$0x1] =	stream.indirect.gather [hbm4b:s2+s12], $0x80, s9, s12, $0xb8;
	[tilespmem:$0x1D000] =	vst v63  }
0xe5: {  	_ =	swait.ge [sflag:s16], $0x4000  }
0xe6: {  	[sflag:s16] =	ssyncset.done $0x0  }
0xe7: {  	s9 =	rddreg [dreg:$0xf];
	[sflag:s16] =	ssyncadd.s32 $0xFFFFC000  }
0xe8: {  	[spmem:s3] =	stream.indirect.scatter.add.f32 [tilespmem:s14], [sflag:$0x3], $0x80, s9, s12, $0xb8;
	[tilespmem:$0x1D000] =	vst v63  }
0xe9: {  	_ =	swait.ge [sflag:s10], $0x4000  }
0xea: {  	[sflag:s10] =	ssyncset.done $0x0  }
0xeb: {  	s9 =	rddreg [dreg:$0x10];
	[sflag:s10] =	ssyncadd.s32 $0xFFFFC000  }
0xec: {  	[tilespmem:s14], [sflag:$0x2] =	stream.indirect.gather [hbm4b:s2+s12], $0x80, s9, s12, $0xb8;
	[tilespmem:$0x1D000] =	vst v63  }
0xed: {  	_ =	swait.ge [sflag:s15], $0x4000  }
0xee: {  	[sflag:s15] =	ssyncset.done $0x0  }
0xef: {  	s9 =	rddreg [dreg:$0x11];
	[sflag:s15] =	ssyncadd.s32 $0xFFFFC000  }
0xf0: {  	[spmem:s3] =	stream.indirect.scatter.add.f32 [tilespmem:s13], [sflag:$0x3], $0x80, s9, s12, $0xb8;
	[tilespmem:$0x1D000] =	vst v63  }
0xf1: {  	_ =	swait.ge [sflag:s10], $0x4000  }
0xf2: {  	[sflag:s10] =	ssyncset.done $0x0  }
0xf3: {  	[sflag:s10] =	ssyncadd.s32 $0xFFFFC000  }
0xf4: {  	[tilespmem:s13], [sflag:$0x1] =	stream.indirect.gather [hbm4b:s2+s12], $0x80, s17, s12, $0xb8;
	[tilespmem:$0x1D000] =	vst v63  }
0xf5: {  	_ =	swait.ge [sflag:s16], $0x4000  }
0xf6: {  	[sflag:s16] =	ssyncset.done $0x0  }
0xf7: {  	[sflag:s16] =	ssyncadd.s32 $0xFFFFC000  }
0xf8: {  	[spmem:s3] =	stream.indirect.scatter.add.f32 [tilespmem:s14], [sflag:$0x3], $0x80, s18, s12, $0xb8;
	[tilespmem:$0x1D000] =	vst v63  }
0xf9: {  	_ =	swait.ge [sflag:s10], $0x4000  }
0xfa: {  	[sflag:s10] =	ssyncset.done $0x0  }
0xfb: {  	[sflag:s10] =	ssyncadd.s32 $0xFFFFC000  }
0xfc: {  	[tilespmem:s14], [sflag:$0x2] =	stream.indirect.gather [hbm4b:s2+s12], $0x80, s19, s12, $0xb8;
	[tilespmem:$0x1D000] =	vst v63  }
0xfd: {  	_ =	swait.ge [sflag:s15], $0x4000  }
0xfe: {  	[sflag:s15] =	ssyncset.done $0x0  }
0xff: {  	[sflag:s15] =	ssyncadd.s32 $0xFFFFC000  }
0x100: {  	[spmem:s3] =	stream.indirect.scatter.add.f32 [tilespmem:s13], [sflag:$0x3], $0x80, s20, s12, $0xb8;
	[tilespmem:$0x1D000] =	vst v63  }
0x101: {  	_ =	swait.ge [sflag:s10], $0x4000  }
0x102: {  	[sflag:s10] =	ssyncset.done $0x0  }
0x103: {  	[sflag:s10] =	ssyncadd.s32 $0xFFFFC000  }
0x104: {  	[tilespmem:s13], [sflag:$0x1] =	stream.indirect.gather [hbm4b:s2+s12], $0x80, s21, s12, $0xb8;
	[tilespmem:$0x1D000] =	vst v63  }
0x105: {  	_ =	swait.ge [sflag:s16], $0x4000  }
0x106: {  	[sflag:s16] =	ssyncset.done $0x0  }
0x107: {  	[sflag:s16] =	ssyncadd.s32 $0xFFFFC000  }
0x108: {  	[spmem:s3] =	stream.indirect.scatter.add.f32 [tilespmem:s14], [sflag:$0x3], $0x80, s22, s12, $0xb8;
	[tilespmem:$0x1D000] =	vst v63  }
0x109: {  	_ =	swait.ge [sflag:s10], $0x4000  }
0x10a: {  	[sflag:s10] =	ssyncset.done $0x0  }
0x10b: {  	[sflag:s10] =	ssyncadd.s32 $0xFFFFC000  }
0x10c: {  	[tilespmem:s14], [sflag:$0x2] =	stream.indirect.gather [hbm4b:s2+s12], $0x80, s23, s12, $0xb8;
	[tilespmem:$0x1D000] =	vst v63  }
0x10d: {  	_ =	swait.ge [sflag:s15], $0x4000  }
0x10e: {  	[sflag:s15] =	ssyncset.done $0x0  }
0x10f: {  	[sflag:s15] =	ssyncadd.s32 $0xFFFFC000  }
0x110: {  	[spmem:s3] =	stream.indirect.scatter.add.f32 [tilespmem:s13], [sflag:$0x3], $0x80, s24, s12, $0xb8;
	[tilespmem:$0x1D000] =	vst v63  }
0x111: {  	_ =	swait.ge [sflag:s10], $0x4000  }
0x112: {  	[sflag:s10] =	ssyncset.done $0x0  }
0x113: {  	[sflag:s10] =	ssyncadd.s32 $0xFFFFC000  }
0x114: {  	[tilespmem:s13], [sflag:$0x1] =	stream.indirect.gather [hbm4b:s2+s12], $0x80, s25, s12, $0xb8;
	[tilespmem:$0x1D000] =	vst v63  }
0x115: {  	_ =	swait.ge [sflag:s16], $0x4000  }
0x116: {  	[sflag:s16] =	ssyncset.done $0x0  }
0x117: {  	[sflag:s16] =	ssyncadd.s32 $0xFFFFC000  }
0x118: {  	[spmem:s3] =	stream.indirect.scatter.add.f32 [tilespmem:s14], [sflag:$0x3], $0x80, s26, s12, $0xb8;
	[tilespmem:$0x1D000] =	vst v63  }
0x119: {  	_ =	swait.ge [sflag:s10], $0x4000  }
0x11a: {  	[sflag:s10] =	ssyncset.done $0x0  }
0x11b: {  	[sflag:s10] =	ssyncadd.s32 $0xFFFFC000  }
0x11c: {  	[tilespmem:s14], [sflag:$0x2] =	stream.indirect.gather [hbm4b:s2+s12], $0x80, s28, s12, $0xb8;
	[tilespmem:$0x1D000] =	vst v63  }
0x11d: {  	_ =	swait.ge [sflag:s15], $0x4000  }
0x11e: {  	[sflag:s15] =	ssyncset.done $0x0  }
0x11f: {  	[sflag:s15] =	ssyncadd.s32 $0xFFFFC000  }
0x120: {  	[spmem:s3] =	stream.indirect.scatter.add.f32 [tilespmem:s13], [sflag:$0x3], $0x80, s29, s12, $0xb8;
	[tilespmem:$0x1D000] =	vst v63  }
0x121: {  	_ =	swait.ge [sflag:s10], $0x4000  }
0x122: {  	[sflag:s10] =	ssyncset.done $0x0  }
0x123: {  	[sflag:s10] =	ssyncadd.s32 $0xFFFFC000  }
0x124: {  	[tilespmem:s13], [sflag:$0x1] =	stream.indirect.gather [hbm4b:s2+s12], $0x80, s30, s12, $0xb8;
	[tilespmem:$0x1D000] =	vst v63  }
0x125: {  	_ =	swait.ge [sflag:s16], $0x4000  }
0x126: {  	[sflag:s16] =	ssyncset.done $0x0  }
0x127: {  	[sflag:s16] =	ssyncadd.s32 $0xFFFFC000  }
0x128: {  	[spmem:s3] =	stream.indirect.scatter.add.f32 [tilespmem:s14], [sflag:$0x3], $0x80, s31, s12, $0xb8;
	[tilespmem:$0x1D000] =	vst v63  }
0x129: {  	_ =	swait.ge [sflag:s10], $0x4000  }
0x12a: {  	[sflag:s10] =	ssyncset.done $0x0  }
0x12b: {  	[sflag:s10] =	ssyncadd.s32 $0xFFFFC000  }
0x12c: {  	[tilespmem:s14], [sflag:$0x2] =	stream.indirect.gather [hbm4b:s2+s12], $0x80, s1, s12, $0xb8;
	[tilespmem:$0x1D000] =	vst v63  }
0x12d: {  	_ =	swait.ge [sflag:s15], $0x4000  }
0x12e: {  	[sflag:s15] =	ssyncset.done $0x0  }
0x12f: {  	[sflag:s15] =	ssyncadd.s32 $0xFFFFC000  }
0x130: {  	[spmem:s3] =	stream.indirect.scatter.add.f32 [tilespmem:s13], [sflag:$0x3], $0x80, s0, s12, $0xb8;
	[tilespmem:$0x1D000] =	vst v63  }
0x131: {  	_ =	swait.ge [sflag:s10], $0x4000  }
0x132: {  	[sflag:s10] =	ssyncset.done $0x0  }
0x133: {  	[sflag:s10] =	ssyncadd.s32 $0xFFFFC000  }
0x134: {  	p0 =	sne.s32 s6, $0x400;
	_ =	swait.ge [sflag:s16], $0x4000  }
.Ltmp0:
0x135: {  	[sflag:s16] =	ssyncset.done $0x0;
	(pc) =	sbr.rel @p0 .LBB2_2-.Ltmp0, $4  }
0x136: {  	[sflag:s16] =	ssyncadd.s32 $0xFFFFC000  }
0x137: {  	[spmem:s3] =	stream.indirect.scatter.add.f32 [tilespmem:s14], [sflag:$0x3], $0x80, s5, s12, $0xb8;
	[tilespmem:$0x1D000] =	vst v63  }
0x138: {  	s7 =	smov.u32 s6;
	s6 =	sadd.s32 $0x100, s6;
	_ =	swait.ge [sflag:s10], $0x4000  }
0x139: {  	s8 =	smov.u32 s7;
	s9 =	rddreg [dreg:$0x5];
	[sflag:s10] =	ssyncset.done $0x0  }
0x13a: {  	[sflag:s10] =	ssyncadd.s32 $0xFFFFC000;
	s6 =	sadd.s32 s8, s9  }
0x13b: {  	[tilespmem:s4], [sflag:$0x3] =	stream.linear.gather [hbm4b:s6+s4], $0x800, $0x38;
	[tilespmem:$0x1D000] =	vst v63  }
0x13c: {  	_ =	swait.ge [sflag:s10], $0x800  }
0x13d: {  	s7 =	rddreg [dreg:$0x4];
	[sflag:s10] =	ssyncset.done $0x0  }
0x13e: {  	s6 =	sadd.s32 s8, s7;
	[sflag:s10] =	ssyncadd.s32 $0xFFFFF800  }
0x13f: {  	[tilespmem:s11], [sflag:$0x3] =	stream.linear.gather [hbm4b:s6+s4], $0x800, $0x38;
	[tilespmem:$0x1D000] =	vst v63  }
0x140: {  	_ =	swait.ge [sflag:s10], $0x800  }
0x141: {  	[sflag:s10] =	ssyncset.done $0x0  }
0x142: {  	[sflag:s10] =	ssyncadd.s32 $0xFFFFF800  }
0x143: {  	[tilespmem:s13], [sflag:$0x1] =	stream.indirect.gather [hbm4b:s2+s12], $0x80, s4, s12, $0xb8;
	[tilespmem:$0x1D000] =	vst v63  }
0x144: {  	_ = 	snop  }
0x145: {  	[tilespmem:s14], [sflag:$0x2] =	stream.indirect.gather [hbm4b:s2+s12], $0x80, s12, s12, $0xb8;
	[tilespmem:$0x1D000] =	vst v63  }
0x146: {  	_ =	swait.ge [sflag:s15], $0x4000  }
0x147: {  	[sflag:s15] =	ssyncset.done $0x0  }
0x148: {  	[sflag:s15] =	ssyncadd.s32 $0xFFFFC000  }
0x149: {  	[spmem:s3] =	stream.indirect.scatter.add.f32 [tilespmem:s13], [sflag:$0x3], $0x80, s11, s12, $0xb8;
	[tilespmem:$0x1D000] =	vst v63  }
0x14a: {  	_ =	swait.ge [sflag:s10], $0x4000  }
0x14b: {  	[sflag:s10] =	ssyncset.done $0x0  }
0x14c: {  	s9 =	rddreg [dreg:$0x6];
	[sflag:s10] =	ssyncadd.s32 $0xFFFFC000  }
0x14d: {  	[tilespmem:s13], [sflag:$0x1] =	stream.indirect.gather [hbm4b:s2+s12], $0x80, s9, s12, $0xb8;
	[tilespmem:$0x1D000] =	vst v63  }
0x14e: {  	_ =	swait.ge [sflag:s16], $0x4000  }
0x14f: {  	[sflag:s16] =	ssyncset.done $0x0  }
0x150: {  	s7 =	rddreg [dreg:$0x7];
	[sflag:s16] =	ssyncadd.s32 $0xFFFFC000  }
0x151: {  	[spmem:s3] =	stream.indirect.scatter.add.f32 [tilespmem:s14], [sflag:$0x3], $0x80, s7, s12, $0xb8;
	[tilespmem:$0x1D000] =	vst v63  }
0x152: {  	_ =	swait.ge [sflag:s10], $0x4000  }
0x153: {  	[sflag:s10] =	ssyncset.done $0x0  }
0x154: {  	s8 =	rddreg [dreg:$0x8];
	[sflag:s10] =	ssyncadd.s32 $0xFFFFC000  }
0x155: {  	[tilespmem:s14], [sflag:$0x2] =	stream.indirect.gather [hbm4b:s2+s12], $0x80, s8, s12, $0xb8;
	[tilespmem:$0x1D000] =	vst v63  }
0x156: {  	_ =	swait.ge [sflag:s15], $0x4000  }
0x157: {  	[sflag:s15] =	ssyncset.done $0x0  }
0x158: {  	s9 =	rddreg [dreg:$0x9];
	[sflag:s15] =	ssyncadd.s32 $0xFFFFC000  }
0x159: {  	[spmem:s3] =	stream.indirect.scatter.add.f32 [tilespmem:s13], [sflag:$0x3], $0x80, s9, s12, $0xb8;
	[tilespmem:$0x1D000] =	vst v63  }
0x15a: {  	_ =	swait.ge [sflag:s10], $0x4000  }
0x15b: {  	[sflag:s10] =	ssyncset.done $0x0  }
0x15c: {  	s7 =	rddreg [dreg:$0xa];
	[sflag:s10] =	ssyncadd.s32 $0xFFFFC000  }
0x15d: {  	[tilespmem:s13], [sflag:$0x1] =	stream.indirect.gather [hbm4b:s2+s12], $0x80, s7, s12, $0xb8;
	[tilespmem:$0x1D000] =	vst v63  }
0x15e: {  	_ =	swait.ge [sflag:s16], $0x4000  }
0x15f: {  	[sflag:s16] =	ssyncset.done $0x0  }
0x160: {  	s8 =	rddreg [dreg:$0xb];
	[sflag:s16] =	ssyncadd.s32 $0xFFFFC000  }
0x161: {  	[spmem:s3] =	stream.indirect.scatter.add.f32 [tilespmem:s14], [sflag:$0x3], $0x80, s8, s12, $0xb8;
	[tilespmem:$0x1D000] =	vst v63  }
0x162: {  	_ =	swait.ge [sflag:s10], $0x4000  }
0x163: {  	[sflag:s10] =	ssyncset.done $0x0  }
0x164: {  	s9 =	rddreg [dreg:$0xc];
	[sflag:s10] =	ssyncadd.s32 $0xFFFFC000  }
0x165: {  	[tilespmem:s14], [sflag:$0x2] =	stream.indirect.gather [hbm4b:s2+s12], $0x80, s9, s12, $0xb8;
	[tilespmem:$0x1D000] =	vst v63  }
0x166: {  	_ =	swait.ge [sflag:s15], $0x4000  }
0x167: {  	[sflag:s15] =	ssyncset.done $0x0  }
0x168: {  	s7 =	rddreg [dreg:$0xd];
	[sflag:s15] =	ssyncadd.s32 $0xFFFFC000  }
0x169: {  	[spmem:s3] =	stream.indirect.scatter.add.f32 [tilespmem:s13], [sflag:$0x3], $0x80, s7, s12, $0xb8;
	[tilespmem:$0x1D000] =	vst v63  }
0x16a: {  	_ =	swait.ge [sflag:s10], $0x4000  }
0x16b: {  	[sflag:s10] =	ssyncset.done $0x0  }
0x16c: {  	s8 =	rddreg [dreg:$0xe];
	[sflag:s10] =	ssyncadd.s32 $0xFFFFC000  }
0x16d: {  	[tilespmem:s13], [sflag:$0x1] =	stream.indirect.gather [hbm4b:s2+s12], $0x80, s8, s12, $0xb8;
	[tilespmem:$0x1D000] =	vst v63  }
0x16e: {  	_ =	swait.ge [sflag:s16], $0x4000  }
0x16f: {  	[sflag:s16] =	ssyncset.done $0x0  }
0x170: {  	s9 =	rddreg [dreg:$0xf];
	[sflag:s16] =	ssyncadd.s32 $0xFFFFC000  }
0x171: {  	[spmem:s3] =	stream.indirect.scatter.add.f32 [tilespmem:s14], [sflag:$0x3], $0x80, s9, s12, $0xb8;
	[tilespmem:$0x1D000] =	vst v63  }
0x172: {  	_ =	swait.ge [sflag:s10], $0x4000  }
0x173: {  	[sflag:s10] =	ssyncset.done $0x0  }
0x174: {  	s7 =	rddreg [dreg:$0x10];
	[sflag:s10] =	ssyncadd.s32 $0xFFFFC000  }
0x175: {  	[tilespmem:s14], [sflag:$0x2] =	stream.indirect.gather [hbm4b:s2+s12], $0x80, s7, s12, $0xb8;
	[tilespmem:$0x1D000] =	vst v63  }
0x176: {  	_ =	swait.ge [sflag:s15], $0x4000  }
0x177: {  	[sflag:s15] =	ssyncset.done $0x0  }
0x178: {  	s8 =	rddreg [dreg:$0x11];
	[sflag:s15] =	ssyncadd.s32 $0xFFFFC000  }
0x179: {  	[spmem:s3] =	stream.indirect.scatter.add.f32 [tilespmem:s13], [sflag:$0x3], $0x80, s8, s12, $0xb8;
	[tilespmem:$0x1D000] =	vst v63  }
0x17a: {  	_ =	swait.ge [sflag:s10], $0x4000  }
0x17b: {  	[sflag:s10] =	ssyncset.done $0x0  }
0x17c: {  	[sflag:s10] =	ssyncadd.s32 $0xFFFFC000  }
0x17d: {  	[tilespmem:s13], [sflag:$0x1] =	stream.indirect.gather [hbm4b:s2+s12], $0x80, s17, s12, $0xb8;
	[tilespmem:$0x1D000] =	vst v63  }
0x17e: {  	_ =	swait.ge [sflag:s16], $0x4000  }
0x17f: {  	[sflag:s16] =	ssyncset.done $0x0  }
0x180: {  	[sflag:s16] =	ssyncadd.s32 $0xFFFFC000  }
0x181: {  	[spmem:s3] =	stream.indirect.scatter.add.f32 [tilespmem:s14], [sflag:$0x3], $0x80, s18, s12, $0xb8;
	[tilespmem:$0x1D000] =	vst v63  }
0x182: {  	_ =	swait.ge [sflag:s10], $0x4000  }
0x183: {  	[sflag:s10] =	ssyncset.done $0x0  }
0x184: {  	[sflag:s10] =	ssyncadd.s32 $0xFFFFC000  }
0x185: {  	[tilespmem:s14], [sflag:$0x2] =	stream.indirect.gather [hbm4b:s2+s12], $0x80, s19, s12, $0xb8;
	[tilespmem:$0x1D000] =	vst v63  }
0x186: {  	_ =	swait.ge [sflag:s15], $0x4000  }
0x187: {  	[sflag:s15] =	ssyncset.done $0x0  }
0x188: {  	[sflag:s15] =	ssyncadd.s32 $0xFFFFC000  }
0x189: {  	[spmem:s3] =	stream.indirect.scatter.add.f32 [tilespmem:s13], [sflag:$0x3], $0x80, s20, s12, $0xb8;
	[tilespmem:$0x1D000] =	vst v63  }
0x18a: {  	_ =	swait.ge [sflag:s10], $0x4000  }
0x18b: {  	[sflag:s10] =	ssyncset.done $0x0  }
0x18c: {  	[sflag:s10] =	ssyncadd.s32 $0xFFFFC000  }
0x18d: {  	[tilespmem:s13], [sflag:$0x1] =	stream.indirect.gather [hbm4b:s2+s12], $0x80, s21, s12, $0xb8;
	[tilespmem:$0x1D000] =	vst v63  }
0x18e: {  	_ =	swait.ge [sflag:s16], $0x4000  }
0x18f: {  	[sflag:s16] =	ssyncset.done $0x0  }
0x190: {  	[sflag:s16] =	ssyncadd.s32 $0xFFFFC000  }
0x191: {  	[spmem:s3] =	stream.indirect.scatter.add.f32 [tilespmem:s14], [sflag:$0x3], $0x80, s22, s12, $0xb8;
	[tilespmem:$0x1D000] =	vst v63  }
0x192: {  	_ =	swait.ge [sflag:s10], $0x4000  }
0x193: {  	[sflag:s10] =	ssyncset.done $0x0  }
0x194: {  	[sflag:s10] =	ssyncadd.s32 $0xFFFFC000  }
0x195: {  	[tilespmem:s14], [sflag:$0x2] =	stream.indirect.gather [hbm4b:s2+s12], $0x80, s23, s12, $0xb8;
	[tilespmem:$0x1D000] =	vst v63  }
0x196: {  	_ =	swait.ge [sflag:s15], $0x4000  }
0x197: {  	[sflag:s15] =	ssyncset.done $0x0  }
0x198: {  	[sflag:s15] =	ssyncadd.s32 $0xFFFFC000  }
0x199: {  	[spmem:s3] =	stream.indirect.scatter.add.f32 [tilespmem:s13], [sflag:$0x3], $0x80, s24, s12, $0xb8;
	[tilespmem:$0x1D000] =	vst v63  }
0x19a: {  	_ =	swait.ge [sflag:s10], $0x4000  }
0x19b: {  	[sflag:s10] =	ssyncset.done $0x0  }
0x19c: {  	[sflag:s10] =	ssyncadd.s32 $0xFFFFC000  }
0x19d: {  	[tilespmem:s13], [sflag:$0x1] =	stream.indirect.gather [hbm4b:s2+s12], $0x80, s25, s12, $0xb8;
	[tilespmem:$0x1D000] =	vst v63  }
0x19e: {  	_ =	swait.ge [sflag:s16], $0x4000  }
0x19f: {  	[sflag:s16] =	ssyncset.done $0x0  }
0x1a0: {  	[sflag:s16] =	ssyncadd.s32 $0xFFFFC000  }
0x1a1: {  	[spmem:s3] =	stream.indirect.scatter.add.f32 [tilespmem:s14], [sflag:$0x3], $0x80, s26, s12, $0xb8;
	[tilespmem:$0x1D000] =	vst v63  }
0x1a2: {  	_ =	swait.ge [sflag:s10], $0x4000  }
0x1a3: {  	[sflag:s10] =	ssyncset.done $0x0  }
0x1a4: {  	[sflag:s10] =	ssyncadd.s32 $0xFFFFC000  }
0x1a5: {  	[tilespmem:s14], [sflag:$0x2] =	stream.indirect.gather [hbm4b:s2+s12], $0x80, s28, s12, $0xb8;
	[tilespmem:$0x1D000] =	vst v63  }
0x1a6: {  	_ =	swait.ge [sflag:s15], $0x4000  }
0x1a7: {  	[sflag:s15] =	ssyncset.done $0x0  }
0x1a8: {  	[sflag:s15] =	ssyncadd.s32 $0xFFFFC000  }
0x1a9: {  	[spmem:s3] =	stream.indirect.scatter.add.f32 [tilespmem:s13], [sflag:$0x3], $0x80, s29, s12, $0xb8;
	[tilespmem:$0x1D000] =	vst v63  }
0x1aa: {  	_ =	swait.ge [sflag:s10], $0x4000  }
0x1ab: {  	[sflag:s10] =	ssyncset.done $0x0  }
0x1ac: {  	[sflag:s10] =	ssyncadd.s32 $0xFFFFC000  }
0x1ad: {  	[tilespmem:s13], [sflag:$0x1] =	stream.indirect.gather [hbm4b:s2+s12], $0x80, s30, s12, $0xb8;
	[tilespmem:$0x1D000] =	vst v63  }
0x1ae: {  	_ =	swait.ge [sflag:s16], $0x4000  }
0x1af: {  	[sflag:s16] =	ssyncset.done $0x0  }
0x1b0: {  	[sflag:s16] =	ssyncadd.s32 $0xFFFFC000  }
0x1b1: {  	[spmem:s3] =	stream.indirect.scatter.add.f32 [tilespmem:s14], [sflag:$0x3], $0x80, s31, s12, $0xb8;
	[tilespmem:$0x1D000] =	vst v63  }
0x1b2: {  	_ =	swait.ge [sflag:s10], $0x4000  }
0x1b3: {  	[sflag:s10] =	ssyncset.done $0x0  }
0x1b4: {  	[sflag:s10] =	ssyncadd.s32 $0xFFFFC000  }
0x1b5: {  	[tilespmem:s14], [sflag:$0x2] =	stream.indirect.gather [hbm4b:s2+s12], $0x80, s1, s12, $0xb8;
	[tilespmem:$0x1D000] =	vst v63  }
0x1b6: {  	_ =	swait.ge [sflag:s15], $0x4000  }
0x1b7: {  	[sflag:s15] =	ssyncset.done $0x0  }
0x1b8: {  	[sflag:s15] =	ssyncadd.s32 $0xFFFFC000  }
0x1b9: {  	[spmem:s3] =	stream.indirect.scatter.add.f32 [tilespmem:s13], [sflag:$0x3], $0x80, s0, s12, $0xb8;
	[tilespmem:$0x1D000] =	vst v63  }
0x1ba: {  	_ =	swait.ge [sflag:s10], $0x4000  }
0x1bb: {  	[sflag:s10] =	ssyncset.done $0x0  }
0x1bc: {  	[sflag:s10] =	ssyncadd.s32 $0xFFFFC000  }
0x1bd: {  	_ =	swait.ge [sflag:s16], $0x4000  }
0x1be: {  	[sflag:s16] =	ssyncset.done $0x0  }
0x1bf: {  	[sflag:s16] =	ssyncadd.s32 $0xFFFFC000  }
0x1c0: {  	[spmem:s3] =	stream.indirect.scatter.add.f32 [tilespmem:s14], [sflag:$0x3], $0x80, s5, s12, $0xb8;
	[tilespmem:$0x1D000] =	vst v63  }
0x1c1: {  	_ =	swait.ge [sflag:s10], $0x4000  }
0x1c2: {  	[sflag:s10] =	ssyncset.done $0x0  }
0x1c3: {  	[sflag:s10] =	ssyncadd.s32 $0xFFFFC000  }
0x1c4: {  	[bflag:$0x0] =	sbarrier.arrive $0xFFFF  }
0x1c5: {  	s7 =	rddreg [dreg:$0x13]  }
0x1c6: {  	s9 =	rddreg [dreg:$0x14]  }
0x1c7: {  	s8 =	rddreg [dreg:$0x16]  }
0x1c8: {  	[hbm:s9], [sflag:s7] =	dma.local [spmem:s8], $0x2800  }
0x1c9: {  	_ =	swait.ge [sflag:s10], $0x2800  }
0x1ca: {  	s6 =	rddreg [dreg:$0x17]  }
0x1cb: {  	s9 =	sadd.s32 $0x1, s6;
	s6 =	rddreg [dreg:$0x15]  }
0x1cc: {  	p0 =	sne.s32 s9, s6  }
.Ltmp1:
0x1cd: {  	_ = 	snop;
	(pc) =	sbr.rel @p0 .LBB2_1-.Ltmp1, $3  }
0x1ce: {  	_ =	sdelay $0x1  }
0x1cf: {  	[sflag:s10] =	ssyncset.done $0x0  }
0x1d0: {  	[sflag:s10] =	ssyncadd.s32 $0xFFFFD800  }
0x1d1: {  	_ =	sfence.sel $0x180000  }
0x1d2: {  	[bflag:$0x0] =	sbarrier.arrive $0xFFFF  }
0x1d3: {  	_ =	strace $0x9000004D  }
0x1d4: {  	s0 =	stileid.u32;
	[bflag:$0x2] =	sbarrier.arrive $0xFFFF  }
0x1d5: {  	p0 =	sne.s32 s0, $0x0;
	s0 =	rddreg [dreg:$0x3]  }
0x1d6: {  	s0 =	sadd.s32 @!p0 $0x100000, s0  }
0x1d7: {  	[sflag:s0] =	ssyncadd.tile.s32 @!p0 $0x1;
	_ =	shalt  }
.Lfunc_end2:
_tile_overlayer_lowered:
.L_overlay_start_2:
0x1d8: {  	(tag) =	ssettag $0x2  }
0x1d9: {  	s0 =	rddreg [dreg:$0x0];
	s2 =	stileid.u32  }
0x1da: {  	s1 =	rddreg [dreg:$0x1];
	p0 =	sne.s32 s2, $0x0  }
0x1db: {  	s3 =	rddreg [dreg:$0x2];
	[bflag:$0x3] =	sbarrier.arrive $0xFFFF;
	s2 =	simm.s32 @!p0 $0x1C03  }
0x1dc: {  	[timem:s3], [sflag:s2] =	dma.local @!p0 [hbm:s0], s1  }
0x1dd: {  	s0 =	simm.s32 @!p0 $0x3  }
0x1de: {  	_ =	swait.ge @!p0 [sflag:s0], s1  }
0x1df: {  	s1 =	ssub.s32 @!p0 $0x0, s1;
	[sflag:s0] =	ssyncset.done @!p0 $0x0  }
0x1e0: {  	[sflag:s0] =	ssyncadd.s32 @!p0 s1  }
0x1e1: {  	[bflag:$0x3] =	sbarrier.arrive $0xFFFF  }
0x1e2: {  	_ =	shalt  }

// kernel: kernel.19.cloned.1.call-start
scs
__scs_entry_jumppad:
0x0: {  	(pc) =	sbr.rel $0x88, $3  }
0x1: {  	(tag) =	ssettag $0x0;
	lr =	simm.s32 $0x1  }
0x2: {  	[smem:$0x3F99] =	sst lr;
	_ =	strace $0xD0000000  }
0x3: {  	_ = 	snop  }
0x4: {  	_ = 	snop  }
0x5: {  	_ = 	snop  }
0x6: {  	_ = 	snop  }
0x7: {  	_ = 	snop  }
__scs_overlays_trampoline_lowered:
0x8: {  	[smem:$0x3FA8] =	sst s0  }
0x9: {  	[smem:$0x3FA9] =	sst s1  }
0xa: {  	[smem:$0x3FAA] =	sst s2  }
0xb: {  	[smem:$0x3FAB] =	sst s3  }
0xc: {  	[smem:$0x3FAC] =	sst s4  }
0xd: {  	[smem:$0x3FAD] =	sst s5  }
0xe: {  	[smem:$0x3FAE] =	sst s6  }
0xf: {  	[smem:$0x3FAF] =	sst s7  }
0x10: {  	[smem:$0x3FB0] =	sst s8  }
0x11: {  	[smem:$0x3FB1] =	sst s9;
	s0 =	simm.s32 @!p0 $0x0  }
0x12: {  	s1 =	sld [smem:$0x3F97];
	s0 =	simm.s32 @p0 $0x1  }
0x13: {  	[smem:$0x3FB2] =	sst s0;
	s0 =	simm.s32 @!p1 $0x0  }
0x14: {  	s2 =	sld [smem:$0x3F96];
	s0 =	simm.s32 @p1 $0x1  }
0x15: {  	[smem:$0x3FB3] =	sst s0;
	s0 =	simm.s32 @!p2 $0x0  }
0x16: {  	s3 =	sld [smem:$0x3FDB];
	s0 =	simm.s32 @p2 $0x1  }
0x17: {  	s4 =	simm.s32 $0x1BF5;
	[smem:$0x3FB5] =	sst s0  }
0x18: {  	s0 =	sld [smem:$0x3F98];
	_ =	swait.ge [sflag:s4], $0x0  }
0x19: {  	s7 =	sld [smem:$0x3F99]  }
0x1a: {  	s8 =	sadd.s32 $0xFFFFE003, lr  }
0x1b: {  	s9 =	sadd.s32 $0xFFFFFEF7, lr;
	s5 =	simm.s32 $0xFFFFFFFF;
	p2 =	slt.u32 s8, $0xFFFFF086  }
0x1c: {  	p1 =	slt.u32 s9, $0xF7A;
	s5 =	simm.s32 @!p2 $0x0  }
0x1d: {  	s5 =	simm.s32 @p1 $0x1;
	p0 =	seq.s32 s7, s2  }
0x1e: {  	s7 =	smul.u32 @!p0 $0xF7A, s2;
	p2 =	seq.s32 @!p0 s5, $0x0  }
0x1f: {  	s9 =	smul.u32 $0xF7A, s1;
	s8 =	simm.s32 @!p0 $0x1BF5;
	p2 =	por !p2, p0  }
0x20: {  	[sflag:s8] =	ssyncset.s32 @!p0 $0xFFFFF086;
	s6 =	sadd.s32 @!p0 s3, s7;
	s7 =	simm.s32 @!p0 $0x108  }
0x21: {  	s3 =	sadd.s32 s3, s9;
	s6 =	sadd.s32 @!p0 $0x88, s6;
	s7 =	simm.s32 @p2 $0x1082  }
0x22: {  	[simem:s7], [sflag:s8] =	dma.local @!p0 [hbm:s6], $0xF7A  }
0x23: {  	s9 =	sor.u32 $0xD0000000, s2;
	s6 =	simm.s32 $0x108;
	_ =	swait.ge @!p0 [sflag:s8], $0x0  }
0x24: {  	s3 =	sadd.s32 $0x88, s3;
	s6 =	simm.s32 @!p1 $0x1082;
	[sflag:s4] =	ssyncset.s32 $0xFFFFF086  }
0x25: {  	[simem:s6], [sflag:s4] =	dma.local [hbm:s3], $0xF7A  }
0x26: {  	[smem:$0x3F99] =	sst s1;
	(tag) =	ssettag s2;
	_ =	strace s9  }
0x27: {  	s1 =	sld [smem:$0x3FA9]  }
0x28: {  	s2 =	sld [smem:$0x3FAA]  }
0x29: {  	s4 =	sld [smem:$0x3FAC]  }
0x2a: {  	p0 =	seq.s32 s5, $0x0;
	s5 =	sld [smem:$0x3FAD]  }
0x2b: {  	s6 =	sld [smem:$0x3FAE]  }
0x2c: {  	s7 =	sld [smem:$0x3FAF]  }
0x2d: {  	s3 =	simm.s32 $0x108;
	s8 =	sld [smem:$0x3FB0]  }
0x2e: {  	s3 =	simm.s32 @!p0 $0x1082;
	s9 =	sld [smem:$0x3FB1]  }
0x2f: {  	lr =	sadd.s32 s0, s3;
	s0 =	sld [smem:$0x3FA8]  }
0x30: {  	s3 =	sld [smem:$0x3FAB]  }
0x31: {  	[smem:$0x3FB4] =	sst s10  }
0x32: {  	s10 =	sld [smem:$0x3FB2];
	_ =	sdelay $0x3  }
0x33: {  	p0 =	seq.s32 s10, $0x1;
	s10 =	sld [smem:$0x3FB4];
	_ =	sdelay $0x3  }
0x34: {  	[smem:$0x3FB4] =	sst s10  }
0x35: {  	s10 =	sld [smem:$0x3FB3];
	_ =	sdelay $0x3  }
0x36: {  	p1 =	seq.s32 s10, $0x1;
	s10 =	sld [smem:$0x3FB4];
	_ =	sdelay $0x3  }
0x37: {  	[smem:$0x3FB4] =	sst s10  }
0x38: {  	s10 =	sld [smem:$0x3FB5]  }
0x39: {  	_ = 	snop;
	(pc) =	sbr.ind lr, $3  }
0x3a: {  	_ = 	snop  }
0x3b: {  	_ = 	snop  }
0x3c: {  	p2 =	seq.s32 s10, $0x1;
	s10 =	sld [smem:$0x3FB4]  }
0x3d: {  	_ =	shalt  }
0x3e: {  	_ =	shalt  }
0x3f: {  	_ =	shalt  }
0x40: {  	_ =	shalt  }
0x41: {  	_ =	shalt  }
0x42: {  	_ =	shalt  }
0x43: {  	_ =	shalt  }
0x44: {  	_ =	shalt  }
0x45: {  	_ =	shalt  }
0x46: {  	_ =	shalt  }
0x47: {  	_ =	shalt  }
0x48: {  	_ =	shalt  }
0x49: {  	_ =	shalt  }
0x4a: {  	_ =	shalt  }
0x4b: {  	_ =	shalt  }
0x4c: {  	_ =	shalt  }
0x4d: {  	_ =	shalt  }
0x4e: {  	_ =	shalt  }
0x4f: {  	_ =	shalt  }
0x50: {  	_ =	shalt  }
0x51: {  	_ =	shalt  }
0x52: {  	_ =	shalt  }
0x53: {  	_ =	shalt  }
0x54: {  	_ =	shalt  }
0x55: {  	_ =	shalt  }
0x56: {  	_ =	shalt  }
0x57: {  	_ =	shalt  }
0x58: {  	_ =	shalt  }
0x59: {  	_ =	shalt  }
0x5a: {  	_ =	shalt  }
0x5b: {  	_ =	shalt  }
0x5c: {  	_ =	shalt  }
0x5d: {  	_ =	shalt  }
0x5e: {  	_ =	shalt  }
0x5f: {  	_ =	shalt  }
0x60: {  	_ =	shalt  }
0x61: {  	_ =	shalt  }
0x62: {  	_ =	shalt  }
0x63: {  	_ =	shalt  }
0x64: {  	_ =	shalt  }
0x65: {  	_ =	shalt  }
0x66: {  	_ =	shalt  }
0x67: {  	_ =	shalt  }
0x68: {  	_ =	shalt  }
0x69: {  	_ =	shalt  }
0x6a: {  	_ =	shalt  }
0x6b: {  	_ =	shalt  }
0x6c: {  	_ =	shalt  }
0x6d: {  	_ =	shalt  }
0x6e: {  	_ =	shalt  }
0x6f: {  	_ =	shalt  }
0x70: {  	_ =	shalt  }
0x71: {  	_ =	shalt  }
0x72: {  	_ =	shalt  }
0x73: {  	_ =	shalt  }
0x74: {  	_ =	shalt  }
0x75: {  	_ =	shalt  }
0x76: {  	_ =	shalt  }
0x77: {  	_ =	shalt  }
0x78: {  	_ =	shalt  }
0x79: {  	_ =	shalt  }
0x7a: {  	_ =	shalt  }
0x7b: {  	_ =	shalt  }
0x7c: {  	_ =	shalt  }
0x7d: {  	_ =	shalt  }
0x7e: {  	_ =	shalt  }
0x7f: {  	_ =	shalt  }
0x80: {  	_ =	shalt  }
0x81: {  	_ =	shalt  }
0x82: {  	_ =	shalt  }
0x83: {  	_ =	shalt  }
0x84: {  	_ =	shalt  }
0x85: {  	_ =	shalt  }
0x86: {  	_ =	shalt  }
0x87: {  	_ =	shalt  }
.Lfunc_end0:
.L_simem_size_0:
called_computation.3_lowered:
.L_overlay_start_0:
0x88: {  	s2 =	sld [smem:$0x3FD9]  }
0x89: {  	s3 =	sld [smem:$0x3FFE];
	_ =	sdelay $0x1  }
0x8a: {  	s1 =	srdreg.scid  }
0x8b: {  	s0 =	sand.u32 $0x1, s1  }
0x8c: {  	s17 =	sshll.u32 s0, $0xA;
	s2 =	sadd.s32 s3, s2  }
0x8d: {  	s2 =	sadd.s32 s2, s17  }
0x8e: {  	[smem:$0x3FC0] =	sst s2  }
0x8f: {  	_ = 	snop  }
0x90: {  	s2 =	sld [smem:$0x3FD0];
	(tm) =	ssettm $0x1  }
0x91: {  	s18 =	sld [smem:$0x3FFB];
	_ =	sdelay $0x3  }
0x92: {  	_ =	strace s18  }
0x93: {  	s3 =	sld [smem:$0x3FFC];
	_ =	sdelay $0x3  }
0x94: {  	_ =	strace s3  }
0x95: {  	s3 =	sld [smem:$0x3FFD];
	_ =	sdelay $0x3  }
0x96: {  	_ =	strace s3  }
0x97: {  	_ =	strace $0x8FFFFFFF  }
0x98: {  	s19 =	sld [smem:$0x3FDB];
	_ =	sdelay $0x1  }
0x99: {  	s4 =	simm.s32 $_scs_section_size  }
0x9a: {  	s5 =	simm.s32 $_size__tile_overlayer_lowered;
	s6 =	simm.s32 $_tile_overlayer_lowered  }
0x9b: {  	s22 =	simm.s32 $0x1BFF;
	s21 =	sshll.u32 s6, $0x1;
	s3 =	sadd.s32 s4, s19  }
0x9c: {  	s7 =	simm.s32 $0x0;
	s20 =	sshll.u32 s5, $0x1;
	s5 =	sadd.s32 s21, s3  }
0x9d: {  	[timem:s7], [sflag:s22] =	dma.local [hbm:s5], s20  }
0x9e: {  	_ =	swait.ge [sflag:s22], s20  }
0x9f: {  	s4 =	ssub.s32 $0x0, s20;
	[sflag:s22] =	ssyncset.done $0x0  }
0xa0: {  	[sflag:s22] =	ssyncadd.s32 s4;
	_ =	sdelay $0x1  }
0xa1: {  	s23 =	simm.s32 $0x1B8B  }
0xa2: {  	_ =	swait.ge [sflag:s23], $0x1  }
0xa3: {  	[sflag:s23] =	ssyncset.done $0x0  }
0xa4: {  	s25 =	simm.s32 $0x1B8E;
	s24 =	sld [smem:$0x3FFE];
	[sflag:s23] =	ssyncadd.s32 $0xFFFFFFFF  }
0xa5: {  	s26 =	simm.s32 $execute0_lowered;
	[smem:$0x3FD2] =	sst s25  }
0xa6: {  	s5 =	sshll.u32 s26, $0x1;
	_ =	strace $0x8000004F;
	[dreg:$0x1] =	wrdreg $0xFFFFFFFF  }
0xa7: {  	s28 =	simm.s32 $_size_execute0_lowered;
	s3 =	sadd.s32 s3, s5;
	[dreg:$0x0] =	wrdreg $0x0  }
0xa8: {  	s5 =	sshll.u32 s28, $0x1;
	[dreg:$0x2] =	wrdreg s3  }
0xa9: {  	[dreg:$0x3] =	wrdreg s5  }
0xaa: {  	[dreg:$0x4] =	wrdreg $0xC0  }
0xab: {  	_ =	task [dreg:s7], $0x5FFFF  }
0xac: {  	[dreg:$0x1] =	wrdreg $0xFFFFFFFF  }
0xad: {  	[dreg:$0x0] =	wrdreg $0x60  }
0xae: {  	[dreg:$0x2] =	wrdreg s2  }
0xaf: {  	[dreg:$0x3] =	wrdreg s24  }
0xb0: {  	[dreg:$0x4] =	wrdreg $0x90000  }
0xb1: {  	[dreg:$0x5] =	wrdreg $0x9  }
0xb2: {  	_ =	task.clear_ibuf [dreg:s7], $0x6FFFF;
	_ =	strace $0x9000004F  }
0xb3: {  	s29 =	simm.s32 $0x9;
	_ =	strace $0x80000051  }
0xb4: {  	_ =	swait.ge [sflag:s29], $0x1  }
0xb5: {  	[sflag:s29] =	ssyncadd.s32 $0xFFFFFFFF  }
0xb6: {  	_ =	strace $0x90000051  }
0xb7: {  	_ =	sfence  }
0xb8: {  	s30 =	sld [smem:$0x0];
	_ =	sdelay $0x2  }
0xb9: {  	s31 =	sshll.u32 s1, $0xD;
	s1 =	sshrl.u32 s1, $0x2  }
0xba: {  	s3 =	sand.u32 $0x4000, s31;
	s1 =	sadd.s32 s1, s30  }
0xbb: {  	s0 =	sor.u32 s3, s0;
	s1 =	sshll.u32 s1, $0x11  }
0xbc: {  	s0 =	sor.u32 s1, s0  }
0xbd: {  	s0 =	sadd.s32 $0x8F2B, s0  }
0xbe: {  	[sflag:s0] =	ssyncadd.remote.s32 $0x1  }
0xbf: {  	_ =	sfence.sel $0xFFFF  }
0xc0: {  	[dreg:$0x0] =	wrdreg $0xFFFFFFFF;
	(pc) =	sbr.abs _section_cstart, $3  }
0xc1: {  	[dreg:$0x1] =	wrdreg $0xFFFFFFFF  }
0xc2: {  	_ =	task.clear_ibuf [dreg:s7], $0x2FFFF;
	_ =	strace $0x9FFFFFFF  }
0xc3: {  	(tm) =	ssettm $0x7FFFFFFF  }
tec
execute0_lowered:
.L_overlay_start_1:
0x0: {  	(tag) =	ssettag $0x1  }
0x1: {  	s2 =	rddreg [dreg:$0x0]  }
0x2: {  	s0 =	srdreg.scid;
	s6 =	rddreg [dreg:$0x1]  }
0x3: {  	s9 =	stileid.u32;
	s3 =	rddreg [dreg:$0x2]  }
0x4: {  	s4 =	simm.s32 $0x0;
	s14 =	simm.s32 $0x100;
	s15 =	simm.s32 $0x880  }
0x5: {  	s17 =	simm.s32 $0x180;
	s18 =	simm.s32 $0x900;
	[smem:$0x7FF] =	sst s4  }
0x6: {  	s19 =	simm.s32 $0x200;
	_ =	strace $0x80000050;
	[dreg:$0x6] =	wrdreg s14  }
0x7: {  	s20 =	simm.s32 $0x980;
	s21 =	simm.s32 $0x280;
	[dreg:$0x7] =	wrdreg s15  }
0x8: {  	s22 =	simm.s32 $0xA00;
	s23 =	simm.s32 $0x300;
	[dreg:$0x8] =	wrdreg s17  }
0x9: {  	s24 =	simm.s32 $0xA80;
	s25 =	simm.s32 $0x380;
	[dreg:$0x9] =	wrdreg s18  }
0xa: {  	s26 =	simm.s32 $0xB00;
	s28 =	simm.s32 $0x680;
	[dreg:$0xa] =	wrdreg s19  }
0xb: {  	s29 =	simm.s32 $0xE00;
	s30 =	simm.s32 $0x700;
	[dreg:$0xb] =	wrdreg s20  }
0xc: {  	s31 =	simm.s32 $0xE80;
	s5 =	smul.u32 $0x2800, s9;
	[dreg:$0xc] =	wrdreg s21  }
0xd: {  	s0 =	sand.u32 $0x1, s0;
	s8 =	smul.u32 $0x14000, s9;
	[dreg:$0xd] =	wrdreg s22  }
0xe: {  	s11 =	smul.u32 $0x50000, s9;
	s16 =	sshll.u32 s9, $0x6;
	[dreg:$0xe] =	wrdreg s23  }
0xf: {  	s9 =	simm.s32 $0x0;
	s1 =	smul.u32 $0x28000, s0;
	[dreg:$0xf] =	wrdreg s24  }
0x10: {  	s7 =	smul.u32 $0x140000, s0;
	s0 =	ssub.s32 $0x2, s0;
	[dreg:$0x10] =	wrdreg s25  }
0x11: {  	s14 =	simm.s32 $0x5000;
	s15 =	simm.s32 $0x1;
	[dreg:$0x11] =	wrdreg s26  }
0x12: {  	s17 =	simm.s32 $0x400;
	s18 =	simm.s32 $0xB80;
	s19 =	simm.s32 $0x480  }
0x13: {  	s20 =	simm.s32 $0xC00;
	s21 =	simm.s32 $0x500;
	s22 =	simm.s32 $0xC80  }
0x14: {  	s23 =	simm.s32 $0x580;
	s24 =	simm.s32 $0xD00;
	s25 =	simm.s32 $0x600  }
0x15: {  	s26 =	simm.s32 $0xD80;
	s10 =	sshrl.u32 s0, $0x1;
	s13 =	sshrl.u32 s11, $0x2  }
0x16: {  	s11 =	simm.s32 $0x800;
	s1 =	sadd.s32 s5, s1;
	s7 =	sadd.s32 s8, s7  }
0x17: {  	s8 =	sadd.s32 $0x16000, s6;
	s0 =	ssub.s32 s0, s10;
	s10 =	simm.s32 $0x3  }
0x18: {  	s1 =	sshrl.u32 s1, $0x3;
	s5 =	sshrl.u32 s7, $0x3;
	[dreg:$0x12] =	wrdreg s8  }
0x19: {  	s7 =	sor.u32 $0x1C03, s16;
	s0 =	smax.u32 s0, $0x1;
	s16 =	simm.s32 $0x2  }
0x1a: {  	s1 =	sadd.s32 s1, s6;
	s5 =	sadd.s32 s5, s6;
	[dreg:$0x15] =	wrdreg s0  }
0x1b: {  	s6 =	sadd.s32 s13, s3;
	[dreg:$0x13] =	wrdreg s7;
	s12 =	sadd.s32 $0x2000, s1  }
0x1c: {  	s13 =	simm.s32 $0x1000;
	s1 =	sadd.s32 $0xC000, s1;
	[dreg:$0x4] =	wrdreg s12  }
0x1d: {  	s0 =	simm.s32 $0xF00;
	s5 =	sadd.s32 $0x18800, s5;
	[dreg:$0x5] =	wrdreg s1  }
0x1e: {  	s8 =	sshrl.u32 s6, $0x3;
	[dreg:$0x14] =	wrdreg s5;
	s12 =	simm.s32 $0x80  }
0x1f: {  	s1 =	simm.s32 $0x780;
	s5 =	simm.s32 $0xF80;
	[dreg:$0x16] =	wrdreg s8  }
.LBB2_1:
0x20: {  	[dreg:$0x17] =	wrdreg s9  }
0x21: {  	s6 =	rddreg [dreg:$0x12]  }
0x22: {  	[spmem:s8], [sflag:s7] =	dma.local [hbm:s6], $0x2800  }
0x23: {  	_ =	swait.ge [sflag:s10], $0x2800  }
0x24: {  	[sflag:s10] =	ssyncset.done $0x0  }
0x25: {  	[sflag:s10] =	ssyncadd.s32 $0xFFFFD800  }
0x26: {  	[bflag:$0x0] =	sbarrier.arrive $0xFFFF  }
0x27: {  	s8 =	rddreg [dreg:$0x5]  }
0x28: {  	s6 =	sadd.s32 $0x0, s8  }
0x29: {  	[tilespmem:s4], [sflag:$0x3] =	stream.linear.gather [hbm4b:s6+s4], $0x800, $0x38;
	[tilespmem:$0x1D000] =	vst v63  }
0x2a: {  	_ =	swait.ge [sflag:s10], $0x800  }
0x2b: {  	s9 =	rddreg [dreg:$0x4];
	[sflag:s10] =	ssyncset.done $0x0  }
0x2c: {  	[sflag:s10] =	ssyncadd.s32 $0xFFFFF800;
	s6 =	sadd.s32 $0x0, s9  }
0x2d: {  	[tilespmem:s11], [sflag:$0x3] =	stream.linear.gather [hbm4b:s6+s4], $0x800, $0x38;
	[tilespmem:$0x1D000] =	vst v63  }
0x2e: {  	_ =	swait.ge [sflag:s10], $0x800  }
0x2f: {  	[sflag:s10] =	ssyncset.done $0x0  }
0x30: {  	[sflag:s10] =	ssyncadd.s32 $0xFFFFF800  }
0x31: {  	[tilespmem:s13], [sflag:$0x1] =	stream.indirect.gather [hbm4b:s2+s12], $0x80, s4, s12, $0xb8;
	[tilespmem:$0x1D000] =	vst v63  }
0x32: {  	_ = 	snop  }
0x33: {  	[tilespmem:s14], [sflag:$0x2] =	stream.indirect.gather [hbm4b:s2+s12], $0x80, s12, s12, $0xb8;
	[tilespmem:$0x1D000] =	vst v63  }
0x34: {  	_ =	swait.ge [sflag:s15], $0x4000  }
0x35: {  	[sflag:s15] =	ssyncset.done $0x0  }
0x36: {  	[sflag:s15] =	ssyncadd.s32 $0xFFFFC000  }
0x37: {  	[spmem:s3] =	stream.indirect.scatter.add.f32 [tilespmem:s13], [sflag:$0x3], $0x80, s11, s12, $0xb8;
	[tilespmem:$0x1D000] =	vst v63  }
0x38: {  	_ =	swait.ge [sflag:s10], $0x4000  }
0x39: {  	[sflag:s10] =	ssyncset.done $0x0  }
0x3a: {  	s7 =	rddreg [dreg:$0x6];
	[sflag:s10] =	ssyncadd.s32 $0xFFFFC000  }
0x3b: {  	[tilespmem:s13], [sflag:$0x1] =	stream.indirect.gather [hbm4b:s2+s12], $0x80, s7, s12, $0xb8;
	[tilespmem:$0x1D000] =	vst v63  }
0x3c: {  	_ =	swait.ge [sflag:s16], $0x4000  }
0x3d: {  	[sflag:s16] =	ssyncset.done $0x0  }
0x3e: {  	s8 =	rddreg [dreg:$0x7];
	[sflag:s16] =	ssyncadd.s32 $0xFFFFC000  }
0x3f: {  	[spmem:s3] =	stream.indirect.scatter.add.f32 [tilespmem:s14], [sflag:$0x3], $0x80, s8, s12, $0xb8;
	[tilespmem:$0x1D000] =	vst v63  }
0x40: {  	_ =	swait.ge [sflag:s10], $0x4000  }
0x41: {  	[sflag:s10] =	ssyncset.done $0x0  }
0x42: {  	s9 =	rddreg [dreg:$0x8];
	[sflag:s10] =	ssyncadd.s32 $0xFFFFC000  }
0x43: {  	[tilespmem:s14], [sflag:$0x2] =	stream.indirect.gather [hbm4b:s2+s12], $0x80, s9, s12, $0xb8;
	[tilespmem:$0x1D000] =	vst v63  }
0x44: {  	_ =	swait.ge [sflag:s15], $0x4000  }
0x45: {  	[sflag:s15] =	ssyncset.done $0x0  }
0x46: {  	s7 =	rddreg [dreg:$0x9];
	[sflag:s15] =	ssyncadd.s32 $0xFFFFC000  }
0x47: {  	[spmem:s3] =	stream.indirect.scatter.add.f32 [tilespmem:s13], [sflag:$0x3], $0x80, s7, s12, $0xb8;
	[tilespmem:$0x1D000] =	vst v63  }
0x48: {  	_ =	swait.ge [sflag:s10], $0x4000  }
0x49: {  	[sflag:s10] =	ssyncset.done $0x0  }
0x4a: {  	s8 =	rddreg [dreg:$0xa];
	[sflag:s10] =	ssyncadd.s32 $0xFFFFC000  }
0x4b: {  	[tilespmem:s13], [sflag:$0x1] =	stream.indirect.gather [hbm4b:s2+s12], $0x80, s8, s12, $0xb8;
	[tilespmem:$0x1D000] =	vst v63  }
0x4c: {  	_ =	swait.ge [sflag:s16], $0x4000  }
0x4d: {  	[sflag:s16] =	ssyncset.done $0x0  }
0x4e: {  	s9 =	rddreg [dreg:$0xb];
	[sflag:s16] =	ssyncadd.s32 $0xFFFFC000  }
0x4f: {  	[spmem:s3] =	stream.indirect.scatter.add.f32 [tilespmem:s14], [sflag:$0x3], $0x80, s9, s12, $0xb8;
	[tilespmem:$0x1D000] =	vst v63  }
0x50: {  	_ =	swait.ge [sflag:s10], $0x4000  }
0x51: {  	[sflag:s10] =	ssyncset.done $0x0  }
0x52: {  	s7 =	rddreg [dreg:$0xc];
	[sflag:s10] =	ssyncadd.s32 $0xFFFFC000  }
0x53: {  	[tilespmem:s14], [sflag:$0x2] =	stream.indirect.gather [hbm4b:s2+s12], $0x80, s7, s12, $0xb8;
	[tilespmem:$0x1D000] =	vst v63  }
0x54: {  	_ =	swait.ge [sflag:s15], $0x4000  }
0x55: {  	[sflag:s15] =	ssyncset.done $0x0  }
0x56: {  	s8 =	rddreg [dreg:$0xd];
	[sflag:s15] =	ssyncadd.s32 $0xFFFFC000  }
0x57: {  	[spmem:s3] =	stream.indirect.scatter.add.f32 [tilespmem:s13], [sflag:$0x3], $0x80, s8, s12, $0xb8;
	[tilespmem:$0x1D000] =	vst v63  }
0x58: {  	_ =	swait.ge [sflag:s10], $0x4000  }
0x59: {  	[sflag:s10] =	ssyncset.done $0x0  }
0x5a: {  	s9 =	rddreg [dreg:$0xe];
	[sflag:s10] =	ssyncadd.s32 $0xFFFFC000  }
0x5b: {  	[tilespmem:s13], [sflag:$0x1] =	stream.indirect.gather [hbm4b:s2+s12], $0x80, s9, s12, $0xb8;
	[tilespmem:$0x1D000] =	vst v63  }
0x5c: {  	_ =	swait.ge [sflag:s16], $0x4000  }
0x5d: {  	[sflag:s16] =	ssyncset.done $0x0  }
0x5e: {  	s7 =	rddreg [dreg:$0xf];
	[sflag:s16] =	ssyncadd.s32 $0xFFFFC000  }
0x5f: {  	[spmem:s3] =	stream.indirect.scatter.add.f32 [tilespmem:s14], [sflag:$0x3], $0x80, s7, s12, $0xb8;
	[tilespmem:$0x1D000] =	vst v63  }
0x60: {  	_ =	swait.ge [sflag:s10], $0x4000  }
0x61: {  	[sflag:s10] =	ssyncset.done $0x0  }
0x62: {  	s8 =	rddreg [dreg:$0x10];
	[sflag:s10] =	ssyncadd.s32 $0xFFFFC000  }
0x63: {  	[tilespmem:s14], [sflag:$0x2] =	stream.indirect.gather [hbm4b:s2+s12], $0x80, s8, s12, $0xb8;
	[tilespmem:$0x1D000] =	vst v63  }
0x64: {  	_ =	swait.ge [sflag:s15], $0x4000  }
0x65: {  	[sflag:s15] =	ssyncset.done $0x0  }
0x66: {  	s9 =	rddreg [dreg:$0x11];
	[sflag:s15] =	ssyncadd.s32 $0xFFFFC000  }
0x67: {  	[spmem:s3] =	stream.indirect.scatter.add.f32 [tilespmem:s13], [sflag:$0x3], $0x80, s9, s12, $0xb8;
	[tilespmem:$0x1D000] =	vst v63  }
0x68: {  	_ =	swait.ge [sflag:s10], $0x4000  }
0x69: {  	[sflag:s10] =	ssyncset.done $0x0  }
0x6a: {  	[sflag:s10] =	ssyncadd.s32 $0xFFFFC000  }
0x6b: {  	[tilespmem:s13], [sflag:$0x1] =	stream.indirect.gather [hbm4b:s2+s12], $0x80, s17, s12, $0xb8;
	[tilespmem:$0x1D000] =	vst v63  }
0x6c: {  	_ =	swait.ge [sflag:s16], $0x4000  }
0x6d: {  	[sflag:s16] =	ssyncset.done $0x0  }
0x6e: {  	[sflag:s16] =	ssyncadd.s32 $0xFFFFC000  }
0x6f: {  	[spmem:s3] =	stream.indirect.scatter.add.f32 [tilespmem:s14], [sflag:$0x3], $0x80, s18, s12, $0xb8;
	[tilespmem:$0x1D000] =	vst v63  }
0x70: {  	_ =	swait.ge [sflag:s10], $0x4000  }
0x71: {  	[sflag:s10] =	ssyncset.done $0x0  }
0x72: {  	[sflag:s10] =	ssyncadd.s32 $0xFFFFC000  }
0x73: {  	[tilespmem:s14], [sflag:$0x2] =	stream.indirect.gather [hbm4b:s2+s12], $0x80, s19, s12, $0xb8;
	[tilespmem:$0x1D000] =	vst v63  }
0x74: {  	_ =	swait.ge [sflag:s15], $0x4000  }
0x75: {  	[sflag:s15] =	ssyncset.done $0x0  }
0x76: {  	[sflag:s15] =	ssyncadd.s32 $0xFFFFC000  }
0x77: {  	[spmem:s3] =	stream.indirect.scatter.add.f32 [tilespmem:s13], [sflag:$0x3], $0x80, s20, s12, $0xb8;
	[tilespmem:$0x1D000] =	vst v63  }
0x78: {  	_ =	swait.ge [sflag:s10], $0x4000  }
0x79: {  	[sflag:s10] =	ssyncset.done $0x0  }
0x7a: {  	[sflag:s10] =	ssyncadd.s32 $0xFFFFC000  }
0x7b: {  	[tilespmem:s13], [sflag:$0x1] =	stream.indirect.gather [hbm4b:s2+s12], $0x80, s21, s12, $0xb8;
	[tilespmem:$0x1D000] =	vst v63  }
0x7c: {  	_ =	swait.ge [sflag:s16], $0x4000  }
0x7d: {  	[sflag:s16] =	ssyncset.done $0x0  }
0x7e: {  	[sflag:s16] =	ssyncadd.s32 $0xFFFFC000  }
0x7f: {  	[spmem:s3] =	stream.indirect.scatter.add.f32 [tilespmem:s14], [sflag:$0x3], $0x80, s22, s12, $0xb8;
	[tilespmem:$0x1D000] =	vst v63  }
0x80: {  	_ =	swait.ge [sflag:s10], $0x4000  }
0x81: {  	[sflag:s10] =	ssyncset.done $0x0  }
0x82: {  	[sflag:s10] =	ssyncadd.s32 $0xFFFFC000  }
0x83: {  	[tilespmem:s14], [sflag:$0x2] =	stream.indirect.gather [hbm4b:s2+s12], $0x80, s23, s12, $0xb8;
	[tilespmem:$0x1D000] =	vst v63  }
0x84: {  	_ =	swait.ge [sflag:s15], $0x4000  }
0x85: {  	[sflag:s15] =	ssyncset.done $0x0  }
0x86: {  	[sflag:s15] =	ssyncadd.s32 $0xFFFFC000  }
0x87: {  	[spmem:s3] =	stream.indirect.scatter.add.f32 [tilespmem:s13], [sflag:$0x3], $0x80, s24, s12, $0xb8;
	[tilespmem:$0x1D000] =	vst v63  }
0x88: {  	_ =	swait.ge [sflag:s10], $0x4000  }
0x89: {  	[sflag:s10] =	ssyncset.done $0x0  }
0x8a: {  	[sflag:s10] =	ssyncadd.s32 $0xFFFFC000  }
0x8b: {  	[tilespmem:s13], [sflag:$0x1] =	stream.indirect.gather [hbm4b:s2+s12], $0x80, s25, s12, $0xb8;
	[tilespmem:$0x1D000] =	vst v63  }
0x8c: {  	_ =	swait.ge [sflag:s16], $0x4000  }
0x8d: {  	[sflag:s16] =	ssyncset.done $0x0  }
0x8e: {  	[sflag:s16] =	ssyncadd.s32 $0xFFFFC000  }
0x8f: {  	[spmem:s3] =	stream.indirect.scatter.add.f32 [tilespmem:s14], [sflag:$0x3], $0x80, s26, s12, $0xb8;
	[tilespmem:$0x1D000] =	vst v63  }
0x90: {  	_ =	swait.ge [sflag:s10], $0x4000  }
0x91: {  	[sflag:s10] =	ssyncset.done $0x0  }
0x92: {  	[sflag:s10] =	ssyncadd.s32 $0xFFFFC000  }
0x93: {  	[tilespmem:s14], [sflag:$0x2] =	stream.indirect.gather [hbm4b:s2+s12], $0x80, s28, s12, $0xb8;
	[tilespmem:$0x1D000] =	vst v63  }
0x94: {  	_ =	swait.ge [sflag:s15], $0x4000  }
0x95: {  	[sflag:s15] =	ssyncset.done $0x0  }
0x96: {  	[sflag:s15] =	ssyncadd.s32 $0xFFFFC000  }
0x97: {  	[spmem:s3] =	stream.indirect.scatter.add.f32 [tilespmem:s13], [sflag:$0x3], $0x80, s29, s12, $0xb8;
	[tilespmem:$0x1D000] =	vst v63  }
0x98: {  	_ =	swait.ge [sflag:s10], $0x4000  }
0x99: {  	[sflag:s10] =	ssyncset.done $0x0  }
0x9a: {  	[sflag:s10] =	ssyncadd.s32 $0xFFFFC000  }
0x9b: {  	[tilespmem:s13], [sflag:$0x1] =	stream.indirect.gather [hbm4b:s2+s12], $0x80, s30, s12, $0xb8;
	[tilespmem:$0x1D000] =	vst v63  }
0x9c: {  	_ =	swait.ge [sflag:s16], $0x4000  }
0x9d: {  	[sflag:s16] =	ssyncset.done $0x0  }
0x9e: {  	[sflag:s16] =	ssyncadd.s32 $0xFFFFC000  }
0x9f: {  	[spmem:s3] =	stream.indirect.scatter.add.f32 [tilespmem:s14], [sflag:$0x3], $0x80, s31, s12, $0xb8;
	[tilespmem:$0x1D000] =	vst v63  }
0xa0: {  	_ =	swait.ge [sflag:s10], $0x4000  }
0xa1: {  	[sflag:s10] =	ssyncset.done $0x0  }
0xa2: {  	[sflag:s10] =	ssyncadd.s32 $0xFFFFC000  }
0xa3: {  	[tilespmem:s14], [sflag:$0x2] =	stream.indirect.gather [hbm4b:s2+s12], $0x80, s1, s12, $0xb8;
	[tilespmem:$0x1D000] =	vst v63  }
0xa4: {  	_ =	swait.ge [sflag:s15], $0x4000  }
0xa5: {  	[sflag:s15] =	ssyncset.done $0x0  }
0xa6: {  	[sflag:s15] =	ssyncadd.s32 $0xFFFFC000  }
0xa7: {  	[spmem:s3] =	stream.indirect.scatter.add.f32 [tilespmem:s13], [sflag:$0x3], $0x80, s0, s12, $0xb8;
	[tilespmem:$0x1D000] =	vst v63  }
0xa8: {  	_ =	swait.ge [sflag:s10], $0x4000  }
0xa9: {  	[sflag:s10] =	ssyncset.done $0x0  }
0xaa: {  	[sflag:s10] =	ssyncadd.s32 $0xFFFFC000  }
0xab: {  	_ =	swait.ge [sflag:s16], $0x4000  }
0xac: {  	[sflag:s16] =	ssyncset.done $0x0  }
0xad: {  	[sflag:s16] =	ssyncadd.s32 $0xFFFFC000  }
0xae: {  	[spmem:s3] =	stream.indirect.scatter.add.f32 [tilespmem:s14], [sflag:$0x3], $0x80, s5, s12, $0xb8;
	[tilespmem:$0x1D000] =	vst v63  }
0xaf: {  	s6 =	simm.s32 $0x200;
	_ =	swait.ge [sflag:s10], $0x4000  }
0xb0: {  	s8 =	simm.s32 $0x100;
	s9 =	rddreg [dreg:$0x5];
	[sflag:s10] =	ssyncset.done $0x0  }
.LBB2_2:
0xb1: {  	[sflag:s10] =	ssyncadd.s32 $0xFFFFC000;
	s9 =	sadd.s32 s8, s9  }
0xb2: {  	[tilespmem:s4], [sflag:$0x3] =	stream.linear.gather [hbm4b:s9+s4], $0x800, $0x38;
	[tilespmem:$0x1D000] =	vst v63  }
0xb3: {  	_ =	swait.ge [sflag:s10], $0x800  }
0xb4: {  	s9 =	rddreg [dreg:$0x4];
	[sflag:s10] =	ssyncset.done $0x0  }
0xb5: {  	[sflag:s10] =	ssyncadd.s32 $0xFFFFF800;
	s9 =	sadd.s32 s8, s9  }
0xb6: {  	[tilespmem:s11], [sflag:$0x3] =	stream.linear.gather [hbm4b:s9+s4], $0x800, $0x38;
	[tilespmem:$0x1D000] =	vst v63  }
0xb7: {  	_ =	swait.ge [sflag:s10], $0x800  }
0xb8: {  	[sflag:s10] =	ssyncset.done $0x0  }
0xb9: {  	[sflag:s10] =	ssyncadd.s32 $0xFFFFF800  }
0xba: {  	[tilespmem:s13], [sflag:$0x1] =	stream.indirect.gather [hbm4b:s2+s12], $0x80, s4, s12, $0xb8;
	[tilespmem:$0x1D000] =	vst v63  }
0xbb: {  	_ = 	snop  }
0xbc: {  	[tilespmem:s14], [sflag:$0x2] =	stream.indirect.gather [hbm4b:s2+s12], $0x80, s12, s12, $0xb8;
	[tilespmem:$0x1D000] =	vst v63  }
0xbd: {  	_ =	swait.ge [sflag:s15], $0x4000  }
0xbe: {  	[sflag:s15] =	ssyncset.done $0x0  }
0xbf: {  	[sflag:s15] =	ssyncadd.s32 $0xFFFFC000  }
0xc0: {  	[spmem:s3] =	stream.indirect.scatter.add.f32 [tilespmem:s13], [sflag:$0x3], $0x80, s11, s12, $0xb8;
	[tilespmem:$0x1D000] =	vst v63  }
0xc1: {  	_ =	swait.ge [sflag:s10], $0x4000  }
0xc2: {  	[sflag:s10] =	ssyncset.done $0x0  }
0xc3: {  	s9 =	rddreg [dreg:$0x6];
	[sflag:s10] =	ssyncadd.s32 $0xFFFFC000  }
0xc4: {  	[tilespmem:s13], [sflag:$0x1] =	stream.indirect.gather [hbm4b:s2+s12], $0x80, s9, s12, $0xb8;
	[tilespmem:$0x1D000] =	vst v63  }
0xc5: {  	_ =	swait.ge [sflag:s16], $0x4000  }
0xc6: {  	[sflag:s16] =	ssyncset.done $0x0  }
0xc7: {  	s9 =	rddreg [dreg:$0x7];
	[sflag:s16] =	ssyncadd.s32 $0xFFFFC000  }
0xc8: {  	[spmem:s3] =	stream.indirect.scatter.add.f32 [tilespmem:s14], [sflag:$0x3], $0x80, s9, s12, $0xb8;
	[tilespmem:$0x1D000] =	vst v63  }
0xc9: {  	_ =	swait.ge [sflag:s10], $0x4000  }
0xca: {  	[sflag:s10] =	ssyncset.done $0x0  }
0xcb: {  	s9 =	rddreg [dreg:$0x8];
	[sflag:s10] =	ssyncadd.s32 $0xFFFFC000  }
0xcc: {  	[tilespmem:s14], [sflag:$0x2] =	stream.indirect.gather [hbm4b:s2+s12], $0x80, s9, s12, $0xb8;
	[tilespmem:$0x1D000] =	vst v63  }
0xcd: {  	_ =	swait.ge [sflag:s15], $0x4000  }
0xce: {  	[sflag:s15] =	ssyncset.done $0x0  }
0xcf: {  	s9 =	rddreg [dreg:$0x9];
	[sflag:s15] =	ssyncadd.s32 $0xFFFFC000  }
0xd0: {  	[spmem:s3] =	stream.indirect.scatter.add.f32 [tilespmem:s13], [sflag:$0x3], $0x80, s9, s12, $0xb8;
	[tilespmem:$0x1D000] =	vst v63  }
0xd1: {  	_ =	swait.ge [sflag:s10], $0x4000  }
0xd2: {  	[sflag:s10] =	ssyncset.done $0x0  }
0xd3: {  	s9 =	rddreg [dreg:$0xa];
	[sflag:s10] =	ssyncadd.s32 $0xFFFFC000  }
0xd4: {  	[tilespmem:s13], [sflag:$0x1] =	stream.indirect.gather [hbm4b:s2+s12], $0x80, s9, s12, $0xb8;
	[tilespmem:$0x1D000] =	vst v63  }
0xd5: {  	_ =	swait.ge [sflag:s16], $0x4000  }
0xd6: {  	[sflag:s16] =	ssyncset.done $0x0  }
0xd7: {  	s9 =	rddreg [dreg:$0xb];
	[sflag:s16] =	ssyncadd.s32 $0xFFFFC000  }
0xd8: {  	[spmem:s3] =	stream.indirect.scatter.add.f32 [tilespmem:s14], [sflag:$0x3], $0x80, s9, s12, $0xb8;
	[tilespmem:$0x1D000] =	vst v63  }
0xd9: {  	_ =	swait.ge [sflag:s10], $0x4000  }
0xda: {  	[sflag:s10] =	ssyncset.done $0x0  }
0xdb: {  	s9 =	rddreg [dreg:$0xc];
	[sflag:s10] =	ssyncadd.s32 $0xFFFFC000  }
0xdc: {  	[tilespmem:s14], [sflag:$0x2] =	stream.indirect.gather [hbm4b:s2+s12], $0x80, s9, s12, $0xb8;
	[tilespmem:$0x1D000] =	vst v63  }
0xdd: {  	_ =	swait.ge [sflag:s15], $0x4000  }
0xde: {  	[sflag:s15] =	ssyncset.done $0x0  }
0xdf: {  	s9 =	rddreg [dreg:$0xd];
	[sflag:s15] =	ssyncadd.s32 $0xFFFFC000  }
0xe0: {  	[spmem:s3] =	stream.indirect.scatter.add.f32 [tilespmem:s13], [sflag:$0x3], $0x80, s9, s12, $0xb8;
	[tilespmem:$0x1D000] =	vst v63  }
0xe1: {  	_ =	swait.ge [sflag:s10], $0x4000  }
0xe2: {  	[sflag:s10] =	ssyncset.done $0x0  }
0xe3: {  	s9 =	rddreg [dreg:$0xe];
	[sflag:s10] =	ssyncadd.s32 $0xFFFFC000  }
0xe4: {  	[tilespmem:s13], [sflag:$0x1] =	stream.indirect.gather [hbm4b:s2+s12], $0x80, s9, s12, $0xb8;
	[tilespmem:$0x1D000] =	vst v63  }
0xe5: {  	_ =	swait.ge [sflag:s16], $0x4000  }
0xe6: {  	[sflag:s16] =	ssyncset.done $0x0  }
0xe7: {  	s9 =	rddreg [dreg:$0xf];
	[sflag:s16] =	ssyncadd.s32 $0xFFFFC000  }
0xe8: {  	[spmem:s3] =	stream.indirect.scatter.add.f32 [tilespmem:s14], [sflag:$0x3], $0x80, s9, s12, $0xb8;
	[tilespmem:$0x1D000] =	vst v63  }
0xe9: {  	_ =	swait.ge [sflag:s10], $0x4000  }
0xea: {  	[sflag:s10] =	ssyncset.done $0x0  }
0xeb: {  	s9 =	rddreg [dreg:$0x10];
	[sflag:s10] =	ssyncadd.s32 $0xFFFFC000  }
0xec: {  	[tilespmem:s14], [sflag:$0x2] =	stream.indirect.gather [hbm4b:s2+s12], $0x80, s9, s12, $0xb8;
	[tilespmem:$0x1D000] =	vst v63  }
0xed: {  	_ =	swait.ge [sflag:s15], $0x4000  }
0xee: {  	[sflag:s15] =	ssyncset.done $0x0  }
0xef: {  	s9 =	rddreg [dreg:$0x11];
	[sflag:s15] =	ssyncadd.s32 $0xFFFFC000  }
0xf0: {  	[spmem:s3] =	stream.indirect.scatter.add.f32 [tilespmem:s13], [sflag:$0x3], $0x80, s9, s12, $0xb8;
	[tilespmem:$0x1D000] =	vst v63  }
0xf1: {  	_ =	swait.ge [sflag:s10], $0x4000  }
0xf2: {  	[sflag:s10] =	ssyncset.done $0x0  }
0xf3: {  	[sflag:s10] =	ssyncadd.s32 $0xFFFFC000  }
0xf4: {  	[tilespmem:s13], [sflag:$0x1] =	stream.indirect.gather [hbm4b:s2+s12], $0x80, s17, s12, $0xb8;
	[tilespmem:$0x1D000] =	vst v63  }
0xf5: {  	_ =	swait.ge [sflag:s16], $0x4000  }
0xf6: {  	[sflag:s16] =	ssyncset.done $0x0  }
0xf7: {  	[sflag:s16] =	ssyncadd.s32 $0xFFFFC000  }
0xf8: {  	[spmem:s3] =	stream.indirect.scatter.add.f32 [tilespmem:s14], [sflag:$0x3], $0x80, s18, s12, $0xb8;
	[tilespmem:$0x1D000] =	vst v63  }
0xf9: {  	_ =	swait.ge [sflag:s10], $0x4000  }
0xfa: {  	[sflag:s10] =	ssyncset.done $0x0  }
0xfb: {  	[sflag:s10] =	ssyncadd.s32 $0xFFFFC000  }
0xfc: {  	[tilespmem:s14], [sflag:$0x2] =	stream.indirect.gather [hbm4b:s2+s12], $0x80, s19, s12, $0xb8;
	[tilespmem:$0x1D000] =	vst v63  }
0xfd: {  	_ =	swait.ge [sflag:s15], $0x4000  }
0xfe: {  	[sflag:s15] =	ssyncset.done $0x0  }
0xff: {  	[sflag:s15] =	ssyncadd.s32 $0xFFFFC000  }
0x100: {  	[spmem:s3] =	stream.indirect.scatter.add.f32 [tilespmem:s13], [sflag:$0x3], $0x80, s20, s12, $0xb8;
	[tilespmem:$0x1D000] =	vst v63  }
0x101: {  	_ =	swait.ge [sflag:s10], $0x4000  }
0x102: {  	[sflag:s10] =	ssyncset.done $0x0  }
0x103: {  	[sflag:s10] =	ssyncadd.s32 $0xFFFFC000  }
0x104: {  	[tilespmem:s13], [sflag:$0x1] =	stream.indirect.gather [hbm4b:s2+s12], $0x80, s21, s12, $0xb8;
	[tilespmem:$0x1D000] =	vst v63  }
0x105: {  	_ =	swait.ge [sflag:s16], $0x4000  }
0x106: {  	[sflag:s16] =	ssyncset.done $0x0  }
0x107: {  	[sflag:s16] =	ssyncadd.s32 $0xFFFFC000  }
0x108: {  	[spmem:s3] =	stream.indirect.scatter.add.f32 [tilespmem:s14], [sflag:$0x3], $0x80, s22, s12, $0xb8;
	[tilespmem:$0x1D000] =	vst v63  }
0x109: {  	_ =	swait.ge [sflag:s10], $0x4000  }
0x10a: {  	[sflag:s10] =	ssyncset.done $0x0  }
0x10b: {  	[sflag:s10] =	ssyncadd.s32 $0xFFFFC000  }
0x10c: {  	[tilespmem:s14], [sflag:$0x2] =	stream.indirect.gather [hbm4b:s2+s12], $0x80, s23, s12, $0xb8;
	[tilespmem:$0x1D000] =	vst v63  }
0x10d: {  	_ =	swait.ge [sflag:s15], $0x4000  }
0x10e: {  	[sflag:s15] =	ssyncset.done $0x0  }
0x10f: {  	[sflag:s15] =	ssyncadd.s32 $0xFFFFC000  }
0x110: {  	[spmem:s3] =	stream.indirect.scatter.add.f32 [tilespmem:s13], [sflag:$0x3], $0x80, s24, s12, $0xb8;
	[tilespmem:$0x1D000] =	vst v63  }
0x111: {  	_ =	swait.ge [sflag:s10], $0x4000  }
0x112: {  	[sflag:s10] =	ssyncset.done $0x0  }
0x113: {  	[sflag:s10] =	ssyncadd.s32 $0xFFFFC000  }
0x114: {  	[tilespmem:s13], [sflag:$0x1] =	stream.indirect.gather [hbm4b:s2+s12], $0x80, s25, s12, $0xb8;
	[tilespmem:$0x1D000] =	vst v63  }
0x115: {  	_ =	swait.ge [sflag:s16], $0x4000  }
0x116: {  	[sflag:s16] =	ssyncset.done $0x0  }
0x117: {  	[sflag:s16] =	ssyncadd.s32 $0xFFFFC000  }
0x118: {  	[spmem:s3] =	stream.indirect.scatter.add.f32 [tilespmem:s14], [sflag:$0x3], $0x80, s26, s12, $0xb8;
	[tilespmem:$0x1D000] =	vst v63  }
0x119: {  	_ =	swait.ge [sflag:s10], $0x4000  }
0x11a: {  	[sflag:s10] =	ssyncset.done $0x0  }
0x11b: {  	[sflag:s10] =	ssyncadd.s32 $0xFFFFC000  }
0x11c: {  	[tilespmem:s14], [sflag:$0x2] =	stream.indirect.gather [hbm4b:s2+s12], $0x80, s28, s12, $0xb8;
	[tilespmem:$0x1D000] =	vst v63  }
0x11d: {  	_ =	swait.ge [sflag:s15], $0x4000  }
0x11e: {  	[sflag:s15] =	ssyncset.done $0x0  }
0x11f: {  	[sflag:s15] =	ssyncadd.s32 $0xFFFFC000  }
0x120: {  	[spmem:s3] =	stream.indirect.scatter.add.f32 [tilespmem:s13], [sflag:$0x3], $0x80, s29, s12, $0xb8;
	[tilespmem:$0x1D000] =	vst v63  }
0x121: {  	_ =	swait.ge [sflag:s10], $0x4000  }
0x122: {  	[sflag:s10] =	ssyncset.done $0x0  }
0x123: {  	[sflag:s10] =	ssyncadd.s32 $0xFFFFC000  }
0x124: {  	[tilespmem:s13], [sflag:$0x1] =	stream.indirect.gather [hbm4b:s2+s12], $0x80, s30, s12, $0xb8;
	[tilespmem:$0x1D000] =	vst v63  }
0x125: {  	_ =	swait.ge [sflag:s16], $0x4000  }
0x126: {  	[sflag:s16] =	ssyncset.done $0x0  }
0x127: {  	[sflag:s16] =	ssyncadd.s32 $0xFFFFC000  }
0x128: {  	[spmem:s3] =	stream.indirect.scatter.add.f32 [tilespmem:s14], [sflag:$0x3], $0x80, s31, s12, $0xb8;
	[tilespmem:$0x1D000] =	vst v63  }
0x129: {  	_ =	swait.ge [sflag:s10], $0x4000  }
0x12a: {  	[sflag:s10] =	ssyncset.done $0x0  }
0x12b: {  	[sflag:s10] =	ssyncadd.s32 $0xFFFFC000  }
0x12c: {  	[tilespmem:s14], [sflag:$0x2] =	stream.indirect.gather [hbm4b:s2+s12], $0x80, s1, s12, $0xb8;
	[tilespmem:$0x1D000] =	vst v63  }
0x12d: {  	_ =	swait.ge [sflag:s15], $0x4000  }
0x12e: {  	[sflag:s15] =	ssyncset.done $0x0  }
0x12f: {  	[sflag:s15] =	ssyncadd.s32 $0xFFFFC000  }
0x130: {  	[spmem:s3] =	stream.indirect.scatter.add.f32 [tilespmem:s13], [sflag:$0x3], $0x80, s0, s12, $0xb8;
	[tilespmem:$0x1D000] =	vst v63  }
0x131: {  	_ =	swait.ge [sflag:s10], $0x4000  }
0x132: {  	[sflag:s10] =	ssyncset.done $0x0  }
0x133: {  	[sflag:s10] =	ssyncadd.s32 $0xFFFFC000  }
0x134: {  	p0 =	sne.s32 s6, $0x400;
	_ =	swait.ge [sflag:s16], $0x4000  }
.Ltmp0:
0x135: {  	[sflag:s16] =	ssyncset.done $0x0;
	(pc) =	sbr.rel @p0 .LBB2_2-.Ltmp0, $4  }
0x136: {  	[sflag:s16] =	ssyncadd.s32 $0xFFFFC000  }
0x137: {  	[spmem:s3] =	stream.indirect.scatter.add.f32 [tilespmem:s14], [sflag:$0x3], $0x80, s5, s12, $0xb8;
	[tilespmem:$0x1D000] =	vst v63  }
0x138: {  	s7 =	smov.u32 s6;
	s6 =	sadd.s32 $0x100, s6;
	_ =	swait.ge [sflag:s10], $0x4000  }
0x139: {  	s8 =	smov.u32 s7;
	s9 =	rddreg [dreg:$0x5];
	[sflag:s10] =	ssyncset.done $0x0  }
0x13a: {  	[sflag:s10] =	ssyncadd.s32 $0xFFFFC000;
	s6 =	sadd.s32 s8, s9  }
0x13b: {  	[tilespmem:s4], [sflag:$0x3] =	stream.linear.gather [hbm4b:s6+s4], $0x800, $0x38;
	[tilespmem:$0x1D000] =	vst v63  }
0x13c: {  	_ =	swait.ge [sflag:s10], $0x800  }
0x13d: {  	s7 =	rddreg [dreg:$0x4];
	[sflag:s10] =	ssyncset.done $0x0  }
0x13e: {  	s6 =	sadd.s32 s8, s7;
	[sflag:s10] =	ssyncadd.s32 $0xFFFFF800  }
0x13f: {  	[tilespmem:s11], [sflag:$0x3] =	stream.linear.gather [hbm4b:s6+s4], $0x800, $0x38;
	[tilespmem:$0x1D000] =	vst v63  }
0x140: {  	_ =	swait.ge [sflag:s10], $0x800  }
0x141: {  	[sflag:s10] =	ssyncset.done $0x0  }
0x142: {  	[sflag:s10] =	ssyncadd.s32 $0xFFFFF800  }
0x143: {  	[tilespmem:s13], [sflag:$0x1] =	stream.indirect.gather [hbm4b:s2+s12], $0x80, s4, s12, $0xb8;
	[tilespmem:$0x1D000] =	vst v63  }
0x144: {  	_ = 	snop  }
0x145: {  	[tilespmem:s14], [sflag:$0x2] =	stream.indirect.gather [hbm4b:s2+s12], $0x80, s12, s12, $0xb8;
	[tilespmem:$0x1D000] =	vst v63  }
0x146: {  	_ =	swait.ge [sflag:s15], $0x4000  }
0x147: {  	[sflag:s15] =	ssyncset.done $0x0  }
0x148: {  	[sflag:s15] =	ssyncadd.s32 $0xFFFFC000  }
0x149: {  	[spmem:s3] =	stream.indirect.scatter.add.f32 [tilespmem:s13], [sflag:$0x3], $0x80, s11, s12, $0xb8;
	[tilespmem:$0x1D000] =	vst v63  }
0x14a: {  	_ =	swait.ge [sflag:s10], $0x4000  }
0x14b: {  	[sflag:s10] =	ssyncset.done $0x0  }
0x14c: {  	s9 =	rddreg [dreg:$0x6];
	[sflag:s10] =	ssyncadd.s32 $0xFFFFC000  }
0x14d: {  	[tilespmem:s13], [sflag:$0x1] =	stream.indirect.gather [hbm4b:s2+s12], $0x80, s9, s12, $0xb8;
	[tilespmem:$0x1D000] =	vst v63  }
0x14e: {  	_ =	swait.ge [sflag:s16], $0x4000  }
0x14f: {  	[sflag:s16] =	ssyncset.done $0x0  }
0x150: {  	s7 =	rddreg [dreg:$0x7];
	[sflag:s16] =	ssyncadd.s32 $0xFFFFC000  }
0x151: {  	[spmem:s3] =	stream.indirect.scatter.add.f32 [tilespmem:s14], [sflag:$0x3], $0x80, s7, s12, $0xb8;
	[tilespmem:$0x1D000] =	vst v63  }
0x152: {  	_ =	swait.ge [sflag:s10], $0x4000  }
0x153: {  	[sflag:s10] =	ssyncset.done $0x0  }
0x154: {  	s8 =	rddreg [dreg:$0x8];
	[sflag:s10] =	ssyncadd.s32 $0xFFFFC000  }
0x155: {  	[tilespmem:s14], [sflag:$0x2] =	stream.indirect.gather [hbm4b:s2+s12], $0x80, s8, s12, $0xb8;
	[tilespmem:$0x1D000] =	vst v63  }
0x156: {  	_ =	swait.ge [sflag:s15], $0x4000  }
0x157: {  	[sflag:s15] =	ssyncset.done $0x0  }
0x158: {  	s9 =	rddreg [dreg:$0x9];
	[sflag:s15] =	ssyncadd.s32 $0xFFFFC000  }
0x159: {  	[spmem:s3] =	stream.indirect.scatter.add.f32 [tilespmem:s13], [sflag:$0x3], $0x80, s9, s12, $0xb8;
	[tilespmem:$0x1D000] =	vst v63  }
0x15a: {  	_ =	swait.ge [sflag:s10], $0x4000  }
0x15b: {  	[sflag:s10] =	ssyncset.done $0x0  }
0x15c: {  	s7 =	rddreg [dreg:$0xa];
	[sflag:s10] =	ssyncadd.s32 $0xFFFFC000  }
0x15d: {  	[tilespmem:s13], [sflag:$0x1] =	stream.indirect.gather [hbm4b:s2+s12], $0x80, s7, s12, $0xb8;
	[tilespmem:$0x1D000] =	vst v63  }
0x15e: {  	_ =	swait.ge [sflag:s16], $0x4000  }
0x15f: {  	[sflag:s16] =	ssyncset.done $0x0  }
0x160: {  	s8 =	rddreg [dreg:$0xb];
	[sflag:s16] =	ssyncadd.s32 $0xFFFFC000  }
0x161: {  	[spmem:s3] =	stream.indirect.scatter.add.f32 [tilespmem:s14], [sflag:$0x3], $0x80, s8, s12, $0xb8;
	[tilespmem:$0x1D000] =	vst v63  }
0x162: {  	_ =	swait.ge [sflag:s10], $0x4000  }
0x163: {  	[sflag:s10] =	ssyncset.done $0x0  }
0x164: {  	s9 =	rddreg [dreg:$0xc];
	[sflag:s10] =	ssyncadd.s32 $0xFFFFC000  }
0x165: {  	[tilespmem:s14], [sflag:$0x2] =	stream.indirect.gather [hbm4b:s2+s12], $0x80, s9, s12, $0xb8;
	[tilespmem:$0x1D000] =	vst v63  }
0x166: {  	_ =	swait.ge [sflag:s15], $0x4000  }
0x167: {  	[sflag:s15] =	ssyncset.done $0x0  }
0x168: {  	s7 =	rddreg [dreg:$0xd];
	[sflag:s15] =	ssyncadd.s32 $0xFFFFC000  }
0x169: {  	[spmem:s3] =	stream.indirect.scatter.add.f32 [tilespmem:s13], [sflag:$0x3], $0x80, s7, s12, $0xb8;
	[tilespmem:$0x1D000] =	vst v63  }
0x16a: {  	_ =	swait.ge [sflag:s10], $0x4000  }
0x16b: {  	[sflag:s10] =	ssyncset.done $0x0  }
0x16c: {  	s8 =	rddreg [dreg:$0xe];
	[sflag:s10] =	ssyncadd.s32 $0xFFFFC000  }
0x16d: {  	[tilespmem:s13], [sflag:$0x1] =	stream.indirect.gather [hbm4b:s2+s12], $0x80, s8, s12, $0xb8;
	[tilespmem:$0x1D000] =	vst v63  }
0x16e: {  	_ =	swait.ge [sflag:s16], $0x4000  }
0x16f: {  	[sflag:s16] =	ssyncset.done $0x0  }
0x170: {  	s9 =	rddreg [dreg:$0xf];
	[sflag:s16] =	ssyncadd.s32 $0xFFFFC000  }
0x171: {  	[spmem:s3] =	stream.indirect.scatter.add.f32 [tilespmem:s14], [sflag:$0x3], $0x80, s9, s12, $0xb8;
	[tilespmem:$0x1D000] =	vst v63  }
0x172: {  	_ =	swait.ge [sflag:s10], $0x4000  }
0x173: {  	[sflag:s10] =	ssyncset.done $0x0  }
0x174: {  	s7 =	rddreg [dreg:$0x10];
	[sflag:s10] =	ssyncadd.s32 $0xFFFFC000  }
0x175: {  	[tilespmem:s14], [sflag:$0x2] =	stream.indirect.gather [hbm4b:s2+s12], $0x80, s7, s12, $0xb8;
	[tilespmem:$0x1D000] =	vst v63  }
0x176: {  	_ =	swait.ge [sflag:s15], $0x4000  }
0x177: {  	[sflag:s15] =	ssyncset.done $0x0  }
0x178: {  	s8 =	rddreg [dreg:$0x11];
	[sflag:s15] =	ssyncadd.s32 $0xFFFFC000  }
0x179: {  	[spmem:s3] =	stream.indirect.scatter.add.f32 [tilespmem:s13], [sflag:$0x3], $0x80, s8, s12, $0xb8;
	[tilespmem:$0x1D000] =	vst v63  }
0x17a: {  	_ =	swait.ge [sflag:s10], $0x4000  }
0x17b: {  	[sflag:s10] =	ssyncset.done $0x0  }
0x17c: {  	[sflag:s10] =	ssyncadd.s32 $0xFFFFC000  }
0x17d: {  	[tilespmem:s13], [sflag:$0x1] =	stream.indirect.gather [hbm4b:s2+s12], $0x80, s17, s12, $0xb8;
	[tilespmem:$0x1D000] =	vst v63  }
0x17e: {  	_ =	swait.ge [sflag:s16], $0x4000  }
0x17f: {  	[sflag:s16] =	ssyncset.done $0x0  }
0x180: {  	[sflag:s16] =	ssyncadd.s32 $0xFFFFC000  }
0x181: {  	[spmem:s3] =	stream.indirect.scatter.add.f32 [tilespmem:s14], [sflag:$0x3], $0x80, s18, s12, $0xb8;
	[tilespmem:$0x1D000] =	vst v63  }
0x182: {  	_ =	swait.ge [sflag:s10], $0x4000  }
0x183: {  	[sflag:s10] =	ssyncset.done $0x0  }
0x184: {  	[sflag:s10] =	ssyncadd.s32 $0xFFFFC000  }
0x185: {  	[tilespmem:s14], [sflag:$0x2] =	stream.indirect.gather [hbm4b:s2+s12], $0x80, s19, s12, $0xb8;
	[tilespmem:$0x1D000] =	vst v63  }
0x186: {  	_ =	swait.ge [sflag:s15], $0x4000  }
0x187: {  	[sflag:s15] =	ssyncset.done $0x0  }
0x188: {  	[sflag:s15] =	ssyncadd.s32 $0xFFFFC000  }
0x189: {  	[spmem:s3] =	stream.indirect.scatter.add.f32 [tilespmem:s13], [sflag:$0x3], $0x80, s20, s12, $0xb8;
	[tilespmem:$0x1D000] =	vst v63  }
0x18a: {  	_ =	swait.ge [sflag:s10], $0x4000  }
0x18b: {  	[sflag:s10] =	ssyncset.done $0x0  }
0x18c: {  	[sflag:s10] =	ssyncadd.s32 $0xFFFFC000  }
0x18d: {  	[tilespmem:s13], [sflag:$0x1] =	stream.indirect.gather [hbm4b:s2+s12], $0x80, s21, s12, $0xb8;
	[tilespmem:$0x1D000] =	vst v63  }
0x18e: {  	_ =	swait.ge [sflag:s16], $0x4000  }
0x18f: {  	[sflag:s16] =	ssyncset.done $0x0  }
0x190: {  	[sflag:s16] =	ssyncadd.s32 $0xFFFFC000  }
0x191: {  	[spmem:s3] =	stream.indirect.scatter.add.f32 [tilespmem:s14], [sflag:$0x3], $0x80, s22, s12, $0xb8;
	[tilespmem:$0x1D000] =	vst v63  }
0x192: {  	_ =	swait.ge [sflag:s10], $0x4000  }
0x193: {  	[sflag:s10] =	ssyncset.done $0x0  }
0x194: {  	[sflag:s10] =	ssyncadd.s32 $0xFFFFC000  }
0x195: {  	[tilespmem:s14], [sflag:$0x2] =	stream.indirect.gather [hbm4b:s2+s12], $0x80, s23, s12, $0xb8;
	[tilespmem:$0x1D000] =	vst v63  }
0x196: {  	_ =	swait.ge [sflag:s15], $0x4000  }
0x197: {  	[sflag:s15] =	ssyncset.done $0x0  }
0x198: {  	[sflag:s15] =	ssyncadd.s32 $0xFFFFC000  }
0x199: {  	[spmem:s3] =	stream.indirect.scatter.add.f32 [tilespmem:s13], [sflag:$0x3], $0x80, s24, s12, $0xb8;
	[tilespmem:$0x1D000] =	vst v63  }
0x19a: {  	_ =	swait.ge [sflag:s10], $0x4000  }
0x19b: {  	[sflag:s10] =	ssyncset.done $0x0  }
0x19c: {  	[sflag:s10] =	ssyncadd.s32 $0xFFFFC000  }
0x19d: {  	[tilespmem:s13], [sflag:$0x1] =	stream.indirect.gather [hbm4b:s2+s12], $0x80, s25, s12, $0xb8;
	[tilespmem:$0x1D000] =	vst v63  }
0x19e: {  	_ =	swait.ge [sflag:s16], $0x4000  }
0x19f: {  	[sflag:s16] =	ssyncset.done $0x0  }
0x1a0: {  	[sflag:s16] =	ssyncadd.s32 $0xFFFFC000  }
0x1a1: {  	[spmem:s3] =	stream.indirect.scatter.add.f32 [tilespmem:s14], [sflag:$0x3], $0x80, s26, s12, $0xb8;
	[tilespmem:$0x1D000] =	vst v63  }
0x1a2: {  	_ =	swait.ge [sflag:s10], $0x4000  }
0x1a3: {  	[sflag:s10] =	ssyncset.done $0x0  }
0x1a4: {  	[sflag:s10] =	ssyncadd.s32 $0xFFFFC000  }
0x1a5: {  	[tilespmem:s14], [sflag:$0x2] =	stream.indirect.gather [hbm4b:s2+s12], $0x80, s28, s12, $0xb8;
	[tilespmem:$0x1D000] =	vst v63  }
0x1a6: {  	_ =	swait.ge [sflag:s15], $0x4000  }
0x1a7: {  	[sflag:s15] =	ssyncset.done $0x0  }
0x1a8: {  	[sflag:s15] =	ssyncadd.s32 $0xFFFFC000  }
0x1a9: {  	[spmem:s3] =	stream.indirect.scatter.add.f32 [tilespmem:s13], [sflag:$0x3], $0x80, s29, s12, $0xb8;
	[tilespmem:$0x1D000] =	vst v63  }
0x1aa: {  	_ =	swait.ge [sflag:s10], $0x4000  }
0x1ab: {  	[sflag:s10] =	ssyncset.done $0x0  }
0x1ac: {  	[sflag:s10] =	ssyncadd.s32 $0xFFFFC000  }
0x1ad: {  	[tilespmem:s13], [sflag:$0x1] =	stream.indirect.gather [hbm4b:s2+s12], $0x80, s30, s12, $0xb8;
	[tilespmem:$0x1D000] =	vst v63  }
0x1ae: {  	_ =	swait.ge [sflag:s16], $0x4000  }
0x1af: {  	[sflag:s16] =	ssyncset.done $0x0  }
0x1b0: {  	[sflag:s16] =	ssyncadd.s32 $0xFFFFC000  }
0x1b1: {  	[spmem:s3] =	stream.indirect.scatter.add.f32 [tilespmem:s14], [sflag:$0x3], $0x80, s31, s12, $0xb8;
	[tilespmem:$0x1D000] =	vst v63  }
0x1b2: {  	_ =	swait.ge [sflag:s10], $0x4000  }
0x1b3: {  	[sflag:s10] =	ssyncset.done $0x0  }
0x1b4: {  	[sflag:s10] =	ssyncadd.s32 $0xFFFFC000  }
0x1b5: {  	[tilespmem:s14], [sflag:$0x2] =	stream.indirect.gather [hbm4b:s2+s12], $0x80, s1, s12, $0xb8;
	[tilespmem:$0x1D000] =	vst v63  }
0x1b6: {  	_ =	swait.ge [sflag:s15], $0x4000  }
0x1b7: {  	[sflag:s15] =	ssyncset.done $0x0  }
0x1b8: {  	[sflag:s15] =	ssyncadd.s32 $0xFFFFC000  }
0x1b9: {  	[spmem:s3] =	stream.indirect.scatter.add.f32 [tilespmem:s13], [sflag:$0x3], $0x80, s0, s12, $0xb8;
	[tilespmem:$0x1D000] =	vst v63  }
0x1ba: {  	_ =	swait.ge [sflag:s10], $0x4000  }
0x1bb: {  	[sflag:s10] =	ssyncset.done $0x0  }
0x1bc: {  	[sflag:s10] =	ssyncadd.s32 $0xFFFFC000  }
0x1bd: {  	_ =	swait.ge [sflag:s16], $0x4000  }
0x1be: {  	[sflag:s16] =	ssyncset.done $0x0  }
0x1bf: {  	[sflag:s16] =	ssyncadd.s32 $0xFFFFC000  }
0x1c0: {  	[spmem:s3] =	stream.indirect.scatter.add.f32 [tilespmem:s14], [sflag:$0x3], $0x80, s5, s12, $0xb8;
	[tilespmem:$0x1D000] =	vst v63  }
0x1c1: {  	_ =	swait.ge [sflag:s10], $0x4000  }
0x1c2: {  	[sflag:s10] =	ssyncset.done $0x0  }
0x1c3: {  	[sflag:s10] =	ssyncadd.s32 $0xFFFFC000  }
0x1c4: {  	[bflag:$0x0] =	sbarrier.arrive $0xFFFF  }
0x1c5: {  	s7 =	rddreg [dreg:$0x13]  }
0x1c6: {  	s9 =	rddreg [dreg:$0x14]  }
0x1c7: {  	s8 =	rddreg [dreg:$0x16]  }
0x1c8: {  	[hbm:s9], [sflag:s7] =	dma.local [spmem:s8], $0x2800  }
0x1c9: {  	_ =	swait.ge [sflag:s10], $0x2800  }
0x1ca: {  	s6 =	rddreg [dreg:$0x17]  }
0x1cb: {  	s9 =	sadd.s32 $0x1, s6;
	s6 =	rddreg [dreg:$0x15]  }
0x1cc: {  	p0 =	sne.s32 s9, s6  }
.Ltmp1:
0x1cd: {  	_ = 	snop;
	(pc) =	sbr.rel @p0 .LBB2_1-.Ltmp1, $3  }
0x1ce: {  	_ =	sdelay $0x1  }
0x1cf: {  	[sflag:s10] =	ssyncset.done $0x0  }
0x1d0: {  	[sflag:s10] =	ssyncadd.s32 $0xFFFFD800  }
0x1d1: {  	_ =	sfence.sel $0x180000  }
0x1d2: {  	[bflag:$0x0] =	sbarrier.arrive $0xFFFF  }
0x1d3: {  	_ =	strace $0x90000050  }
0x1d4: {  	s0 =	stileid.u32;
	[bflag:$0x2] =	sbarrier.arrive $0xFFFF  }
0x1d5: {  	p0 =	sne.s32 s0, $0x0;
	s0 =	rddreg [dreg:$0x3]  }
0x1d6: {  	s0 =	sadd.s32 @!p0 $0x100000, s0  }
0x1d7: {  	[sflag:s0] =	ssyncadd.tile.s32 @!p0 $0x1;
	_ =	shalt  }
.Lfunc_end2:
_tile_overlayer_lowered:
.L_overlay_start_2:
0x1d8: {  	(tag) =	ssettag $0x2  }
0x1d9: {  	s0 =	rddreg [dreg:$0x0];
	s2 =	stileid.u32  }
0x1da: {  	s1 =	rddreg [dreg:$0x1];
	p0 =	sne.s32 s2, $0x0  }
0x1db: {  	s3 =	rddreg [dreg:$0x2];
	[bflag:$0x3] =	sbarrier.arrive $0xFFFF;
	s2 =	simm.s32 @!p0 $0x1C03  }
0x1dc: {  	[timem:s3], [sflag:s2] =	dma.local @!p0 [hbm:s0], s1  }
0x1dd: {  	s0 =	simm.s32 @!p0 $0x3  }
0x1de: {  	_ =	swait.ge @!p0 [sflag:s0], s1  }
0x1df: {  	s1 =	ssub.s32 @!p0 $0x0, s1;
	[sflag:s0] =	ssyncset.done @!p0 $0x0  }
0x1e0: {  	[sflag:s0] =	ssyncadd.s32 @!p0 s1  }
0x1e1: {  	[bflag:$0x3] =	sbarrier.arrive $0xFFFF  }
0x1e2: {  	_ =	shalt  }

</sc_bundles>
